<compile_context>
chip_gen: v7x
topology: tpu7x:2x2x1
jax: 0.10.2.dev20260603
libtpu: 0.0.44.dev20260713+nightly
codegen_flags: <defaults>
</compile_context>

<pallas_src>
import functools

import jax
import jax.numpy as jnp
from jax import lax
from jax.experimental import pallas as pl
from jax.experimental.pallas import tpu as pltpu
from jax.experimental.pallas import tpu_sc as plsc

F32 = jnp.float32
I32 = jnp.int32

_N = 10000
_E = 320000
_B = 128
_M = 2000
_EM = 16000
_H = 128

_NP = 10240
_MP = 2048
_EMP = 16384
_RB = 256

_NC = 2
_NS = 16
_NW = _NC * _NS

_EPT = _E // _NW
_CE = 80
_NCH_E = _EPT // _CE

_MEPT = _EMP // _NS
_CM = 64
_NCH_M = _MEPT // _CM

_NPT = _NP // _NS
_CN = 64
_NCH_N = _NPT // _CN

_ASL = _NP // _NS
_MSL = _MP // _NS


def _sc_mesh():
    return plsc.VectorSubcoreMesh(core_axis_name="c", subcore_axis_name="s")


def _zero_rows(buf, nrows):
    def zrow(i, _):
        for j in range(_H // 16):
            buf[i, pl.ds(j * 16, 16)] = jnp.zeros((16,), F32)
        return 0
    lax.fori_loop(0, nrows, zrow, 0)


def _edge_call(h, t, src, codes, dst):

    @functools.partial(
        pl.kernel,
        out_type=jax.ShapeDtypeStruct((_NC * _NP, _H), F32),
        mesh=_sc_mesh(),
        scratch_types=[
            pltpu.VMEM((_CE,), I32),
            pltpu.VMEM((_CE,), I32),
            pltpu.VMEM((_CE,), I32),
            pltpu.VMEM((_CE, _H), F32),
            pltpu.VMEM((_CE, _H), F32),
            pltpu.VMEM_SHARED((_NP, _H), F32),
            pltpu.SemaphoreType.DMA,
            pltpu.SemaphoreType.DMA,
        ],
    )
    def k(h_hbm, t_hbm, src_hbm, code_hbm, dst_hbm, out_hbm,
          sidx, cidx, didx, hrows, trows, agg, sem1, sem2):
        cid = lax.axis_index("c")
        sid = lax.axis_index("s")
        wid = sid * _NC + cid
        _zero_rows(hrows, _CE)
        for r in range(_ASL // _CE):
            pltpu.sync_copy(hrows, agg.at[pl.ds(sid * _ASL + r * _CE, _CE), :])
        plsc.subcore_barrier()

        def chunk(kk, _):
            base = pl.multiple_of(wid * _EPT + kk * _CE, 8)
            pltpu.sync_copy(src_hbm.at[pl.ds(base, _CE)], sidx)
            pltpu.sync_copy(code_hbm.at[pl.ds(base, _CE)], cidx)
            pltpu.sync_copy(dst_hbm.at[pl.ds(base, _CE)], didx)
            pltpu.async_copy(h_hbm.at[sidx], hrows, sem1).wait()
            pltpu.async_copy(t_hbm.at[cidx], trows, sem2).wait()

            def vrow(i, _):
                for j in range(_H // 16):
                    s = pl.ds(j * 16, 16)
                    hrows[i, s] = jnp.maximum(hrows[i, s] + trows[i, s], 0.0)
                return 0
            lax.fori_loop(0, _CE, vrow, 0)
            pltpu.sync_copy(hrows, agg.at[didx], add=True)
            return 0
        lax.fori_loop(0, _NCH_E, chunk, 0)
        plsc.subcore_barrier()
        pltpu.sync_copy(
            agg.at[pl.ds(sid * _ASL, _ASL), :],
            out_hbm.at[pl.ds(cid * _NP + sid * _ASL, _ASL), :])

    return k(h, t, src, codes, dst)


def _node_scatter_call(h3, n2m):

    @functools.partial(
        pl.kernel,
        out_type=jax.ShapeDtypeStruct((_MP, _H), F32),
        mesh=_sc_mesh(),
        scratch_types=[
            pltpu.VMEM((_CN,), I32),
            pltpu.VMEM((_CN, _H), F32),
            pltpu.VMEM_SHARED((_MP, _H), F32),
        ],
    )
    def k(h_hbm, idx_hbm, out_hbm, idxv, rows, agg):
        cid = lax.axis_index("c")
        sid = lax.axis_index("s")

        @pl.when(cid == 0)
        def _():
            _zero_rows(rows, _CN)
            for r in range(_MSL // _CN):
                pltpu.sync_copy(rows, agg.at[pl.ds(sid * _MSL + r * _CN, _CN), :])
        plsc.subcore_barrier()

        @pl.when(cid == 0)
        def _():
            def chunk(kk, _):
                row0 = pl.multiple_of(sid * _NPT + kk * _CN, 8)
                pltpu.sync_copy(h_hbm.at[pl.ds(row0, _CN), :], rows)
                pltpu.sync_copy(idx_hbm.at[pl.ds(row0, _CN)], idxv)
                pltpu.sync_copy(rows, agg.at[idxv], add=True)
                return 0
            lax.fori_loop(0, _NCH_N, chunk, 0)
        plsc.subcore_barrier()

        @pl.when(cid == 0)
        def _():
            pltpu.sync_copy(agg.at[pl.ds(sid * _MSL, _MSL), :],
                            out_hbm.at[pl.ds(sid * _MSL, _MSL), :])

    return k(h3, n2m)


def _motif_edge_call(mh, ms, md):

    @functools.partial(
        pl.kernel,
        out_type=jax.ShapeDtypeStruct((_MP, _H), F32),
        mesh=_sc_mesh(),
        scratch_types=[
            pltpu.VMEM((_CM,), I32),
            pltpu.VMEM((_CM,), I32),
            pltpu.VMEM((_CM, _H), F32),
            pltpu.VMEM_SHARED((_MP, _H), F32),
            pltpu.SemaphoreType.DMA,
        ],
    )
    def k(mh_hbm, ms_hbm, md_hbm, out_hbm, idxs, idxd, rows, agg, sem):
        cid = lax.axis_index("c")
        sid = lax.axis_index("s")

        @pl.when(cid == 0)
        def _():
            _zero_rows(rows, _CM)
            for r in range(_MSL // _CM):
                pltpu.sync_copy(rows, agg.at[pl.ds(sid * _MSL + r * _CM, _CM), :])
        plsc.subcore_barrier()

        @pl.when(cid == 0)
        def _():
            def chunk(kk, _):
                base = pl.multiple_of(sid * _MEPT + kk * _CM, 8)
                pltpu.sync_copy(ms_hbm.at[pl.ds(base, _CM)], idxs)
                pltpu.sync_copy(md_hbm.at[pl.ds(base, _CM)], idxd)
                pltpu.async_copy(mh_hbm.at[idxs], rows, sem).wait()
                pltpu.sync_copy(rows, agg.at[idxd], add=True)
                return 0
            lax.fori_loop(0, _NCH_M, chunk, 0)
        plsc.subcore_barrier()

        @pl.when(cid == 0)
        def _():
            pltpu.sync_copy(agg.at[pl.ds(sid * _MSL, _MSL), :],
                            out_hbm.at[pl.ds(sid * _MSL, _MSL), :])

    return k(mh, ms, md)


def _atom_call(xoff, tab):
    grid = _NP // _RB

    def body(x_r, tab_r, out_r):
        cols = lax.broadcasted_iota(I32, (_RB, 576), 1)
        oh = jnp.zeros((_RB, 576), F32)
        for f in range(9):
            oh = oh + (x_r[:, f:f + 1] == cols).astype(F32)
        out_r[...] = jnp.dot(oh, tab_r[...], preferred_element_type=F32)

    return pl.pallas_call(
        body,
        grid=(grid,),
        in_specs=[pl.BlockSpec((_RB, 9), lambda i: (i, 0)),
                  pl.BlockSpec((576, _H), lambda i: (0, 0))],
        out_specs=pl.BlockSpec((_RB, _H), lambda i: (i, 0)),
        out_shape=jax.ShapeDtypeStruct((_NP, _H), F32),
    )(xoff, tab)


def _mlp_pool(h, aggs, w1, b1, w2, b2, eps, seg, rows_pad):
    grid = rows_pad // _RB
    na = len(aggs)
    epsf = jnp.full((8, _H), 1.0 + eps, F32)

    def body(*refs):
        eps_r = refs[0]
        h_r = refs[1]
        a_rs = refs[2:2 + na]
        w1_r, b1_r, w2_r, b2_r, seg_r = refs[2 + na:7 + na]
        ho_r, pool_r = refs[7 + na], refs[8 + na]
        i = pl.program_id(0)
        z = eps_r[0, 0] * h_r[...]
        for a_r in a_rs:
            z = z + a_r[...]
        u = jnp.maximum(jnp.dot(z, w1_r[...], preferred_element_type=F32) + b1_r[...], 0.0)
        v = jnp.maximum(jnp.dot(u, w2_r[...], preferred_element_type=F32) + b2_r[...], 0.0)
        ho_r[...] = v
        oh = (seg_r[...] == lax.broadcasted_iota(I32, (_RB, _B), 1)).astype(F32)
        p = lax.dot_general(oh, v, (((0,), (0,)), ((), ())),
                            preferred_element_type=F32)

        @pl.when(i == 0)
        def _():
            pool_r[...] = p

        @pl.when(i > 0)
        def _():
            pool_r[...] = pool_r[...] + p

    in_specs = [
        pl.BlockSpec((8, _H), lambda i: (0, 0)),
        pl.BlockSpec((_RB, _H), lambda i: (i, 0)),
        *[pl.BlockSpec((_RB, _H), lambda i: (i, 0)) for _ in aggs],
        pl.BlockSpec((_H, 2 * _H), lambda i: (0, 0)),
        pl.BlockSpec((1, 2 * _H), lambda i: (0, 0)),
        pl.BlockSpec((2 * _H, _H), lambda i: (0, 0)),
        pl.BlockSpec((1, _H), lambda i: (0, 0)),
        pl.BlockSpec((_RB, 1), lambda i: (i, 0)),
    ]
    out_specs = [
        pl.BlockSpec((_RB, _H), lambda i: (i, 0)),
        pl.BlockSpec((_B, _H), lambda i: (0, 0)),
    ]
    return pl.pallas_call(
        body,
        grid=(grid,),
        in_specs=in_specs,
        out_specs=out_specs,
        out_shape=[jax.ShapeDtypeStruct((rows_pad, _H), F32),
                   jax.ShapeDtypeStruct((_B, _H), F32)],
    )(epsf, h, *aggs, w1, b1.reshape(1, -1), w2, b2.reshape(1, -1), seg)


def kernel(params, x, edge_index, edge_attr, batch, node2motif,
           motif_edge_index, motif2graph):
    p = params
    atab = jnp.pad(p["atom"], ((0, 0), (0, 14), (0, 0))).reshape(9 * 64, _H)
    bond = p["bond"]
    ci = jnp.arange(512, dtype=I32)
    tcomb = bond[0][ci // 64] + bond[1][(ci // 8) % 8] + bond[2][ci % 8]
    x_p = jnp.pad(x.astype(I32), ((0, _NP - _N), (0, 0)))
    xoff = x_p + 64 * jnp.arange(9, dtype=I32)[None, :]
    src = edge_index[0].astype(I32)
    dst = edge_index[1].astype(I32)
    ea = edge_attr.astype(I32)
    codes = ea[:, 0] * 64 + ea[:, 1] * 8 + ea[:, 2]
    batch_p = jnp.pad(batch.astype(I32), (0, _NP - _N),
                      constant_values=_B).reshape(-1, 1)
    n2m_p = jnp.pad(node2motif.astype(I32), (0, _NP - _N),
                    constant_values=_MP - 1)
    ms_p = jnp.pad(motif_edge_index[0].astype(I32), (0, _EMP - _EM),
                   constant_values=_MP - 1)
    md_p = jnp.pad(motif_edge_index[1].astype(I32), (0, _EMP - _EM),
                   constant_values=_MP - 1)
    m2g_p = jnp.pad(motif2graph.astype(I32), (0, _MP - _M),
                    constant_values=_B).reshape(-1, 1)

    h = _atom_call(xoff, atab)
    gpools = []
    for lp in p["gc"]:
        agg2 = _edge_call(h, tcomb, src, codes, dst)
        h, gp = _mlp_pool(h, [agg2[:_NP], agg2[_NP:]], lp["W1"], lp["b1"],
                          lp["W2"], lp["b2"], lp["eps"], batch_p, _NP)
        gpools.append(gp)
    graph_embs = jnp.concatenate(gpools, axis=-1)

    mh = _node_scatter_call(h, n2m_p)
    mpools = []
    for lp in p["mc"]:
        agg = _motif_edge_call(mh, ms_p, md_p)
        mh, mp_ = _mlp_pool(mh, [agg], lp["W1"], lp["b1"], lp["W2"],
                            lp["b2"], lp["eps"], m2g_p, _MP)
        mpools.append(mp_)
    motif_embs = jnp.concatenate(mpools, axis=-1)
    return motif_embs, graph_embs

# --- scband reference (transcript-rebuilt; emitter-appended) ---
"""Pipeline reference for scband-motif-poolv2-58007828300365 (READ-ONLY COPY).

The authoritative reference and input builder live on the scoring server;
editing this copy changes nothing except your own understanding.
"""

import jax, jax.numpy as jnp
import numpy as np

NHID = 128
NGL = 3
NML = 2
N = 10000
E = 320000
B = 128
M = 2000
EM = 16000


def _mlp(p, h):
    z = jnp.maximum(h @ p["W1"] + p["b1"], 0.0)
    return z @ p["W2"] + p["b2"]


def _forward(params, x, edge_index, edge_attr, batch, node2motif, motif_edge_index, motif2graph):
    # AtomEncoder: sum of per-field embeddings (OGB style)
    h = jnp.sum(params["atom"][jnp.arange(9), x], axis=1)
    # BondEncoder: sum of per-field embeddings
    e = jnp.sum(params["bond"][jnp.arange(3), edge_attr], axis=1)
    src = edge_index[0]
    dst = edge_index[1]
    node_outs = []
    for p in params["gc"]:
        # GINE conv: msg = relu(h[src] + e); h = MLP((1+eps)*h + scatter_add(msg))
        msg = jnp.maximum(h[src] + e, 0.0)
        agg = jax.ops.segment_sum(msg, dst, num_segments=N)
        h = jnp.maximum(_mlp(p, (1.0 + p["eps"]) * h + agg), 0.0)
        node_outs.append(h)
    # jk='cat' over node layers, global add pool per graph
    graph_embs = jnp.concatenate([jax.ops.segment_sum(t, batch, num_segments=B) for t in node_outs], axis=-1)
    # motif_pool='add': pool node features into motifs
    mh = jax.ops.segment_sum(h, node2motif, num_segments=M)
    ms = motif_edge_index[0]
    md = motif_edge_index[1]
    motif_outs = []
    for p in params["mc"]:
        agg = jax.ops.segment_sum(mh[ms], md, num_segments=M)
        mh = jnp.maximum(_mlp(p, (1.0 + p["eps"]) * mh + agg), 0.0)
        motif_outs.append(mh)
    motif_embs = jnp.concatenate([jax.ops.segment_sum(t, motif2graph, num_segments=B) for t in motif_outs], axis=-1)
    return motif_embs, graph_embs


def setup_inputs(seed: int = 0):
    key = jax.random.key(seed)
    ks = jax.random.split(key, 40)

    def lin(k, i, o):
        return (jax.random.normal(k, (i, o), jnp.float32) / np.sqrt(i)).astype(jnp.float32)

    x = jax.random.randint(ks[0], (N, 9), 0, 50)
    edge_index = jax.random.randint(ks[1], (2, E), 0, N)
    edge_attr = jax.random.randint(ks[2], (E, 3), 0, 8)
    batch = jnp.sort(jax.random.randint(ks[3], (N,), 0, B))
    node2motif = jax.random.randint(ks[4], (N,), 0, M)
    motif_edge_index = jax.random.randint(ks[5], (2, EM), 0, M)
    motif2graph = jnp.sort(jax.random.randint(ks[6], (M,), 0, B))
    gc = []
    kk = 8
    for _ in range(NGL):
        gc.append({"eps": jnp.zeros((), jnp.float32), "W1": lin(ks[kk], NHID, 2 * NHID), "b1": jnp.zeros((2 * NHID,), jnp.float32), "W2": lin(ks[kk + 1], 2 * NHID, NHID), "b2": jnp.zeros((NHID,), jnp.float32)})
        kk += 2
    mc = []
    for _ in range(NML):
        mc.append({"eps": jnp.zeros((), jnp.float32), "W1": lin(ks[kk], NHID, 2 * NHID), "b1": jnp.zeros((2 * NHID,), jnp.float32), "W2": lin(ks[kk + 1], 2 * NHID, NHID), "b2": jnp.zeros((NHID,), jnp.float32)})
        kk += 2
    params = {"atom": 0.02 * jax.random.normal(ks[30], (9, 50, NHID), jnp.float32), "bond": 0.02 * jax.random.normal(ks[31], (3, 8, NHID), jnp.float32), "gc": gc, "mc": mc}
    return {"params": params, "x": x, "edge_index": edge_index, "edge_attr": edge_attr, "batch": batch, "node2motif": node2motif, "motif_edge_index": motif_edge_index, "motif2graph": motif2graph}


def reference(params, x, edge_index, edge_attr, batch, node2motif, motif_edge_index, motif2graph):
    return _forward(params, x, edge_index, edge_attr, batch, node2motif, motif_edge_index, motif2graph)

if __name__ == "__main__":
    import jax
    _d = setup_inputs()
    print(jax.jit(kernel)(*tuple(_d.values())))

</pallas_src>

<mosaic_0001>
#map = affine_map<(d0, d1) -> (0, 0)>
#map1 = affine_map<(d0, d1) -> (0)>
module attributes {stable_mosaic.version = 14 : i64} {
  func.func @k(%arg0: i32, %arg1: i32, %arg2: memref<10240x128xf32, #tpu.memory_space<hbm>>, %arg3: memref<10240xi32, #tpu.memory_space<hbm>>, %arg4: memref<2048x128xf32, #tpu.memory_space<hbm>>, %arg5: memref<64xi32, #tpu.memory_space<vmem>>, %arg6: memref<64x128xf32, #tpu.memory_space<vmem>>, %arg7: memref<2048x128xf32, #tpu.memory_space<vmem_shared>>) attributes {dimension_semantics = [#tpu.dimension_semantics<core_parallel>, #tpu.dimension_semantics<subcore_parallel>], iteration_bounds = array<i64: 2, 16>, scalar_prefetch = 0 : i64, scratch_operands = 3 : i64, tpu.core_type = #tpu.core_type<sc_vector_subcore>, window_params = [{transform_indices = #map}, {transform_indices = #map1}, {transform_indices = #map}]} {
    %eq3A = arith.constant 0 : i32
    %eq3A_0 = arith.cmpi eq, %arg0, %eq3A : i32
    %convert_element_type3A = arith.extui %eq3A_0 : i1 to i32
    %cond3A = arith.constant 0 : i32
    %cond3A_1 = arith.cmpi ne, %convert_element_type3A, %cond3A : i32
    scf.if %cond3A_1 {
      %scan3A = arith.constant 0 : i32
      %scan3A_13 = arith.constant 0 : i32
      %scan3A_14 = arith.constant 64 : i32
      %scan3A_15 = arith.addi %scan3A_13, %scan3A_14 : i32
      %scan3A_16 = arith.constant 1 : i32
      %scan3A_17 = scf.for %scan3A_25 = %scan3A_13 to %scan3A_15 step %scan3A_16 iter_args(%scan3A_26 = %scan3A) -> (i32)  : i32 {
        %broadcast_in_dim3A = arith.constant 0.000000e+00 : f32
        %broadcast_in_dim3A_27 = vector.broadcast %broadcast_in_dim3A : f32 to vector<16xf32>
        %swap3A = arith.index_cast %scan3A_25 : i32 to index
        %swap3A_28 = arith.constant 0 : index
        %swap3A_29 = tpu.vector_load %arg6[%swap3A, %swap3A_28] {strides = array<i32>} : memref<64x128xf32, #tpu.memory_space<vmem>>, vector<1x16xf32>,
        %swap3A_30 = vector.shape_cast %swap3A_29 : vector<1x16xf32> to vector<16xf32>
        %swap3A_31 = vector.shape_cast %broadcast_in_dim3A_27 : vector<16xf32> to vector<1x16xf32>
        tpu.vector_store %arg6[%swap3A, %swap3A_28], %swap3A_31 {strides = array<i32>} : memref<64x128xf32, #tpu.memory_space<vmem>>, vector<1x16xf32>,
        %broadcast_in_dim3A_32 = arith.constant 0.000000e+00 : f32
        %broadcast_in_dim3A_33 = vector.broadcast %broadcast_in_dim3A_32 : f32 to vector<16xf32>
        %swap3A_34 = arith.index_cast %scan3A_25 : i32 to index
        %swap3A_35 = arith.constant 16 : index
        %swap3A_36 = tpu.vector_load %arg6[%swap3A_34, %swap3A_35] {strides = array<i32>} : memref<64x128xf32, #tpu.memory_space<vmem>>, vector<1x16xf32>,
        %swap3A_37 = vector.shape_cast %swap3A_36 : vector<1x16xf32> to vector<16xf32>
        %swap3A_38 = vector.shape_cast %broadcast_in_dim3A_33 : vector<16xf32> to vector<1x16xf32>
        tpu.vector_store %arg6[%swap3A_34, %swap3A_35], %swap3A_38 {strides = array<i32>} : memref<64x128xf32, #tpu.memory_space<vmem>>, vector<1x16xf32>,
        %broadcast_in_dim3A_39 = arith.constant 0.000000e+00 : f32
        %broadcast_in_dim3A_40 = vector.broadcast %broadcast_in_dim3A_39 : f32 to vector<16xf32>
        %swap3A_41 = arith.index_cast %scan3A_25 : i32 to index
        %swap3A_42 = arith.constant 32 : index
        %swap3A_43 = tpu.vector_load %arg6[%swap3A_41, %swap3A_42] {strides = array<i32>} : memref<64x128xf32, #tpu.memory_space<vmem>>, vector<1x16xf32>,
        %swap3A_44 = vector.shape_cast %swap3A_43 : vector<1x16xf32> to vector<16xf32>
        %swap3A_45 = vector.shape_cast %broadcast_in_dim3A_40 : vector<16xf32> to vector<1x16xf32>
        tpu.vector_store %arg6[%swap3A_41, %swap3A_42], %swap3A_45 {strides = array<i32>} : memref<64x128xf32, #tpu.memory_space<vmem>>, vector<1x16xf32>,
        %broadcast_in_dim3A_46 = arith.constant 0.000000e+00 : f32
        %broadcast_in_dim3A_47 = vector.broadcast %broadcast_in_dim3A_46 : f32 to vector<16xf32>
        %swap3A_48 = arith.index_cast %scan3A_25 : i32 to index
        %swap3A_49 = arith.constant 48 : index
        %swap3A_50 = tpu.vector_load %arg6[%swap3A_48, %swap3A_49] {strides = array<i32>} : memref<64x128xf32, #tpu.memory_space<vmem>>, vector<1x16xf32>,
        %swap3A_51 = vector.shape_cast %swap3A_50 : vector<1x16xf32> to vector<16xf32>
        %swap3A_52 = vector.shape_cast %broadcast_in_dim3A_47 : vector<16xf32> to vector<1x16xf32>
        tpu.vector_store %arg6[%swap3A_48, %swap3A_49], %swap3A_52 {strides = array<i32>} : memref<64x128xf32, #tpu.memory_space<vmem>>, vector<1x16xf32>,
        %broadcast_in_dim3A_53 = arith.constant 0.000000e+00 : f32
        %broadcast_in_dim3A_54 = vector.broadcast %broadcast_in_dim3A_53 : f32 to vector<16xf32>
        %swap3A_55 = arith.index_cast %scan3A_25 : i32 to index
        %swap3A_56 = arith.constant 64 : index
        %swap3A_57 = tpu.vector_load %arg6[%swap3A_55, %swap3A_56] {strides = array<i32>} : memref<64x128xf32, #tpu.memory_space<vmem>>, vector<1x16xf32>,
        %swap3A_58 = vector.shape_cast %swap3A_57 : vector<1x16xf32> to vector<16xf32>
        %swap3A_59 = vector.shape_cast %broadcast_in_dim3A_54 : vector<16xf32> to vector<1x16xf32>
        tpu.vector_store %arg6[%swap3A_55, %swap3A_56], %swap3A_59 {strides = array<i32>} : memref<64x128xf32, #tpu.memory_space<vmem>>, vector<1x16xf32>,
        %broadcast_in_dim3A_60 = arith.constant 0.000000e+00 : f32
        %broadcast_in_dim3A_61 = vector.broadcast %broadcast_in_dim3A_60 : f32 to vector<16xf32>
        %swap3A_62 = arith.index_cast %scan3A_25 : i32 to index
        %swap3A_63 = arith.constant 80 : index
        %swap3A_64 = tpu.vector_load %arg6[%swap3A_62, %swap3A_63] {strides = array<i32>} : memref<64x128xf32, #tpu.memory_space<vmem>>, vector<1x16xf32>,
        %swap3A_65 = vector.shape_cast %swap3A_64 : vector<1x16xf32> to vector<16xf32>
        %swap3A_66 = vector.shape_cast %broadcast_in_dim3A_61 : vector<16xf32> to vector<1x16xf32>
        tpu.vector_store %arg6[%swap3A_62, %swap3A_63], %swap3A_66 {strides = array<i32>} : memref<64x128xf32, #tpu.memory_space<vmem>>, vector<1x16xf32>,
        %broadcast_in_dim3A_67 = arith.constant 0.000000e+00 : f32
        %broadcast_in_dim3A_68 = vector.broadcast %broadcast_in_dim3A_67 : f32 to vector<16xf32>
        %swap3A_69 = arith.index_cast %scan3A_25 : i32 to index
        %swap3A_70 = arith.constant 96 : index
        %swap3A_71 = tpu.vector_load %arg6[%swap3A_69, %swap3A_70] {strides = array<i32>} : memref<64x128xf32, #tpu.memory_space<vmem>>, vector<1x16xf32>,
        %swap3A_72 = vector.shape_cast %swap3A_71 : vector<1x16xf32> to vector<16xf32>
        %swap3A_73 = vector.shape_cast %broadcast_in_dim3A_68 : vector<16xf32> to vector<1x16xf32>
        tpu.vector_store %arg6[%swap3A_69, %swap3A_70], %swap3A_73 {strides = array<i32>} : memref<64x128xf32, #tpu.memory_space<vmem>>, vector<1x16xf32>,
        %broadcast_in_dim3A_74 = arith.constant 0.000000e+00 : f32
        %broadcast_in_dim3A_75 = vector.broadcast %broadcast_in_dim3A_74 : f32 to vector<16xf32>
        %swap3A_76 = arith.index_cast %scan3A_25 : i32 to index
        %swap3A_77 = arith.constant 112 : index
        %swap3A_78 = tpu.vector_load %arg6[%swap3A_76, %swap3A_77] {strides = array<i32>} : memref<64x128xf32, #tpu.memory_space<vmem>>, vector<1x16xf32>,
        %swap3A_79 = vector.shape_cast %swap3A_78 : vector<1x16xf32> to vector<16xf32>
        %swap3A_80 = vector.shape_cast %broadcast_in_dim3A_75 : vector<16xf32> to vector<1x16xf32>
        tpu.vector_store %arg6[%swap3A_76, %swap3A_77], %swap3A_80 {strides = array<i32>} : memref<64x128xf32, #tpu.memory_space<vmem>>, vector<1x16xf32>,
        %scan3A_81 = arith.constant 0 : i32
        scf.yield %scan3A_81 : i32
      }
      %scan3A_18 = arith.constant 64 : i32
      %mul3A = arith.constant 128 : i32
      %mul3A_19 = arith.muli %arg1, %mul3A : i32
      %add3A = arith.constant 0 : i32
      %add3A_20 = arith.addi %mul3A_19, %add3A : i32
      "tpu.region"() ({
        %run_scoped3A = tpu.sem_alloc : memref<!tpu.dma_semaphore, #tpu.memory_space<semaphore_mem>>
        %dma_start3A = arith.constant 0 : i32
        %dma_start3A_25 = tpu.memref_slice %arg7[%add3A_20, %dma_start3A] : memref<2048x128xf32, #tpu.memory_space<vmem_shared>> -> memref<64x128xf32, #tpu.memory_space<vmem_shared>>
        %dma_start3A_26 = arith.constant 0 : i32
        %dma_start3A_27 = tpu.memref_slice %arg7[%add3A_20, %dma_start3A_26] : memref<2048x128xf32, #tpu.memory_space<vmem_shared>> -> memref<64x128xf32, #tpu.memory_space<vmem_shared>>
        tpu.enqueue_dma source(%arg6 : memref<64x128xf32, #tpu.memory_space<vmem>>) target(%dma_start3A_27 : memref<64x128xf32, #tpu.memory_space<vmem_shared>>) target_semaphore(%run_scoped3A : memref<!tpu.dma_semaphore, #tpu.memory_space<semaphore_mem>>)
        %dma_wait3A = arith.constant 0 : i32
        %dma_wait3A_28 = tpu.memref_slice %arg7[%add3A_20, %dma_wait3A] : memref<2048x128xf32, #tpu.memory_space<vmem_shared>> -> memref<64x128xf32, #tpu.memory_space<vmem_shared>>
        %dma_wait3A_29 = arith.constant 0 : i32
        %dma_wait3A_30 = tpu.memref_slice %arg7[%add3A_20, %dma_wait3A_29] : memref<2048x128xf32, #tpu.memory_space<vmem_shared>> -> memref<64x128xf32, #tpu.memory_space<vmem_shared>>
        tpu.wait_dma2 semaphore(%run_scoped3A : memref<!tpu.dma_semaphore, #tpu.memory_space<semaphore_mem>>) src(%arg6 : memref<64x128xf32, #tpu.memory_space<vmem>>) dst(%dma_wait3A_30 : memref<64x128xf32, #tpu.memory_space<vmem_shared>>)
        tpu.yield
      }) : () -> ()
      %mul3A_21 = arith.constant 128 : i32
      %mul3A_22 = arith.muli %arg1, %mul3A_21 : i32
      %add3A_23 = arith.constant 64 : i32
      %add3A_24 = arith.addi %mul3A_22, %add3A_23 : i32
      "tpu.region"() ({
        %run_scoped3A = tpu.sem_alloc : memref<!tpu.dma_semaphore, #tpu.memory_space<semaphore_mem>>
        %dma_start3A = arith.constant 0 : i32
        %dma_start3A_25 = tpu.memref_slice %arg7[%add3A_24, %dma_start3A] : memref<2048x128xf32, #tpu.memory_space<vmem_shared>> -> memref<64x128xf32, #tpu.memory_space<vmem_shared>>
        %dma_start3A_26 = arith.constant 0 : i32
        %dma_start3A_27 = tpu.memref_slice %arg7[%add3A_24, %dma_start3A_26] : memref<2048x128xf32, #tpu.memory_space<vmem_shared>> -> memref<64x128xf32, #tpu.memory_space<vmem_shared>>
        tpu.enqueue_dma source(%arg6 : memref<64x128xf32, #tpu.memory_space<vmem>>) target(%dma_start3A_27 : memref<64x128xf32, #tpu.memory_space<vmem_shared>>) target_semaphore(%run_scoped3A : memref<!tpu.dma_semaphore, #tpu.memory_space<semaphore_mem>>)
        %dma_wait3A = arith.constant 0 : i32
        %dma_wait3A_28 = tpu.memref_slice %arg7[%add3A_24, %dma_wait3A] : memref<2048x128xf32, #tpu.memory_space<vmem_shared>> -> memref<64x128xf32, #tpu.memory_space<vmem_shared>>
        %dma_wait3A_29 = arith.constant 0 : i32
        %dma_wait3A_30 = tpu.memref_slice %arg7[%add3A_24, %dma_wait3A_29] : memref<2048x128xf32, #tpu.memory_space<vmem_shared>> -> memref<64x128xf32, #tpu.memory_space<vmem_shared>>
        tpu.wait_dma2 semaphore(%run_scoped3A : memref<!tpu.dma_semaphore, #tpu.memory_space<semaphore_mem>>) src(%arg6 : memref<64x128xf32, #tpu.memory_space<vmem>>) dst(%dma_wait3A_30 : memref<64x128xf32, #tpu.memory_space<vmem_shared>>)
        tpu.yield
      }) : () -> ()
    } else {
    }
    %barrier3A = arith.constant 0 : index
    tpu.barrier barrier_id(%barrier3A)
    %eq3A_2 = arith.constant 0 : i32
    %eq3A_3 = arith.cmpi eq, %arg0, %eq3A_2 : i32
    %convert_element_type3A_4 = arith.extui %eq3A_3 : i1 to i32
    %cond3A_5 = arith.constant 0 : i32
    %cond3A_6 = arith.cmpi ne, %convert_element_type3A_4, %cond3A_5 : i32
    scf.if %cond3A_6 {
      %scan3A = arith.constant 0 : i32
      %scan3A_13 = arith.constant 0 : i32
      %scan3A_14 = arith.constant 10 : i32
      %scan3A_15 = arith.addi %scan3A_13, %scan3A_14 : i32
      %scan3A_16 = arith.constant 1 : i32
      %scan3A_17 = scf.for %scan3A_19 = %scan3A_13 to %scan3A_15 step %scan3A_16 iter_args(%scan3A_20 = %scan3A) -> (i32)  : i32 {
        %mul3A = arith.constant 640 : i32
        %mul3A_21 = arith.muli %arg1, %mul3A : i32
        %mul3A_22 = arith.constant 64 : i32
        %mul3A_23 = arith.muli %scan3A_19, %mul3A_22 : i32
        %add3A = arith.addi %mul3A_21, %mul3A_23 : i32
        %multiple_of3A = tpu.assume_multiple %add3A, 8 : i32
        "tpu.region"() ({
          %run_scoped3A = tpu.sem_alloc : memref<!tpu.dma_semaphore, #tpu.memory_space<semaphore_mem>>
          %dma_start3A = arith.constant 0 : i32
          %dma_start3A_25 = tpu.memref_slice %arg2[%multiple_of3A, %dma_start3A] : memref<10240x128xf32, #tpu.memory_space<hbm>> -> memref<64x128xf32, #tpu.memory_space<hbm>>
          %dma_start3A_26 = arith.constant 0 : i32
          %dma_start3A_27 = tpu.memref_slice %arg2[%multiple_of3A, %dma_start3A_26] : memref<10240x128xf32, #tpu.memory_space<hbm>> -> memref<64x128xf32, #tpu.memory_space<hbm>>
          tpu.enqueue_dma source(%dma_start3A_27 : memref<64x128xf32, #tpu.memory_space<hbm>>) target(%arg6 : memref<64x128xf32, #tpu.memory_space<vmem>>) target_semaphore(%run_scoped3A : memref<!tpu.dma_semaphore, #tpu.memory_space<semaphore_mem>>)
          %dma_wait3A = arith.constant 0 : i32
          %dma_wait3A_28 = tpu.memref_slice %arg2[%multiple_of3A, %dma_wait3A] : memref<10240x128xf32, #tpu.memory_space<hbm>> -> memref<64x128xf32, #tpu.memory_space<hbm>>
          %dma_wait3A_29 = arith.constant 0 : i32
          %dma_wait3A_30 = tpu.memref_slice %arg2[%multiple_of3A, %dma_wait3A_29] : memref<10240x128xf32, #tpu.memory_space<hbm>> -> memref<64x128xf32, #tpu.memory_space<hbm>>
          tpu.wait_dma2 semaphore(%run_scoped3A : memref<!tpu.dma_semaphore, #tpu.memory_space<semaphore_mem>>) src(%dma_wait3A_30 : memref<64x128xf32, #tpu.memory_space<hbm>>) dst(%arg6 : memref<64x128xf32, #tpu.memory_space<vmem>>)
          tpu.yield
        }) : () -> ()
        "tpu.region"() ({
          %run_scoped3A = tpu.sem_alloc : memref<!tpu.dma_semaphore, #tpu.memory_space<semaphore_mem>>
          %dma_start3A = tpu.memref_slice %arg3[%multiple_of3A] : memref<10240xi32, #tpu.memory_space<hbm>> -> memref<64xi32, #tpu.memory_space<hbm>>
          %dma_start3A_25 = tpu.memref_slice %arg3[%multiple_of3A] : memref<10240xi32, #tpu.memory_space<hbm>> -> memref<64xi32, #tpu.memory_space<hbm>>
          tpu.enqueue_dma source(%dma_start3A_25 : memref<64xi32, #tpu.memory_space<hbm>>) target(%arg5 : memref<64xi32, #tpu.memory_space<vmem>>) target_semaphore(%run_scoped3A : memref<!tpu.dma_semaphore, #tpu.memory_space<semaphore_mem>>)
          %dma_wait3A = tpu.memref_slice %arg3[%multiple_of3A] : memref<10240xi32, #tpu.memory_space<hbm>> -> memref<64xi32, #tpu.memory_space<hbm>>
          %dma_wait3A_26 = tpu.memref_slice %arg3[%multiple_of3A] : memref<10240xi32, #tpu.memory_space<hbm>> -> memref<64xi32, #tpu.memory_space<hbm>>
          tpu.wait_dma2 semaphore(%run_scoped3A : memref<!tpu.dma_semaphore, #tpu.memory_space<semaphore_mem>>) src(%dma_wait3A_26 : memref<64xi32, #tpu.memory_space<hbm>>) dst(%arg5 : memref<64xi32, #tpu.memory_space<vmem>>)
          tpu.yield
        }) : () -> ()
        "tpu.region"() ({
          %run_scoped3A = tpu.sem_alloc : memref<!tpu.dma_semaphore, #tpu.memory_space<semaphore_mem>>
          %dma_start3A = arith.constant 0 : i32
          %dma_start3A_25 = arith.constant 0 : i32
          %dma_start3A_26 = tpu.memref_slice %arg7[%dma_start3A, %dma_start3A_25] : memref<2048x128xf32, #tpu.memory_space<vmem_shared>> -> memref<2048x128xf32, #tpu.memory_space<vmem_shared>>
          tpu.enqueue_indirect_dma source(%arg6 : memref<64x128xf32, #tpu.memory_space<vmem>>) target(%dma_start3A_26 : memref<2048x128xf32, #tpu.memory_space<vmem_shared>>) offsets(%arg5 : memref<64xi32, #tpu.memory_space<vmem>>) semaphore(%run_scoped3A : memref<!tpu.dma_semaphore, #tpu.memory_space<semaphore_mem>>) {add = true}
          %dma_wait3A = arith.constant 0 : i32
          %dma_wait3A_27 = arith.constant 0 : i32
          %dma_wait3A_28 = tpu.memref_slice %arg7[%dma_wait3A, %dma_wait3A_27] : memref<2048x128xf32, #tpu.memory_space<vmem_shared>> -> memref<2048x128xf32, #tpu.memory_space<vmem_shared>>
          tpu.wait_indirect_dma semaphore(%run_scoped3A : memref<!tpu.dma_semaphore, #tpu.memory_space<semaphore_mem>>) src(%arg6 : memref<64x128xf32, #tpu.memory_space<vmem>>) dst(%dma_wait3A_28 : memref<2048x128xf32, #tpu.memory_space<vmem_shared>>)
          tpu.yield
        }) : () -> ()
        %scan3A_24 = arith.constant 0 : i32
        scf.yield %scan3A_24 : i32
      }
      %scan3A_18 = arith.constant 10 : i32
    } else {
    }
    %barrier3A_7 = arith.constant 0 : index
    tpu.barrier barrier_id(%barrier3A_7)
    %eq3A_8 = arith.constant 0 : i32
    %eq3A_9 = arith.cmpi eq, %arg0, %eq3A_8 : i32
    %convert_element_type3A_10 = arith.extui %eq3A_9 : i1 to i32
    %cond3A_11 = arith.constant 0 : i32
    %cond3A_12 = arith.cmpi ne, %convert_element_type3A_10, %cond3A_11 : i32
    scf.if %cond3A_12 {
      %mul3A = arith.constant 128 : i32
      %mul3A_13 = arith.muli %arg1, %mul3A : i32
      %mul3A_14 = arith.constant 128 : i32
      %mul3A_15 = arith.muli %arg1, %mul3A_14 : i32
      "tpu.region"() ({
        %run_scoped3A = tpu.sem_alloc : memref<!tpu.dma_semaphore, #tpu.memory_space<semaphore_mem>>
        %dma_start3A = arith.constant 0 : i32
        %dma_start3A_16 = tpu.memref_slice %arg4[%mul3A_15, %dma_start3A] : memref<2048x128xf32, #tpu.memory_space<hbm>> -> memref<128x128xf32, #tpu.memory_space<hbm>>
        %dma_start3A_17 = arith.constant 0 : i32
        %dma_start3A_18 = tpu.memref_slice %arg7[%mul3A_13, %dma_start3A_17] : memref<2048x128xf32, #tpu.memory_space<vmem_shared>> -> memref<128x128xf32, #tpu.memory_space<vmem_shared>>
        tpu.enqueue_dma source(%dma_start3A_18 : memref<128x128xf32, #tpu.memory_space<vmem_shared>>) target(%dma_start3A_16 : memref<128x128xf32, #tpu.memory_space<hbm>>) target_semaphore(%run_scoped3A : memref<!tpu.dma_semaphore, #tpu.memory_space<semaphore_mem>>)
        %dma_wait3A = arith.constant 0 : i32
        %dma_wait3A_19 = tpu.memref_slice %arg4[%mul3A_15, %dma_wait3A] : memref<2048x128xf32, #tpu.memory_space<hbm>> -> memref<128x128xf32, #tpu.memory_space<hbm>>
        %dma_wait3A_20 = arith.constant 0 : i32
        %dma_wait3A_21 = tpu.memref_slice %arg7[%mul3A_13, %dma_wait3A_20] : memref<2048x128xf32, #tpu.memory_space<vmem_shared>> -> memref<128x128xf32, #tpu.memory_space<vmem_shared>>
        tpu.wait_dma2 semaphore(%run_scoped3A : memref<!tpu.dma_semaphore, #tpu.memory_space<semaphore_mem>>) src(%dma_wait3A_21 : memref<128x128xf32, #tpu.memory_space<vmem_shared>>) dst(%dma_wait3A_19 : memref<128x128xf32, #tpu.memory_space<hbm>>)
        tpu.yield
      }) : () -> ()
    } else {
    }
    return
  }
}

#map = affine_map<(d0, d1) -> (0, 0)>
#map1 = affine_map<(d0, d1) -> (0)>
module attributes {stable_mosaic.version = 14 : i64} {
  func.func @k(%arg0: i32, %arg1: i32, %arg2: memref<10240x128xf32, #tpu.memory_space<hbm>>, %arg3: memref<512x128xf32, #tpu.memory_space<hbm>>, %arg4: memref<320000xi32, #tpu.memory_space<hbm>>, %arg5: memref<320000xi32, #tpu.memory_space<hbm>>, %arg6: memref<320000xi32, #tpu.memory_space<hbm>>, %arg7: memref<20480x128xf32, #tpu.memory_space<hbm>>, %arg8: memref<80xi32, #tpu.memory_space<vmem>>, %arg9: memref<80xi32, #tpu.memory_space<vmem>>, %arg10: memref<80xi32, #tpu.memory_space<vmem>>, %arg11: memref<80x128xf32, #tpu.memory_space<vmem>>, %arg12: memref<80x128xf32, #tpu.memory_space<vmem>>, %arg13: memref<10240x128xf32, #tpu.memory_space<vmem_shared>>, %arg14: memref<!tpu.dma_semaphore, #tpu.memory_space<semaphore_mem>>, %arg15: memref<!tpu.dma_semaphore, #tpu.memory_space<semaphore_mem>>) attributes {dimension_semantics = [#tpu.dimension_semantics<core_parallel>, #tpu.dimension_semantics<subcore_parallel>], iteration_bounds = array<i64: 2, 16>, scalar_prefetch = 0 : i64, scratch_operands = 8 : i64, tpu.core_type = #tpu.core_type<sc_vector_subcore>, window_params = [{transform_indices = #map}, {transform_indices = #map}, {transform_indices = #map1}, {transform_indices = #map1}, {transform_indices = #map1}, {transform_indices = #map}]} {
    %mul3A = arith.constant 2 : i32
    %mul3A_0 = arith.muli %arg1, %mul3A : i32
    %add3A = arith.addi %mul3A_0, %arg0 : i32
    %scan3A = arith.constant 0 : i32
    %scan3A_1 = arith.constant 0 : i32
    %scan3A_2 = arith.constant 80 : i32
    %scan3A_3 = arith.addi %scan3A_1, %scan3A_2 : i32
    %scan3A_4 = arith.constant 1 : i32
    %scan3A_5 = scf.for %scan3A_54 = %scan3A_1 to %scan3A_3 step %scan3A_4 iter_args(%scan3A_55 = %scan3A) -> (i32)  : i32 {
      %broadcast_in_dim3A = arith.constant 0.000000e+00 : f32
      %broadcast_in_dim3A_56 = vector.broadcast %broadcast_in_dim3A : f32 to vector<16xf32>
      %swap3A = arith.index_cast %scan3A_54 : i32 to index
      %swap3A_57 = arith.constant 0 : index
      %swap3A_58 = tpu.vector_load %arg11[%swap3A, %swap3A_57] {strides = array<i32>} : memref<80x128xf32, #tpu.memory_space<vmem>>, vector<1x16xf32>,
      %swap3A_59 = vector.shape_cast %swap3A_58 : vector<1x16xf32> to vector<16xf32>
      %swap3A_60 = vector.shape_cast %broadcast_in_dim3A_56 : vector<16xf32> to vector<1x16xf32>
      tpu.vector_store %arg11[%swap3A, %swap3A_57], %swap3A_60 {strides = array<i32>} : memref<80x128xf32, #tpu.memory_space<vmem>>, vector<1x16xf32>,
      %broadcast_in_dim3A_61 = arith.constant 0.000000e+00 : f32
      %broadcast_in_dim3A_62 = vector.broadcast %broadcast_in_dim3A_61 : f32 to vector<16xf32>
      %swap3A_63 = arith.index_cast %scan3A_54 : i32 to index
      %swap3A_64 = arith.constant 16 : index
      %swap3A_65 = tpu.vector_load %arg11[%swap3A_63, %swap3A_64] {strides = array<i32>} : memref<80x128xf32, #tpu.memory_space<vmem>>, vector<1x16xf32>,
      %swap3A_66 = vector.shape_cast %swap3A_65 : vector<1x16xf32> to vector<16xf32>
      %swap3A_67 = vector.shape_cast %broadcast_in_dim3A_62 : vector<16xf32> to vector<1x16xf32>
      tpu.vector_store %arg11[%swap3A_63, %swap3A_64], %swap3A_67 {strides = array<i32>} : memref<80x128xf32, #tpu.memory_space<vmem>>, vector<1x16xf32>,
      %broadcast_in_dim3A_68 = arith.constant 0.000000e+00 : f32
      %broadcast_in_dim3A_69 = vector.broadcast %broadcast_in_dim3A_68 : f32 to vector<16xf32>
      %swap3A_70 = arith.index_cast %scan3A_54 : i32 to index
      %swap3A_71 = arith.constant 32 : index
      %swap3A_72 = tpu.vector_load %arg11[%swap3A_70, %swap3A_71] {strides = array<i32>} : memref<80x128xf32, #tpu.memory_space<vmem>>, vector<1x16xf32>,
      %swap3A_73 = vector.shape_cast %swap3A_72 : vector<1x16xf32> to vector<16xf32>
      %swap3A_74 = vector.shape_cast %broadcast_in_dim3A_69 : vector<16xf32> to vector<1x16xf32>
      tpu.vector_store %arg11[%swap3A_70, %swap3A_71], %swap3A_74 {strides = array<i32>} : memref<80x128xf32, #tpu.memory_space<vmem>>, vector<1x16xf32>,
      %broadcast_in_dim3A_75 = arith.constant 0.000000e+00 : f32
      %broadcast_in_dim3A_76 = vector.broadcast %broadcast_in_dim3A_75 : f32 to vector<16xf32>
      %swap3A_77 = arith.index_cast %scan3A_54 : i32 to index
      %swap3A_78 = arith.constant 48 : index
      %swap3A_79 = tpu.vector_load %arg11[%swap3A_77, %swap3A_78] {strides = array<i32>} : memref<80x128xf32, #tpu.memory_space<vmem>>, vector<1x16xf32>,
      %swap3A_80 = vector.shape_cast %swap3A_79 : vector<1x16xf32> to vector<16xf32>
      %swap3A_81 = vector.shape_cast %broadcast_in_dim3A_76 : vector<16xf32> to vector<1x16xf32>
      tpu.vector_store %arg11[%swap3A_77, %swap3A_78], %swap3A_81 {strides = array<i32>} : memref<80x128xf32, #tpu.memory_space<vmem>>, vector<1x16xf32>,
      %broadcast_in_dim3A_82 = arith.constant 0.000000e+00 : f32
      %broadcast_in_dim3A_83 = vector.broadcast %broadcast_in_dim3A_82 : f32 to vector<16xf32>
      %swap3A_84 = arith.index_cast %scan3A_54 : i32 to index
      %swap3A_85 = arith.constant 64 : index
      %swap3A_86 = tpu.vector_load %arg11[%swap3A_84, %swap3A_85] {strides = array<i32>} : memref<80x128xf32, #tpu.memory_space<vmem>>, vector<1x16xf32>,
      %swap3A_87 = vector.shape_cast %swap3A_86 : vector<1x16xf32> to vector<16xf32>
      %swap3A_88 = vector.shape_cast %broadcast_in_dim3A_83 : vector<16xf32> to vector<1x16xf32>
      tpu.vector_store %arg11[%swap3A_84, %swap3A_85], %swap3A_88 {strides = array<i32>} : memref<80x128xf32, #tpu.memory_space<vmem>>, vector<1x16xf32>,
      %broadcast_in_dim3A_89 = arith.constant 0.000000e+00 : f32
      %broadcast_in_dim3A_90 = vector.broadcast %broadcast_in_dim3A_89 : f32 to vector<16xf32>
      %swap3A_91 = arith.index_cast %scan3A_54 : i32 to index
      %swap3A_92 = arith.constant 80 : index
      %swap3A_93 = tpu.vector_load %arg11[%swap3A_91, %swap3A_92] {strides = array<i32>} : memref<80x128xf32, #tpu.memory_space<vmem>>, vector<1x16xf32>,
      %swap3A_94 = vector.shape_cast %swap3A_93 : vector<1x16xf32> to vector<16xf32>
      %swap3A_95 = vector.shape_cast %broadcast_in_dim3A_90 : vector<16xf32> to vector<1x16xf32>
      tpu.vector_store %arg11[%swap3A_91, %swap3A_92], %swap3A_95 {strides = array<i32>} : memref<80x128xf32, #tpu.memory_space<vmem>>, vector<1x16xf32>,
      %broadcast_in_dim3A_96 = arith.constant 0.000000e+00 : f32
      %broadcast_in_dim3A_97 = vector.broadcast %broadcast_in_dim3A_96 : f32 to vector<16xf32>
      %swap3A_98 = arith.index_cast %scan3A_54 : i32 to index
      %swap3A_99 = arith.constant 96 : index
      %swap3A_100 = tpu.vector_load %arg11[%swap3A_98, %swap3A_99] {strides = array<i32>} : memref<80x128xf32, #tpu.memory_space<vmem>>, vector<1x16xf32>,
      %swap3A_101 = vector.shape_cast %swap3A_100 : vector<1x16xf32> to vector<16xf32>
      %swap3A_102 = vector.shape_cast %broadcast_in_dim3A_97 : vector<16xf32> to vector<1x16xf32>
      tpu.vector_store %arg11[%swap3A_98, %swap3A_99], %swap3A_102 {strides = array<i32>} : memref<80x128xf32, #tpu.memory_space<vmem>>, vector<1x16xf32>,
      %broadcast_in_dim3A_103 = arith.constant 0.000000e+00 : f32
      %broadcast_in_dim3A_104 = vector.broadcast %broadcast_in_dim3A_103 : f32 to vector<16xf32>
      %swap3A_105 = arith.index_cast %scan3A_54 : i32 to index
      %swap3A_106 = arith.constant 112 : index
      %swap3A_107 = tpu.vector_load %arg11[%swap3A_105, %swap3A_106] {strides = array<i32>} : memref<80x128xf32, #tpu.memory_space<vmem>>, vector<1x16xf32>,
      %swap3A_108 = vector.shape_cast %swap3A_107 : vector<1x16xf32> to vector<16xf32>
      %swap3A_109 = vector.shape_cast %broadcast_in_dim3A_104 : vector<16xf32> to vector<1x16xf32>
      tpu.vector_store %arg11[%swap3A_105, %swap3A_106], %swap3A_109 {strides = array<i32>} : memref<80x128xf32, #tpu.memory_space<vmem>>, vector<1x16xf32>,
      %scan3A_110 = arith.constant 0 : i32
      scf.yield %scan3A_110 : i32
    }
    %scan3A_6 = arith.constant 80 : i32
    %mul3A_7 = arith.constant 640 : i32
    %mul3A_8 = arith.muli %arg1, %mul3A_7 : i32
    %add3A_9 = arith.constant 0 : i32
    %add3A_10 = arith.addi %mul3A_8, %add3A_9 : i32
    "tpu.region"() ({
      %run_scoped3A = tpu.sem_alloc : memref<!tpu.dma_semaphore, #tpu.memory_space<semaphore_mem>>
      %dma_start3A = arith.constant 0 : i32
      %dma_start3A_54 = tpu.memref_slice %arg13[%add3A_10, %dma_start3A] : memref<10240x128xf32, #tpu.memory_space<vmem_shared>> -> memref<80x128xf32, #tpu.memory_space<vmem_shared>>
      %dma_start3A_55 = arith.constant 0 : i32
      %dma_start3A_56 = tpu.memref_slice %arg13[%add3A_10, %dma_start3A_55] : memref<10240x128xf32, #tpu.memory_space<vmem_shared>> -> memref<80x128xf32, #tpu.memory_space<vmem_shared>>
      tpu.enqueue_dma source(%arg11 : memref<80x128xf32, #tpu.memory_space<vmem>>) target(%dma_start3A_56 : memref<80x128xf32, #tpu.memory_space<vmem_shared>>) target_semaphore(%run_scoped3A : memref<!tpu.dma_semaphore, #tpu.memory_space<semaphore_mem>>)
      %dma_wait3A = arith.constant 0 : i32
      %dma_wait3A_57 = tpu.memref_slice %arg13[%add3A_10, %dma_wait3A] : memref<10240x128xf32, #tpu.memory_space<vmem_shared>> -> memref<80x128xf32, #tpu.memory_space<vmem_shared>>
      %dma_wait3A_58 = arith.constant 0 : i32
      %dma_wait3A_59 = tpu.memref_slice %arg13[%add3A_10, %dma_wait3A_58] : memref<10240x128xf32, #tpu.memory_space<vmem_shared>> -> memref<80x128xf32, #tpu.memory_space<vmem_shared>>
      tpu.wait_dma2 semaphore(%run_scoped3A : memref<!tpu.dma_semaphore, #tpu.memory_space<semaphore_mem>>) src(%arg11 : memref<80x128xf32, #tpu.memory_space<vmem>>) dst(%dma_wait3A_59 : memref<80x128xf32, #tpu.memory_space<vmem_shared>>)
      tpu.yield
    }) : () -> ()
    %mul3A_11 = arith.constant 640 : i32
    %mul3A_12 = arith.muli %arg1, %mul3A_11 : i32
    %add3A_13 = arith.constant 80 : i32
    %add3A_14 = arith.addi %mul3A_12, %add3A_13 : i32
    "tpu.region"() ({
      %run_scoped3A = tpu.sem_alloc : memref<!tpu.dma_semaphore, #tpu.memory_space<semaphore_mem>>
      %dma_start3A = arith.constant 0 : i32
      %dma_start3A_54 = tpu.memref_slice %arg13[%add3A_14, %dma_start3A] : memref<10240x128xf32, #tpu.memory_space<vmem_shared>> -> memref<80x128xf32, #tpu.memory_space<vmem_shared>>
      %dma_start3A_55 = arith.constant 0 : i32
      %dma_start3A_56 = tpu.memref_slice %arg13[%add3A_14, %dma_start3A_55] : memref<10240x128xf32, #tpu.memory_space<vmem_shared>> -> memref<80x128xf32, #tpu.memory_space<vmem_shared>>
      tpu.enqueue_dma source(%arg11 : memref<80x128xf32, #tpu.memory_space<vmem>>) target(%dma_start3A_56 : memref<80x128xf32, #tpu.memory_space<vmem_shared>>) target_semaphore(%run_scoped3A : memref<!tpu.dma_semaphore, #tpu.memory_space<semaphore_mem>>)
      %dma_wait3A = arith.constant 0 : i32
      %dma_wait3A_57 = tpu.memref_slice %arg13[%add3A_14, %dma_wait3A] : memref<10240x128xf32, #tpu.memory_space<vmem_shared>> -> memref<80x128xf32, #tpu.memory_space<vmem_shared>>
      %dma_wait3A_58 = arith.constant 0 : i32
      %dma_wait3A_59 = tpu.memref_slice %arg13[%add3A_14, %dma_wait3A_58] : memref<10240x128xf32, #tpu.memory_space<vmem_shared>> -> memref<80x128xf32, #tpu.memory_space<vmem_shared>>
      tpu.wait_dma2 semaphore(%run_scoped3A : memref<!tpu.dma_semaphore, #tpu.memory_space<semaphore_mem>>) src(%arg11 : memref<80x128xf32, #tpu.memory_space<vmem>>) dst(%dma_wait3A_59 : memref<80x128xf32, #tpu.memory_space<vmem_shared>>)
      tpu.yield
    }) : () -> ()
    %mul3A_15 = arith.constant 640 : i32
    %mul3A_16 = arith.muli %arg1, %mul3A_15 : i32
    %add3A_17 = arith.constant 160 : i32
    %add3A_18 = arith.addi %mul3A_16, %add3A_17 : i32
    "tpu.region"() ({
      %run_scoped3A = tpu.sem_alloc : memref<!tpu.dma_semaphore, #tpu.memory_space<semaphore_mem>>
      %dma_start3A = arith.constant 0 : i32
      %dma_start3A_54 = tpu.memref_slice %arg13[%add3A_18, %dma_start3A] : memref<10240x128xf32, #tpu.memory_space<vmem_shared>> -> memref<80x128xf32, #tpu.memory_space<vmem_shared>>
      %dma_start3A_55 = arith.constant 0 : i32
      %dma_start3A_56 = tpu.memref_slice %arg13[%add3A_18, %dma_start3A_55] : memref<10240x128xf32, #tpu.memory_space<vmem_shared>> -> memref<80x128xf32, #tpu.memory_space<vmem_shared>>
      tpu.enqueue_dma source(%arg11 : memref<80x128xf32, #tpu.memory_space<vmem>>) target(%dma_start3A_56 : memref<80x128xf32, #tpu.memory_space<vmem_shared>>) target_semaphore(%run_scoped3A : memref<!tpu.dma_semaphore, #tpu.memory_space<semaphore_mem>>)
      %dma_wait3A = arith.constant 0 : i32
      %dma_wait3A_57 = tpu.memref_slice %arg13[%add3A_18, %dma_wait3A] : memref<10240x128xf32, #tpu.memory_space<vmem_shared>> -> memref<80x128xf32, #tpu.memory_space<vmem_shared>>
      %dma_wait3A_58 = arith.constant 0 : i32
      %dma_wait3A_59 = tpu.memref_slice %arg13[%add3A_18, %dma_wait3A_58] : memref<10240x128xf32, #tpu.memory_space<vmem_shared>> -> memref<80x128xf32, #tpu.memory_space<vmem_shared>>
      tpu.wait_dma2 semaphore(%run_scoped3A : memref<!tpu.dma_semaphore, #tpu.memory_space<semaphore_mem>>) src(%arg11 : memref<80x128xf32, #tpu.memory_space<vmem>>) dst(%dma_wait3A_59 : memref<80x128xf32, #tpu.memory_space<vmem_shared>>)
      tpu.yield
    }) : () -> ()
    %mul3A_19 = arith.constant 640 : i32
    %mul3A_20 = arith.muli %arg1, %mul3A_19 : i32
    %add3A_21 = arith.constant 240 : i32
    %add3A_22 = arith.addi %mul3A_20, %add3A_21 : i32
    "tpu.region"() ({
      %run_scoped3A = tpu.sem_alloc : memref<!tpu.dma_semaphore, #tpu.memory_space<semaphore_mem>>
      %dma_start3A = arith.constant 0 : i32
      %dma_start3A_54 = tpu.memref_slice %arg13[%add3A_22, %dma_start3A] : memref<10240x128xf32, #tpu.memory_space<vmem_shared>> -> memref<80x128xf32, #tpu.memory_space<vmem_shared>>
      %dma_start3A_55 = arith.constant 0 : i32
      %dma_start3A_56 = tpu.memref_slice %arg13[%add3A_22, %dma_start3A_55] : memref<10240x128xf32, #tpu.memory_space<vmem_shared>> -> memref<80x128xf32, #tpu.memory_space<vmem_shared>>
      tpu.enqueue_dma source(%arg11 : memref<80x128xf32, #tpu.memory_space<vmem>>) target(%dma_start3A_56 : memref<80x128xf32, #tpu.memory_space<vmem_shared>>) target_semaphore(%run_scoped3A : memref<!tpu.dma_semaphore, #tpu.memory_space<semaphore_mem>>)
      %dma_wait3A = arith.constant 0 : i32
      %dma_wait3A_57 = tpu.memref_slice %arg13[%add3A_22, %dma_wait3A] : memref<10240x128xf32, #tpu.memory_space<vmem_shared>> -> memref<80x128xf32, #tpu.memory_space<vmem_shared>>
      %dma_wait3A_58 = arith.constant 0 : i32
      %dma_wait3A_59 = tpu.memref_slice %arg13[%add3A_22, %dma_wait3A_58] : memref<10240x128xf32, #tpu.memory_space<vmem_shared>> -> memref<80x128xf32, #tpu.memory_space<vmem_shared>>
      tpu.wait_dma2 semaphore(%run_scoped3A : memref<!tpu.dma_semaphore, #tpu.memory_space<semaphore_mem>>) src(%arg11 : memref<80x128xf32, #tpu.memory_space<vmem>>) dst(%dma_wait3A_59 : memref<80x128xf32, #tpu.memory_space<vmem_shared>>)
      tpu.yield
    }) : () -> ()
    %mul3A_23 = arith.constant 640 : i32
    %mul3A_24 = arith.muli %arg1, %mul3A_23 : i32
    %add3A_25 = arith.constant 320 : i32
    %add3A_26 = arith.addi %mul3A_24, %add3A_25 : i32
    "tpu.region"() ({
      %run_scoped3A = tpu.sem_alloc : memref<!tpu.dma_semaphore, #tpu.memory_space<semaphore_mem>>
      %dma_start3A = arith.constant 0 : i32
      %dma_start3A_54 = tpu.memref_slice %arg13[%add3A_26, %dma_start3A] : memref<10240x128xf32, #tpu.memory_space<vmem_shared>> -> memref<80x128xf32, #tpu.memory_space<vmem_shared>>
      %dma_start3A_55 = arith.constant 0 : i32
      %dma_start3A_56 = tpu.memref_slice %arg13[%add3A_26, %dma_start3A_55] : memref<10240x128xf32, #tpu.memory_space<vmem_shared>> -> memref<80x128xf32, #tpu.memory_space<vmem_shared>>
      tpu.enqueue_dma source(%arg11 : memref<80x128xf32, #tpu.memory_space<vmem>>) target(%dma_start3A_56 : memref<80x128xf32, #tpu.memory_space<vmem_shared>>) target_semaphore(%run_scoped3A : memref<!tpu.dma_semaphore, #tpu.memory_space<semaphore_mem>>)
      %dma_wait3A = arith.constant 0 : i32
      %dma_wait3A_57 = tpu.memref_slice %arg13[%add3A_26, %dma_wait3A] : memref<10240x128xf32, #tpu.memory_space<vmem_shared>> -> memref<80x128xf32, #tpu.memory_space<vmem_shared>>
      %dma_wait3A_58 = arith.constant 0 : i32
      %dma_wait3A_59 = tpu.memref_slice %arg13[%add3A_26, %dma_wait3A_58] : memref<10240x128xf32, #tpu.memory_space<vmem_shared>> -> memref<80x128xf32, #tpu.memory_space<vmem_shared>>
      tpu.wait_dma2 semaphore(%run_scoped3A : memref<!tpu.dma_semaphore, #tpu.memory_space<semaphore_mem>>) src(%arg11 : memref<80x128xf32, #tpu.memory_space<vmem>>) dst(%dma_wait3A_59 : memref<80x128xf32, #tpu.memory_space<vmem_shared>>)
      tpu.yield
    }) : () -> ()
    %mul3A_27 = arith.constant 640 : i32
    %mul3A_28 = arith.muli %arg1, %mul3A_27 : i32
    %add3A_29 = arith.constant 400 : i32
    %add3A_30 = arith.addi %mul3A_28, %add3A_29 : i32
    "tpu.region"() ({
      %run_scoped3A = tpu.sem_alloc : memref<!tpu.dma_semaphore, #tpu.memory_space<semaphore_mem>>
      %dma_start3A = arith.constant 0 : i32
      %dma_start3A_54 = tpu.memref_slice %arg13[%add3A_30, %dma_start3A] : memref<10240x128xf32, #tpu.memory_space<vmem_shared>> -> memref<80x128xf32, #tpu.memory_space<vmem_shared>>
      %dma_start3A_55 = arith.constant 0 : i32
      %dma_start3A_56 = tpu.memref_slice %arg13[%add3A_30, %dma_start3A_55] : memref<10240x128xf32, #tpu.memory_space<vmem_shared>> -> memref<80x128xf32, #tpu.memory_space<vmem_shared>>
      tpu.enqueue_dma source(%arg11 : memref<80x128xf32, #tpu.memory_space<vmem>>) target(%dma_start3A_56 : memref<80x128xf32, #tpu.memory_space<vmem_shared>>) target_semaphore(%run_scoped3A : memref<!tpu.dma_semaphore, #tpu.memory_space<semaphore_mem>>)
      %dma_wait3A = arith.constant 0 : i32
      %dma_wait3A_57 = tpu.memref_slice %arg13[%add3A_30, %dma_wait3A] : memref<10240x128xf32, #tpu.memory_space<vmem_shared>> -> memref<80x128xf32, #tpu.memory_space<vmem_shared>>
      %dma_wait3A_58 = arith.constant 0 : i32
      %dma_wait3A_59 = tpu.memref_slice %arg13[%add3A_30, %dma_wait3A_58] : memref<10240x128xf32, #tpu.memory_space<vmem_shared>> -> memref<80x128xf32, #tpu.memory_space<vmem_shared>>
      tpu.wait_dma2 semaphore(%run_scoped3A : memref<!tpu.dma_semaphore, #tpu.memory_space<semaphore_mem>>) src(%arg11 : memref<80x128xf32, #tpu.memory_space<vmem>>) dst(%dma_wait3A_59 : memref<80x128xf32, #tpu.memory_space<vmem_shared>>)
      tpu.yield
    }) : () -> ()
    %mul3A_31 = arith.constant 640 : i32
    %mul3A_32 = arith.muli %arg1, %mul3A_31 : i32
    %add3A_33 = arith.constant 480 : i32
    %add3A_34 = arith.addi %mul3A_32, %add3A_33 : i32
    "tpu.region"() ({
      %run_scoped3A = tpu.sem_alloc : memref<!tpu.dma_semaphore, #tpu.memory_space<semaphore_mem>>
      %dma_start3A = arith.constant 0 : i32
      %dma_start3A_54 = tpu.memref_slice %arg13[%add3A_34, %dma_start3A] : memref<10240x128xf32, #tpu.memory_space<vmem_shared>> -> memref<80x128xf32, #tpu.memory_space<vmem_shared>>
      %dma_start3A_55 = arith.constant 0 : i32
      %dma_start3A_56 = tpu.memref_slice %arg13[%add3A_34, %dma_start3A_55] : memref<10240x128xf32, #tpu.memory_space<vmem_shared>> -> memref<80x128xf32, #tpu.memory_space<vmem_shared>>
      tpu.enqueue_dma source(%arg11 : memref<80x128xf32, #tpu.memory_space<vmem>>) target(%dma_start3A_56 : memref<80x128xf32, #tpu.memory_space<vmem_shared>>) target_semaphore(%run_scoped3A : memref<!tpu.dma_semaphore, #tpu.memory_space<semaphore_mem>>)
      %dma_wait3A = arith.constant 0 : i32
      %dma_wait3A_57 = tpu.memref_slice %arg13[%add3A_34, %dma_wait3A] : memref<10240x128xf32, #tpu.memory_space<vmem_shared>> -> memref<80x128xf32, #tpu.memory_space<vmem_shared>>
      %dma_wait3A_58 = arith.constant 0 : i32
      %dma_wait3A_59 = tpu.memref_slice %arg13[%add3A_34, %dma_wait3A_58] : memref<10240x128xf32, #tpu.memory_space<vmem_shared>> -> memref<80x128xf32, #tpu.memory_space<vmem_shared>>
      tpu.wait_dma2 semaphore(%run_scoped3A : memref<!tpu.dma_semaphore, #tpu.memory_space<semaphore_mem>>) src(%arg11 : memref<80x128xf32, #tpu.memory_space<vmem>>) dst(%dma_wait3A_59 : memref<80x128xf32, #tpu.memory_space<vmem_shared>>)
      tpu.yield
    }) : () -> ()
    %mul3A_35 = arith.constant 640 : i32
    %mul3A_36 = arith.muli %arg1, %mul3A_35 : i32
    %add3A_37 = arith.constant 560 : i32
    %add3A_38 = arith.addi %mul3A_36, %add3A_37 : i32
    "tpu.region"() ({
      %run_scoped3A = tpu.sem_alloc : memref<!tpu.dma_semaphore, #tpu.memory_space<semaphore_mem>>
      %dma_start3A = arith.constant 0 : i32
      %dma_start3A_54 = tpu.memref_slice %arg13[%add3A_38, %dma_start3A] : memref<10240x128xf32, #tpu.memory_space<vmem_shared>> -> memref<80x128xf32, #tpu.memory_space<vmem_shared>>
      %dma_start3A_55 = arith.constant 0 : i32
      %dma_start3A_56 = tpu.memref_slice %arg13[%add3A_38, %dma_start3A_55] : memref<10240x128xf32, #tpu.memory_space<vmem_shared>> -> memref<80x128xf32, #tpu.memory_space<vmem_shared>>
      tpu.enqueue_dma source(%arg11 : memref<80x128xf32, #tpu.memory_space<vmem>>) target(%dma_start3A_56 : memref<80x128xf32, #tpu.memory_space<vmem_shared>>) target_semaphore(%run_scoped3A : memref<!tpu.dma_semaphore, #tpu.memory_space<semaphore_mem>>)
      %dma_wait3A = arith.constant 0 : i32
      %dma_wait3A_57 = tpu.memref_slice %arg13[%add3A_38, %dma_wait3A] : memref<10240x128xf32, #tpu.memory_space<vmem_shared>> -> memref<80x128xf32, #tpu.memory_space<vmem_shared>>
      %dma_wait3A_58 = arith.constant 0 : i32
      %dma_wait3A_59 = tpu.memref_slice %arg13[%add3A_38, %dma_wait3A_58] : memref<10240x128xf32, #tpu.memory_space<vmem_shared>> -> memref<80x128xf32, #tpu.memory_space<vmem_shared>>
      tpu.wait_dma2 semaphore(%run_scoped3A : memref<!tpu.dma_semaphore, #tpu.memory_space<semaphore_mem>>) src(%arg11 : memref<80x128xf32, #tpu.memory_space<vmem>>) dst(%dma_wait3A_59 : memref<80x128xf32, #tpu.memory_space<vmem_shared>>)
      tpu.yield
    }) : () -> ()
    %barrier3A = arith.constant 0 : index
    tpu.barrier barrier_id(%barrier3A)
    %scan3A_39 = arith.constant 0 : i32
    %scan3A_40 = arith.constant 0 : i32
    %scan3A_41 = arith.constant 125 : i32
    %scan3A_42 = arith.addi %scan3A_40, %scan3A_41 : i32
    %scan3A_43 = arith.constant 1 : i32
    %scan3A_44 = scf.for %scan3A_54 = %scan3A_40 to %scan3A_42 step %scan3A_43 iter_args(%scan3A_55 = %scan3A_39) -> (i32)  : i32 {
      %mul3A_56 = arith.constant 10000 : i32
      %mul3A_57 = arith.muli %add3A, %mul3A_56 : i32
      %mul3A_58 = arith.constant 80 : i32
      %mul3A_59 = arith.muli %scan3A_54, %mul3A_58 : i32
      %add3A_60 = arith.addi %mul3A_57, %mul3A_59 : i32
      %multiple_of3A = tpu.assume_multiple %add3A_60, 8 : i32
      "tpu.region"() ({
        %run_scoped3A = tpu.sem_alloc : memref<!tpu.dma_semaphore, #tpu.memory_space<semaphore_mem>>
        %dma_start3A_79 = tpu.memref_slice %arg4[%multiple_of3A] : memref<320000xi32, #tpu.memory_space<hbm>> -> memref<80xi32, #tpu.memory_space<hbm>>
        %dma_start3A_80 = tpu.memref_slice %arg4[%multiple_of3A] : memref<320000xi32, #tpu.memory_space<hbm>> -> memref<80xi32, #tpu.memory_space<hbm>>
        tpu.enqueue_dma source(%dma_start3A_80 : memref<80xi32, #tpu.memory_space<hbm>>) target(%arg8 : memref<80xi32, #tpu.memory_space<vmem>>) target_semaphore(%run_scoped3A : memref<!tpu.dma_semaphore, #tpu.memory_space<semaphore_mem>>)
        %dma_wait3A_81 = tpu.memref_slice %arg4[%multiple_of3A] : memref<320000xi32, #tpu.memory_space<hbm>> -> memref<80xi32, #tpu.memory_space<hbm>>
        %dma_wait3A_82 = tpu.memref_slice %arg4[%multiple_of3A] : memref<320000xi32, #tpu.memory_space<hbm>> -> memref<80xi32, #tpu.memory_space<hbm>>
        tpu.wait_dma2 semaphore(%run_scoped3A : memref<!tpu.dma_semaphore, #tpu.memory_space<semaphore_mem>>) src(%dma_wait3A_82 : memref<80xi32, #tpu.memory_space<hbm>>) dst(%arg8 : memref<80xi32, #tpu.memory_space<vmem>>)
        tpu.yield
      }) : () -> ()
      "tpu.region"() ({
        %run_scoped3A = tpu.sem_alloc : memref<!tpu.dma_semaphore, #tpu.memory_space<semaphore_mem>>
        %dma_start3A_79 = tpu.memref_slice %arg5[%multiple_of3A] : memref<320000xi32, #tpu.memory_space<hbm>> -> memref<80xi32, #tpu.memory_space<hbm>>
        %dma_start3A_80 = tpu.memref_slice %arg5[%multiple_of3A] : memref<320000xi32, #tpu.memory_space<hbm>> -> memref<80xi32, #tpu.memory_space<hbm>>
        tpu.enqueue_dma source(%dma_start3A_80 : memref<80xi32, #tpu.memory_space<hbm>>) target(%arg9 : memref<80xi32, #tpu.memory_space<vmem>>) target_semaphore(%run_scoped3A : memref<!tpu.dma_semaphore, #tpu.memory_space<semaphore_mem>>)
        %dma_wait3A_81 = tpu.memref_slice %arg5[%multiple_of3A] : memref<320000xi32, #tpu.memory_space<hbm>> -> memref<80xi32, #tpu.memory_space<hbm>>
        %dma_wait3A_82 = tpu.memref_slice %arg5[%multiple_of3A] : memref<320000xi32, #tpu.memory_space<hbm>> -> memref<80xi32, #tpu.memory_space<hbm>>
        tpu.wait_dma2 semaphore(%run_scoped3A : memref<!tpu.dma_semaphore, #tpu.memory_space<semaphore_mem>>) src(%dma_wait3A_82 : memref<80xi32, #tpu.memory_space<hbm>>) dst(%arg9 : memref<80xi32, #tpu.memory_space<vmem>>)
        tpu.yield
      }) : () -> ()
      "tpu.region"() ({
        %run_scoped3A = tpu.sem_alloc : memref<!tpu.dma_semaphore, #tpu.memory_space<semaphore_mem>>
        %dma_start3A_79 = tpu.memref_slice %arg6[%multiple_of3A] : memref<320000xi32, #tpu.memory_space<hbm>> -> memref<80xi32, #tpu.memory_space<hbm>>
        %dma_start3A_80 = tpu.memref_slice %arg6[%multiple_of3A] : memref<320000xi32, #tpu.memory_space<hbm>> -> memref<80xi32, #tpu.memory_space<hbm>>
        tpu.enqueue_dma source(%dma_start3A_80 : memref<80xi32, #tpu.memory_space<hbm>>) target(%arg10 : memref<80xi32, #tpu.memory_space<vmem>>) target_semaphore(%run_scoped3A : memref<!tpu.dma_semaphore, #tpu.memory_space<semaphore_mem>>)
        %dma_wait3A_81 = tpu.memref_slice %arg6[%multiple_of3A] : memref<320000xi32, #tpu.memory_space<hbm>> -> memref<80xi32, #tpu.memory_space<hbm>>
        %dma_wait3A_82 = tpu.memref_slice %arg6[%multiple_of3A] : memref<320000xi32, #tpu.memory_space<hbm>> -> memref<80xi32, #tpu.memory_space<hbm>>
        tpu.wait_dma2 semaphore(%run_scoped3A : memref<!tpu.dma_semaphore, #tpu.memory_space<semaphore_mem>>) src(%dma_wait3A_82 : memref<80xi32, #tpu.memory_space<hbm>>) dst(%arg10 : memref<80xi32, #tpu.memory_space<vmem>>)
        tpu.yield
      }) : () -> ()
      %dma_start3A = arith.constant 0 : i32
      %dma_start3A_61 = arith.constant 0 : i32
      %dma_start3A_62 = tpu.memref_slice %arg2[%dma_start3A, %dma_start3A_61] : memref<10240x128xf32, #tpu.memory_space<hbm>> -> memref<10240x128xf32, #tpu.memory_space<hbm>>
      tpu.enqueue_indirect_dma source(%dma_start3A_62 : memref<10240x128xf32, #tpu.memory_space<hbm>>) target(%arg11 : memref<80x128xf32, #tpu.memory_space<vmem>>) offsets(%arg8 : memref<80xi32, #tpu.memory_space<vmem>>) semaphore(%arg14 : memref<!tpu.dma_semaphore, #tpu.memory_space<semaphore_mem>>)
      %dma_wait3A = arith.constant 0 : i32
      %dma_wait3A_63 = arith.constant 0 : i32
      %dma_wait3A_64 = tpu.memref_slice %arg2[%dma_wait3A, %dma_wait3A_63] : memref<10240x128xf32, #tpu.memory_space<hbm>> -> memref<10240x128xf32, #tpu.memory_space<hbm>>
      tpu.wait_indirect_dma semaphore(%arg14 : memref<!tpu.dma_semaphore, #tpu.memory_space<semaphore_mem>>) src(%dma_wait3A_64 : memref<10240x128xf32, #tpu.memory_space<hbm>>) dst(%arg11 : memref<80x128xf32, #tpu.memory_space<vmem>>)
      %dma_start3A_65 = arith.constant 0 : i32
      %dma_start3A_66 = arith.constant 0 : i32
      %dma_start3A_67 = tpu.memref_slice %arg3[%dma_start3A_65, %dma_start3A_66] : memref<512x128xf32, #tpu.memory_space<hbm>> -> memref<512x128xf32, #tpu.memory_space<hbm>>
      tpu.enqueue_indirect_dma source(%dma_start3A_67 : memref<512x128xf32, #tpu.memory_space<hbm>>) target(%arg12 : memref<80x128xf32, #tpu.memory_space<vmem>>) offsets(%arg9 : memref<80xi32, #tpu.memory_space<vmem>>) semaphore(%arg15 : memref<!tpu.dma_semaphore, #tpu.memory_space<semaphore_mem>>)
      %dma_wait3A_68 = arith.constant 0 : i32
      %dma_wait3A_69 = arith.constant 0 : i32
      %dma_wait3A_70 = tpu.memref_slice %arg3[%dma_wait3A_68, %dma_wait3A_69] : memref<512x128xf32, #tpu.memory_space<hbm>> -> memref<512x128xf32, #tpu.memory_space<hbm>>
      tpu.wait_indirect_dma semaphore(%arg15 : memref<!tpu.dma_semaphore, #tpu.memory_space<semaphore_mem>>) src(%dma_wait3A_70 : memref<512x128xf32, #tpu.memory_space<hbm>>) dst(%arg12 : memref<80x128xf32, #tpu.memory_space<vmem>>)
      %scan3A_71 = arith.constant 0 : i32
      %scan3A_72 = arith.constant 0 : i32
      %scan3A_73 = arith.constant 80 : i32
      %scan3A_74 = arith.addi %scan3A_72, %scan3A_73 : i32
      %scan3A_75 = arith.constant 1 : i32
      %scan3A_76 = scf.for %scan3A_79 = %scan3A_72 to %scan3A_74 step %scan3A_75 iter_args(%scan3A_80 = %scan3A_71) -> (i32)  : i32 {
        %get3A = arith.index_cast %scan3A_79 : i32 to index
        %get3A_81 = arith.constant 0 : index
        %get3A_82 = tpu.vector_load %arg11[%get3A, %get3A_81] {strides = array<i32>} : memref<80x128xf32, #tpu.memory_space<vmem>>, vector<1x16xf32>,
        %get3A_83 = vector.shape_cast %get3A_82 : vector<1x16xf32> to vector<16xf32>
        %get3A_84 = arith.index_cast %scan3A_79 : i32 to index
        %get3A_85 = arith.constant 0 : index
        %get3A_86 = tpu.vector_load %arg12[%get3A_84, %get3A_85] {strides = array<i32>} : memref<80x128xf32, #tpu.memory_space<vmem>>, vector<1x16xf32>,
        %get3A_87 = vector.shape_cast %get3A_86 : vector<1x16xf32> to vector<16xf32>
        %add3A_88 = arith.addf %get3A_83, %get3A_87 : vector<16xf32>
        %max3A = arith.constant 0.000000e+00 : f32
        %max3A_89 = vector.broadcast %max3A : f32 to vector<16xf32>
        %max3A_90 = arith.maximumf %add3A_88, %max3A_89 : vector<16xf32>
        %swap3A = arith.index_cast %scan3A_79 : i32 to index
        %swap3A_91 = arith.constant 0 : index
        %swap3A_92 = tpu.vector_load %arg11[%swap3A, %swap3A_91] {strides = array<i32>} : memref<80x128xf32, #tpu.memory_space<vmem>>, vector<1x16xf32>,
        %swap3A_93 = vector.shape_cast %swap3A_92 : vector<1x16xf32> to vector<16xf32>
        %swap3A_94 = vector.shape_cast %max3A_90 : vector<16xf32> to vector<1x16xf32>
        tpu.vector_store %arg11[%swap3A, %swap3A_91], %swap3A_94 {strides = array<i32>} : memref<80x128xf32, #tpu.memory_space<vmem>>, vector<1x16xf32>,
        %get3A_95 = arith.index_cast %scan3A_79 : i32 to index
        %get3A_96 = arith.constant 16 : index
        %get3A_97 = tpu.vector_load %arg11[%get3A_95, %get3A_96] {strides = array<i32>} : memref<80x128xf32, #tpu.memory_space<vmem>>, vector<1x16xf32>,
        %get3A_98 = vector.shape_cast %get3A_97 : vector<1x16xf32> to vector<16xf32>
        %get3A_99 = arith.index_cast %scan3A_79 : i32 to index
        %get3A_100 = arith.constant 16 : index
        %get3A_101 = tpu.vector_load %arg12[%get3A_99, %get3A_100] {strides = array<i32>} : memref<80x128xf32, #tpu.memory_space<vmem>>, vector<1x16xf32>,
        %get3A_102 = vector.shape_cast %get3A_101 : vector<1x16xf32> to vector<16xf32>
        %add3A_103 = arith.addf %get3A_98, %get3A_102 : vector<16xf32>
        %max3A_104 = arith.constant 0.000000e+00 : f32
        %max3A_105 = vector.broadcast %max3A_104 : f32 to vector<16xf32>
        %max3A_106 = arith.maximumf %add3A_103, %max3A_105 : vector<16xf32>
        %swap3A_107 = arith.index_cast %scan3A_79 : i32 to index
        %swap3A_108 = arith.constant 16 : index
        %swap3A_109 = tpu.vector_load %arg11[%swap3A_107, %swap3A_108] {strides = array<i32>} : memref<80x128xf32, #tpu.memory_space<vmem>>, vector<1x16xf32>,
        %swap3A_110 = vector.shape_cast %swap3A_109 : vector<1x16xf32> to vector<16xf32>
        %swap3A_111 = vector.shape_cast %max3A_106 : vector<16xf32> to vector<1x16xf32>
        tpu.vector_store %arg11[%swap3A_107, %swap3A_108], %swap3A_111 {strides = array<i32>} : memref<80x128xf32, #tpu.memory_space<vmem>>, vector<1x16xf32>,
        %get3A_112 = arith.index_cast %scan3A_79 : i32 to index
        %get3A_113 = arith.constant 32 : index
        %get3A_114 = tpu.vector_load %arg11[%get3A_112, %get3A_113] {strides = array<i32>} : memref<80x128xf32, #tpu.memory_space<vmem>>, vector<1x16xf32>,
        %get3A_115 = vector.shape_cast %get3A_114 : vector<1x16xf32> to vector<16xf32>
        %get3A_116 = arith.index_cast %scan3A_79 : i32 to index
        %get3A_117 = arith.constant 32 : index
        %get3A_118 = tpu.vector_load %arg12[%get3A_116, %get3A_117] {strides = array<i32>} : memref<80x128xf32, #tpu.memory_space<vmem>>, vector<1x16xf32>,
        %get3A_119 = vector.shape_cast %get3A_118 : vector<1x16xf32> to vector<16xf32>
        %add3A_120 = arith.addf %get3A_115, %get3A_119 : vector<16xf32>
        %max3A_121 = arith.constant 0.000000e+00 : f32
        %max3A_122 = vector.broadcast %max3A_121 : f32 to vector<16xf32>
        %max3A_123 = arith.maximumf %add3A_120, %max3A_122 : vector<16xf32>
        %swap3A_124 = arith.index_cast %scan3A_79 : i32 to index
        %swap3A_125 = arith.constant 32 : index
        %swap3A_126 = tpu.vector_load %arg11[%swap3A_124, %swap3A_125] {strides = array<i32>} : memref<80x128xf32, #tpu.memory_space<vmem>>, vector<1x16xf32>,
        %swap3A_127 = vector.shape_cast %swap3A_126 : vector<1x16xf32> to vector<16xf32>
        %swap3A_128 = vector.shape_cast %max3A_123 : vector<16xf32> to vector<1x16xf32>
        tpu.vector_store %arg11[%swap3A_124, %swap3A_125], %swap3A_128 {strides = array<i32>} : memref<80x128xf32, #tpu.memory_space<vmem>>, vector<1x16xf32>,
        %get3A_129 = arith.index_cast %scan3A_79 : i32 to index
        %get3A_130 = arith.constant 48 : index
        %get3A_131 = tpu.vector_load %arg11[%get3A_129, %get3A_130] {strides = array<i32>} : memref<80x128xf32, #tpu.memory_space<vmem>>, vector<1x16xf32>,
        %get3A_132 = vector.shape_cast %get3A_131 : vector<1x16xf32> to vector<16xf32>
        %get3A_133 = arith.index_cast %scan3A_79 : i32 to index
        %get3A_134 = arith.constant 48 : index
        %get3A_135 = tpu.vector_load %arg12[%get3A_133, %get3A_134] {strides = array<i32>} : memref<80x128xf32, #tpu.memory_space<vmem>>, vector<1x16xf32>,
        %get3A_136 = vector.shape_cast %get3A_135 : vector<1x16xf32> to vector<16xf32>
        %add3A_137 = arith.addf %get3A_132, %get3A_136 : vector<16xf32>
        %max3A_138 = arith.constant 0.000000e+00 : f32
        %max3A_139 = vector.broadcast %max3A_138 : f32 to vector<16xf32>
        %max3A_140 = arith.maximumf %add3A_137, %max3A_139 : vector<16xf32>
        %swap3A_141 = arith.index_cast %scan3A_79 : i32 to index
        %swap3A_142 = arith.constant 48 : index
        %swap3A_143 = tpu.vector_load %arg11[%swap3A_141, %swap3A_142] {strides = array<i32>} : memref<80x128xf32, #tpu.memory_space<vmem>>, vector<1x16xf32>,
        %swap3A_144 = vector.shape_cast %swap3A_143 : vector<1x16xf32> to vector<16xf32>
        %swap3A_145 = vector.shape_cast %max3A_140 : vector<16xf32> to vector<1x16xf32>
        tpu.vector_store %arg11[%swap3A_141, %swap3A_142], %swap3A_145 {strides = array<i32>} : memref<80x128xf32, #tpu.memory_space<vmem>>, vector<1x16xf32>,
        %get3A_146 = arith.index_cast %scan3A_79 : i32 to index
        %get3A_147 = arith.constant 64 : index
        %get3A_148 = tpu.vector_load %arg11[%get3A_146, %get3A_147] {strides = array<i32>} : memref<80x128xf32, #tpu.memory_space<vmem>>, vector<1x16xf32>,
        %get3A_149 = vector.shape_cast %get3A_148 : vector<1x16xf32> to vector<16xf32>
        %get3A_150 = arith.index_cast %scan3A_79 : i32 to index
        %get3A_151 = arith.constant 64 : index
        %get3A_152 = tpu.vector_load %arg12[%get3A_150, %get3A_151] {strides = array<i32>} : memref<80x128xf32, #tpu.memory_space<vmem>>, vector<1x16xf32>,
        %get3A_153 = vector.shape_cast %get3A_152 : vector<1x16xf32> to vector<16xf32>
        %add3A_154 = arith.addf %get3A_149, %get3A_153 : vector<16xf32>
        %max3A_155 = arith.constant 0.000000e+00 : f32
        %max3A_156 = vector.broadcast %max3A_155 : f32 to vector<16xf32>
        %max3A_157 = arith.maximumf %add3A_154, %max3A_156 : vector<16xf32>
        %swap3A_158 = arith.index_cast %scan3A_79 : i32 to index
        %swap3A_159 = arith.constant 64 : index
        %swap3A_160 = tpu.vector_load %arg11[%swap3A_158, %swap3A_159] {strides = array<i32>} : memref<80x128xf32, #tpu.memory_space<vmem>>, vector<1x16xf32>,
        %swap3A_161 = vector.shape_cast %swap3A_160 : vector<1x16xf32> to vector<16xf32>
        %swap3A_162 = vector.shape_cast %max3A_157 : vector<16xf32> to vector<1x16xf32>
        tpu.vector_store %arg11[%swap3A_158, %swap3A_159], %swap3A_162 {strides = array<i32>} : memref<80x128xf32, #tpu.memory_space<vmem>>, vector<1x16xf32>,
        %get3A_163 = arith.index_cast %scan3A_79 : i32 to index
        %get3A_164 = arith.constant 80 : index
        %get3A_165 = tpu.vector_load %arg11[%get3A_163, %get3A_164] {strides = array<i32>} : memref<80x128xf32, #tpu.memory_space<vmem>>, vector<1x16xf32>,
        %get3A_166 = vector.shape_cast %get3A_165 : vector<1x16xf32> to vector<16xf32>
        %get3A_167 = arith.index_cast %scan3A_79 : i32 to index
        %get3A_168 = arith.constant 80 : index
        %get3A_169 = tpu.vector_load %arg12[%get3A_167, %get3A_168] {strides = array<i32>} : memref<80x128xf32, #tpu.memory_space<vmem>>, vector<1x16xf32>,
        %get3A_170 = vector.shape_cast %get3A_169 : vector<1x16xf32> to vector<16xf32>
        %add3A_171 = arith.addf %get3A_166, %get3A_170 : vector<16xf32>
        %max3A_172 = arith.constant 0.000000e+00 : f32
        %max3A_173 = vector.broadcast %max3A_172 : f32 to vector<16xf32>
        %max3A_174 = arith.maximumf %add3A_171, %max3A_173 : vector<16xf32>
        %swap3A_175 = arith.index_cast %scan3A_79 : i32 to index
        %swap3A_176 = arith.constant 80 : index
        %swap3A_177 = tpu.vector_load %arg11[%swap3A_175, %swap3A_176] {strides = array<i32>} : memref<80x128xf32, #tpu.memory_space<vmem>>, vector<1x16xf32>,
        %swap3A_178 = vector.shape_cast %swap3A_177 : vector<1x16xf32> to vector<16xf32>
        %swap3A_179 = vector.shape_cast %max3A_174 : vector<16xf32> to vector<1x16xf32>
        tpu.vector_store %arg11[%swap3A_175, %swap3A_176], %swap3A_179 {strides = array<i32>} : memref<80x128xf32, #tpu.memory_space<vmem>>, vector<1x16xf32>,
        %get3A_180 = arith.index_cast %scan3A_79 : i32 to index
        %get3A_181 = arith.constant 96 : index
        %get3A_182 = tpu.vector_load %arg11[%get3A_180, %get3A_181] {strides = array<i32>} : memref<80x128xf32, #tpu.memory_space<vmem>>, vector<1x16xf32>,
        %get3A_183 = vector.shape_cast %get3A_182 : vector<1x16xf32> to vector<16xf32>
        %get3A_184 = arith.index_cast %scan3A_79 : i32 to index
        %get3A_185 = arith.constant 96 : index
        %get3A_186 = tpu.vector_load %arg12[%get3A_184, %get3A_185] {strides = array<i32>} : memref<80x128xf32, #tpu.memory_space<vmem>>, vector<1x16xf32>,
        %get3A_187 = vector.shape_cast %get3A_186 : vector<1x16xf32> to vector<16xf32>
        %add3A_188 = arith.addf %get3A_183, %get3A_187 : vector<16xf32>
        %max3A_189 = arith.constant 0.000000e+00 : f32
        %max3A_190 = vector.broadcast %max3A_189 : f32 to vector<16xf32>
        %max3A_191 = arith.maximumf %add3A_188, %max3A_190 : vector<16xf32>
        %swap3A_192 = arith.index_cast %scan3A_79 : i32 to index
        %swap3A_193 = arith.constant 96 : index
        %swap3A_194 = tpu.vector_load %arg11[%swap3A_192, %swap3A_193] {strides = array<i32>} : memref<80x128xf32, #tpu.memory_space<vmem>>, vector<1x16xf32>,
        %swap3A_195 = vector.shape_cast %swap3A_194 : vector<1x16xf32> to vector<16xf32>
        %swap3A_196 = vector.shape_cast %max3A_191 : vector<16xf32> to vector<1x16xf32>
        tpu.vector_store %arg11[%swap3A_192, %swap3A_193], %swap3A_196 {strides = array<i32>} : memref<80x128xf32, #tpu.memory_space<vmem>>, vector<1x16xf32>,
        %get3A_197 = arith.index_cast %scan3A_79 : i32 to index
        %get3A_198 = arith.constant 112 : index
        %get3A_199 = tpu.vector_load %arg11[%get3A_197, %get3A_198] {strides = array<i32>} : memref<80x128xf32, #tpu.memory_space<vmem>>, vector<1x16xf32>,
        %get3A_200 = vector.shape_cast %get3A_199 : vector<1x16xf32> to vector<16xf32>
        %get3A_201 = arith.index_cast %scan3A_79 : i32 to index
        %get3A_202 = arith.constant 112 : index
        %get3A_203 = tpu.vector_load %arg12[%get3A_201, %get3A_202] {strides = array<i32>} : memref<80x128xf32, #tpu.memory_space<vmem>>, vector<1x16xf32>,
        %get3A_204 = vector.shape_cast %get3A_203 : vector<1x16xf32> to vector<16xf32>
        %add3A_205 = arith.addf %get3A_200, %get3A_204 : vector<16xf32>
        %max3A_206 = arith.constant 0.000000e+00 : f32
        %max3A_207 = vector.broadcast %max3A_206 : f32 to vector<16xf32>
        %max3A_208 = arith.maximumf %add3A_205, %max3A_207 : vector<16xf32>
        %swap3A_209 = arith.index_cast %scan3A_79 : i32 to index
        %swap3A_210 = arith.constant 112 : index
        %swap3A_211 = tpu.vector_load %arg11[%swap3A_209, %swap3A_210] {strides = array<i32>} : memref<80x128xf32, #tpu.memory_space<vmem>>, vector<1x16xf32>,
        %swap3A_212 = vector.shape_cast %swap3A_211 : vector<1x16xf32> to vector<16xf32>
        %swap3A_213 = vector.shape_cast %max3A_208 : vector<16xf32> to vector<1x16xf32>
        tpu.vector_store %arg11[%swap3A_209, %swap3A_210], %swap3A_213 {strides = array<i32>} : memref<80x128xf32, #tpu.memory_space<vmem>>, vector<1x16xf32>,
        %scan3A_214 = arith.constant 0 : i32
        scf.yield %scan3A_214 : i32
      }
      %scan3A_77 = arith.constant 80 : i32
      "tpu.region"() ({
        %run_scoped3A = tpu.sem_alloc : memref<!tpu.dma_semaphore, #tpu.memory_space<semaphore_mem>>
        %dma_start3A_79 = arith.constant 0 : i32
        %dma_start3A_80 = arith.constant 0 : i32
        %dma_start3A_81 = tpu.memref_slice %arg13[%dma_start3A_79, %dma_start3A_80] : memref<10240x128xf32, #tpu.memory_space<vmem_shared>> -> memref<10240x128xf32, #tpu.memory_space<vmem_shared>>
        tpu.enqueue_indirect_dma source(%arg11 : memref<80x128xf32, #tpu.memory_space<vmem>>) target(%dma_start3A_81 : memref<10240x128xf32, #tpu.memory_space<vmem_shared>>) offsets(%arg10 : memref<80xi32, #tpu.memory_space<vmem>>) semaphore(%run_scoped3A : memref<!tpu.dma_semaphore, #tpu.memory_space<semaphore_mem>>) {add = true}
        %dma_wait3A_82 = arith.constant 0 : i32
        %dma_wait3A_83 = arith.constant 0 : i32
        %dma_wait3A_84 = tpu.memref_slice %arg13[%dma_wait3A_82, %dma_wait3A_83] : memref<10240x128xf32, #tpu.memory_space<vmem_shared>> -> memref<10240x128xf32, #tpu.memory_space<vmem_shared>>
        tpu.wait_indirect_dma semaphore(%run_scoped3A : memref<!tpu.dma_semaphore, #tpu.memory_space<semaphore_mem>>) src(%arg11 : memref<80x128xf32, #tpu.memory_space<vmem>>) dst(%dma_wait3A_84 : memref<10240x128xf32, #tpu.memory_space<vmem_shared>>)
        tpu.yield
      }) : () -> ()
      %scan3A_78 = arith.constant 0 : i32
      scf.yield %scan3A_78 : i32
    }
    %scan3A_45 = arith.constant 125 : i32
    %barrier3A_46 = arith.constant 0 : index
    tpu.barrier barrier_id(%barrier3A_46)
    %mul3A_47 = arith.constant 640 : i32
    %mul3A_48 = arith.muli %arg1, %mul3A_47 : i32
    %mul3A_49 = arith.constant 10240 : i32
    %mul3A_50 = arith.muli %arg0, %mul3A_49 : i32
    %mul3A_51 = arith.constant 640 : i32
    %mul3A_52 = arith.muli %arg1, %mul3A_51 : i32
    %add3A_53 = arith.addi %mul3A_50, %mul3A_52 : i32
    "tpu.region"() ({
      %run_scoped3A = tpu.sem_alloc : memref<!tpu.dma_semaphore, #tpu.memory_space<semaphore_mem>>
      %dma_start3A = arith.constant 0 : i32
      %dma_start3A_54 = tpu.memref_slice %arg7[%add3A_53, %dma_start3A] : memref<20480x128xf32, #tpu.memory_space<hbm>> -> memref<640x128xf32, #tpu.memory_space<hbm>>
      %dma_start3A_55 = arith.constant 0 : i32
      %dma_start3A_56 = tpu.memref_slice %arg13[%mul3A_48, %dma_start3A_55] : memref<10240x128xf32, #tpu.memory_space<vmem_shared>> -> memref<640x128xf32, #tpu.memory_space<vmem_shared>>
      tpu.enqueue_dma source(%dma_start3A_56 : memref<640x128xf32, #tpu.memory_space<vmem_shared>>) target(%dma_start3A_54 : memref<640x128xf32, #tpu.memory_space<hbm>>) target_semaphore(%run_scoped3A : memref<!tpu.dma_semaphore, #tpu.memory_space<semaphore_mem>>)
      %dma_wait3A = arith.constant 0 : i32
      %dma_wait3A_57 = tpu.memref_slice %arg7[%add3A_53, %dma_wait3A] : memref<20480x128xf32, #tpu.memory_space<hbm>> -> memref<640x128xf32, #tpu.memory_space<hbm>>
      %dma_wait3A_58 = arith.constant 0 : i32
      %dma_wait3A_59 = tpu.memref_slice %arg13[%mul3A_48, %dma_wait3A_58] : memref<10240x128xf32, #tpu.memory_space<vmem_shared>> -> memref<640x128xf32, #tpu.memory_space<vmem_shared>>
      tpu.wait_dma2 semaphore(%run_scoped3A : memref<!tpu.dma_semaphore, #tpu.memory_space<semaphore_mem>>) src(%dma_wait3A_59 : memref<640x128xf32, #tpu.memory_space<vmem_shared>>) dst(%dma_wait3A_57 : memref<640x128xf32, #tpu.memory_space<hbm>>)
      tpu.yield
    }) : () -> ()
    return
  }
}

#map = affine_map<(d0, d1) -> (0, 0)>
#map1 = affine_map<(d0, d1) -> (0)>
module attributes {stable_mosaic.version = 14 : i64} {
  func.func @k(%arg0: i32, %arg1: i32, %arg2: memref<10240x128xf32, #tpu.memory_space<hbm>>, %arg3: memref<512x128xf32, #tpu.memory_space<hbm>>, %arg4: memref<320000xi32, #tpu.memory_space<hbm>>, %arg5: memref<320000xi32, #tpu.memory_space<hbm>>, %arg6: memref<320000xi32, #tpu.memory_space<hbm>>, %arg7: memref<20480x128xf32, #tpu.memory_space<hbm>>, %arg8: memref<80xi32, #tpu.memory_space<vmem>>, %arg9: memref<80xi32, #tpu.memory_space<vmem>>, %arg10: memref<80xi32, #tpu.memory_space<vmem>>, %arg11: memref<80x128xf32, #tpu.memory_space<vmem>>, %arg12: memref<80x128xf32, #tpu.memory_space<vmem>>, %arg13: memref<10240x128xf32, #tpu.memory_space<vmem_shared>>, %arg14: memref<!tpu.dma_semaphore, #tpu.memory_space<semaphore_mem>>, %arg15: memref<!tpu.dma_semaphore, #tpu.memory_space<semaphore_mem>>) attributes {dimension_semantics = [#tpu.dimension_semantics<core_parallel>, #tpu.dimension_semantics<subcore_parallel>], iteration_bounds = array<i64: 2, 16>, scalar_prefetch = 0 : i64, scratch_operands = 8 : i64, tpu.core_type = #tpu.core_type<sc_vector_subcore>, window_params = [{transform_indices = #map}, {transform_indices = #map}, {transform_indices = #map1}, {transform_indices = #map1}, {transform_indices = #map1}, {transform_indices = #map}]} {
    %mul3A = arith.constant 2 : i32
    %mul3A_0 = arith.muli %arg1, %mul3A : i32
    %add3A = arith.addi %mul3A_0, %arg0 : i32
    %scan3A = arith.constant 0 : i32
    %scan3A_1 = arith.constant 0 : i32
    %scan3A_2 = arith.constant 80 : i32
    %scan3A_3 = arith.addi %scan3A_1, %scan3A_2 : i32
    %scan3A_4 = arith.constant 1 : i32
    %scan3A_5 = scf.for %scan3A_54 = %scan3A_1 to %scan3A_3 step %scan3A_4 iter_args(%scan3A_55 = %scan3A) -> (i32)  : i32 {
      %broadcast_in_dim3A = arith.constant 0.000000e+00 : f32
      %broadcast_in_dim3A_56 = vector.broadcast %broadcast_in_dim3A : f32 to vector<16xf32>
      %swap3A = arith.index_cast %scan3A_54 : i32 to index
      %swap3A_57 = arith.constant 0 : index
      %swap3A_58 = tpu.vector_load %arg11[%swap3A, %swap3A_57] {strides = array<i32>} : memref<80x128xf32, #tpu.memory_space<vmem>>, vector<1x16xf32>,
      %swap3A_59 = vector.shape_cast %swap3A_58 : vector<1x16xf32> to vector<16xf32>
      %swap3A_60 = vector.shape_cast %broadcast_in_dim3A_56 : vector<16xf32> to vector<1x16xf32>
      tpu.vector_store %arg11[%swap3A, %swap3A_57], %swap3A_60 {strides = array<i32>} : memref<80x128xf32, #tpu.memory_space<vmem>>, vector<1x16xf32>,
      %broadcast_in_dim3A_61 = arith.constant 0.000000e+00 : f32
      %broadcast_in_dim3A_62 = vector.broadcast %broadcast_in_dim3A_61 : f32 to vector<16xf32>
      %swap3A_63 = arith.index_cast %scan3A_54 : i32 to index
      %swap3A_64 = arith.constant 16 : index
      %swap3A_65 = tpu.vector_load %arg11[%swap3A_63, %swap3A_64] {strides = array<i32>} : memref<80x128xf32, #tpu.memory_space<vmem>>, vector<1x16xf32>,
      %swap3A_66 = vector.shape_cast %swap3A_65 : vector<1x16xf32> to vector<16xf32>
      %swap3A_67 = vector.shape_cast %broadcast_in_dim3A_62 : vector<16xf32> to vector<1x16xf32>
      tpu.vector_store %arg11[%swap3A_63, %swap3A_64], %swap3A_67 {strides = array<i32>} : memref<80x128xf32, #tpu.memory_space<vmem>>, vector<1x16xf32>,
      %broadcast_in_dim3A_68 = arith.constant 0.000000e+00 : f32
      %broadcast_in_dim3A_69 = vector.broadcast %broadcast_in_dim3A_68 : f32 to vector<16xf32>
      %swap3A_70 = arith.index_cast %scan3A_54 : i32 to index
      %swap3A_71 = arith.constant 32 : index
      %swap3A_72 = tpu.vector_load %arg11[%swap3A_70, %swap3A_71] {strides = array<i32>} : memref<80x128xf32, #tpu.memory_space<vmem>>, vector<1x16xf32>,
      %swap3A_73 = vector.shape_cast %swap3A_72 : vector<1x16xf32> to vector<16xf32>
      %swap3A_74 = vector.shape_cast %broadcast_in_dim3A_69 : vector<16xf32> to vector<1x16xf32>
      tpu.vector_store %arg11[%swap3A_70, %swap3A_71], %swap3A_74 {strides = array<i32>} : memref<80x128xf32, #tpu.memory_space<vmem>>, vector<1x16xf32>,
      %broadcast_in_dim3A_75 = arith.constant 0.000000e+00 : f32
      %broadcast_in_dim3A_76 = vector.broadcast %broadcast_in_dim3A_75 : f32 to vector<16xf32>
      %swap3A_77 = arith.index_cast %scan3A_54 : i32 to index
      %swap3A_78 = arith.constant 48 : index
      %swap3A_79 = tpu.vector_load %arg11[%swap3A_77, %swap3A_78] {strides = array<i32>} : memref<80x128xf32, #tpu.memory_space<vmem>>, vector<1x16xf32>,
      %swap3A_80 = vector.shape_cast %swap3A_79 : vector<1x16xf32> to vector<16xf32>
      %swap3A_81 = vector.shape_cast %broadcast_in_dim3A_76 : vector<16xf32> to vector<1x16xf32>
      tpu.vector_store %arg11[%swap3A_77, %swap3A_78], %swap3A_81 {strides = array<i32>} : memref<80x128xf32, #tpu.memory_space<vmem>>, vector<1x16xf32>,
      %broadcast_in_dim3A_82 = arith.constant 0.000000e+00 : f32
      %broadcast_in_dim3A_83 = vector.broadcast %broadcast_in_dim3A_82 : f32 to vector<16xf32>
      %swap3A_84 = arith.index_cast %scan3A_54 : i32 to index
      %swap3A_85 = arith.constant 64 : index
      %swap3A_86 = tpu.vector_load %arg11[%swap3A_84, %swap3A_85] {strides = array<i32>} : memref<80x128xf32, #tpu.memory_space<vmem>>, vector<1x16xf32>,
      %swap3A_87 = vector.shape_cast %swap3A_86 : vector<1x16xf32> to vector<16xf32>
      %swap3A_88 = vector.shape_cast %broadcast_in_dim3A_83 : vector<16xf32> to vector<1x16xf32>
      tpu.vector_store %arg11[%swap3A_84, %swap3A_85], %swap3A_88 {strides = array<i32>} : memref<80x128xf32, #tpu.memory_space<vmem>>, vector<1x16xf32>,
      %broadcast_in_dim3A_89 = arith.constant 0.000000e+00 : f32
      %broadcast_in_dim3A_90 = vector.broadcast %broadcast_in_dim3A_89 : f32 to vector<16xf32>
      %swap3A_91 = arith.index_cast %scan3A_54 : i32 to index
      %swap3A_92 = arith.constant 80 : index
      %swap3A_93 = tpu.vector_load %arg11[%swap3A_91, %swap3A_92] {strides = array<i32>} : memref<80x128xf32, #tpu.memory_space<vmem>>, vector<1x16xf32>,
      %swap3A_94 = vector.shape_cast %swap3A_93 : vector<1x16xf32> to vector<16xf32>
      %swap3A_95 = vector.shape_cast %broadcast_in_dim3A_90 : vector<16xf32> to vector<1x16xf32>
      tpu.vector_store %arg11[%swap3A_91, %swap3A_92], %swap3A_95 {strides = array<i32>} : memref<80x128xf32, #tpu.memory_space<vmem>>, vector<1x16xf32>,
      %broadcast_in_dim3A_96 = arith.constant 0.000000e+00 : f32
      %broadcast_in_dim3A_97 = vector.broadcast %broadcast_in_dim3A_96 : f32 to vector<16xf32>
      %swap3A_98 = arith.index_cast %scan3A_54 : i32 to index
      %swap3A_99 = arith.constant 96 : index
      %swap3A_100 = tpu.vector_load %arg11[%swap3A_98, %swap3A_99] {strides = array<i32>} : memref<80x128xf32, #tpu.memory_space<vmem>>, vector<1x16xf32>,
      %swap3A_101 = vector.shape_cast %swap3A_100 : vector<1x16xf32> to vector<16xf32>
      %swap3A_102 = vector.shape_cast %broadcast_in_dim3A_97 : vector<16xf32> to vector<1x16xf32>
      tpu.vector_store %arg11[%swap3A_98, %swap3A_99], %swap3A_102 {strides = array<i32>} : memref<80x128xf32, #tpu.memory_space<vmem>>, vector<1x16xf32>,
      %broadcast_in_dim3A_103 = arith.constant 0.000000e+00 : f32
      %broadcast_in_dim3A_104 = vector.broadcast %broadcast_in_dim3A_103 : f32 to vector<16xf32>
      %swap3A_105 = arith.index_cast %scan3A_54 : i32 to index
      %swap3A_106 = arith.constant 112 : index
      %swap3A_107 = tpu.vector_load %arg11[%swap3A_105, %swap3A_106] {strides = array<i32>} : memref<80x128xf32, #tpu.memory_space<vmem>>, vector<1x16xf32>,
      %swap3A_108 = vector.shape_cast %swap3A_107 : vector<1x16xf32> to vector<16xf32>
      %swap3A_109 = vector.shape_cast %broadcast_in_dim3A_104 : vector<16xf32> to vector<1x16xf32>
      tpu.vector_store %arg11[%swap3A_105, %swap3A_106], %swap3A_109 {strides = array<i32>} : memref<80x128xf32, #tpu.memory_space<vmem>>, vector<1x16xf32>,
      %scan3A_110 = arith.constant 0 : i32
      scf.yield %scan3A_110 : i32
    }
    %scan3A_6 = arith.constant 80 : i32
    %mul3A_7 = arith.constant 640 : i32
    %mul3A_8 = arith.muli %arg1, %mul3A_7 : i32
    %add3A_9 = arith.constant 0 : i32
    %add3A_10 = arith.addi %mul3A_8, %add3A_9 : i32
    "tpu.region"() ({
      %run_scoped3A = tpu.sem_alloc : memref<!tpu.dma_semaphore, #tpu.memory_space<semaphore_mem>>
      %dma_start3A = arith.constant 0 : i32
      %dma_start3A_54 = tpu.memref_slice %arg13[%add3A_10, %dma_start3A] : memref<10240x128xf32, #tpu.memory_space<vmem_shared>> -> memref<80x128xf32, #tpu.memory_space<vmem_shared>>
      %dma_start3A_55 = arith.constant 0 : i32
      %dma_start3A_56 = tpu.memref_slice %arg13[%add3A_10, %dma_start3A_55] : memref<10240x128xf32, #tpu.memory_space<vmem_shared>> -> memref<80x128xf32, #tpu.memory_space<vmem_shared>>
      tpu.enqueue_dma source(%arg11 : memref<80x128xf32, #tpu.memory_space<vmem>>) target(%dma_start3A_56 : memref<80x128xf32, #tpu.memory_space<vmem_shared>>) target_semaphore(%run_scoped3A : memref<!tpu.dma_semaphore, #tpu.memory_space<semaphore_mem>>)
      %dma_wait3A = arith.constant 0 : i32
      %dma_wait3A_57 = tpu.memref_slice %arg13[%add3A_10, %dma_wait3A] : memref<10240x128xf32, #tpu.memory_space<vmem_shared>> -> memref<80x128xf32, #tpu.memory_space<vmem_shared>>
      %dma_wait3A_58 = arith.constant 0 : i32
      %dma_wait3A_59 = tpu.memref_slice %arg13[%add3A_10, %dma_wait3A_58] : memref<10240x128xf32, #tpu.memory_space<vmem_shared>> -> memref<80x128xf32, #tpu.memory_space<vmem_shared>>
      tpu.wait_dma2 semaphore(%run_scoped3A : memref<!tpu.dma_semaphore, #tpu.memory_space<semaphore_mem>>) src(%arg11 : memref<80x128xf32, #tpu.memory_space<vmem>>) dst(%dma_wait3A_59 : memref<80x128xf32, #tpu.memory_space<vmem_shared>>)
      tpu.yield
    }) : () -> ()
    %mul3A_11 = arith.constant 640 : i32
    %mul3A_12 = arith.muli %arg1, %mul3A_11 : i32
    %add3A_13 = arith.constant 80 : i32
    %add3A_14 = arith.addi %mul3A_12, %add3A_13 : i32
    "tpu.region"() ({
      %run_scoped3A = tpu.sem_alloc : memref<!tpu.dma_semaphore, #tpu.memory_space<semaphore_mem>>
      %dma_start3A = arith.constant 0 : i32
      %dma_start3A_54 = tpu.memref_slice %arg13[%add3A_14, %dma_start3A] : memref<10240x128xf32, #tpu.memory_space<vmem_shared>> -> memref<80x128xf32, #tpu.memory_space<vmem_shared>>
      %dma_start3A_55 = arith.constant 0 : i32
      %dma_start3A_56 = tpu.memref_slice %arg13[%add3A_14, %dma_start3A_55] : memref<10240x128xf32, #tpu.memory_space<vmem_shared>> -> memref<80x128xf32, #tpu.memory_space<vmem_shared>>
      tpu.enqueue_dma source(%arg11 : memref<80x128xf32, #tpu.memory_space<vmem>>) target(%dma_start3A_56 : memref<80x128xf32, #tpu.memory_space<vmem_shared>>) target_semaphore(%run_scoped3A : memref<!tpu.dma_semaphore, #tpu.memory_space<semaphore_mem>>)
      %dma_wait3A = arith.constant 0 : i32
      %dma_wait3A_57 = tpu.memref_slice %arg13[%add3A_14, %dma_wait3A] : memref<10240x128xf32, #tpu.memory_space<vmem_shared>> -> memref<80x128xf32, #tpu.memory_space<vmem_shared>>
      %dma_wait3A_58 = arith.constant 0 : i32
      %dma_wait3A_59 = tpu.memref_slice %arg13[%add3A_14, %dma_wait3A_58] : memref<10240x128xf32, #tpu.memory_space<vmem_shared>> -> memref<80x128xf32, #tpu.memory_space<vmem_shared>>
      tpu.wait_dma2 semaphore(%run_scoped3A : memref<!tpu.dma_semaphore, #tpu.memory_space<semaphore_mem>>) src(%arg11 : memref<80x128xf32, #tpu.memory_space<vmem>>) dst(%dma_wait3A_59 : memref<80x128xf32, #tpu.memory_space<vmem_shared>>)
      tpu.yield
    }) : () -> ()
    %mul3A_15 = arith.constant 640 : i32
    %mul3A_16 = arith.muli %arg1, %mul3A_15 : i32
    %add3A_17 = arith.constant 160 : i32
    %add3A_18 = arith.addi %mul3A_16, %add3A_17 : i32
    "tpu.region"() ({
      %run_scoped3A = tpu.sem_alloc : memref<!tpu.dma_semaphore, #tpu.memory_space<semaphore_mem>>
      %dma_start3A = arith.constant 0 : i32
      %dma_start3A_54 = tpu.memref_slice %arg13[%add3A_18, %dma_start3A] : memref<10240x128xf32, #tpu.memory_space<vmem_shared>> -> memref<80x128xf32, #tpu.memory_space<vmem_shared>>
      %dma_start3A_55 = arith.constant 0 : i32
      %dma_start3A_56 = tpu.memref_slice %arg13[%add3A_18, %dma_start3A_55] : memref<10240x128xf32, #tpu.memory_space<vmem_shared>> -> memref<80x128xf32, #tpu.memory_space<vmem_shared>>
      tpu.enqueue_dma source(%arg11 : memref<80x128xf32, #tpu.memory_space<vmem>>) target(%dma_start3A_56 : memref<80x128xf32, #tpu.memory_space<vmem_shared>>) target_semaphore(%run_scoped3A : memref<!tpu.dma_semaphore, #tpu.memory_space<semaphore_mem>>)
      %dma_wait3A = arith.constant 0 : i32
      %dma_wait3A_57 = tpu.memref_slice %arg13[%add3A_18, %dma_wait3A] : memref<10240x128xf32, #tpu.memory_space<vmem_shared>> -> memref<80x128xf32, #tpu.memory_space<vmem_shared>>
      %dma_wait3A_58 = arith.constant 0 : i32
      %dma_wait3A_59 = tpu.memref_slice %arg13[%add3A_18, %dma_wait3A_58] : memref<10240x128xf32, #tpu.memory_space<vmem_shared>> -> memref<80x128xf32, #tpu.memory_space<vmem_shared>>
      tpu.wait_dma2 semaphore(%run_scoped3A : memref<!tpu.dma_semaphore, #tpu.memory_space<semaphore_mem>>) src(%arg11 : memref<80x128xf32, #tpu.memory_space<vmem>>) dst(%dma_wait3A_59 : memref<80x128xf32, #tpu.memory_space<vmem_shared>>)
      tpu.yield
    }) : () -> ()
    %mul3A_19 = arith.constant 640 : i32
    %mul3A_20 = arith.muli %arg1, %mul3A_19 : i32
    %add3A_21 = arith.constant 240 : i32
    %add3A_22 = arith.addi %mul3A_20, %add3A_21 : i32
    "tpu.region"() ({
      %run_scoped3A = tpu.sem_alloc : memref<!tpu.dma_semaphore, #tpu.memory_space<semaphore_mem>>
      %dma_start3A = arith.constant 0 : i32
      %dma_start3A_54 = tpu.memref_slice %arg13[%add3A_22, %dma_start3A] : memref<10240x128xf32, #tpu.memory_space<vmem_shared>> -> memref<80x128xf32, #tpu.memory_space<vmem_shared>>
      %dma_start3A_55 = arith.constant 0 : i32
      %dma_start3A_56 = tpu.memref_slice %arg13[%add3A_22, %dma_start3A_55] : memref<10240x128xf32, #tpu.memory_space<vmem_shared>> -> memref<80x128xf32, #tpu.memory_space<vmem_shared>>
      tpu.enqueue_dma source(%arg11 : memref<80x128xf32, #tpu.memory_space<vmem>>) target(%dma_start3A_56 : memref<80x128xf32, #tpu.memory_space<vmem_shared>>) target_semaphore(%run_scoped3A : memref<!tpu.dma_semaphore, #tpu.memory_space<semaphore_mem>>)
      %dma_wait3A = arith.constant 0 : i32
      %dma_wait3A_57 = tpu.memref_slice %arg13[%add3A_22, %dma_wait3A] : memref<10240x128xf32, #tpu.memory_space<vmem_shared>> -> memref<80x128xf32, #tpu.memory_space<vmem_shared>>
      %dma_wait3A_58 = arith.constant 0 : i32
      %dma_wait3A_59 = tpu.memref_slice %arg13[%add3A_22, %dma_wait3A_58] : memref<10240x128xf32, #tpu.memory_space<vmem_shared>> -> memref<80x128xf32, #tpu.memory_space<vmem_shared>>
      tpu.wait_dma2 semaphore(%run_scoped3A : memref<!tpu.dma_semaphore, #tpu.memory_space<semaphore_mem>>) src(%arg11 : memref<80x128xf32, #tpu.memory_space<vmem>>) dst(%dma_wait3A_59 : memref<80x128xf32, #tpu.memory_space<vmem_shared>>)
      tpu.yield
    }) : () -> ()
    %mul3A_23 = arith.constant 640 : i32
    %mul3A_24 = arith.muli %arg1, %mul3A_23 : i32
    %add3A_25 = arith.constant 320 : i32
    %add3A_26 = arith.addi %mul3A_24, %add3A_25 : i32
    "tpu.region"() ({
      %run_scoped3A = tpu.sem_alloc : memref<!tpu.dma_semaphore, #tpu.memory_space<semaphore_mem>>
      %dma_start3A = arith.constant 0 : i32
      %dma_start3A_54 = tpu.memref_slice %arg13[%add3A_26, %dma_start3A] : memref<10240x128xf32, #tpu.memory_space<vmem_shared>> -> memref<80x128xf32, #tpu.memory_space<vmem_shared>>
      %dma_start3A_55 = arith.constant 0 : i32
      %dma_start3A_56 = tpu.memref_slice %arg13[%add3A_26, %dma_start3A_55] : memref<10240x128xf32, #tpu.memory_space<vmem_shared>> -> memref<80x128xf32, #tpu.memory_space<vmem_shared>>
      tpu.enqueue_dma source(%arg11 : memref<80x128xf32, #tpu.memory_space<vmem>>) target(%dma_start3A_56 : memref<80x128xf32, #tpu.memory_space<vmem_shared>>) target_semaphore(%run_scoped3A : memref<!tpu.dma_semaphore, #tpu.memory_space<semaphore_mem>>)
      %dma_wait3A = arith.constant 0 : i32
      %dma_wait3A_57 = tpu.memref_slice %arg13[%add3A_26, %dma_wait3A] : memref<10240x128xf32, #tpu.memory_space<vmem_shared>> -> memref<80x128xf32, #tpu.memory_space<vmem_shared>>
      %dma_wait3A_58 = arith.constant 0 : i32
      %dma_wait3A_59 = tpu.memref_slice %arg13[%add3A_26, %dma_wait3A_58] : memref<10240x128xf32, #tpu.memory_space<vmem_shared>> -> memref<80x128xf32, #tpu.memory_space<vmem_shared>>
      tpu.wait_dma2 semaphore(%run_scoped3A : memref<!tpu.dma_semaphore, #tpu.memory_space<semaphore_mem>>) src(%arg11 : memref<80x128xf32, #tpu.memory_space<vmem>>) dst(%dma_wait3A_59 : memref<80x128xf32, #tpu.memory_space<vmem_shared>>)
      tpu.yield
    }) : () -> ()
    %mul3A_27 = arith.constant 640 : i32
    %mul3A_28 = arith.muli %arg1, %mul3A_27 : i32
    %add3A_29 = arith.constant 400 : i32
    %add3A_30 = arith.addi %mul3A_28, %add3A_29 : i32
    "tpu.region"() ({
      %run_scoped3A = tpu.sem_alloc : memref<!tpu.dma_semaphore, #tpu.memory_space<semaphore_mem>>
      %dma_start3A = arith.constant 0 : i32
      %dma_start3A_54 = tpu.memref_slice %arg13[%add3A_30, %dma_start3A] : memref<10240x128xf32, #tpu.memory_space<vmem_shared>> -> memref<80x128xf32, #tpu.memory_space<vmem_shared>>
      %dma_start3A_55 = arith.constant 0 : i32
      %dma_start3A_56 = tpu.memref_slice %arg13[%add3A_30, %dma_start3A_55] : memref<10240x128xf32, #tpu.memory_space<vmem_shared>> -> memref<80x128xf32, #tpu.memory_space<vmem_shared>>
      tpu.enqueue_dma source(%arg11 : memref<80x128xf32, #tpu.memory_space<vmem>>) target(%dma_start3A_56 : memref<80x128xf32, #tpu.memory_space<vmem_shared>>) target_semaphore(%run_scoped3A : memref<!tpu.dma_semaphore, #tpu.memory_space<semaphore_mem>>)
      %dma_wait3A = arith.constant 0 : i32
      %dma_wait3A_57 = tpu.memref_slice %arg13[%add3A_30, %dma_wait3A] : memref<10240x128xf32, #tpu.memory_space<vmem_shared>> -> memref<80x128xf32, #tpu.memory_space<vmem_shared>>
      %dma_wait3A_58 = arith.constant 0 : i32
      %dma_wait3A_59 = tpu.memref_slice %arg13[%add3A_30, %dma_wait3A_58] : memref<10240x128xf32, #tpu.memory_space<vmem_shared>> -> memref<80x128xf32, #tpu.memory_space<vmem_shared>>
      tpu.wait_dma2 semaphore(%run_scoped3A : memref<!tpu.dma_semaphore, #tpu.memory_space<semaphore_mem>>) src(%arg11 : memref<80x128xf32, #tpu.memory_space<vmem>>) dst(%dma_wait3A_59 : memref<80x128xf32, #tpu.memory_space<vmem_shared>>)
      tpu.yield
    }) : () -> ()
    %mul3A_31 = arith.constant 640 : i32
    %mul3A_32 = arith.muli %arg1, %mul3A_31 : i32
    %add3A_33 = arith.constant 480 : i32
    %add3A_34 = arith.addi %mul3A_32, %add3A_33 : i32
    "tpu.region"() ({
      %run_scoped3A = tpu.sem_alloc : memref<!tpu.dma_semaphore, #tpu.memory_space<semaphore_mem>>
      %dma_start3A = arith.constant 0 : i32
      %dma_start3A_54 = tpu.memref_slice %arg13[%add3A_34, %dma_start3A] : memref<10240x128xf32, #tpu.memory_space<vmem_shared>> -> memref<80x128xf32, #tpu.memory_space<vmem_shared>>
      %dma_start3A_55 = arith.constant 0 : i32
      %dma_start3A_56 = tpu.memref_slice %arg13[%add3A_34, %dma_start3A_55] : memref<10240x128xf32, #tpu.memory_space<vmem_shared>> -> memref<80x128xf32, #tpu.memory_space<vmem_shared>>
      tpu.enqueue_dma source(%arg11 : memref<80x128xf32, #tpu.memory_space<vmem>>) target(%dma_start3A_56 : memref<80x128xf32, #tpu.memory_space<vmem_shared>>) target_semaphore(%run_scoped3A : memref<!tpu.dma_semaphore, #tpu.memory_space<semaphore_mem>>)
      %dma_wait3A = arith.constant 0 : i32
      %dma_wait3A_57 = tpu.memref_slice %arg13[%add3A_34, %dma_wait3A] : memref<10240x128xf32, #tpu.memory_space<vmem_shared>> -> memref<80x128xf32, #tpu.memory_space<vmem_shared>>
      %dma_wait3A_58 = arith.constant 0 : i32
      %dma_wait3A_59 = tpu.memref_slice %arg13[%add3A_34, %dma_wait3A_58] : memref<10240x128xf32, #tpu.memory_space<vmem_shared>> -> memref<80x128xf32, #tpu.memory_space<vmem_shared>>
      tpu.wait_dma2 semaphore(%run_scoped3A : memref<!tpu.dma_semaphore, #tpu.memory_space<semaphore_mem>>) src(%arg11 : memref<80x128xf32, #tpu.memory_space<vmem>>) dst(%dma_wait3A_59 : memref<80x128xf32, #tpu.memory_space<vmem_shared>>)
      tpu.yield
    }) : () -> ()
    %mul3A_35 = arith.constant 640 : i32
    %mul3A_36 = arith.muli %arg1, %mul3A_35 : i32
    %add3A_37 = arith.constant 560 : i32
    %add3A_38 = arith.addi %mul3A_36, %add3A_37 : i32
    "tpu.region"() ({
      %run_scoped3A = tpu.sem_alloc : memref<!tpu.dma_semaphore, #tpu.memory_space<semaphore_mem>>
      %dma_start3A = arith.constant 0 : i32
      %dma_start3A_54 = tpu.memref_slice %arg13[%add3A_38, %dma_start3A] : memref<10240x128xf32, #tpu.memory_space<vmem_shared>> -> memref<80x128xf32, #tpu.memory_space<vmem_shared>>
      %dma_start3A_55 = arith.constant 0 : i32
      %dma_start3A_56 = tpu.memref_slice %arg13[%add3A_38, %dma_start3A_55] : memref<10240x128xf32, #tpu.memory_space<vmem_shared>> -> memref<80x128xf32, #tpu.memory_space<vmem_shared>>
      tpu.enqueue_dma source(%arg11 : memref<80x128xf32, #tpu.memory_space<vmem>>) target(%dma_start3A_56 : memref<80x128xf32, #tpu.memory_space<vmem_shared>>) target_semaphore(%run_scoped3A : memref<!tpu.dma_semaphore, #tpu.memory_space<semaphore_mem>>)
      %dma_wait3A = arith.constant 0 : i32
      %dma_wait3A_57 = tpu.memref_slice %arg13[%add3A_38, %dma_wait3A] : memref<10240x128xf32, #tpu.memory_space<vmem_shared>> -> memref<80x128xf32, #tpu.memory_space<vmem_shared>>
      %dma_wait3A_58 = arith.constant 0 : i32
      %dma_wait3A_59 = tpu.memref_slice %arg13[%add3A_38, %dma_wait3A_58] : memref<10240x128xf32, #tpu.memory_space<vmem_shared>> -> memref<80x128xf32, #tpu.memory_space<vmem_shared>>
      tpu.wait_dma2 semaphore(%run_scoped3A : memref<!tpu.dma_semaphore, #tpu.memory_space<semaphore_mem>>) src(%arg11 : memref<80x128xf32, #tpu.memory_space<vmem>>) dst(%dma_wait3A_59 : memref<80x128xf32, #tpu.memory_space<vmem_shared>>)
      tpu.yield
    }) : () -> ()
    %barrier3A = arith.constant 0 : index
    tpu.barrier barrier_id(%barrier3A)
    %scan3A_39 = arith.constant 0 : i32
    %scan3A_40 = arith.constant 0 : i32
    %scan3A_41 = arith.constant 125 : i32
    %scan3A_42 = arith.addi %scan3A_40, %scan3A_41 : i32
    %scan3A_43 = arith.constant 1 : i32
    %scan3A_44 = scf.for %scan3A_54 = %scan3A_40 to %scan3A_42 step %scan3A_43 iter_args(%scan3A_55 = %scan3A_39) -> (i32)  : i32 {
      %mul3A_56 = arith.constant 10000 : i32
      %mul3A_57 = arith.muli %add3A, %mul3A_56 : i32
      %mul3A_58 = arith.constant 80 : i32
      %mul3A_59 = arith.muli %scan3A_54, %mul3A_58 : i32
      %add3A_60 = arith.addi %mul3A_57, %mul3A_59 : i32
      %multiple_of3A = tpu.assume_multiple %add3A_60, 8 : i32
      "tpu.region"() ({
        %run_scoped3A = tpu.sem_alloc : memref<!tpu.dma_semaphore, #tpu.memory_space<semaphore_mem>>
        %dma_start3A_79 = tpu.memref_slice %arg4[%multiple_of3A] : memref<320000xi32, #tpu.memory_space<hbm>> -> memref<80xi32, #tpu.memory_space<hbm>>
        %dma_start3A_80 = tpu.memref_slice %arg4[%multiple_of3A] : memref<320000xi32, #tpu.memory_space<hbm>> -> memref<80xi32, #tpu.memory_space<hbm>>
        tpu.enqueue_dma source(%dma_start3A_80 : memref<80xi32, #tpu.memory_space<hbm>>) target(%arg8 : memref<80xi32, #tpu.memory_space<vmem>>) target_semaphore(%run_scoped3A : memref<!tpu.dma_semaphore, #tpu.memory_space<semaphore_mem>>)
        %dma_wait3A_81 = tpu.memref_slice %arg4[%multiple_of3A] : memref<320000xi32, #tpu.memory_space<hbm>> -> memref<80xi32, #tpu.memory_space<hbm>>
        %dma_wait3A_82 = tpu.memref_slice %arg4[%multiple_of3A] : memref<320000xi32, #tpu.memory_space<hbm>> -> memref<80xi32, #tpu.memory_space<hbm>>
        tpu.wait_dma2 semaphore(%run_scoped3A : memref<!tpu.dma_semaphore, #tpu.memory_space<semaphore_mem>>) src(%dma_wait3A_82 : memref<80xi32, #tpu.memory_space<hbm>>) dst(%arg8 : memref<80xi32, #tpu.memory_space<vmem>>)
        tpu.yield
      }) : () -> ()
      "tpu.region"() ({
        %run_scoped3A = tpu.sem_alloc : memref<!tpu.dma_semaphore, #tpu.memory_space<semaphore_mem>>
        %dma_start3A_79 = tpu.memref_slice %arg5[%multiple_of3A] : memref<320000xi32, #tpu.memory_space<hbm>> -> memref<80xi32, #tpu.memory_space<hbm>>
        %dma_start3A_80 = tpu.memref_slice %arg5[%multiple_of3A] : memref<320000xi32, #tpu.memory_space<hbm>> -> memref<80xi32, #tpu.memory_space<hbm>>
        tpu.enqueue_dma source(%dma_start3A_80 : memref<80xi32, #tpu.memory_space<hbm>>) target(%arg9 : memref<80xi32, #tpu.memory_space<vmem>>) target_semaphore(%run_scoped3A : memref<!tpu.dma_semaphore, #tpu.memory_space<semaphore_mem>>)
        %dma_wait3A_81 = tpu.memref_slice %arg5[%multiple_of3A] : memref<320000xi32, #tpu.memory_space<hbm>> -> memref<80xi32, #tpu.memory_space<hbm>>
        %dma_wait3A_82 = tpu.memref_slice %arg5[%multiple_of3A] : memref<320000xi32, #tpu.memory_space<hbm>> -> memref<80xi32, #tpu.memory_space<hbm>>
        tpu.wait_dma2 semaphore(%run_scoped3A : memref<!tpu.dma_semaphore, #tpu.memory_space<semaphore_mem>>) src(%dma_wait3A_82 : memref<80xi32, #tpu.memory_space<hbm>>) dst(%arg9 : memref<80xi32, #tpu.memory_space<vmem>>)
        tpu.yield
      }) : () -> ()
      "tpu.region"() ({
        %run_scoped3A = tpu.sem_alloc : memref<!tpu.dma_semaphore, #tpu.memory_space<semaphore_mem>>
        %dma_start3A_79 = tpu.memref_slice %arg6[%multiple_of3A] : memref<320000xi32, #tpu.memory_space<hbm>> -> memref<80xi32, #tpu.memory_space<hbm>>
        %dma_start3A_80 = tpu.memref_slice %arg6[%multiple_of3A] : memref<320000xi32, #tpu.memory_space<hbm>> -> memref<80xi32, #tpu.memory_space<hbm>>
        tpu.enqueue_dma source(%dma_start3A_80 : memref<80xi32, #tpu.memory_space<hbm>>) target(%arg10 : memref<80xi32, #tpu.memory_space<vmem>>) target_semaphore(%run_scoped3A : memref<!tpu.dma_semaphore, #tpu.memory_space<semaphore_mem>>)
        %dma_wait3A_81 = tpu.memref_slice %arg6[%multiple_of3A] : memref<320000xi32, #tpu.memory_space<hbm>> -> memref<80xi32, #tpu.memory_space<hbm>>
        %dma_wait3A_82 = tpu.memref_slice %arg6[%multiple_of3A] : memref<320000xi32, #tpu.memory_space<hbm>> -> memref<80xi32, #tpu.memory_space<hbm>>
        tpu.wait_dma2 semaphore(%run_scoped3A : memref<!tpu.dma_semaphore, #tpu.memory_space<semaphore_mem>>) src(%dma_wait3A_82 : memref<80xi32, #tpu.memory_space<hbm>>) dst(%arg10 : memref<80xi32, #tpu.memory_space<vmem>>)
        tpu.yield
      }) : () -> ()
      %dma_start3A = arith.constant 0 : i32
      %dma_start3A_61 = arith.constant 0 : i32
      %dma_start3A_62 = tpu.memref_slice %arg2[%dma_start3A, %dma_start3A_61] : memref<10240x128xf32, #tpu.memory_space<hbm>> -> memref<10240x128xf32, #tpu.memory_space<hbm>>
      tpu.enqueue_indirect_dma source(%dma_start3A_62 : memref<10240x128xf32, #tpu.memory_space<hbm>>) target(%arg11 : memref<80x128xf32, #tpu.memory_space<vmem>>) offsets(%arg8 : memref<80xi32, #tpu.memory_space<vmem>>) semaphore(%arg14 : memref<!tpu.dma_semaphore, #tpu.memory_space<semaphore_mem>>)
      %dma_wait3A = arith.constant 0 : i32
      %dma_wait3A_63 = arith.constant 0 : i32
      %dma_wait3A_64 = tpu.memref_slice %arg2[%dma_wait3A, %dma_wait3A_63] : memref<10240x128xf32, #tpu.memory_space<hbm>> -> memref<10240x128xf32, #tpu.memory_space<hbm>>
      tpu.wait_indirect_dma semaphore(%arg14 : memref<!tpu.dma_semaphore, #tpu.memory_space<semaphore_mem>>) src(%dma_wait3A_64 : memref<10240x128xf32, #tpu.memory_space<hbm>>) dst(%arg11 : memref<80x128xf32, #tpu.memory_space<vmem>>)
      %dma_start3A_65 = arith.constant 0 : i32
      %dma_start3A_66 = arith.constant 0 : i32
      %dma_start3A_67 = tpu.memref_slice %arg3[%dma_start3A_65, %dma_start3A_66] : memref<512x128xf32, #tpu.memory_space<hbm>> -> memref<512x128xf32, #tpu.memory_space<hbm>>
      tpu.enqueue_indirect_dma source(%dma_start3A_67 : memref<512x128xf32, #tpu.memory_space<hbm>>) target(%arg12 : memref<80x128xf32, #tpu.memory_space<vmem>>) offsets(%arg9 : memref<80xi32, #tpu.memory_space<vmem>>) semaphore(%arg15 : memref<!tpu.dma_semaphore, #tpu.memory_space<semaphore_mem>>)
      %dma_wait3A_68 = arith.constant 0 : i32
      %dma_wait3A_69 = arith.constant 0 : i32
      %dma_wait3A_70 = tpu.memref_slice %arg3[%dma_wait3A_68, %dma_wait3A_69] : memref<512x128xf32, #tpu.memory_space<hbm>> -> memref<512x128xf32, #tpu.memory_space<hbm>>
      tpu.wait_indirect_dma semaphore(%arg15 : memref<!tpu.dma_semaphore, #tpu.memory_space<semaphore_mem>>) src(%dma_wait3A_70 : memref<512x128xf32, #tpu.memory_space<hbm>>) dst(%arg12 : memref<80x128xf32, #tpu.memory_space<vmem>>)
      %scan3A_71 = arith.constant 0 : i32
      %scan3A_72 = arith.constant 0 : i32
      %scan3A_73 = arith.constant 80 : i32
      %scan3A_74 = arith.addi %scan3A_72, %scan3A_73 : i32
      %scan3A_75 = arith.constant 1 : i32
      %scan3A_76 = scf.for %scan3A_79 = %scan3A_72 to %scan3A_74 step %scan3A_75 iter_args(%scan3A_80 = %scan3A_71) -> (i32)  : i32 {
        %get3A = arith.index_cast %scan3A_79 : i32 to index
        %get3A_81 = arith.constant 0 : index
        %get3A_82 = tpu.vector_load %arg11[%get3A, %get3A_81] {strides = array<i32>} : memref<80x128xf32, #tpu.memory_space<vmem>>, vector<1x16xf32>,
        %get3A_83 = vector.shape_cast %get3A_82 : vector<1x16xf32> to vector<16xf32>
        %get3A_84 = arith.index_cast %scan3A_79 : i32 to index
        %get3A_85 = arith.constant 0 : index
        %get3A_86 = tpu.vector_load %arg12[%get3A_84, %get3A_85] {strides = array<i32>} : memref<80x128xf32, #tpu.memory_space<vmem>>, vector<1x16xf32>,
        %get3A_87 = vector.shape_cast %get3A_86 : vector<1x16xf32> to vector<16xf32>
        %add3A_88 = arith.addf %get3A_83, %get3A_87 : vector<16xf32>
        %max3A = arith.constant 0.000000e+00 : f32
        %max3A_89 = vector.broadcast %max3A : f32 to vector<16xf32>
        %max3A_90 = arith.maximumf %add3A_88, %max3A_89 : vector<16xf32>
        %swap3A = arith.index_cast %scan3A_79 : i32 to index
        %swap3A_91 = arith.constant 0 : index
        %swap3A_92 = tpu.vector_load %arg11[%swap3A, %swap3A_91] {strides = array<i32>} : memref<80x128xf32, #tpu.memory_space<vmem>>, vector<1x16xf32>,
        %swap3A_93 = vector.shape_cast %swap3A_92 : vector<1x16xf32> to vector<16xf32>
        %swap3A_94 = vector.shape_cast %max3A_90 : vector<16xf32> to vector<1x16xf32>
        tpu.vector_store %arg11[%swap3A, %swap3A_91], %swap3A_94 {strides = array<i32>} : memref<80x128xf32, #tpu.memory_space<vmem>>, vector<1x16xf32>,
        %get3A_95 = arith.index_cast %scan3A_79 : i32 to index
        %get3A_96 = arith.constant 16 : index
        %get3A_97 = tpu.vector_load %arg11[%get3A_95, %get3A_96] {strides = array<i32>} : memref<80x128xf32, #tpu.memory_space<vmem>>, vector<1x16xf32>,
        %get3A_98 = vector.shape_cast %get3A_97 : vector<1x16xf32> to vector<16xf32>
        %get3A_99 = arith.index_cast %scan3A_79 : i32 to index
        %get3A_100 = arith.constant 16 : index
        %get3A_101 = tpu.vector_load %arg12[%get3A_99, %get3A_100] {strides = array<i32>} : memref<80x128xf32, #tpu.memory_space<vmem>>, vector<1x16xf32>,
        %get3A_102 = vector.shape_cast %get3A_101 : vector<1x16xf32> to vector<16xf32>
        %add3A_103 = arith.addf %get3A_98, %get3A_102 : vector<16xf32>
        %max3A_104 = arith.constant 0.000000e+00 : f32
        %max3A_105 = vector.broadcast %max3A_104 : f32 to vector<16xf32>
        %max3A_106 = arith.maximumf %add3A_103, %max3A_105 : vector<16xf32>
        %swap3A_107 = arith.index_cast %scan3A_79 : i32 to index
        %swap3A_108 = arith.constant 16 : index
        %swap3A_109 = tpu.vector_load %arg11[%swap3A_107, %swap3A_108] {strides = array<i32>} : memref<80x128xf32, #tpu.memory_space<vmem>>, vector<1x16xf32>,
        %swap3A_110 = vector.shape_cast %swap3A_109 : vector<1x16xf32> to vector<16xf32>
        %swap3A_111 = vector.shape_cast %max3A_106 : vector<16xf32> to vector<1x16xf32>
        tpu.vector_store %arg11[%swap3A_107, %swap3A_108], %swap3A_111 {strides = array<i32>} : memref<80x128xf32, #tpu.memory_space<vmem>>, vector<1x16xf32>,
        %get3A_112 = arith.index_cast %scan3A_79 : i32 to index
        %get3A_113 = arith.constant 32 : index
        %get3A_114 = tpu.vector_load %arg11[%get3A_112, %get3A_113] {strides = array<i32>} : memref<80x128xf32, #tpu.memory_space<vmem>>, vector<1x16xf32>,
        %get3A_115 = vector.shape_cast %get3A_114 : vector<1x16xf32> to vector<16xf32>
        %get3A_116 = arith.index_cast %scan3A_79 : i32 to index
        %get3A_117 = arith.constant 32 : index
        %get3A_118 = tpu.vector_load %arg12[%get3A_116, %get3A_117] {strides = array<i32>} : memref<80x128xf32, #tpu.memory_space<vmem>>, vector<1x16xf32>,
        %get3A_119 = vector.shape_cast %get3A_118 : vector<1x16xf32> to vector<16xf32>
        %add3A_120 = arith.addf %get3A_115, %get3A_119 : vector<16xf32>
        %max3A_121 = arith.constant 0.000000e+00 : f32
        %max3A_122 = vector.broadcast %max3A_121 : f32 to vector<16xf32>
        %max3A_123 = arith.maximumf %add3A_120, %max3A_122 : vector<16xf32>
        %swap3A_124 = arith.index_cast %scan3A_79 : i32 to index
        %swap3A_125 = arith.constant 32 : index
        %swap3A_126 = tpu.vector_load %arg11[%swap3A_124, %swap3A_125] {strides = array<i32>} : memref<80x128xf32, #tpu.memory_space<vmem>>, vector<1x16xf32>,
        %swap3A_127 = vector.shape_cast %swap3A_126 : vector<1x16xf32> to vector<16xf32>
        %swap3A_128 = vector.shape_cast %max3A_123 : vector<16xf32> to vector<1x16xf32>
        tpu.vector_store %arg11[%swap3A_124, %swap3A_125], %swap3A_128 {strides = array<i32>} : memref<80x128xf32, #tpu.memory_space<vmem>>, vector<1x16xf32>,
        %get3A_129 = arith.index_cast %scan3A_79 : i32 to index
        %get3A_130 = arith.constant 48 : index
        %get3A_131 = tpu.vector_load %arg11[%get3A_129, %get3A_130] {strides = array<i32>} : memref<80x128xf32, #tpu.memory_space<vmem>>, vector<1x16xf32>,
        %get3A_132 = vector.shape_cast %get3A_131 : vector<1x16xf32> to vector<16xf32>
        %get3A_133 = arith.index_cast %scan3A_79 : i32 to index
        %get3A_134 = arith.constant 48 : index
        %get3A_135 = tpu.vector_load %arg12[%get3A_133, %get3A_134] {strides = array<i32>} : memref<80x128xf32, #tpu.memory_space<vmem>>, vector<1x16xf32>,
        %get3A_136 = vector.shape_cast %get3A_135 : vector<1x16xf32> to vector<16xf32>
        %add3A_137 = arith.addf %get3A_132, %get3A_136 : vector<16xf32>
        %max3A_138 = arith.constant 0.000000e+00 : f32
        %max3A_139 = vector.broadcast %max3A_138 : f32 to vector<16xf32>
        %max3A_140 = arith.maximumf %add3A_137, %max3A_139 : vector<16xf32>
        %swap3A_141 = arith.index_cast %scan3A_79 : i32 to index
        %swap3A_142 = arith.constant 48 : index
        %swap3A_143 = tpu.vector_load %arg11[%swap3A_141, %swap3A_142] {strides = array<i32>} : memref<80x128xf32, #tpu.memory_space<vmem>>, vector<1x16xf32>,
        %swap3A_144 = vector.shape_cast %swap3A_143 : vector<1x16xf32> to vector<16xf32>
        %swap3A_145 = vector.shape_cast %max3A_140 : vector<16xf32> to vector<1x16xf32>
        tpu.vector_store %arg11[%swap3A_141, %swap3A_142], %swap3A_145 {strides = array<i32>} : memref<80x128xf32, #tpu.memory_space<vmem>>, vector<1x16xf32>,
        %get3A_146 = arith.index_cast %scan3A_79 : i32 to index
        %get3A_147 = arith.constant 64 : index
        %get3A_148 = tpu.vector_load %arg11[%get3A_146, %get3A_147] {strides = array<i32>} : memref<80x128xf32, #tpu.memory_space<vmem>>, vector<1x16xf32>,
        %get3A_149 = vector.shape_cast %get3A_148 : vector<1x16xf32> to vector<16xf32>
        %get3A_150 = arith.index_cast %scan3A_79 : i32 to index
        %get3A_151 = arith.constant 64 : index
        %get3A_152 = tpu.vector_load %arg12[%get3A_150, %get3A_151] {strides = array<i32>} : memref<80x128xf32, #tpu.memory_space<vmem>>, vector<1x16xf32>,
        %get3A_153 = vector.shape_cast %get3A_152 : vector<1x16xf32> to vector<16xf32>
        %add3A_154 = arith.addf %get3A_149, %get3A_153 : vector<16xf32>
        %max3A_155 = arith.constant 0.000000e+00 : f32
        %max3A_156 = vector.broadcast %max3A_155 : f32 to vector<16xf32>
        %max3A_157 = arith.maximumf %add3A_154, %max3A_156 : vector<16xf32>
        %swap3A_158 = arith.index_cast %scan3A_79 : i32 to index
        %swap3A_159 = arith.constant 64 : index
        %swap3A_160 = tpu.vector_load %arg11[%swap3A_158, %swap3A_159] {strides = array<i32>} : memref<80x128xf32, #tpu.memory_space<vmem>>, vector<1x16xf32>,
        %swap3A_161 = vector.shape_cast %swap3A_160 : vector<1x16xf32> to vector<16xf32>
        %swap3A_162 = vector.shape_cast %max3A_157 : vector<16xf32> to vector<1x16xf32>
        tpu.vector_store %arg11[%swap3A_158, %swap3A_159], %swap3A_162 {strides = array<i32>} : memref<80x128xf32, #tpu.memory_space<vmem>>, vector<1x16xf32>,
        %get3A_163 = arith.index_cast %scan3A_79 : i32 to index
        %get3A_164 = arith.constant 80 : index
        %get3A_165 = tpu.vector_load %arg11[%get3A_163, %get3A_164] {strides = array<i32>} : memref<80x128xf32, #tpu.memory_space<vmem>>, vector<1x16xf32>,
        %get3A_166 = vector.shape_cast %get3A_165 : vector<1x16xf32> to vector<16xf32>
        %get3A_167 = arith.index_cast %scan3A_79 : i32 to index
        %get3A_168 = arith.constant 80 : index
        %get3A_169 = tpu.vector_load %arg12[%get3A_167, %get3A_168] {strides = array<i32>} : memref<80x128xf32, #tpu.memory_space<vmem>>, vector<1x16xf32>,
        %get3A_170 = vector.shape_cast %get3A_169 : vector<1x16xf32> to vector<16xf32>
        %add3A_171 = arith.addf %get3A_166, %get3A_170 : vector<16xf32>
        %max3A_172 = arith.constant 0.000000e+00 : f32
        %max3A_173 = vector.broadcast %max3A_172 : f32 to vector<16xf32>
        %max3A_174 = arith.maximumf %add3A_171, %max3A_173 : vector<16xf32>
        %swap3A_175 = arith.index_cast %scan3A_79 : i32 to index
        %swap3A_176 = arith.constant 80 : index
        %swap3A_177 = tpu.vector_load %arg11[%swap3A_175, %swap3A_176] {strides = array<i32>} : memref<80x128xf32, #tpu.memory_space<vmem>>, vector<1x16xf32>,
        %swap3A_178 = vector.shape_cast %swap3A_177 : vector<1x16xf32> to vector<16xf32>
        %swap3A_179 = vector.shape_cast %max3A_174 : vector<16xf32> to vector<1x16xf32>
        tpu.vector_store %arg11[%swap3A_175, %swap3A_176], %swap3A_179 {strides = array<i32>} : memref<80x128xf32, #tpu.memory_space<vmem>>, vector<1x16xf32>,
        %get3A_180 = arith.index_cast %scan3A_79 : i32 to index
        %get3A_181 = arith.constant 96 : index
        %get3A_182 = tpu.vector_load %arg11[%get3A_180, %get3A_181] {strides = array<i32>} : memref<80x128xf32, #tpu.memory_space<vmem>>, vector<1x16xf32>,
        %get3A_183 = vector.shape_cast %get3A_182 : vector<1x16xf32> to vector<16xf32>
        %get3A_184 = arith.index_cast %scan3A_79 : i32 to index
        %get3A_185 = arith.constant 96 : index
        %get3A_186 = tpu.vector_load %arg12[%get3A_184, %get3A_185] {strides = array<i32>} : memref<80x128xf32, #tpu.memory_space<vmem>>, vector<1x16xf32>,
        %get3A_187 = vector.shape_cast %get3A_186 : vector<1x16xf32> to vector<16xf32>
        %add3A_188 = arith.addf %get3A_183, %get3A_187 : vector<16xf32>
        %max3A_189 = arith.constant 0.000000e+00 : f32
        %max3A_190 = vector.broadcast %max3A_189 : f32 to vector<16xf32>
        %max3A_191 = arith.maximumf %add3A_188, %max3A_190 : vector<16xf32>
        %swap3A_192 = arith.index_cast %scan3A_79 : i32 to index
        %swap3A_193 = arith.constant 96 : index
        %swap3A_194 = tpu.vector_load %arg11[%swap3A_192, %swap3A_193] {strides = array<i32>} : memref<80x128xf32, #tpu.memory_space<vmem>>, vector<1x16xf32>,
        %swap3A_195 = vector.shape_cast %swap3A_194 : vector<1x16xf32> to vector<16xf32>
        %swap3A_196 = vector.shape_cast %max3A_191 : vector<16xf32> to vector<1x16xf32>
        tpu.vector_store %arg11[%swap3A_192, %swap3A_193], %swap3A_196 {strides = array<i32>} : memref<80x128xf32, #tpu.memory_space<vmem>>, vector<1x16xf32>,
        %get3A_197 = arith.index_cast %scan3A_79 : i32 to index
        %get3A_198 = arith.constant 112 : index
        %get3A_199 = tpu.vector_load %arg11[%get3A_197, %get3A_198] {strides = array<i32>} : memref<80x128xf32, #tpu.memory_space<vmem>>, vector<1x16xf32>,
        %get3A_200 = vector.shape_cast %get3A_199 : vector<1x16xf32> to vector<16xf32>
        %get3A_201 = arith.index_cast %scan3A_79 : i32 to index
        %get3A_202 = arith.constant 112 : index
        %get3A_203 = tpu.vector_load %arg12[%get3A_201, %get3A_202] {strides = array<i32>} : memref<80x128xf32, #tpu.memory_space<vmem>>, vector<1x16xf32>,
        %get3A_204 = vector.shape_cast %get3A_203 : vector<1x16xf32> to vector<16xf32>
        %add3A_205 = arith.addf %get3A_200, %get3A_204 : vector<16xf32>
        %max3A_206 = arith.constant 0.000000e+00 : f32
        %max3A_207 = vector.broadcast %max3A_206 : f32 to vector<16xf32>
        %max3A_208 = arith.maximumf %add3A_205, %max3A_207 : vector<16xf32>
        %swap3A_209 = arith.index_cast %scan3A_79 : i32 to index
        %swap3A_210 = arith.constant 112 : index
        %swap3A_211 = tpu.vector_load %arg11[%swap3A_209, %swap3A_210] {strides = array<i32>} : memref<80x128xf32, #tpu.memory_space<vmem>>, vector<1x16xf32>,
        %swap3A_212 = vector.shape_cast %swap3A_211 : vector<1x16xf32> to vector<16xf32>
        %swap3A_213 = vector.shape_cast %max3A_208 : vector<16xf32> to vector<1x16xf32>
        tpu.vector_store %arg11[%swap3A_209, %swap3A_210], %swap3A_213 {strides = array<i32>} : memref<80x128xf32, #tpu.memory_space<vmem>>, vector<1x16xf32>,
        %scan3A_214 = arith.constant 0 : i32
        scf.yield %scan3A_214 : i32
      }
      %scan3A_77 = arith.constant 80 : i32
      "tpu.region"() ({
        %run_scoped3A = tpu.sem_alloc : memref<!tpu.dma_semaphore, #tpu.memory_space<semaphore_mem>>
        %dma_start3A_79 = arith.constant 0 : i32
        %dma_start3A_80 = arith.constant 0 : i32
        %dma_start3A_81 = tpu.memref_slice %arg13[%dma_start3A_79, %dma_start3A_80] : memref<10240x128xf32, #tpu.memory_space<vmem_shared>> -> memref<10240x128xf32, #tpu.memory_space<vmem_shared>>
        tpu.enqueue_indirect_dma source(%arg11 : memref<80x128xf32, #tpu.memory_space<vmem>>) target(%dma_start3A_81 : memref<10240x128xf32, #tpu.memory_space<vmem_shared>>) offsets(%arg10 : memref<80xi32, #tpu.memory_space<vmem>>) semaphore(%run_scoped3A : memref<!tpu.dma_semaphore, #tpu.memory_space<semaphore_mem>>) {add = true}
        %dma_wait3A_82 = arith.constant 0 : i32
        %dma_wait3A_83 = arith.constant 0 : i32
        %dma_wait3A_84 = tpu.memref_slice %arg13[%dma_wait3A_82, %dma_wait3A_83] : memref<10240x128xf32, #tpu.memory_space<vmem_shared>> -> memref<10240x128xf32, #tpu.memory_space<vmem_shared>>
        tpu.wait_indirect_dma semaphore(%run_scoped3A : memref<!tpu.dma_semaphore, #tpu.memory_space<semaphore_mem>>) src(%arg11 : memref<80x128xf32, #tpu.memory_space<vmem>>) dst(%dma_wait3A_84 : memref<10240x128xf32, #tpu.memory_space<vmem_shared>>)
        tpu.yield
      }) : () -> ()
      %scan3A_78 = arith.constant 0 : i32
      scf.yield %scan3A_78 : i32
    }
    %scan3A_45 = arith.constant 125 : i32
    %barrier3A_46 = arith.constant 0 : index
    tpu.barrier barrier_id(%barrier3A_46)
    %mul3A_47 = arith.constant 640 : i32
    %mul3A_48 = arith.muli %arg1, %mul3A_47 : i32
    %mul3A_49 = arith.constant 10240 : i32
    %mul3A_50 = arith.muli %arg0, %mul3A_49 : i32
    %mul3A_51 = arith.constant 640 : i32
    %mul3A_52 = arith.muli %arg1, %mul3A_51 : i32
    %add3A_53 = arith.addi %mul3A_50, %mul3A_52 : i32
    "tpu.region"() ({
      %run_scoped3A = tpu.sem_alloc : memref<!tpu.dma_semaphore, #tpu.memory_space<semaphore_mem>>
      %dma_start3A = arith.constant 0 : i32
      %dma_start3A_54 = tpu.memref_slice %arg7[%add3A_53, %dma_start3A] : memref<20480x128xf32, #tpu.memory_space<hbm>> -> memref<640x128xf32, #tpu.memory_space<hbm>>
      %dma_start3A_55 = arith.constant 0 : i32
      %dma_start3A_56 = tpu.memref_slice %arg13[%mul3A_48, %dma_start3A_55] : memref<10240x128xf32, #tpu.memory_space<vmem_shared>> -> memref<640x128xf32, #tpu.memory_space<vmem_shared>>
      tpu.enqueue_dma source(%dma_start3A_56 : memref<640x128xf32, #tpu.memory_space<vmem_shared>>) target(%dma_start3A_54 : memref<640x128xf32, #tpu.memory_space<hbm>>) target_semaphore(%run_scoped3A : memref<!tpu.dma_semaphore, #tpu.memory_space<semaphore_mem>>)
      %dma_wait3A = arith.constant 0 : i32
      %dma_wait3A_57 = tpu.memref_slice %arg7[%add3A_53, %dma_wait3A] : memref<20480x128xf32, #tpu.memory_space<hbm>> -> memref<640x128xf32, #tpu.memory_space<hbm>>
      %dma_wait3A_58 = arith.constant 0 : i32
      %dma_wait3A_59 = tpu.memref_slice %arg13[%mul3A_48, %dma_wait3A_58] : memref<10240x128xf32, #tpu.memory_space<vmem_shared>> -> memref<640x128xf32, #tpu.memory_space<vmem_shared>>
      tpu.wait_dma2 semaphore(%run_scoped3A : memref<!tpu.dma_semaphore, #tpu.memory_space<semaphore_mem>>) src(%dma_wait3A_59 : memref<640x128xf32, #tpu.memory_space<vmem_shared>>) dst(%dma_wait3A_57 : memref<640x128xf32, #tpu.memory_space<hbm>>)
      tpu.yield
    }) : () -> ()
    return
  }
}

#map = affine_map<(d0, d1) -> (0, 0)>
#map1 = affine_map<(d0, d1) -> (0)>
module attributes {stable_mosaic.version = 14 : i64} {
  func.func @k(%arg0: i32, %arg1: i32, %arg2: memref<10240x128xf32, #tpu.memory_space<hbm>>, %arg3: memref<512x128xf32, #tpu.memory_space<hbm>>, %arg4: memref<320000xi32, #tpu.memory_space<hbm>>, %arg5: memref<320000xi32, #tpu.memory_space<hbm>>, %arg6: memref<320000xi32, #tpu.memory_space<hbm>>, %arg7: memref<20480x128xf32, #tpu.memory_space<hbm>>, %arg8: memref<80xi32, #tpu.memory_space<vmem>>, %arg9: memref<80xi32, #tpu.memory_space<vmem>>, %arg10: memref<80xi32, #tpu.memory_space<vmem>>, %arg11: memref<80x128xf32, #tpu.memory_space<vmem>>, %arg12: memref<80x128xf32, #tpu.memory_space<vmem>>, %arg13: memref<10240x128xf32, #tpu.memory_space<vmem_shared>>, %arg14: memref<!tpu.dma_semaphore, #tpu.memory_space<semaphore_mem>>, %arg15: memref<!tpu.dma_semaphore, #tpu.memory_space<semaphore_mem>>) attributes {dimension_semantics = [#tpu.dimension_semantics<core_parallel>, #tpu.dimension_semantics<subcore_parallel>], iteration_bounds = array<i64: 2, 16>, scalar_prefetch = 0 : i64, scratch_operands = 8 : i64, tpu.core_type = #tpu.core_type<sc_vector_subcore>, window_params = [{transform_indices = #map}, {transform_indices = #map}, {transform_indices = #map1}, {transform_indices = #map1}, {transform_indices = #map1}, {transform_indices = #map}]} {
    %mul3A = arith.constant 2 : i32
    %mul3A_0 = arith.muli %arg1, %mul3A : i32
    %add3A = arith.addi %mul3A_0, %arg0 : i32
    %scan3A = arith.constant 0 : i32
    %scan3A_1 = arith.constant 0 : i32
    %scan3A_2 = arith.constant 80 : i32
    %scan3A_3 = arith.addi %scan3A_1, %scan3A_2 : i32
    %scan3A_4 = arith.constant 1 : i32
    %scan3A_5 = scf.for %scan3A_54 = %scan3A_1 to %scan3A_3 step %scan3A_4 iter_args(%scan3A_55 = %scan3A) -> (i32)  : i32 {
      %broadcast_in_dim3A = arith.constant 0.000000e+00 : f32
      %broadcast_in_dim3A_56 = vector.broadcast %broadcast_in_dim3A : f32 to vector<16xf32>
      %swap3A = arith.index_cast %scan3A_54 : i32 to index
      %swap3A_57 = arith.constant 0 : index
      %swap3A_58 = tpu.vector_load %arg11[%swap3A, %swap3A_57] {strides = array<i32>} : memref<80x128xf32, #tpu.memory_space<vmem>>, vector<1x16xf32>,
      %swap3A_59 = vector.shape_cast %swap3A_58 : vector<1x16xf32> to vector<16xf32>
      %swap3A_60 = vector.shape_cast %broadcast_in_dim3A_56 : vector<16xf32> to vector<1x16xf32>
      tpu.vector_store %arg11[%swap3A, %swap3A_57], %swap3A_60 {strides = array<i32>} : memref<80x128xf32, #tpu.memory_space<vmem>>, vector<1x16xf32>,
      %broadcast_in_dim3A_61 = arith.constant 0.000000e+00 : f32
      %broadcast_in_dim3A_62 = vector.broadcast %broadcast_in_dim3A_61 : f32 to vector<16xf32>
      %swap3A_63 = arith.index_cast %scan3A_54 : i32 to index
      %swap3A_64 = arith.constant 16 : index
      %swap3A_65 = tpu.vector_load %arg11[%swap3A_63, %swap3A_64] {strides = array<i32>} : memref<80x128xf32, #tpu.memory_space<vmem>>, vector<1x16xf32>,
      %swap3A_66 = vector.shape_cast %swap3A_65 : vector<1x16xf32> to vector<16xf32>
      %swap3A_67 = vector.shape_cast %broadcast_in_dim3A_62 : vector<16xf32> to vector<1x16xf32>
      tpu.vector_store %arg11[%swap3A_63, %swap3A_64], %swap3A_67 {strides = array<i32>} : memref<80x128xf32, #tpu.memory_space<vmem>>, vector<1x16xf32>,
      %broadcast_in_dim3A_68 = arith.constant 0.000000e+00 : f32
      %broadcast_in_dim3A_69 = vector.broadcast %broadcast_in_dim3A_68 : f32 to vector<16xf32>
      %swap3A_70 = arith.index_cast %scan3A_54 : i32 to index
      %swap3A_71 = arith.constant 32 : index
      %swap3A_72 = tpu.vector_load %arg11[%swap3A_70, %swap3A_71] {strides = array<i32>} : memref<80x128xf32, #tpu.memory_space<vmem>>, vector<1x16xf32>,
      %swap3A_73 = vector.shape_cast %swap3A_72 : vector<1x16xf32> to vector<16xf32>
      %swap3A_74 = vector.shape_cast %broadcast_in_dim3A_69 : vector<16xf32> to vector<1x16xf32>
      tpu.vector_store %arg11[%swap3A_70, %swap3A_71], %swap3A_74 {strides = array<i32>} : memref<80x128xf32, #tpu.memory_space<vmem>>, vector<1x16xf32>,
      %broadcast_in_dim3A_75 = arith.constant 0.000000e+00 : f32
      %broadcast_in_dim3A_76 = vector.broadcast %broadcast_in_dim3A_75 : f32 to vector<16xf32>
      %swap3A_77 = arith.index_cast %scan3A_54 : i32 to index
      %swap3A_78 = arith.constant 48 : index
      %swap3A_79 = tpu.vector_load %arg11[%swap3A_77, %swap3A_78] {strides = array<i32>} : memref<80x128xf32, #tpu.memory_space<vmem>>, vector<1x16xf32>,
      %swap3A_80 = vector.shape_cast %swap3A_79 : vector<1x16xf32> to vector<16xf32>
      %swap3A_81 = vector.shape_cast %broadcast_in_dim3A_76 : vector<16xf32> to vector<1x16xf32>
      tpu.vector_store %arg11[%swap3A_77, %swap3A_78], %swap3A_81 {strides = array<i32>} : memref<80x128xf32, #tpu.memory_space<vmem>>, vector<1x16xf32>,
      %broadcast_in_dim3A_82 = arith.constant 0.000000e+00 : f32
      %broadcast_in_dim3A_83 = vector.broadcast %broadcast_in_dim3A_82 : f32 to vector<16xf32>
      %swap3A_84 = arith.index_cast %scan3A_54 : i32 to index
      %swap3A_85 = arith.constant 64 : index
      %swap3A_86 = tpu.vector_load %arg11[%swap3A_84, %swap3A_85] {strides = array<i32>} : memref<80x128xf32, #tpu.memory_space<vmem>>, vector<1x16xf32>,
      %swap3A_87 = vector.shape_cast %swap3A_86 : vector<1x16xf32> to vector<16xf32>
      %swap3A_88 = vector.shape_cast %broadcast_in_dim3A_83 : vector<16xf32> to vector<1x16xf32>
      tpu.vector_store %arg11[%swap3A_84, %swap3A_85], %swap3A_88 {strides = array<i32>} : memref<80x128xf32, #tpu.memory_space<vmem>>, vector<1x16xf32>,
      %broadcast_in_dim3A_89 = arith.constant 0.000000e+00 : f32
      %broadcast_in_dim3A_90 = vector.broadcast %broadcast_in_dim3A_89 : f32 to vector<16xf32>
      %swap3A_91 = arith.index_cast %scan3A_54 : i32 to index
      %swap3A_92 = arith.constant 80 : index
      %swap3A_93 = tpu.vector_load %arg11[%swap3A_91, %swap3A_92] {strides = array<i32>} : memref<80x128xf32, #tpu.memory_space<vmem>>, vector<1x16xf32>,
      %swap3A_94 = vector.shape_cast %swap3A_93 : vector<1x16xf32> to vector<16xf32>
      %swap3A_95 = vector.shape_cast %broadcast_in_dim3A_90 : vector<16xf32> to vector<1x16xf32>
      tpu.vector_store %arg11[%swap3A_91, %swap3A_92], %swap3A_95 {strides = array<i32>} : memref<80x128xf32, #tpu.memory_space<vmem>>, vector<1x16xf32>,
      %broadcast_in_dim3A_96 = arith.constant 0.000000e+00 : f32
      %broadcast_in_dim3A_97 = vector.broadcast %broadcast_in_dim3A_96 : f32 to vector<16xf32>
      %swap3A_98 = arith.index_cast %scan3A_54 : i32 to index
      %swap3A_99 = arith.constant 96 : index
      %swap3A_100 = tpu.vector_load %arg11[%swap3A_98, %swap3A_99] {strides = array<i32>} : memref<80x128xf32, #tpu.memory_space<vmem>>, vector<1x16xf32>,
      %swap3A_101 = vector.shape_cast %swap3A_100 : vector<1x16xf32> to vector<16xf32>
      %swap3A_102 = vector.shape_cast %broadcast_in_dim3A_97 : vector<16xf32> to vector<1x16xf32>
      tpu.vector_store %arg11[%swap3A_98, %swap3A_99], %swap3A_102 {strides = array<i32>} : memref<80x128xf32, #tpu.memory_space<vmem>>, vector<1x16xf32>,
      %broadcast_in_dim3A_103 = arith.constant 0.000000e+00 : f32
      %broadcast_in_dim3A_104 = vector.broadcast %broadcast_in_dim3A_103 : f32 to vector<16xf32>
      %swap3A_105 = arith.index_cast %scan3A_54 : i32 to index
      %swap3A_106 = arith.constant 112 : index
      %swap3A_107 = tpu.vector_load %arg11[%swap3A_105, %swap3A_106] {strides = array<i32>} : memref<80x128xf32, #tpu.memory_space<vmem>>, vector<1x16xf32>,
      %swap3A_108 = vector.shape_cast %swap3A_107 : vector<1x16xf32> to vector<16xf32>
      %swap3A_109 = vector.shape_cast %broadcast_in_dim3A_104 : vector<16xf32> to vector<1x16xf32>
      tpu.vector_store %arg11[%swap3A_105, %swap3A_106], %swap3A_109 {strides = array<i32>} : memref<80x128xf32, #tpu.memory_space<vmem>>, vector<1x16xf32>,
      %scan3A_110 = arith.constant 0 : i32
      scf.yield %scan3A_110 : i32
    }
    %scan3A_6 = arith.constant 80 : i32
    %mul3A_7 = arith.constant 640 : i32
    %mul3A_8 = arith.muli %arg1, %mul3A_7 : i32
    %add3A_9 = arith.constant 0 : i32
    %add3A_10 = arith.addi %mul3A_8, %add3A_9 : i32
    "tpu.region"() ({
      %run_scoped3A = tpu.sem_alloc : memref<!tpu.dma_semaphore, #tpu.memory_space<semaphore_mem>>
      %dma_start3A = arith.constant 0 : i32
      %dma_start3A_54 = tpu.memref_slice %arg13[%add3A_10, %dma_start3A] : memref<10240x128xf32, #tpu.memory_space<vmem_shared>> -> memref<80x128xf32, #tpu.memory_space<vmem_shared>>
      %dma_start3A_55 = arith.constant 0 : i32
      %dma_start3A_56 = tpu.memref_slice %arg13[%add3A_10, %dma_start3A_55] : memref<10240x128xf32, #tpu.memory_space<vmem_shared>> -> memref<80x128xf32, #tpu.memory_space<vmem_shared>>
      tpu.enqueue_dma source(%arg11 : memref<80x128xf32, #tpu.memory_space<vmem>>) target(%dma_start3A_56 : memref<80x128xf32, #tpu.memory_space<vmem_shared>>) target_semaphore(%run_scoped3A : memref<!tpu.dma_semaphore, #tpu.memory_space<semaphore_mem>>)
      %dma_wait3A = arith.constant 0 : i32
      %dma_wait3A_57 = tpu.memref_slice %arg13[%add3A_10, %dma_wait3A] : memref<10240x128xf32, #tpu.memory_space<vmem_shared>> -> memref<80x128xf32, #tpu.memory_space<vmem_shared>>
      %dma_wait3A_58 = arith.constant 0 : i32
      %dma_wait3A_59 = tpu.memref_slice %arg13[%add3A_10, %dma_wait3A_58] : memref<10240x128xf32, #tpu.memory_space<vmem_shared>> -> memref<80x128xf32, #tpu.memory_space<vmem_shared>>
      tpu.wait_dma2 semaphore(%run_scoped3A : memref<!tpu.dma_semaphore, #tpu.memory_space<semaphore_mem>>) src(%arg11 : memref<80x128xf32, #tpu.memory_space<vmem>>) dst(%dma_wait3A_59 : memref<80x128xf32, #tpu.memory_space<vmem_shared>>)
      tpu.yield
    }) : () -> ()
    %mul3A_11 = arith.constant 640 : i32
    %mul3A_12 = arith.muli %arg1, %mul3A_11 : i32
    %add3A_13 = arith.constant 80 : i32
    %add3A_14 = arith.addi %mul3A_12, %add3A_13 : i32
    "tpu.region"() ({
      %run_scoped3A = tpu.sem_alloc : memref<!tpu.dma_semaphore, #tpu.memory_space<semaphore_mem>>
      %dma_start3A = arith.constant 0 : i32
      %dma_start3A_54 = tpu.memref_slice %arg13[%add3A_14, %dma_start3A] : memref<10240x128xf32, #tpu.memory_space<vmem_shared>> -> memref<80x128xf32, #tpu.memory_space<vmem_shared>>
      %dma_start3A_55 = arith.constant 0 : i32
      %dma_start3A_56 = tpu.memref_slice %arg13[%add3A_14, %dma_start3A_55] : memref<10240x128xf32, #tpu.memory_space<vmem_shared>> -> memref<80x128xf32, #tpu.memory_space<vmem_shared>>
      tpu.enqueue_dma source(%arg11 : memref<80x128xf32, #tpu.memory_space<vmem>>) target(%dma_start3A_56 : memref<80x128xf32, #tpu.memory_space<vmem_shared>>) target_semaphore(%run_scoped3A : memref<!tpu.dma_semaphore, #tpu.memory_space<semaphore_mem>>)
      %dma_wait3A = arith.constant 0 : i32
      %dma_wait3A_57 = tpu.memref_slice %arg13[%add3A_14, %dma_wait3A] : memref<10240x128xf32, #tpu.memory_space<vmem_shared>> -> memref<80x128xf32, #tpu.memory_space<vmem_shared>>
      %dma_wait3A_58 = arith.constant 0 : i32
      %dma_wait3A_59 = tpu.memref_slice %arg13[%add3A_14, %dma_wait3A_58] : memref<10240x128xf32, #tpu.memory_space<vmem_shared>> -> memref<80x128xf32, #tpu.memory_space<vmem_shared>>
      tpu.wait_dma2 semaphore(%run_scoped3A : memref<!tpu.dma_semaphore, #tpu.memory_space<semaphore_mem>>) src(%arg11 : memref<80x128xf32, #tpu.memory_space<vmem>>) dst(%dma_wait3A_59 : memref<80x128xf32, #tpu.memory_space<vmem_shared>>)
      tpu.yield
    }) : () -> ()
    %mul3A_15 = arith.constant 640 : i32
    %mul3A_16 = arith.muli %arg1, %mul3A_15 : i32
    %add3A_17 = arith.constant 160 : i32
    %add3A_18 = arith.addi %mul3A_16, %add3A_17 : i32
    "tpu.region"() ({
      %run_scoped3A = tpu.sem_alloc : memref<!tpu.dma_semaphore, #tpu.memory_space<semaphore_mem>>
      %dma_start3A = arith.constant 0 : i32
      %dma_start3A_54 = tpu.memref_slice %arg13[%add3A_18, %dma_start3A] : memref<10240x128xf32, #tpu.memory_space<vmem_shared>> -> memref<80x128xf32, #tpu.memory_space<vmem_shared>>
      %dma_start3A_55 = arith.constant 0 : i32
      %dma_start3A_56 = tpu.memref_slice %arg13[%add3A_18, %dma_start3A_55] : memref<10240x128xf32, #tpu.memory_space<vmem_shared>> -> memref<80x128xf32, #tpu.memory_space<vmem_shared>>
      tpu.enqueue_dma source(%arg11 : memref<80x128xf32, #tpu.memory_space<vmem>>) target(%dma_start3A_56 : memref<80x128xf32, #tpu.memory_space<vmem_shared>>) target_semaphore(%run_scoped3A : memref<!tpu.dma_semaphore, #tpu.memory_space<semaphore_mem>>)
      %dma_wait3A = arith.constant 0 : i32
      %dma_wait3A_57 = tpu.memref_slice %arg13[%add3A_18, %dma_wait3A] : memref<10240x128xf32, #tpu.memory_space<vmem_shared>> -> memref<80x128xf32, #tpu.memory_space<vmem_shared>>
      %dma_wait3A_58 = arith.constant 0 : i32
      %dma_wait3A_59 = tpu.memref_slice %arg13[%add3A_18, %dma_wait3A_58] : memref<10240x128xf32, #tpu.memory_space<vmem_shared>> -> memref<80x128xf32, #tpu.memory_space<vmem_shared>>
      tpu.wait_dma2 semaphore(%run_scoped3A : memref<!tpu.dma_semaphore, #tpu.memory_space<semaphore_mem>>) src(%arg11 : memref<80x128xf32, #tpu.memory_space<vmem>>) dst(%dma_wait3A_59 : memref<80x128xf32, #tpu.memory_space<vmem_shared>>)
      tpu.yield
    }) : () -> ()
    %mul3A_19 = arith.constant 640 : i32
    %mul3A_20 = arith.muli %arg1, %mul3A_19 : i32
    %add3A_21 = arith.constant 240 : i32
    %add3A_22 = arith.addi %mul3A_20, %add3A_21 : i32
    "tpu.region"() ({
      %run_scoped3A = tpu.sem_alloc : memref<!tpu.dma_semaphore, #tpu.memory_space<semaphore_mem>>
      %dma_start3A = arith.constant 0 : i32
      %dma_start3A_54 = tpu.memref_slice %arg13[%add3A_22, %dma_start3A] : memref<10240x128xf32, #tpu.memory_space<vmem_shared>> -> memref<80x128xf32, #tpu.memory_space<vmem_shared>>
      %dma_start3A_55 = arith.constant 0 : i32
      %dma_start3A_56 = tpu.memref_slice %arg13[%add3A_22, %dma_start3A_55] : memref<10240x128xf32, #tpu.memory_space<vmem_shared>> -> memref<80x128xf32, #tpu.memory_space<vmem_shared>>
      tpu.enqueue_dma source(%arg11 : memref<80x128xf32, #tpu.memory_space<vmem>>) target(%dma_start3A_56 : memref<80x128xf32, #tpu.memory_space<vmem_shared>>) target_semaphore(%run_scoped3A : memref<!tpu.dma_semaphore, #tpu.memory_space<semaphore_mem>>)
      %dma_wait3A = arith.constant 0 : i32
      %dma_wait3A_57 = tpu.memref_slice %arg13[%add3A_22, %dma_wait3A] : memref<10240x128xf32, #tpu.memory_space<vmem_shared>> -> memref<80x128xf32, #tpu.memory_space<vmem_shared>>
      %dma_wait3A_58 = arith.constant 0 : i32
      %dma_wait3A_59 = tpu.memref_slice %arg13[%add3A_22, %dma_wait3A_58] : memref<10240x128xf32, #tpu.memory_space<vmem_shared>> -> memref<80x128xf32, #tpu.memory_space<vmem_shared>>
      tpu.wait_dma2 semaphore(%run_scoped3A : memref<!tpu.dma_semaphore, #tpu.memory_space<semaphore_mem>>) src(%arg11 : memref<80x128xf32, #tpu.memory_space<vmem>>) dst(%dma_wait3A_59 : memref<80x128xf32, #tpu.memory_space<vmem_shared>>)
      tpu.yield
    }) : () -> ()
    %mul3A_23 = arith.constant 640 : i32
    %mul3A_24 = arith.muli %arg1, %mul3A_23 : i32
    %add3A_25 = arith.constant 320 : i32
    %add3A_26 = arith.addi %mul3A_24, %add3A_25 : i32
    "tpu.region"() ({
      %run_scoped3A = tpu.sem_alloc : memref<!tpu.dma_semaphore, #tpu.memory_space<semaphore_mem>>
      %dma_start3A = arith.constant 0 : i32
      %dma_start3A_54 = tpu.memref_slice %arg13[%add3A_26, %dma_start3A] : memref<10240x128xf32, #tpu.memory_space<vmem_shared>> -> memref<80x128xf32, #tpu.memory_space<vmem_shared>>
      %dma_start3A_55 = arith.constant 0 : i32
      %dma_start3A_56 = tpu.memref_slice %arg13[%add3A_26, %dma_start3A_55] : memref<10240x128xf32, #tpu.memory_space<vmem_shared>> -> memref<80x128xf32, #tpu.memory_space<vmem_shared>>
      tpu.enqueue_dma source(%arg11 : memref<80x128xf32, #tpu.memory_space<vmem>>) target(%dma_start3A_56 : memref<80x128xf32, #tpu.memory_space<vmem_shared>>) target_semaphore(%run_scoped3A : memref<!tpu.dma_semaphore, #tpu.memory_space<semaphore_mem>>)
      %dma_wait3A = arith.constant 0 : i32
      %dma_wait3A_57 = tpu.memref_slice %arg13[%add3A_26, %dma_wait3A] : memref<10240x128xf32, #tpu.memory_space<vmem_shared>> -> memref<80x128xf32, #tpu.memory_space<vmem_shared>>
      %dma_wait3A_58 = arith.constant 0 : i32
      %dma_wait3A_59 = tpu.memref_slice %arg13[%add3A_26, %dma_wait3A_58] : memref<10240x128xf32, #tpu.memory_space<vmem_shared>> -> memref<80x128xf32, #tpu.memory_space<vmem_shared>>
      tpu.wait_dma2 semaphore(%run_scoped3A : memref<!tpu.dma_semaphore, #tpu.memory_space<semaphore_mem>>) src(%arg11 : memref<80x128xf32, #tpu.memory_space<vmem>>) dst(%dma_wait3A_59 : memref<80x128xf32, #tpu.memory_space<vmem_shared>>)
      tpu.yield
    }) : () -> ()
    %mul3A_27 = arith.constant 640 : i32
    %mul3A_28 = arith.muli %arg1, %mul3A_27 : i32
    %add3A_29 = arith.constant 400 : i32
    %add3A_30 = arith.addi %mul3A_28, %add3A_29 : i32
    "tpu.region"() ({
      %run_scoped3A = tpu.sem_alloc : memref<!tpu.dma_semaphore, #tpu.memory_space<semaphore_mem>>
      %dma_start3A = arith.constant 0 : i32
      %dma_start3A_54 = tpu.memref_slice %arg13[%add3A_30, %dma_start3A] : memref<10240x128xf32, #tpu.memory_space<vmem_shared>> -> memref<80x128xf32, #tpu.memory_space<vmem_shared>>
      %dma_start3A_55 = arith.constant 0 : i32
      %dma_start3A_56 = tpu.memref_slice %arg13[%add3A_30, %dma_start3A_55] : memref<10240x128xf32, #tpu.memory_space<vmem_shared>> -> memref<80x128xf32, #tpu.memory_space<vmem_shared>>
      tpu.enqueue_dma source(%arg11 : memref<80x128xf32, #tpu.memory_space<vmem>>) target(%dma_start3A_56 : memref<80x128xf32, #tpu.memory_space<vmem_shared>>) target_semaphore(%run_scoped3A : memref<!tpu.dma_semaphore, #tpu.memory_space<semaphore_mem>>)
      %dma_wait3A = arith.constant 0 : i32
      %dma_wait3A_57 = tpu.memref_slice %arg13[%add3A_30, %dma_wait3A] : memref<10240x128xf32, #tpu.memory_space<vmem_shared>> -> memref<80x128xf32, #tpu.memory_space<vmem_shared>>
      %dma_wait3A_58 = arith.constant 0 : i32
      %dma_wait3A_59 = tpu.memref_slice %arg13[%add3A_30, %dma_wait3A_58] : memref<10240x128xf32, #tpu.memory_space<vmem_shared>> -> memref<80x128xf32, #tpu.memory_space<vmem_shared>>
      tpu.wait_dma2 semaphore(%run_scoped3A : memref<!tpu.dma_semaphore, #tpu.memory_space<semaphore_mem>>) src(%arg11 : memref<80x128xf32, #tpu.memory_space<vmem>>) dst(%dma_wait3A_59 : memref<80x128xf32, #tpu.memory_space<vmem_shared>>)
      tpu.yield
    }) : () -> ()
    %mul3A_31 = arith.constant 640 : i32
    %mul3A_32 = arith.muli %arg1, %mul3A_31 : i32
    %add3A_33 = arith.constant 480 : i32
    %add3A_34 = arith.addi %mul3A_32, %add3A_33 : i32
    "tpu.region"() ({
      %run_scoped3A = tpu.sem_alloc : memref<!tpu.dma_semaphore, #tpu.memory_space<semaphore_mem>>
      %dma_start3A = arith.constant 0 : i32
      %dma_start3A_54 = tpu.memref_slice %arg13[%add3A_34, %dma_start3A] : memref<10240x128xf32, #tpu.memory_space<vmem_shared>> -> memref<80x128xf32, #tpu.memory_space<vmem_shared>>
      %dma_start3A_55 = arith.constant 0 : i32
      %dma_start3A_56 = tpu.memref_slice %arg13[%add3A_34, %dma_start3A_55] : memref<10240x128xf32, #tpu.memory_space<vmem_shared>> -> memref<80x128xf32, #tpu.memory_space<vmem_shared>>
      tpu.enqueue_dma source(%arg11 : memref<80x128xf32, #tpu.memory_space<vmem>>) target(%dma_start3A_56 : memref<80x128xf32, #tpu.memory_space<vmem_shared>>) target_semaphore(%run_scoped3A : memref<!tpu.dma_semaphore, #tpu.memory_space<semaphore_mem>>)
      %dma_wait3A = arith.constant 0 : i32
      %dma_wait3A_57 = tpu.memref_slice %arg13[%add3A_34, %dma_wait3A] : memref<10240x128xf32, #tpu.memory_space<vmem_shared>> -> memref<80x128xf32, #tpu.memory_space<vmem_shared>>
      %dma_wait3A_58 = arith.constant 0 : i32
      %dma_wait3A_59 = tpu.memref_slice %arg13[%add3A_34, %dma_wait3A_58] : memref<10240x128xf32, #tpu.memory_space<vmem_shared>> -> memref<80x128xf32, #tpu.memory_space<vmem_shared>>
      tpu.wait_dma2 semaphore(%run_scoped3A : memref<!tpu.dma_semaphore, #tpu.memory_space<semaphore_mem>>) src(%arg11 : memref<80x128xf32, #tpu.memory_space<vmem>>) dst(%dma_wait3A_59 : memref<80x128xf32, #tpu.memory_space<vmem_shared>>)
      tpu.yield
    }) : () -> ()
    %mul3A_35 = arith.constant 640 : i32
    %mul3A_36 = arith.muli %arg1, %mul3A_35 : i32
    %add3A_37 = arith.constant 560 : i32
    %add3A_38 = arith.addi %mul3A_36, %add3A_37 : i32
    "tpu.region"() ({
      %run_scoped3A = tpu.sem_alloc : memref<!tpu.dma_semaphore, #tpu.memory_space<semaphore_mem>>
      %dma_start3A = arith.constant 0 : i32
      %dma_start3A_54 = tpu.memref_slice %arg13[%add3A_38, %dma_start3A] : memref<10240x128xf32, #tpu.memory_space<vmem_shared>> -> memref<80x128xf32, #tpu.memory_space<vmem_shared>>
      %dma_start3A_55 = arith.constant 0 : i32
      %dma_start3A_56 = tpu.memref_slice %arg13[%add3A_38, %dma_start3A_55] : memref<10240x128xf32, #tpu.memory_space<vmem_shared>> -> memref<80x128xf32, #tpu.memory_space<vmem_shared>>
      tpu.enqueue_dma source(%arg11 : memref<80x128xf32, #tpu.memory_space<vmem>>) target(%dma_start3A_56 : memref<80x128xf32, #tpu.memory_space<vmem_shared>>) target_semaphore(%run_scoped3A : memref<!tpu.dma_semaphore, #tpu.memory_space<semaphore_mem>>)
      %dma_wait3A = arith.constant 0 : i32
      %dma_wait3A_57 = tpu.memref_slice %arg13[%add3A_38, %dma_wait3A] : memref<10240x128xf32, #tpu.memory_space<vmem_shared>> -> memref<80x128xf32, #tpu.memory_space<vmem_shared>>
      %dma_wait3A_58 = arith.constant 0 : i32
      %dma_wait3A_59 = tpu.memref_slice %arg13[%add3A_38, %dma_wait3A_58] : memref<10240x128xf32, #tpu.memory_space<vmem_shared>> -> memref<80x128xf32, #tpu.memory_space<vmem_shared>>
      tpu.wait_dma2 semaphore(%run_scoped3A : memref<!tpu.dma_semaphore, #tpu.memory_space<semaphore_mem>>) src(%arg11 : memref<80x128xf32, #tpu.memory_space<vmem>>) dst(%dma_wait3A_59 : memref<80x128xf32, #tpu.memory_space<vmem_shared>>)
      tpu.yield
    }) : () -> ()
    %barrier3A = arith.constant 0 : index
    tpu.barrier barrier_id(%barrier3A)
    %scan3A_39 = arith.constant 0 : i32
    %scan3A_40 = arith.constant 0 : i32
    %scan3A_41 = arith.constant 125 : i32
    %scan3A_42 = arith.addi %scan3A_40, %scan3A_41 : i32
    %scan3A_43 = arith.constant 1 : i32
    %scan3A_44 = scf.for %scan3A_54 = %scan3A_40 to %scan3A_42 step %scan3A_43 iter_args(%scan3A_55 = %scan3A_39) -> (i32)  : i32 {
      %mul3A_56 = arith.constant 10000 : i32
      %mul3A_57 = arith.muli %add3A, %mul3A_56 : i32
      %mul3A_58 = arith.constant 80 : i32
      %mul3A_59 = arith.muli %scan3A_54, %mul3A_58 : i32
      %add3A_60 = arith.addi %mul3A_57, %mul3A_59 : i32
      %multiple_of3A = tpu.assume_multiple %add3A_60, 8 : i32
      "tpu.region"() ({
        %run_scoped3A = tpu.sem_alloc : memref<!tpu.dma_semaphore, #tpu.memory_space<semaphore_mem>>
        %dma_start3A_79 = tpu.memref_slice %arg4[%multiple_of3A] : memref<320000xi32, #tpu.memory_space<hbm>> -> memref<80xi32, #tpu.memory_space<hbm>>
        %dma_start3A_80 = tpu.memref_slice %arg4[%multiple_of3A] : memref<320000xi32, #tpu.memory_space<hbm>> -> memref<80xi32, #tpu.memory_space<hbm>>
        tpu.enqueue_dma source(%dma_start3A_80 : memref<80xi32, #tpu.memory_space<hbm>>) target(%arg8 : memref<80xi32, #tpu.memory_space<vmem>>) target_semaphore(%run_scoped3A : memref<!tpu.dma_semaphore, #tpu.memory_space<semaphore_mem>>)
        %dma_wait3A_81 = tpu.memref_slice %arg4[%multiple_of3A] : memref<320000xi32, #tpu.memory_space<hbm>> -> memref<80xi32, #tpu.memory_space<hbm>>
        %dma_wait3A_82 = tpu.memref_slice %arg4[%multiple_of3A] : memref<320000xi32, #tpu.memory_space<hbm>> -> memref<80xi32, #tpu.memory_space<hbm>>
        tpu.wait_dma2 semaphore(%run_scoped3A : memref<!tpu.dma_semaphore, #tpu.memory_space<semaphore_mem>>) src(%dma_wait3A_82 : memref<80xi32, #tpu.memory_space<hbm>>) dst(%arg8 : memref<80xi32, #tpu.memory_space<vmem>>)
        tpu.yield
      }) : () -> ()
      "tpu.region"() ({
        %run_scoped3A = tpu.sem_alloc : memref<!tpu.dma_semaphore, #tpu.memory_space<semaphore_mem>>
        %dma_start3A_79 = tpu.memref_slice %arg5[%multiple_of3A] : memref<320000xi32, #tpu.memory_space<hbm>> -> memref<80xi32, #tpu.memory_space<hbm>>
        %dma_start3A_80 = tpu.memref_slice %arg5[%multiple_of3A] : memref<320000xi32, #tpu.memory_space<hbm>> -> memref<80xi32, #tpu.memory_space<hbm>>
        tpu.enqueue_dma source(%dma_start3A_80 : memref<80xi32, #tpu.memory_space<hbm>>) target(%arg9 : memref<80xi32, #tpu.memory_space<vmem>>) target_semaphore(%run_scoped3A : memref<!tpu.dma_semaphore, #tpu.memory_space<semaphore_mem>>)
        %dma_wait3A_81 = tpu.memref_slice %arg5[%multiple_of3A] : memref<320000xi32, #tpu.memory_space<hbm>> -> memref<80xi32, #tpu.memory_space<hbm>>
        %dma_wait3A_82 = tpu.memref_slice %arg5[%multiple_of3A] : memref<320000xi32, #tpu.memory_space<hbm>> -> memref<80xi32, #tpu.memory_space<hbm>>
        tpu.wait_dma2 semaphore(%run_scoped3A : memref<!tpu.dma_semaphore, #tpu.memory_space<semaphore_mem>>) src(%dma_wait3A_82 : memref<80xi32, #tpu.memory_space<hbm>>) dst(%arg9 : memref<80xi32, #tpu.memory_space<vmem>>)
        tpu.yield
      }) : () -> ()
      "tpu.region"() ({
        %run_scoped3A = tpu.sem_alloc : memref<!tpu.dma_semaphore, #tpu.memory_space<semaphore_mem>>
        %dma_start3A_79 = tpu.memref_slice %arg6[%multiple_of3A] : memref<320000xi32, #tpu.memory_space<hbm>> -> memref<80xi32, #tpu.memory_space<hbm>>
        %dma_start3A_80 = tpu.memref_slice %arg6[%multiple_of3A] : memref<320000xi32, #tpu.memory_space<hbm>> -> memref<80xi32, #tpu.memory_space<hbm>>
        tpu.enqueue_dma source(%dma_start3A_80 : memref<80xi32, #tpu.memory_space<hbm>>) target(%arg10 : memref<80xi32, #tpu.memory_space<vmem>>) target_semaphore(%run_scoped3A : memref<!tpu.dma_semaphore, #tpu.memory_space<semaphore_mem>>)
        %dma_wait3A_81 = tpu.memref_slice %arg6[%multiple_of3A] : memref<320000xi32, #tpu.memory_space<hbm>> -> memref<80xi32, #tpu.memory_space<hbm>>
        %dma_wait3A_82 = tpu.memref_slice %arg6[%multiple_of3A] : memref<320000xi32, #tpu.memory_space<hbm>> -> memref<80xi32, #tpu.memory_space<hbm>>
        tpu.wait_dma2 semaphore(%run_scoped3A : memref<!tpu.dma_semaphore, #tpu.memory_space<semaphore_mem>>) src(%dma_wait3A_82 : memref<80xi32, #tpu.memory_space<hbm>>) dst(%arg10 : memref<80xi32, #tpu.memory_space<vmem>>)
        tpu.yield
      }) : () -> ()
      %dma_start3A = arith.constant 0 : i32
      %dma_start3A_61 = arith.constant 0 : i32
      %dma_start3A_62 = tpu.memref_slice %arg2[%dma_start3A, %dma_start3A_61] : memref<10240x128xf32, #tpu.memory_space<hbm>> -> memref<10240x128xf32, #tpu.memory_space<hbm>>
      tpu.enqueue_indirect_dma source(%dma_start3A_62 : memref<10240x128xf32, #tpu.memory_space<hbm>>) target(%arg11 : memref<80x128xf32, #tpu.memory_space<vmem>>) offsets(%arg8 : memref<80xi32, #tpu.memory_space<vmem>>) semaphore(%arg14 : memref<!tpu.dma_semaphore, #tpu.memory_space<semaphore_mem>>)
      %dma_wait3A = arith.constant 0 : i32
      %dma_wait3A_63 = arith.constant 0 : i32
      %dma_wait3A_64 = tpu.memref_slice %arg2[%dma_wait3A, %dma_wait3A_63] : memref<10240x128xf32, #tpu.memory_space<hbm>> -> memref<10240x128xf32, #tpu.memory_space<hbm>>
      tpu.wait_indirect_dma semaphore(%arg14 : memref<!tpu.dma_semaphore, #tpu.memory_space<semaphore_mem>>) src(%dma_wait3A_64 : memref<10240x128xf32, #tpu.memory_space<hbm>>) dst(%arg11 : memref<80x128xf32, #tpu.memory_space<vmem>>)
      %dma_start3A_65 = arith.constant 0 : i32
      %dma_start3A_66 = arith.constant 0 : i32
      %dma_start3A_67 = tpu.memref_slice %arg3[%dma_start3A_65, %dma_start3A_66] : memref<512x128xf32, #tpu.memory_space<hbm>> -> memref<512x128xf32, #tpu.memory_space<hbm>>
      tpu.enqueue_indirect_dma source(%dma_start3A_67 : memref<512x128xf32, #tpu.memory_space<hbm>>) target(%arg12 : memref<80x128xf32, #tpu.memory_space<vmem>>) offsets(%arg9 : memref<80xi32, #tpu.memory_space<vmem>>) semaphore(%arg15 : memref<!tpu.dma_semaphore, #tpu.memory_space<semaphore_mem>>)
      %dma_wait3A_68 = arith.constant 0 : i32
      %dma_wait3A_69 = arith.constant 0 : i32
      %dma_wait3A_70 = tpu.memref_slice %arg3[%dma_wait3A_68, %dma_wait3A_69] : memref<512x128xf32, #tpu.memory_space<hbm>> -> memref<512x128xf32, #tpu.memory_space<hbm>>
      tpu.wait_indirect_dma semaphore(%arg15 : memref<!tpu.dma_semaphore, #tpu.memory_space<semaphore_mem>>) src(%dma_wait3A_70 : memref<512x128xf32, #tpu.memory_space<hbm>>) dst(%arg12 : memref<80x128xf32, #tpu.memory_space<vmem>>)
      %scan3A_71 = arith.constant 0 : i32
      %scan3A_72 = arith.constant 0 : i32
      %scan3A_73 = arith.constant 80 : i32
      %scan3A_74 = arith.addi %scan3A_72, %scan3A_73 : i32
      %scan3A_75 = arith.constant 1 : i32
      %scan3A_76 = scf.for %scan3A_79 = %scan3A_72 to %scan3A_74 step %scan3A_75 iter_args(%scan3A_80 = %scan3A_71) -> (i32)  : i32 {
        %get3A = arith.index_cast %scan3A_79 : i32 to index
        %get3A_81 = arith.constant 0 : index
        %get3A_82 = tpu.vector_load %arg11[%get3A, %get3A_81] {strides = array<i32>} : memref<80x128xf32, #tpu.memory_space<vmem>>, vector<1x16xf32>,
        %get3A_83 = vector.shape_cast %get3A_82 : vector<1x16xf32> to vector<16xf32>
        %get3A_84 = arith.index_cast %scan3A_79 : i32 to index
        %get3A_85 = arith.constant 0 : index
        %get3A_86 = tpu.vector_load %arg12[%get3A_84, %get3A_85] {strides = array<i32>} : memref<80x128xf32, #tpu.memory_space<vmem>>, vector<1x16xf32>,
        %get3A_87 = vector.shape_cast %get3A_86 : vector<1x16xf32> to vector<16xf32>
        %add3A_88 = arith.addf %get3A_83, %get3A_87 : vector<16xf32>
        %max3A = arith.constant 0.000000e+00 : f32
        %max3A_89 = vector.broadcast %max3A : f32 to vector<16xf32>
        %max3A_90 = arith.maximumf %add3A_88, %max3A_89 : vector<16xf32>
        %swap3A = arith.index_cast %scan3A_79 : i32 to index
        %swap3A_91 = arith.constant 0 : index
        %swap3A_92 = tpu.vector_load %arg11[%swap3A, %swap3A_91] {strides = array<i32>} : memref<80x128xf32, #tpu.memory_space<vmem>>, vector<1x16xf32>,
        %swap3A_93 = vector.shape_cast %swap3A_92 : vector<1x16xf32> to vector<16xf32>
        %swap3A_94 = vector.shape_cast %max3A_90 : vector<16xf32> to vector<1x16xf32>
        tpu.vector_store %arg11[%swap3A, %swap3A_91], %swap3A_94 {strides = array<i32>} : memref<80x128xf32, #tpu.memory_space<vmem>>, vector<1x16xf32>,
        %get3A_95 = arith.index_cast %scan3A_79 : i32 to index
        %get3A_96 = arith.constant 16 : index
        %get3A_97 = tpu.vector_load %arg11[%get3A_95, %get3A_96] {strides = array<i32>} : memref<80x128xf32, #tpu.memory_space<vmem>>, vector<1x16xf32>,
        %get3A_98 = vector.shape_cast %get3A_97 : vector<1x16xf32> to vector<16xf32>
        %get3A_99 = arith.index_cast %scan3A_79 : i32 to index
        %get3A_100 = arith.constant 16 : index
        %get3A_101 = tpu.vector_load %arg12[%get3A_99, %get3A_100] {strides = array<i32>} : memref<80x128xf32, #tpu.memory_space<vmem>>, vector<1x16xf32>,
        %get3A_102 = vector.shape_cast %get3A_101 : vector<1x16xf32> to vector<16xf32>
        %add3A_103 = arith.addf %get3A_98, %get3A_102 : vector<16xf32>
        %max3A_104 = arith.constant 0.000000e+00 : f32
        %max3A_105 = vector.broadcast %max3A_104 : f32 to vector<16xf32>
        %max3A_106 = arith.maximumf %add3A_103, %max3A_105 : vector<16xf32>
        %swap3A_107 = arith.index_cast %scan3A_79 : i32 to index
        %swap3A_108 = arith.constant 16 : index
        %swap3A_109 = tpu.vector_load %arg11[%swap3A_107, %swap3A_108] {strides = array<i32>} : memref<80x128xf32, #tpu.memory_space<vmem>>, vector<1x16xf32>,
        %swap3A_110 = vector.shape_cast %swap3A_109 : vector<1x16xf32> to vector<16xf32>
        %swap3A_111 = vector.shape_cast %max3A_106 : vector<16xf32> to vector<1x16xf32>
        tpu.vector_store %arg11[%swap3A_107, %swap3A_108], %swap3A_111 {strides = array<i32>} : memref<80x128xf32, #tpu.memory_space<vmem>>, vector<1x16xf32>,
        %get3A_112 = arith.index_cast %scan3A_79 : i32 to index
        %get3A_113 = arith.constant 32 : index
        %get3A_114 = tpu.vector_load %arg11[%get3A_112, %get3A_113] {strides = array<i32>} : memref<80x128xf32, #tpu.memory_space<vmem>>, vector<1x16xf32>,
        %get3A_115 = vector.shape_cast %get3A_114 : vector<1x16xf32> to vector<16xf32>
        %get3A_116 = arith.index_cast %scan3A_79 : i32 to index
        %get3A_117 = arith.constant 32 : index
        %get3A_118 = tpu.vector_load %arg12[%get3A_116, %get3A_117] {strides = array<i32>} : memref<80x128xf32, #tpu.memory_space<vmem>>, vector<1x16xf32>,
        %get3A_119 = vector.shape_cast %get3A_118 : vector<1x16xf32> to vector<16xf32>
        %add3A_120 = arith.addf %get3A_115, %get3A_119 : vector<16xf32>
        %max3A_121 = arith.constant 0.000000e+00 : f32
        %max3A_122 = vector.broadcast %max3A_121 : f32 to vector<16xf32>
        %max3A_123 = arith.maximumf %add3A_120, %max3A_122 : vector<16xf32>
        %swap3A_124 = arith.index_cast %scan3A_79 : i32 to index
        %swap3A_125 = arith.constant 32 : index
        %swap3A_126 = tpu.vector_load %arg11[%swap3A_124, %swap3A_125] {strides = array<i32>} : memref<80x128xf32, #tpu.memory_space<vmem>>, vector<1x16xf32>,
        %swap3A_127 = vector.shape_cast %swap3A_126 : vector<1x16xf32> to vector<16xf32>
        %swap3A_128 = vector.shape_cast %max3A_123 : vector<16xf32> to vector<1x16xf32>
        tpu.vector_store %arg11[%swap3A_124, %swap3A_125], %swap3A_128 {strides = array<i32>} : memref<80x128xf32, #tpu.memory_space<vmem>>, vector<1x16xf32>,
        %get3A_129 = arith.index_cast %scan3A_79 : i32 to index
        %get3A_130 = arith.constant 48 : index
        %get3A_131 = tpu.vector_load %arg11[%get3A_129, %get3A_130] {strides = array<i32>} : memref<80x128xf32, #tpu.memory_space<vmem>>, vector<1x16xf32>,
        %get3A_132 = vector.shape_cast %get3A_131 : vector<1x16xf32> to vector<16xf32>
        %get3A_133 = arith.index_cast %scan3A_79 : i32 to index
        %get3A_134 = arith.constant 48 : index
        %get3A_135 = tpu.vector_load %arg12[%get3A_133, %get3A_134] {strides = array<i32>} : memref<80x128xf32, #tpu.memory_space<vmem>>, vector<1x16xf32>,
        %get3A_136 = vector.shape_cast %get3A_135 : vector<1x16xf32> to vector<16xf32>
        %add3A_137 = arith.addf %get3A_132, %get3A_136 : vector<16xf32>
        %max3A_138 = arith.constant 0.000000e+00 : f32
        %max3A_139 = vector.broadcast %max3A_138 : f32 to vector<16xf32>
        %max3A_140 = arith.maximumf %add3A_137, %max3A_139 : vector<16xf32>
        %swap3A_141 = arith.index_cast %scan3A_79 : i32 to index
        %swap3A_142 = arith.constant 48 : index
        %swap3A_143 = tpu.vector_load %arg11[%swap3A_141, %swap3A_142] {strides = array<i32>} : memref<80x128xf32, #tpu.memory_space<vmem>>, vector<1x16xf32>,
        %swap3A_144 = vector.shape_cast %swap3A_143 : vector<1x16xf32> to vector<16xf32>
        %swap3A_145 = vector.shape_cast %max3A_140 : vector<16xf32> to vector<1x16xf32>
        tpu.vector_store %arg11[%swap3A_141, %swap3A_142], %swap3A_145 {strides = array<i32>} : memref<80x128xf32, #tpu.memory_space<vmem>>, vector<1x16xf32>,
        %get3A_146 = arith.index_cast %scan3A_79 : i32 to index
        %get3A_147 = arith.constant 64 : index
        %get3A_148 = tpu.vector_load %arg11[%get3A_146, %get3A_147] {strides = array<i32>} : memref<80x128xf32, #tpu.memory_space<vmem>>, vector<1x16xf32>,
        %get3A_149 = vector.shape_cast %get3A_148 : vector<1x16xf32> to vector<16xf32>
        %get3A_150 = arith.index_cast %scan3A_79 : i32 to index
        %get3A_151 = arith.constant 64 : index
        %get3A_152 = tpu.vector_load %arg12[%get3A_150, %get3A_151] {strides = array<i32>} : memref<80x128xf32, #tpu.memory_space<vmem>>, vector<1x16xf32>,
        %get3A_153 = vector.shape_cast %get3A_152 : vector<1x16xf32> to vector<16xf32>
        %add3A_154 = arith.addf %get3A_149, %get3A_153 : vector<16xf32>
        %max3A_155 = arith.constant 0.000000e+00 : f32
        %max3A_156 = vector.broadcast %max3A_155 : f32 to vector<16xf32>
        %max3A_157 = arith.maximumf %add3A_154, %max3A_156 : vector<16xf32>
        %swap3A_158 = arith.index_cast %scan3A_79 : i32 to index
        %swap3A_159 = arith.constant 64 : index
        %swap3A_160 = tpu.vector_load %arg11[%swap3A_158, %swap3A_159] {strides = array<i32>} : memref<80x128xf32, #tpu.memory_space<vmem>>, vector<1x16xf32>,
        %swap3A_161 = vector.shape_cast %swap3A_160 : vector<1x16xf32> to vector<16xf32>
        %swap3A_162 = vector.shape_cast %max3A_157 : vector<16xf32> to vector<1x16xf32>
        tpu.vector_store %arg11[%swap3A_158, %swap3A_159], %swap3A_162 {strides = array<i32>} : memref<80x128xf32, #tpu.memory_space<vmem>>, vector<1x16xf32>,
        %get3A_163 = arith.index_cast %scan3A_79 : i32 to index
        %get3A_164 = arith.constant 80 : index
        %get3A_165 = tpu.vector_load %arg11[%get3A_163, %get3A_164] {strides = array<i32>} : memref<80x128xf32, #tpu.memory_space<vmem>>, vector<1x16xf32>,
        %get3A_166 = vector.shape_cast %get3A_165 : vector<1x16xf32> to vector<16xf32>
        %get3A_167 = arith.index_cast %scan3A_79 : i32 to index
        %get3A_168 = arith.constant 80 : index
        %get3A_169 = tpu.vector_load %arg12[%get3A_167, %get3A_168] {strides = array<i32>} : memref<80x128xf32, #tpu.memory_space<vmem>>, vector<1x16xf32>,
        %get3A_170 = vector.shape_cast %get3A_169 : vector<1x16xf32> to vector<16xf32>
        %add3A_171 = arith.addf %get3A_166, %get3A_170 : vector<16xf32>
        %max3A_172 = arith.constant 0.000000e+00 : f32
        %max3A_173 = vector.broadcast %max3A_172 : f32 to vector<16xf32>
        %max3A_174 = arith.maximumf %add3A_171, %max3A_173 : vector<16xf32>
        %swap3A_175 = arith.index_cast %scan3A_79 : i32 to index
        %swap3A_176 = arith.constant 80 : index
        %swap3A_177 = tpu.vector_load %arg11[%swap3A_175, %swap3A_176] {strides = array<i32>} : memref<80x128xf32, #tpu.memory_space<vmem>>, vector<1x16xf32>,
        %swap3A_178 = vector.shape_cast %swap3A_177 : vector<1x16xf32> to vector<16xf32>
        %swap3A_179 = vector.shape_cast %max3A_174 : vector<16xf32> to vector<1x16xf32>
        tpu.vector_store %arg11[%swap3A_175, %swap3A_176], %swap3A_179 {strides = array<i32>} : memref<80x128xf32, #tpu.memory_space<vmem>>, vector<1x16xf32>,
        %get3A_180 = arith.index_cast %scan3A_79 : i32 to index
        %get3A_181 = arith.constant 96 : index
        %get3A_182 = tpu.vector_load %arg11[%get3A_180, %get3A_181] {strides = array<i32>} : memref<80x128xf32, #tpu.memory_space<vmem>>, vector<1x16xf32>,
        %get3A_183 = vector.shape_cast %get3A_182 : vector<1x16xf32> to vector<16xf32>
        %get3A_184 = arith.index_cast %scan3A_79 : i32 to index
        %get3A_185 = arith.constant 96 : index
        %get3A_186 = tpu.vector_load %arg12[%get3A_184, %get3A_185] {strides = array<i32>} : memref<80x128xf32, #tpu.memory_space<vmem>>, vector<1x16xf32>,
        %get3A_187 = vector.shape_cast %get3A_186 : vector<1x16xf32> to vector<16xf32>
        %add3A_188 = arith.addf %get3A_183, %get3A_187 : vector<16xf32>
        %max3A_189 = arith.constant 0.000000e+00 : f32
        %max3A_190 = vector.broadcast %max3A_189 : f32 to vector<16xf32>
        %max3A_191 = arith.maximumf %add3A_188, %max3A_190 : vector<16xf32>
        %swap3A_192 = arith.index_cast %scan3A_79 : i32 to index
        %swap3A_193 = arith.constant 96 : index
        %swap3A_194 = tpu.vector_load %arg11[%swap3A_192, %swap3A_193] {strides = array<i32>} : memref<80x128xf32, #tpu.memory_space<vmem>>, vector<1x16xf32>,
        %swap3A_195 = vector.shape_cast %swap3A_194 : vector<1x16xf32> to vector<16xf32>
        %swap3A_196 = vector.shape_cast %max3A_191 : vector<16xf32> to vector<1x16xf32>
        tpu.vector_store %arg11[%swap3A_192, %swap3A_193], %swap3A_196 {strides = array<i32>} : memref<80x128xf32, #tpu.memory_space<vmem>>, vector<1x16xf32>,
        %get3A_197 = arith.index_cast %scan3A_79 : i32 to index
        %get3A_198 = arith.constant 112 : index
        %get3A_199 = tpu.vector_load %arg11[%get3A_197, %get3A_198] {strides = array<i32>} : memref<80x128xf32, #tpu.memory_space<vmem>>, vector<1x16xf32>,
        %get3A_200 = vector.shape_cast %get3A_199 : vector<1x16xf32> to vector<16xf32>
        %get3A_201 = arith.index_cast %scan3A_79 : i32 to index
        %get3A_202 = arith.constant 112 : index
        %get3A_203 = tpu.vector_load %arg12[%get3A_201, %get3A_202] {strides = array<i32>} : memref<80x128xf32, #tpu.memory_space<vmem>>, vector<1x16xf32>,
        %get3A_204 = vector.shape_cast %get3A_203 : vector<1x16xf32> to vector<16xf32>
        %add3A_205 = arith.addf %get3A_200, %get3A_204 : vector<16xf32>
        %max3A_206 = arith.constant 0.000000e+00 : f32
        %max3A_207 = vector.broadcast %max3A_206 : f32 to vector<16xf32>
        %max3A_208 = arith.maximumf %add3A_205, %max3A_207 : vector<16xf32>
        %swap3A_209 = arith.index_cast %scan3A_79 : i32 to index
        %swap3A_210 = arith.constant 112 : index
        %swap3A_211 = tpu.vector_load %arg11[%swap3A_209, %swap3A_210] {strides = array<i32>} : memref<80x128xf32, #tpu.memory_space<vmem>>, vector<1x16xf32>,
        %swap3A_212 = vector.shape_cast %swap3A_211 : vector<1x16xf32> to vector<16xf32>
        %swap3A_213 = vector.shape_cast %max3A_208 : vector<16xf32> to vector<1x16xf32>
        tpu.vector_store %arg11[%swap3A_209, %swap3A_210], %swap3A_213 {strides = array<i32>} : memref<80x128xf32, #tpu.memory_space<vmem>>, vector<1x16xf32>,
        %scan3A_214 = arith.constant 0 : i32
        scf.yield %scan3A_214 : i32
      }
      %scan3A_77 = arith.constant 80 : i32
      "tpu.region"() ({
        %run_scoped3A = tpu.sem_alloc : memref<!tpu.dma_semaphore, #tpu.memory_space<semaphore_mem>>
        %dma_start3A_79 = arith.constant 0 : i32
        %dma_start3A_80 = arith.constant 0 : i32
        %dma_start3A_81 = tpu.memref_slice %arg13[%dma_start3A_79, %dma_start3A_80] : memref<10240x128xf32, #tpu.memory_space<vmem_shared>> -> memref<10240x128xf32, #tpu.memory_space<vmem_shared>>
        tpu.enqueue_indirect_dma source(%arg11 : memref<80x128xf32, #tpu.memory_space<vmem>>) target(%dma_start3A_81 : memref<10240x128xf32, #tpu.memory_space<vmem_shared>>) offsets(%arg10 : memref<80xi32, #tpu.memory_space<vmem>>) semaphore(%run_scoped3A : memref<!tpu.dma_semaphore, #tpu.memory_space<semaphore_mem>>) {add = true}
        %dma_wait3A_82 = arith.constant 0 : i32
        %dma_wait3A_83 = arith.constant 0 : i32
        %dma_wait3A_84 = tpu.memref_slice %arg13[%dma_wait3A_82, %dma_wait3A_83] : memref<10240x128xf32, #tpu.memory_space<vmem_shared>> -> memref<10240x128xf32, #tpu.memory_space<vmem_shared>>
        tpu.wait_indirect_dma semaphore(%run_scoped3A : memref<!tpu.dma_semaphore, #tpu.memory_space<semaphore_mem>>) src(%arg11 : memref<80x128xf32, #tpu.memory_space<vmem>>) dst(%dma_wait3A_84 : memref<10240x128xf32, #tpu.memory_space<vmem_shared>>)
        tpu.yield
      }) : () -> ()
      %scan3A_78 = arith.constant 0 : i32
      scf.yield %scan3A_78 : i32
    }
    %scan3A_45 = arith.constant 125 : i32
    %barrier3A_46 = arith.constant 0 : index
    tpu.barrier barrier_id(%barrier3A_46)
    %mul3A_47 = arith.constant 640 : i32
    %mul3A_48 = arith.muli %arg1, %mul3A_47 : i32
    %mul3A_49 = arith.constant 10240 : i32
    %mul3A_50 = arith.muli %arg0, %mul3A_49 : i32
    %mul3A_51 = arith.constant 640 : i32
    %mul3A_52 = arith.muli %arg1, %mul3A_51 : i32
    %add3A_53 = arith.addi %mul3A_50, %mul3A_52 : i32
    "tpu.region"() ({
      %run_scoped3A = tpu.sem_alloc : memref<!tpu.dma_semaphore, #tpu.memory_space<semaphore_mem>>
      %dma_start3A = arith.constant 0 : i32
      %dma_start3A_54 = tpu.memref_slice %arg7[%add3A_53, %dma_start3A] : memref<20480x128xf32, #tpu.memory_space<hbm>> -> memref<640x128xf32, #tpu.memory_space<hbm>>
      %dma_start3A_55 = arith.constant 0 : i32
      %dma_start3A_56 = tpu.memref_slice %arg13[%mul3A_48, %dma_start3A_55] : memref<10240x128xf32, #tpu.memory_space<vmem_shared>> -> memref<640x128xf32, #tpu.memory_space<vmem_shared>>
      tpu.enqueue_dma source(%dma_start3A_56 : memref<640x128xf32, #tpu.memory_space<vmem_shared>>) target(%dma_start3A_54 : memref<640x128xf32, #tpu.memory_space<hbm>>) target_semaphore(%run_scoped3A : memref<!tpu.dma_semaphore, #tpu.memory_space<semaphore_mem>>)
      %dma_wait3A = arith.constant 0 : i32
      %dma_wait3A_57 = tpu.memref_slice %arg7[%add3A_53, %dma_wait3A] : memref<20480x128xf32, #tpu.memory_space<hbm>> -> memref<640x128xf32, #tpu.memory_space<hbm>>
      %dma_wait3A_58 = arith.constant 0 : i32
      %dma_wait3A_59 = tpu.memref_slice %arg13[%mul3A_48, %dma_wait3A_58] : memref<10240x128xf32, #tpu.memory_space<vmem_shared>> -> memref<640x128xf32, #tpu.memory_space<vmem_shared>>
      tpu.wait_dma2 semaphore(%run_scoped3A : memref<!tpu.dma_semaphore, #tpu.memory_space<semaphore_mem>>) src(%dma_wait3A_59 : memref<640x128xf32, #tpu.memory_space<vmem_shared>>) dst(%dma_wait3A_57 : memref<640x128xf32, #tpu.memory_space<hbm>>)
      tpu.yield
    }) : () -> ()
    return
  }
}

#map = affine_map<(d0, d1) -> (0, 0)>
#map1 = affine_map<(d0, d1) -> (0)>
module attributes {stable_mosaic.version = 14 : i64} {
  func.func @k(%arg0: i32, %arg1: i32, %arg2: memref<2048x128xf32, #tpu.memory_space<hbm>>, %arg3: memref<16384xi32, #tpu.memory_space<hbm>>, %arg4: memref<16384xi32, #tpu.memory_space<hbm>>, %arg5: memref<2048x128xf32, #tpu.memory_space<hbm>>, %arg6: memref<64xi32, #tpu.memory_space<vmem>>, %arg7: memref<64xi32, #tpu.memory_space<vmem>>, %arg8: memref<64x128xf32, #tpu.memory_space<vmem>>, %arg9: memref<2048x128xf32, #tpu.memory_space<vmem_shared>>, %arg10: memref<!tpu.dma_semaphore, #tpu.memory_space<semaphore_mem>>) attributes {dimension_semantics = [#tpu.dimension_semantics<core_parallel>, #tpu.dimension_semantics<subcore_parallel>], iteration_bounds = array<i64: 2, 16>, scalar_prefetch = 0 : i64, scratch_operands = 5 : i64, tpu.core_type = #tpu.core_type<sc_vector_subcore>, window_params = [{transform_indices = #map}, {transform_indices = #map1}, {transform_indices = #map1}, {transform_indices = #map}]} {
    %eq3A = arith.constant 0 : i32
    %eq3A_0 = arith.cmpi eq, %arg0, %eq3A : i32
    %convert_element_type3A = arith.extui %eq3A_0 : i1 to i32
    %cond3A = arith.constant 0 : i32
    %cond3A_1 = arith.cmpi ne, %convert_element_type3A, %cond3A : i32
    scf.if %cond3A_1 {
      %scan3A = arith.constant 0 : i32
      %scan3A_13 = arith.constant 0 : i32
      %scan3A_14 = arith.constant 64 : i32
      %scan3A_15 = arith.addi %scan3A_13, %scan3A_14 : i32
      %scan3A_16 = arith.constant 1 : i32
      %scan3A_17 = scf.for %scan3A_25 = %scan3A_13 to %scan3A_15 step %scan3A_16 iter_args(%scan3A_26 = %scan3A) -> (i32)  : i32 {
        %broadcast_in_dim3A = arith.constant 0.000000e+00 : f32
        %broadcast_in_dim3A_27 = vector.broadcast %broadcast_in_dim3A : f32 to vector<16xf32>
        %swap3A = arith.index_cast %scan3A_25 : i32 to index
        %swap3A_28 = arith.constant 0 : index
        %swap3A_29 = tpu.vector_load %arg8[%swap3A, %swap3A_28] {strides = array<i32>} : memref<64x128xf32, #tpu.memory_space<vmem>>, vector<1x16xf32>,
        %swap3A_30 = vector.shape_cast %swap3A_29 : vector<1x16xf32> to vector<16xf32>
        %swap3A_31 = vector.shape_cast %broadcast_in_dim3A_27 : vector<16xf32> to vector<1x16xf32>
        tpu.vector_store %arg8[%swap3A, %swap3A_28], %swap3A_31 {strides = array<i32>} : memref<64x128xf32, #tpu.memory_space<vmem>>, vector<1x16xf32>,
        %broadcast_in_dim3A_32 = arith.constant 0.000000e+00 : f32
        %broadcast_in_dim3A_33 = vector.broadcast %broadcast_in_dim3A_32 : f32 to vector<16xf32>
        %swap3A_34 = arith.index_cast %scan3A_25 : i32 to index
        %swap3A_35 = arith.constant 16 : index
        %swap3A_36 = tpu.vector_load %arg8[%swap3A_34, %swap3A_35] {strides = array<i32>} : memref<64x128xf32, #tpu.memory_space<vmem>>, vector<1x16xf32>,
        %swap3A_37 = vector.shape_cast %swap3A_36 : vector<1x16xf32> to vector<16xf32>
        %swap3A_38 = vector.shape_cast %broadcast_in_dim3A_33 : vector<16xf32> to vector<1x16xf32>
        tpu.vector_store %arg8[%swap3A_34, %swap3A_35], %swap3A_38 {strides = array<i32>} : memref<64x128xf32, #tpu.memory_space<vmem>>, vector<1x16xf32>,
        %broadcast_in_dim3A_39 = arith.constant 0.000000e+00 : f32
        %broadcast_in_dim3A_40 = vector.broadcast %broadcast_in_dim3A_39 : f32 to vector<16xf32>
        %swap3A_41 = arith.index_cast %scan3A_25 : i32 to index
        %swap3A_42 = arith.constant 32 : index
        %swap3A_43 = tpu.vector_load %arg8[%swap3A_41, %swap3A_42] {strides = array<i32>} : memref<64x128xf32, #tpu.memory_space<vmem>>, vector<1x16xf32>,
        %swap3A_44 = vector.shape_cast %swap3A_43 : vector<1x16xf32> to vector<16xf32>
        %swap3A_45 = vector.shape_cast %broadcast_in_dim3A_40 : vector<16xf32> to vector<1x16xf32>
        tpu.vector_store %arg8[%swap3A_41, %swap3A_42], %swap3A_45 {strides = array<i32>} : memref<64x128xf32, #tpu.memory_space<vmem>>, vector<1x16xf32>,
        %broadcast_in_dim3A_46 = arith.constant 0.000000e+00 : f32
        %broadcast_in_dim3A_47 = vector.broadcast %broadcast_in_dim3A_46 : f32 to vector<16xf32>
        %swap3A_48 = arith.index_cast %scan3A_25 : i32 to index
        %swap3A_49 = arith.constant 48 : index
        %swap3A_50 = tpu.vector_load %arg8[%swap3A_48, %swap3A_49] {strides = array<i32>} : memref<64x128xf32, #tpu.memory_space<vmem>>, vector<1x16xf32>,
        %swap3A_51 = vector.shape_cast %swap3A_50 : vector<1x16xf32> to vector<16xf32>
        %swap3A_52 = vector.shape_cast %broadcast_in_dim3A_47 : vector<16xf32> to vector<1x16xf32>
        tpu.vector_store %arg8[%swap3A_48, %swap3A_49], %swap3A_52 {strides = array<i32>} : memref<64x128xf32, #tpu.memory_space<vmem>>, vector<1x16xf32>,
        %broadcast_in_dim3A_53 = arith.constant 0.000000e+00 : f32
        %broadcast_in_dim3A_54 = vector.broadcast %broadcast_in_dim3A_53 : f32 to vector<16xf32>
        %swap3A_55 = arith.index_cast %scan3A_25 : i32 to index
        %swap3A_56 = arith.constant 64 : index
        %swap3A_57 = tpu.vector_load %arg8[%swap3A_55, %swap3A_56] {strides = array<i32>} : memref<64x128xf32, #tpu.memory_space<vmem>>, vector<1x16xf32>,
        %swap3A_58 = vector.shape_cast %swap3A_57 : vector<1x16xf32> to vector<16xf32>
        %swap3A_59 = vector.shape_cast %broadcast_in_dim3A_54 : vector<16xf32> to vector<1x16xf32>
        tpu.vector_store %arg8[%swap3A_55, %swap3A_56], %swap3A_59 {strides = array<i32>} : memref<64x128xf32, #tpu.memory_space<vmem>>, vector<1x16xf32>,
        %broadcast_in_dim3A_60 = arith.constant 0.000000e+00 : f32
        %broadcast_in_dim3A_61 = vector.broadcast %broadcast_in_dim3A_60 : f32 to vector<16xf32>
        %swap3A_62 = arith.index_cast %scan3A_25 : i32 to index
        %swap3A_63 = arith.constant 80 : index
        %swap3A_64 = tpu.vector_load %arg8[%swap3A_62, %swap3A_63] {strides = array<i32>} : memref<64x128xf32, #tpu.memory_space<vmem>>, vector<1x16xf32>,
        %swap3A_65 = vector.shape_cast %swap3A_64 : vector<1x16xf32> to vector<16xf32>
        %swap3A_66 = vector.shape_cast %broadcast_in_dim3A_61 : vector<16xf32> to vector<1x16xf32>
        tpu.vector_store %arg8[%swap3A_62, %swap3A_63], %swap3A_66 {strides = array<i32>} : memref<64x128xf32, #tpu.memory_space<vmem>>, vector<1x16xf32>,
        %broadcast_in_dim3A_67 = arith.constant 0.000000e+00 : f32
        %broadcast_in_dim3A_68 = vector.broadcast %broadcast_in_dim3A_67 : f32 to vector<16xf32>
        %swap3A_69 = arith.index_cast %scan3A_25 : i32 to index
        %swap3A_70 = arith.constant 96 : index
        %swap3A_71 = tpu.vector_load %arg8[%swap3A_69, %swap3A_70] {strides = array<i32>} : memref<64x128xf32, #tpu.memory_space<vmem>>, vector<1x16xf32>,
        %swap3A_72 = vector.shape_cast %swap3A_71 : vector<1x16xf32> to vector<16xf32>
        %swap3A_73 = vector.shape_cast %broadcast_in_dim3A_68 : vector<16xf32> to vector<1x16xf32>
        tpu.vector_store %arg8[%swap3A_69, %swap3A_70], %swap3A_73 {strides = array<i32>} : memref<64x128xf32, #tpu.memory_space<vmem>>, vector<1x16xf32>,
        %broadcast_in_dim3A_74 = arith.constant 0.000000e+00 : f32
        %broadcast_in_dim3A_75 = vector.broadcast %broadcast_in_dim3A_74 : f32 to vector<16xf32>
        %swap3A_76 = arith.index_cast %scan3A_25 : i32 to index
        %swap3A_77 = arith.constant 112 : index
        %swap3A_78 = tpu.vector_load %arg8[%swap3A_76, %swap3A_77] {strides = array<i32>} : memref<64x128xf32, #tpu.memory_space<vmem>>, vector<1x16xf32>,
        %swap3A_79 = vector.shape_cast %swap3A_78 : vector<1x16xf32> to vector<16xf32>
        %swap3A_80 = vector.shape_cast %broadcast_in_dim3A_75 : vector<16xf32> to vector<1x16xf32>
        tpu.vector_store %arg8[%swap3A_76, %swap3A_77], %swap3A_80 {strides = array<i32>} : memref<64x128xf32, #tpu.memory_space<vmem>>, vector<1x16xf32>,
        %scan3A_81 = arith.constant 0 : i32
        scf.yield %scan3A_81 : i32
      }
      %scan3A_18 = arith.constant 64 : i32
      %mul3A = arith.constant 128 : i32
      %mul3A_19 = arith.muli %arg1, %mul3A : i32
      %add3A = arith.constant 0 : i32
      %add3A_20 = arith.addi %mul3A_19, %add3A : i32
      "tpu.region"() ({
        %run_scoped3A = tpu.sem_alloc : memref<!tpu.dma_semaphore, #tpu.memory_space<semaphore_mem>>
        %dma_start3A = arith.constant 0 : i32
        %dma_start3A_25 = tpu.memref_slice %arg9[%add3A_20, %dma_start3A] : memref<2048x128xf32, #tpu.memory_space<vmem_shared>> -> memref<64x128xf32, #tpu.memory_space<vmem_shared>>
        %dma_start3A_26 = arith.constant 0 : i32
        %dma_start3A_27 = tpu.memref_slice %arg9[%add3A_20, %dma_start3A_26] : memref<2048x128xf32, #tpu.memory_space<vmem_shared>> -> memref<64x128xf32, #tpu.memory_space<vmem_shared>>
        tpu.enqueue_dma source(%arg8 : memref<64x128xf32, #tpu.memory_space<vmem>>) target(%dma_start3A_27 : memref<64x128xf32, #tpu.memory_space<vmem_shared>>) target_semaphore(%run_scoped3A : memref<!tpu.dma_semaphore, #tpu.memory_space<semaphore_mem>>)
        %dma_wait3A = arith.constant 0 : i32
        %dma_wait3A_28 = tpu.memref_slice %arg9[%add3A_20, %dma_wait3A] : memref<2048x128xf32, #tpu.memory_space<vmem_shared>> -> memref<64x128xf32, #tpu.memory_space<vmem_shared>>
        %dma_wait3A_29 = arith.constant 0 : i32
        %dma_wait3A_30 = tpu.memref_slice %arg9[%add3A_20, %dma_wait3A_29] : memref<2048x128xf32, #tpu.memory_space<vmem_shared>> -> memref<64x128xf32, #tpu.memory_space<vmem_shared>>
        tpu.wait_dma2 semaphore(%run_scoped3A : memref<!tpu.dma_semaphore, #tpu.memory_space<semaphore_mem>>) src(%arg8 : memref<64x128xf32, #tpu.memory_space<vmem>>) dst(%dma_wait3A_30 : memref<64x128xf32, #tpu.memory_space<vmem_shared>>)
        tpu.yield
      }) : () -> ()
      %mul3A_21 = arith.constant 128 : i32
      %mul3A_22 = arith.muli %arg1, %mul3A_21 : i32
      %add3A_23 = arith.constant 64 : i32
      %add3A_24 = arith.addi %mul3A_22, %add3A_23 : i32
      "tpu.region"() ({
        %run_scoped3A = tpu.sem_alloc : memref<!tpu.dma_semaphore, #tpu.memory_space<semaphore_mem>>
        %dma_start3A = arith.constant 0 : i32
        %dma_start3A_25 = tpu.memref_slice %arg9[%add3A_24, %dma_start3A] : memref<2048x128xf32, #tpu.memory_space<vmem_shared>> -> memref<64x128xf32, #tpu.memory_space<vmem_shared>>
        %dma_start3A_26 = arith.constant 0 : i32
        %dma_start3A_27 = tpu.memref_slice %arg9[%add3A_24, %dma_start3A_26] : memref<2048x128xf32, #tpu.memory_space<vmem_shared>> -> memref<64x128xf32, #tpu.memory_space<vmem_shared>>
        tpu.enqueue_dma source(%arg8 : memref<64x128xf32, #tpu.memory_space<vmem>>) target(%dma_start3A_27 : memref<64x128xf32, #tpu.memory_space<vmem_shared>>) target_semaphore(%run_scoped3A : memref<!tpu.dma_semaphore, #tpu.memory_space<semaphore_mem>>)
        %dma_wait3A = arith.constant 0 : i32
        %dma_wait3A_28 = tpu.memref_slice %arg9[%add3A_24, %dma_wait3A] : memref<2048x128xf32, #tpu.memory_space<vmem_shared>> -> memref<64x128xf32, #tpu.memory_space<vmem_shared>>
        %dma_wait3A_29 = arith.constant 0 : i32
        %dma_wait3A_30 = tpu.memref_slice %arg9[%add3A_24, %dma_wait3A_29] : memref<2048x128xf32, #tpu.memory_space<vmem_shared>> -> memref<64x128xf32, #tpu.memory_space<vmem_shared>>
        tpu.wait_dma2 semaphore(%run_scoped3A : memref<!tpu.dma_semaphore, #tpu.memory_space<semaphore_mem>>) src(%arg8 : memref<64x128xf32, #tpu.memory_space<vmem>>) dst(%dma_wait3A_30 : memref<64x128xf32, #tpu.memory_space<vmem_shared>>)
        tpu.yield
      }) : () -> ()
    } else {
    }
    %barrier3A = arith.constant 0 : index
    tpu.barrier barrier_id(%barrier3A)
    %eq3A_2 = arith.constant 0 : i32
    %eq3A_3 = arith.cmpi eq, %arg0, %eq3A_2 : i32
    %convert_element_type3A_4 = arith.extui %eq3A_3 : i1 to i32
    %cond3A_5 = arith.constant 0 : i32
    %cond3A_6 = arith.cmpi ne, %convert_element_type3A_4, %cond3A_5 : i32
    scf.if %cond3A_6 {
      %scan3A = arith.constant 0 : i32
      %scan3A_13 = arith.constant 0 : i32
      %scan3A_14 = arith.constant 16 : i32
      %scan3A_15 = arith.addi %scan3A_13, %scan3A_14 : i32
      %scan3A_16 = arith.constant 1 : i32
      %scan3A_17 = scf.for %scan3A_19 = %scan3A_13 to %scan3A_15 step %scan3A_16 iter_args(%scan3A_20 = %scan3A) -> (i32)  : i32 {
        %mul3A = arith.constant 1024 : i32
        %mul3A_21 = arith.muli %arg1, %mul3A : i32
        %mul3A_22 = arith.constant 64 : i32
        %mul3A_23 = arith.muli %scan3A_19, %mul3A_22 : i32
        %add3A = arith.addi %mul3A_21, %mul3A_23 : i32
        %multiple_of3A = tpu.assume_multiple %add3A, 8 : i32
        "tpu.region"() ({
          %run_scoped3A = tpu.sem_alloc : memref<!tpu.dma_semaphore, #tpu.memory_space<semaphore_mem>>
          %dma_start3A_29 = tpu.memref_slice %arg3[%multiple_of3A] : memref<16384xi32, #tpu.memory_space<hbm>> -> memref<64xi32, #tpu.memory_space<hbm>>
          %dma_start3A_30 = tpu.memref_slice %arg3[%multiple_of3A] : memref<16384xi32, #tpu.memory_space<hbm>> -> memref<64xi32, #tpu.memory_space<hbm>>
          tpu.enqueue_dma source(%dma_start3A_30 : memref<64xi32, #tpu.memory_space<hbm>>) target(%arg6 : memref<64xi32, #tpu.memory_space<vmem>>) target_semaphore(%run_scoped3A : memref<!tpu.dma_semaphore, #tpu.memory_space<semaphore_mem>>)
          %dma_wait3A_31 = tpu.memref_slice %arg3[%multiple_of3A] : memref<16384xi32, #tpu.memory_space<hbm>> -> memref<64xi32, #tpu.memory_space<hbm>>
          %dma_wait3A_32 = tpu.memref_slice %arg3[%multiple_of3A] : memref<16384xi32, #tpu.memory_space<hbm>> -> memref<64xi32, #tpu.memory_space<hbm>>
          tpu.wait_dma2 semaphore(%run_scoped3A : memref<!tpu.dma_semaphore, #tpu.memory_space<semaphore_mem>>) src(%dma_wait3A_32 : memref<64xi32, #tpu.memory_space<hbm>>) dst(%arg6 : memref<64xi32, #tpu.memory_space<vmem>>)
          tpu.yield
        }) : () -> ()
        "tpu.region"() ({
          %run_scoped3A = tpu.sem_alloc : memref<!tpu.dma_semaphore, #tpu.memory_space<semaphore_mem>>
          %dma_start3A_29 = tpu.memref_slice %arg4[%multiple_of3A] : memref<16384xi32, #tpu.memory_space<hbm>> -> memref<64xi32, #tpu.memory_space<hbm>>
          %dma_start3A_30 = tpu.memref_slice %arg4[%multiple_of3A] : memref<16384xi32, #tpu.memory_space<hbm>> -> memref<64xi32, #tpu.memory_space<hbm>>
          tpu.enqueue_dma source(%dma_start3A_30 : memref<64xi32, #tpu.memory_space<hbm>>) target(%arg7 : memref<64xi32, #tpu.memory_space<vmem>>) target_semaphore(%run_scoped3A : memref<!tpu.dma_semaphore, #tpu.memory_space<semaphore_mem>>)
          %dma_wait3A_31 = tpu.memref_slice %arg4[%multiple_of3A] : memref<16384xi32, #tpu.memory_space<hbm>> -> memref<64xi32, #tpu.memory_space<hbm>>
          %dma_wait3A_32 = tpu.memref_slice %arg4[%multiple_of3A] : memref<16384xi32, #tpu.memory_space<hbm>> -> memref<64xi32, #tpu.memory_space<hbm>>
          tpu.wait_dma2 semaphore(%run_scoped3A : memref<!tpu.dma_semaphore, #tpu.memory_space<semaphore_mem>>) src(%dma_wait3A_32 : memref<64xi32, #tpu.memory_space<hbm>>) dst(%arg7 : memref<64xi32, #tpu.memory_space<vmem>>)
          tpu.yield
        }) : () -> ()
        %dma_start3A = arith.constant 0 : i32
        %dma_start3A_24 = arith.constant 0 : i32
        %dma_start3A_25 = tpu.memref_slice %arg2[%dma_start3A, %dma_start3A_24] : memref<2048x128xf32, #tpu.memory_space<hbm>> -> memref<2048x128xf32, #tpu.memory_space<hbm>>
        tpu.enqueue_indirect_dma source(%dma_start3A_25 : memref<2048x128xf32, #tpu.memory_space<hbm>>) target(%arg8 : memref<64x128xf32, #tpu.memory_space<vmem>>) offsets(%arg6 : memref<64xi32, #tpu.memory_space<vmem>>) semaphore(%arg10 : memref<!tpu.dma_semaphore, #tpu.memory_space<semaphore_mem>>)
        %dma_wait3A = arith.constant 0 : i32
        %dma_wait3A_26 = arith.constant 0 : i32
        %dma_wait3A_27 = tpu.memref_slice %arg2[%dma_wait3A, %dma_wait3A_26] : memref<2048x128xf32, #tpu.memory_space<hbm>> -> memref<2048x128xf32, #tpu.memory_space<hbm>>
        tpu.wait_indirect_dma semaphore(%arg10 : memref<!tpu.dma_semaphore, #tpu.memory_space<semaphore_mem>>) src(%dma_wait3A_27 : memref<2048x128xf32, #tpu.memory_space<hbm>>) dst(%arg8 : memref<64x128xf32, #tpu.memory_space<vmem>>)
        "tpu.region"() ({
          %run_scoped3A = tpu.sem_alloc : memref<!tpu.dma_semaphore, #tpu.memory_space<semaphore_mem>>
          %dma_start3A_29 = arith.constant 0 : i32
          %dma_start3A_30 = arith.constant 0 : i32
          %dma_start3A_31 = tpu.memref_slice %arg9[%dma_start3A_29, %dma_start3A_30] : memref<2048x128xf32, #tpu.memory_space<vmem_shared>> -> memref<2048x128xf32, #tpu.memory_space<vmem_shared>>
          tpu.enqueue_indirect_dma source(%arg8 : memref<64x128xf32, #tpu.memory_space<vmem>>) target(%dma_start3A_31 : memref<2048x128xf32, #tpu.memory_space<vmem_shared>>) offsets(%arg7 : memref<64xi32, #tpu.memory_space<vmem>>) semaphore(%run_scoped3A : memref<!tpu.dma_semaphore, #tpu.memory_space<semaphore_mem>>) {add = true}
          %dma_wait3A_32 = arith.constant 0 : i32
          %dma_wait3A_33 = arith.constant 0 : i32
          %dma_wait3A_34 = tpu.memref_slice %arg9[%dma_wait3A_32, %dma_wait3A_33] : memref<2048x128xf32, #tpu.memory_space<vmem_shared>> -> memref<2048x128xf32, #tpu.memory_space<vmem_shared>>
          tpu.wait_indirect_dma semaphore(%run_scoped3A : memref<!tpu.dma_semaphore, #tpu.memory_space<semaphore_mem>>) src(%arg8 : memref<64x128xf32, #tpu.memory_space<vmem>>) dst(%dma_wait3A_34 : memref<2048x128xf32, #tpu.memory_space<vmem_shared>>)
          tpu.yield
        }) : () -> ()
        %scan3A_28 = arith.constant 0 : i32
        scf.yield %scan3A_28 : i32
      }
      %scan3A_18 = arith.constant 16 : i32
    } else {
    }
    %barrier3A_7 = arith.constant 0 : index
    tpu.barrier barrier_id(%barrier3A_7)
    %eq3A_8 = arith.constant 0 : i32
    %eq3A_9 = arith.cmpi eq, %arg0, %eq3A_8 : i32
    %convert_element_type3A_10 = arith.extui %eq3A_9 : i1 to i32
    %cond3A_11 = arith.constant 0 : i32
    %cond3A_12 = arith.cmpi ne, %convert_element_type3A_10, %cond3A_11 : i32
    scf.if %cond3A_12 {
      %mul3A = arith.constant 128 : i32
      %mul3A_13 = arith.muli %arg1, %mul3A : i32
      %mul3A_14 = arith.constant 128 : i32
      %mul3A_15 = arith.muli %arg1, %mul3A_14 : i32
      "tpu.region"() ({
        %run_scoped3A = tpu.sem_alloc : memref<!tpu.dma_semaphore, #tpu.memory_space<semaphore_mem>>
        %dma_start3A = arith.constant 0 : i32
        %dma_start3A_16 = tpu.memref_slice %arg5[%mul3A_15, %dma_start3A] : memref<2048x128xf32, #tpu.memory_space<hbm>> -> memref<128x128xf32, #tpu.memory_space<hbm>>
        %dma_start3A_17 = arith.constant 0 : i32
        %dma_start3A_18 = tpu.memref_slice %arg9[%mul3A_13, %dma_start3A_17] : memref<2048x128xf32, #tpu.memory_space<vmem_shared>> -> memref<128x128xf32, #tpu.memory_space<vmem_shared>>
        tpu.enqueue_dma source(%dma_start3A_18 : memref<128x128xf32, #tpu.memory_space<vmem_shared>>) target(%dma_start3A_16 : memref<128x128xf32, #tpu.memory_space<hbm>>) target_semaphore(%run_scoped3A : memref<!tpu.dma_semaphore, #tpu.memory_space<semaphore_mem>>)
        %dma_wait3A = arith.constant 0 : i32
        %dma_wait3A_19 = tpu.memref_slice %arg5[%mul3A_15, %dma_wait3A] : memref<2048x128xf32, #tpu.memory_space<hbm>> -> memref<128x128xf32, #tpu.memory_space<hbm>>
        %dma_wait3A_20 = arith.constant 0 : i32
        %dma_wait3A_21 = tpu.memref_slice %arg9[%mul3A_13, %dma_wait3A_20] : memref<2048x128xf32, #tpu.memory_space<vmem_shared>> -> memref<128x128xf32, #tpu.memory_space<vmem_shared>>
        tpu.wait_dma2 semaphore(%run_scoped3A : memref<!tpu.dma_semaphore, #tpu.memory_space<semaphore_mem>>) src(%dma_wait3A_21 : memref<128x128xf32, #tpu.memory_space<vmem_shared>>) dst(%dma_wait3A_19 : memref<128x128xf32, #tpu.memory_space<hbm>>)
        tpu.yield
      }) : () -> ()
    } else {
    }
    return
  }
}

#map = affine_map<(d0, d1) -> (0, 0)>
#map1 = affine_map<(d0, d1) -> (0)>
module attributes {stable_mosaic.version = 14 : i64} {
  func.func @k(%arg0: i32, %arg1: i32, %arg2: memref<2048x128xf32, #tpu.memory_space<hbm>>, %arg3: memref<16384xi32, #tpu.memory_space<hbm>>, %arg4: memref<16384xi32, #tpu.memory_space<hbm>>, %arg5: memref<2048x128xf32, #tpu.memory_space<hbm>>, %arg6: memref<64xi32, #tpu.memory_space<vmem>>, %arg7: memref<64xi32, #tpu.memory_space<vmem>>, %arg8: memref<64x128xf32, #tpu.memory_space<vmem>>, %arg9: memref<2048x128xf32, #tpu.memory_space<vmem_shared>>, %arg10: memref<!tpu.dma_semaphore, #tpu.memory_space<semaphore_mem>>) attributes {dimension_semantics = [#tpu.dimension_semantics<core_parallel>, #tpu.dimension_semantics<subcore_parallel>], iteration_bounds = array<i64: 2, 16>, scalar_prefetch = 0 : i64, scratch_operands = 5 : i64, tpu.core_type = #tpu.core_type<sc_vector_subcore>, window_params = [{transform_indices = #map}, {transform_indices = #map1}, {transform_indices = #map1}, {transform_indices = #map}]} {
    %eq3A = arith.constant 0 : i32
    %eq3A_0 = arith.cmpi eq, %arg0, %eq3A : i32
    %convert_element_type3A = arith.extui %eq3A_0 : i1 to i32
    %cond3A = arith.constant 0 : i32
    %cond3A_1 = arith.cmpi ne, %convert_element_type3A, %cond3A : i32
    scf.if %cond3A_1 {
      %scan3A = arith.constant 0 : i32
      %scan3A_13 = arith.constant 0 : i32
      %scan3A_14 = arith.constant 64 : i32
      %scan3A_15 = arith.addi %scan3A_13, %scan3A_14 : i32
      %scan3A_16 = arith.constant 1 : i32
      %scan3A_17 = scf.for %scan3A_25 = %scan3A_13 to %scan3A_15 step %scan3A_16 iter_args(%scan3A_26 = %scan3A) -> (i32)  : i32 {
        %broadcast_in_dim3A = arith.constant 0.000000e+00 : f32
        %broadcast_in_dim3A_27 = vector.broadcast %broadcast_in_dim3A : f32 to vector<16xf32>
        %swap3A = arith.index_cast %scan3A_25 : i32 to index
        %swap3A_28 = arith.constant 0 : index
        %swap3A_29 = tpu.vector_load %arg8[%swap3A, %swap3A_28] {strides = array<i32>} : memref<64x128xf32, #tpu.memory_space<vmem>>, vector<1x16xf32>,
        %swap3A_30 = vector.shape_cast %swap3A_29 : vector<1x16xf32> to vector<16xf32>
        %swap3A_31 = vector.shape_cast %broadcast_in_dim3A_27 : vector<16xf32> to vector<1x16xf32>
        tpu.vector_store %arg8[%swap3A, %swap3A_28], %swap3A_31 {strides = array<i32>} : memref<64x128xf32, #tpu.memory_space<vmem>>, vector<1x16xf32>,
        %broadcast_in_dim3A_32 = arith.constant 0.000000e+00 : f32
        %broadcast_in_dim3A_33 = vector.broadcast %broadcast_in_dim3A_32 : f32 to vector<16xf32>
        %swap3A_34 = arith.index_cast %scan3A_25 : i32 to index
        %swap3A_35 = arith.constant 16 : index
        %swap3A_36 = tpu.vector_load %arg8[%swap3A_34, %swap3A_35] {strides = array<i32>} : memref<64x128xf32, #tpu.memory_space<vmem>>, vector<1x16xf32>,
        %swap3A_37 = vector.shape_cast %swap3A_36 : vector<1x16xf32> to vector<16xf32>
        %swap3A_38 = vector.shape_cast %broadcast_in_dim3A_33 : vector<16xf32> to vector<1x16xf32>
        tpu.vector_store %arg8[%swap3A_34, %swap3A_35], %swap3A_38 {strides = array<i32>} : memref<64x128xf32, #tpu.memory_space<vmem>>, vector<1x16xf32>,
        %broadcast_in_dim3A_39 = arith.constant 0.000000e+00 : f32
        %broadcast_in_dim3A_40 = vector.broadcast %broadcast_in_dim3A_39 : f32 to vector<16xf32>
        %swap3A_41 = arith.index_cast %scan3A_25 : i32 to index
        %swap3A_42 = arith.constant 32 : index
        %swap3A_43 = tpu.vector_load %arg8[%swap3A_41, %swap3A_42] {strides = array<i32>} : memref<64x128xf32, #tpu.memory_space<vmem>>, vector<1x16xf32>,
        %swap3A_44 = vector.shape_cast %swap3A_43 : vector<1x16xf32> to vector<16xf32>
        %swap3A_45 = vector.shape_cast %broadcast_in_dim3A_40 : vector<16xf32> to vector<1x16xf32>
        tpu.vector_store %arg8[%swap3A_41, %swap3A_42], %swap3A_45 {strides = array<i32>} : memref<64x128xf32, #tpu.memory_space<vmem>>, vector<1x16xf32>,
        %broadcast_in_dim3A_46 = arith.constant 0.000000e+00 : f32
        %broadcast_in_dim3A_47 = vector.broadcast %broadcast_in_dim3A_46 : f32 to vector<16xf32>
        %swap3A_48 = arith.index_cast %scan3A_25 : i32 to index
        %swap3A_49 = arith.constant 48 : index
        %swap3A_50 = tpu.vector_load %arg8[%swap3A_48, %swap3A_49] {strides = array<i32>} : memref<64x128xf32, #tpu.memory_space<vmem>>, vector<1x16xf32>,
        %swap3A_51 = vector.shape_cast %swap3A_50 : vector<1x16xf32> to vector<16xf32>
        %swap3A_52 = vector.shape_cast %broadcast_in_dim3A_47 : vector<16xf32> to vector<1x16xf32>
        tpu.vector_store %arg8[%swap3A_48, %swap3A_49], %swap3A_52 {strides = array<i32>} : memref<64x128xf32, #tpu.memory_space<vmem>>, vector<1x16xf32>,
        %broadcast_in_dim3A_53 = arith.constant 0.000000e+00 : f32
        %broadcast_in_dim3A_54 = vector.broadcast %broadcast_in_dim3A_53 : f32 to vector<16xf32>
        %swap3A_55 = arith.index_cast %scan3A_25 : i32 to index
        %swap3A_56 = arith.constant 64 : index
        %swap3A_57 = tpu.vector_load %arg8[%swap3A_55, %swap3A_56] {strides = array<i32>} : memref<64x128xf32, #tpu.memory_space<vmem>>, vector<1x16xf32>,
        %swap3A_58 = vector.shape_cast %swap3A_57 : vector<1x16xf32> to vector<16xf32>
        %swap3A_59 = vector.shape_cast %broadcast_in_dim3A_54 : vector<16xf32> to vector<1x16xf32>
        tpu.vector_store %arg8[%swap3A_55, %swap3A_56], %swap3A_59 {strides = array<i32>} : memref<64x128xf32, #tpu.memory_space<vmem>>, vector<1x16xf32>,
        %broadcast_in_dim3A_60 = arith.constant 0.000000e+00 : f32
        %broadcast_in_dim3A_61 = vector.broadcast %broadcast_in_dim3A_60 : f32 to vector<16xf32>
        %swap3A_62 = arith.index_cast %scan3A_25 : i32 to index
        %swap3A_63 = arith.constant 80 : index
        %swap3A_64 = tpu.vector_load %arg8[%swap3A_62, %swap3A_63] {strides = array<i32>} : memref<64x128xf32, #tpu.memory_space<vmem>>, vector<1x16xf32>,
        %swap3A_65 = vector.shape_cast %swap3A_64 : vector<1x16xf32> to vector<16xf32>
        %swap3A_66 = vector.shape_cast %broadcast_in_dim3A_61 : vector<16xf32> to vector<1x16xf32>
        tpu.vector_store %arg8[%swap3A_62, %swap3A_63], %swap3A_66 {strides = array<i32>} : memref<64x128xf32, #tpu.memory_space<vmem>>, vector<1x16xf32>,
        %broadcast_in_dim3A_67 = arith.constant 0.000000e+00 : f32
        %broadcast_in_dim3A_68 = vector.broadcast %broadcast_in_dim3A_67 : f32 to vector<16xf32>
        %swap3A_69 = arith.index_cast %scan3A_25 : i32 to index
        %swap3A_70 = arith.constant 96 : index
        %swap3A_71 = tpu.vector_load %arg8[%swap3A_69, %swap3A_70] {strides = array<i32>} : memref<64x128xf32, #tpu.memory_space<vmem>>, vector<1x16xf32>,
        %swap3A_72 = vector.shape_cast %swap3A_71 : vector<1x16xf32> to vector<16xf32>
        %swap3A_73 = vector.shape_cast %broadcast_in_dim3A_68 : vector<16xf32> to vector<1x16xf32>
        tpu.vector_store %arg8[%swap3A_69, %swap3A_70], %swap3A_73 {strides = array<i32>} : memref<64x128xf32, #tpu.memory_space<vmem>>, vector<1x16xf32>,
        %broadcast_in_dim3A_74 = arith.constant 0.000000e+00 : f32
        %broadcast_in_dim3A_75 = vector.broadcast %broadcast_in_dim3A_74 : f32 to vector<16xf32>
        %swap3A_76 = arith.index_cast %scan3A_25 : i32 to index
        %swap3A_77 = arith.constant 112 : index
        %swap3A_78 = tpu.vector_load %arg8[%swap3A_76, %swap3A_77] {strides = array<i32>} : memref<64x128xf32, #tpu.memory_space<vmem>>, vector<1x16xf32>,
        %swap3A_79 = vector.shape_cast %swap3A_78 : vector<1x16xf32> to vector<16xf32>
        %swap3A_80 = vector.shape_cast %broadcast_in_dim3A_75 : vector<16xf32> to vector<1x16xf32>
        tpu.vector_store %arg8[%swap3A_76, %swap3A_77], %swap3A_80 {strides = array<i32>} : memref<64x128xf32, #tpu.memory_space<vmem>>, vector<1x16xf32>,
        %scan3A_81 = arith.constant 0 : i32
        scf.yield %scan3A_81 : i32
      }
      %scan3A_18 = arith.constant 64 : i32
      %mul3A = arith.constant 128 : i32
      %mul3A_19 = arith.muli %arg1, %mul3A : i32
      %add3A = arith.constant 0 : i32
      %add3A_20 = arith.addi %mul3A_19, %add3A : i32
      "tpu.region"() ({
        %run_scoped3A = tpu.sem_alloc : memref<!tpu.dma_semaphore, #tpu.memory_space<semaphore_mem>>
        %dma_start3A = arith.constant 0 : i32
        %dma_start3A_25 = tpu.memref_slice %arg9[%add3A_20, %dma_start3A] : memref<2048x128xf32, #tpu.memory_space<vmem_shared>> -> memref<64x128xf32, #tpu.memory_space<vmem_shared>>
        %dma_start3A_26 = arith.constant 0 : i32
        %dma_start3A_27 = tpu.memref_slice %arg9[%add3A_20, %dma_start3A_26] : memref<2048x128xf32, #tpu.memory_space<vmem_shared>> -> memref<64x128xf32, #tpu.memory_space<vmem_shared>>
        tpu.enqueue_dma source(%arg8 : memref<64x128xf32, #tpu.memory_space<vmem>>) target(%dma_start3A_27 : memref<64x128xf32, #tpu.memory_space<vmem_shared>>) target_semaphore(%run_scoped3A : memref<!tpu.dma_semaphore, #tpu.memory_space<semaphore_mem>>)
        %dma_wait3A = arith.constant 0 : i32
        %dma_wait3A_28 = tpu.memref_slice %arg9[%add3A_20, %dma_wait3A] : memref<2048x128xf32, #tpu.memory_space<vmem_shared>> -> memref<64x128xf32, #tpu.memory_space<vmem_shared>>
        %dma_wait3A_29 = arith.constant 0 : i32
        %dma_wait3A_30 = tpu.memref_slice %arg9[%add3A_20, %dma_wait3A_29] : memref<2048x128xf32, #tpu.memory_space<vmem_shared>> -> memref<64x128xf32, #tpu.memory_space<vmem_shared>>
        tpu.wait_dma2 semaphore(%run_scoped3A : memref<!tpu.dma_semaphore, #tpu.memory_space<semaphore_mem>>) src(%arg8 : memref<64x128xf32, #tpu.memory_space<vmem>>) dst(%dma_wait3A_30 : memref<64x128xf32, #tpu.memory_space<vmem_shared>>)
        tpu.yield
      }) : () -> ()
      %mul3A_21 = arith.constant 128 : i32
      %mul3A_22 = arith.muli %arg1, %mul3A_21 : i32
      %add3A_23 = arith.constant 64 : i32
      %add3A_24 = arith.addi %mul3A_22, %add3A_23 : i32
      "tpu.region"() ({
        %run_scoped3A = tpu.sem_alloc : memref<!tpu.dma_semaphore, #tpu.memory_space<semaphore_mem>>
        %dma_start3A = arith.constant 0 : i32
        %dma_start3A_25 = tpu.memref_slice %arg9[%add3A_24, %dma_start3A] : memref<2048x128xf32, #tpu.memory_space<vmem_shared>> -> memref<64x128xf32, #tpu.memory_space<vmem_shared>>
        %dma_start3A_26 = arith.constant 0 : i32
        %dma_start3A_27 = tpu.memref_slice %arg9[%add3A_24, %dma_start3A_26] : memref<2048x128xf32, #tpu.memory_space<vmem_shared>> -> memref<64x128xf32, #tpu.memory_space<vmem_shared>>
        tpu.enqueue_dma source(%arg8 : memref<64x128xf32, #tpu.memory_space<vmem>>) target(%dma_start3A_27 : memref<64x128xf32, #tpu.memory_space<vmem_shared>>) target_semaphore(%run_scoped3A : memref<!tpu.dma_semaphore, #tpu.memory_space<semaphore_mem>>)
        %dma_wait3A = arith.constant 0 : i32
        %dma_wait3A_28 = tpu.memref_slice %arg9[%add3A_24, %dma_wait3A] : memref<2048x128xf32, #tpu.memory_space<vmem_shared>> -> memref<64x128xf32, #tpu.memory_space<vmem_shared>>
        %dma_wait3A_29 = arith.constant 0 : i32
        %dma_wait3A_30 = tpu.memref_slice %arg9[%add3A_24, %dma_wait3A_29] : memref<2048x128xf32, #tpu.memory_space<vmem_shared>> -> memref<64x128xf32, #tpu.memory_space<vmem_shared>>
        tpu.wait_dma2 semaphore(%run_scoped3A : memref<!tpu.dma_semaphore, #tpu.memory_space<semaphore_mem>>) src(%arg8 : memref<64x128xf32, #tpu.memory_space<vmem>>) dst(%dma_wait3A_30 : memref<64x128xf32, #tpu.memory_space<vmem_shared>>)
        tpu.yield
      }) : () -> ()
    } else {
    }
    %barrier3A = arith.constant 0 : index
    tpu.barrier barrier_id(%barrier3A)
    %eq3A_2 = arith.constant 0 : i32
    %eq3A_3 = arith.cmpi eq, %arg0, %eq3A_2 : i32
    %convert_element_type3A_4 = arith.extui %eq3A_3 : i1 to i32
    %cond3A_5 = arith.constant 0 : i32
    %cond3A_6 = arith.cmpi ne, %convert_element_type3A_4, %cond3A_5 : i32
    scf.if %cond3A_6 {
      %scan3A = arith.constant 0 : i32
      %scan3A_13 = arith.constant 0 : i32
      %scan3A_14 = arith.constant 16 : i32
      %scan3A_15 = arith.addi %scan3A_13, %scan3A_14 : i32
      %scan3A_16 = arith.constant 1 : i32
      %scan3A_17 = scf.for %scan3A_19 = %scan3A_13 to %scan3A_15 step %scan3A_16 iter_args(%scan3A_20 = %scan3A) -> (i32)  : i32 {
        %mul3A = arith.constant 1024 : i32
        %mul3A_21 = arith.muli %arg1, %mul3A : i32
        %mul3A_22 = arith.constant 64 : i32
        %mul3A_23 = arith.muli %scan3A_19, %mul3A_22 : i32
        %add3A = arith.addi %mul3A_21, %mul3A_23 : i32
        %multiple_of3A = tpu.assume_multiple %add3A, 8 : i32
        "tpu.region"() ({
          %run_scoped3A = tpu.sem_alloc : memref<!tpu.dma_semaphore, #tpu.memory_space<semaphore_mem>>
          %dma_start3A_29 = tpu.memref_slice %arg3[%multiple_of3A] : memref<16384xi32, #tpu.memory_space<hbm>> -> memref<64xi32, #tpu.memory_space<hbm>>
          %dma_start3A_30 = tpu.memref_slice %arg3[%multiple_of3A] : memref<16384xi32, #tpu.memory_space<hbm>> -> memref<64xi32, #tpu.memory_space<hbm>>
          tpu.enqueue_dma source(%dma_start3A_30 : memref<64xi32, #tpu.memory_space<hbm>>) target(%arg6 : memref<64xi32, #tpu.memory_space<vmem>>) target_semaphore(%run_scoped3A : memref<!tpu.dma_semaphore, #tpu.memory_space<semaphore_mem>>)
          %dma_wait3A_31 = tpu.memref_slice %arg3[%multiple_of3A] : memref<16384xi32, #tpu.memory_space<hbm>> -> memref<64xi32, #tpu.memory_space<hbm>>
          %dma_wait3A_32 = tpu.memref_slice %arg3[%multiple_of3A] : memref<16384xi32, #tpu.memory_space<hbm>> -> memref<64xi32, #tpu.memory_space<hbm>>
          tpu.wait_dma2 semaphore(%run_scoped3A : memref<!tpu.dma_semaphore, #tpu.memory_space<semaphore_mem>>) src(%dma_wait3A_32 : memref<64xi32, #tpu.memory_space<hbm>>) dst(%arg6 : memref<64xi32, #tpu.memory_space<vmem>>)
          tpu.yield
        }) : () -> ()
        "tpu.region"() ({
          %run_scoped3A = tpu.sem_alloc : memref<!tpu.dma_semaphore, #tpu.memory_space<semaphore_mem>>
          %dma_start3A_29 = tpu.memref_slice %arg4[%multiple_of3A] : memref<16384xi32, #tpu.memory_space<hbm>> -> memref<64xi32, #tpu.memory_space<hbm>>
          %dma_start3A_30 = tpu.memref_slice %arg4[%multiple_of3A] : memref<16384xi32, #tpu.memory_space<hbm>> -> memref<64xi32, #tpu.memory_space<hbm>>
          tpu.enqueue_dma source(%dma_start3A_30 : memref<64xi32, #tpu.memory_space<hbm>>) target(%arg7 : memref<64xi32, #tpu.memory_space<vmem>>) target_semaphore(%run_scoped3A : memref<!tpu.dma_semaphore, #tpu.memory_space<semaphore_mem>>)
          %dma_wait3A_31 = tpu.memref_slice %arg4[%multiple_of3A] : memref<16384xi32, #tpu.memory_space<hbm>> -> memref<64xi32, #tpu.memory_space<hbm>>
          %dma_wait3A_32 = tpu.memref_slice %arg4[%multiple_of3A] : memref<16384xi32, #tpu.memory_space<hbm>> -> memref<64xi32, #tpu.memory_space<hbm>>
          tpu.wait_dma2 semaphore(%run_scoped3A : memref<!tpu.dma_semaphore, #tpu.memory_space<semaphore_mem>>) src(%dma_wait3A_32 : memref<64xi32, #tpu.memory_space<hbm>>) dst(%arg7 : memref<64xi32, #tpu.memory_space<vmem>>)
          tpu.yield
        }) : () -> ()
        %dma_start3A = arith.constant 0 : i32
        %dma_start3A_24 = arith.constant 0 : i32
        %dma_start3A_25 = tpu.memref_slice %arg2[%dma_start3A, %dma_start3A_24] : memref<2048x128xf32, #tpu.memory_space<hbm>> -> memref<2048x128xf32, #tpu.memory_space<hbm>>
        tpu.enqueue_indirect_dma source(%dma_start3A_25 : memref<2048x128xf32, #tpu.memory_space<hbm>>) target(%arg8 : memref<64x128xf32, #tpu.memory_space<vmem>>) offsets(%arg6 : memref<64xi32, #tpu.memory_space<vmem>>) semaphore(%arg10 : memref<!tpu.dma_semaphore, #tpu.memory_space<semaphore_mem>>)
        %dma_wait3A = arith.constant 0 : i32
        %dma_wait3A_26 = arith.constant 0 : i32
        %dma_wait3A_27 = tpu.memref_slice %arg2[%dma_wait3A, %dma_wait3A_26] : memref<2048x128xf32, #tpu.memory_space<hbm>> -> memref<2048x128xf32, #tpu.memory_space<hbm>>
        tpu.wait_indirect_dma semaphore(%arg10 : memref<!tpu.dma_semaphore, #tpu.memory_space<semaphore_mem>>) src(%dma_wait3A_27 : memref<2048x128xf32, #tpu.memory_space<hbm>>) dst(%arg8 : memref<64x128xf32, #tpu.memory_space<vmem>>)
        "tpu.region"() ({
          %run_scoped3A = tpu.sem_alloc : memref<!tpu.dma_semaphore, #tpu.memory_space<semaphore_mem>>
          %dma_start3A_29 = arith.constant 0 : i32
          %dma_start3A_30 = arith.constant 0 : i32
          %dma_start3A_31 = tpu.memref_slice %arg9[%dma_start3A_29, %dma_start3A_30] : memref<2048x128xf32, #tpu.memory_space<vmem_shared>> -> memref<2048x128xf32, #tpu.memory_space<vmem_shared>>
          tpu.enqueue_indirect_dma source(%arg8 : memref<64x128xf32, #tpu.memory_space<vmem>>) target(%dma_start3A_31 : memref<2048x128xf32, #tpu.memory_space<vmem_shared>>) offsets(%arg7 : memref<64xi32, #tpu.memory_space<vmem>>) semaphore(%run_scoped3A : memref<!tpu.dma_semaphore, #tpu.memory_space<semaphore_mem>>) {add = true}
          %dma_wait3A_32 = arith.constant 0 : i32
          %dma_wait3A_33 = arith.constant 0 : i32
          %dma_wait3A_34 = tpu.memref_slice %arg9[%dma_wait3A_32, %dma_wait3A_33] : memref<2048x128xf32, #tpu.memory_space<vmem_shared>> -> memref<2048x128xf32, #tpu.memory_space<vmem_shared>>
          tpu.wait_indirect_dma semaphore(%run_scoped3A : memref<!tpu.dma_semaphore, #tpu.memory_space<semaphore_mem>>) src(%arg8 : memref<64x128xf32, #tpu.memory_space<vmem>>) dst(%dma_wait3A_34 : memref<2048x128xf32, #tpu.memory_space<vmem_shared>>)
          tpu.yield
        }) : () -> ()
        %scan3A_28 = arith.constant 0 : i32
        scf.yield %scan3A_28 : i32
      }
      %scan3A_18 = arith.constant 16 : i32
    } else {
    }
    %barrier3A_7 = arith.constant 0 : index
    tpu.barrier barrier_id(%barrier3A_7)
    %eq3A_8 = arith.constant 0 : i32
    %eq3A_9 = arith.cmpi eq, %arg0, %eq3A_8 : i32
    %convert_element_type3A_10 = arith.extui %eq3A_9 : i1 to i32
    %cond3A_11 = arith.constant 0 : i32
    %cond3A_12 = arith.cmpi ne, %convert_element_type3A_10, %cond3A_11 : i32
    scf.if %cond3A_12 {
      %mul3A = arith.constant 128 : i32
      %mul3A_13 = arith.muli %arg1, %mul3A : i32
      %mul3A_14 = arith.constant 128 : i32
      %mul3A_15 = arith.muli %arg1, %mul3A_14 : i32
      "tpu.region"() ({
        %run_scoped3A = tpu.sem_alloc : memref<!tpu.dma_semaphore, #tpu.memory_space<semaphore_mem>>
        %dma_start3A = arith.constant 0 : i32
        %dma_start3A_16 = tpu.memref_slice %arg5[%mul3A_15, %dma_start3A] : memref<2048x128xf32, #tpu.memory_space<hbm>> -> memref<128x128xf32, #tpu.memory_space<hbm>>
        %dma_start3A_17 = arith.constant 0 : i32
        %dma_start3A_18 = tpu.memref_slice %arg9[%mul3A_13, %dma_start3A_17] : memref<2048x128xf32, #tpu.memory_space<vmem_shared>> -> memref<128x128xf32, #tpu.memory_space<vmem_shared>>
        tpu.enqueue_dma source(%dma_start3A_18 : memref<128x128xf32, #tpu.memory_space<vmem_shared>>) target(%dma_start3A_16 : memref<128x128xf32, #tpu.memory_space<hbm>>) target_semaphore(%run_scoped3A : memref<!tpu.dma_semaphore, #tpu.memory_space<semaphore_mem>>)
        %dma_wait3A = arith.constant 0 : i32
        %dma_wait3A_19 = tpu.memref_slice %arg5[%mul3A_15, %dma_wait3A] : memref<2048x128xf32, #tpu.memory_space<hbm>> -> memref<128x128xf32, #tpu.memory_space<hbm>>
        %dma_wait3A_20 = arith.constant 0 : i32
        %dma_wait3A_21 = tpu.memref_slice %arg9[%mul3A_13, %dma_wait3A_20] : memref<2048x128xf32, #tpu.memory_space<vmem_shared>> -> memref<128x128xf32, #tpu.memory_space<vmem_shared>>
        tpu.wait_dma2 semaphore(%run_scoped3A : memref<!tpu.dma_semaphore, #tpu.memory_space<semaphore_mem>>) src(%dma_wait3A_21 : memref<128x128xf32, #tpu.memory_space<vmem_shared>>) dst(%dma_wait3A_19 : memref<128x128xf32, #tpu.memory_space<hbm>>)
        tpu.yield
      }) : () -> ()
    } else {
    }
    return
  }
}

module attributes {stable_mosaic.version = 14 : i64} {
  func.func @body(%arg0: i32, %arg1: memref<256x9xi32, #tpu.memory_space<vmem>>, %arg2: memref<576x128xf32, #tpu.memory_space<vmem>>, %arg3: memref<256x128xf32, #tpu.memory_space<vmem>>) attributes {dimension_semantics = [#tpu.dimension_semantics<arbitrary>], iteration_bounds = array<i64: 40>, scalar_prefetch = 0 : i64, scratch_operands = 0 : i64, tpu.core_type = #tpu.core_type<tc>, window_params = [{transform_indices = @transform_0, window_bounds = array<i64: 256, 9>}, {pipeline_mode = #tpu.pipeline_mode<synchronous>, transform_indices = @transform_1, window_bounds = array<i64: 576, 128>}, {transform_indices = @transform_2, window_bounds = array<i64: 256, 128>}]} {
    %iota3A = tpu.iota {dimensions = array<i32: 1>} : vector<256x576xi32>
    %broadcast_in_dim3A = arith.constant 0.000000e+00 : f32
    %broadcast_in_dim3A_0 = vector.broadcast %broadcast_in_dim3A : f32 to vector<256x576xf32>
    %get3A = arith.constant 0 : index
    %get3A_1 = arith.constant 0 : index
    %get3A_2 = vector.load %arg1[%get3A, %get3A_1] : memref<256x9xi32, #tpu.memory_space<vmem>>, vector<256x1xi32>
    %eq3A = vector.broadcast %get3A_2 : vector<256x1xi32> to vector<256x576xi32>
    %eq3A_3 = arith.cmpi eq, %eq3A, %iota3A : vector<256x576xi32>
    %convert_element_type3A = arith.extui %eq3A_3 : vector<256x576xi1> to vector<256x576xi32>
    %convert_element_type3A_4 = arith.sitofp %convert_element_type3A : vector<256x576xi32> to vector<256x576xf32>
    %add3A = arith.addf %broadcast_in_dim3A_0, %convert_element_type3A_4 : vector<256x576xf32>
    %get3A_5 = arith.constant 0 : index
    %get3A_6 = arith.constant 1 : index
    %get3A_7 = vector.load %arg1[%get3A_5, %get3A_6] : memref<256x9xi32, #tpu.memory_space<vmem>>, vector<256x1xi32>
    %eq3A_8 = vector.broadcast %get3A_7 : vector<256x1xi32> to vector<256x576xi32>
    %eq3A_9 = arith.cmpi eq, %eq3A_8, %iota3A : vector<256x576xi32>
    %convert_element_type3A_10 = arith.extui %eq3A_9 : vector<256x576xi1> to vector<256x576xi32>
    %convert_element_type3A_11 = arith.sitofp %convert_element_type3A_10 : vector<256x576xi32> to vector<256x576xf32>
    %add3A_12 = arith.addf %add3A, %convert_element_type3A_11 : vector<256x576xf32>
    %get3A_13 = arith.constant 0 : index
    %get3A_14 = arith.constant 2 : index
    %get3A_15 = vector.load %arg1[%get3A_13, %get3A_14] : memref<256x9xi32, #tpu.memory_space<vmem>>, vector<256x1xi32>
    %eq3A_16 = vector.broadcast %get3A_15 : vector<256x1xi32> to vector<256x576xi32>
    %eq3A_17 = arith.cmpi eq, %eq3A_16, %iota3A : vector<256x576xi32>
    %convert_element_type3A_18 = arith.extui %eq3A_17 : vector<256x576xi1> to vector<256x576xi32>
    %convert_element_type3A_19 = arith.sitofp %convert_element_type3A_18 : vector<256x576xi32> to vector<256x576xf32>
    %add3A_20 = arith.addf %add3A_12, %convert_element_type3A_19 : vector<256x576xf32>
    %get3A_21 = arith.constant 0 : index
    %get3A_22 = arith.constant 3 : index
    %get3A_23 = vector.load %arg1[%get3A_21, %get3A_22] : memref<256x9xi32, #tpu.memory_space<vmem>>, vector<256x1xi32>
    %eq3A_24 = vector.broadcast %get3A_23 : vector<256x1xi32> to vector<256x576xi32>
    %eq3A_25 = arith.cmpi eq, %eq3A_24, %iota3A : vector<256x576xi32>
    %convert_element_type3A_26 = arith.extui %eq3A_25 : vector<256x576xi1> to vector<256x576xi32>
    %convert_element_type3A_27 = arith.sitofp %convert_element_type3A_26 : vector<256x576xi32> to vector<256x576xf32>
    %add3A_28 = arith.addf %add3A_20, %convert_element_type3A_27 : vector<256x576xf32>
    %get3A_29 = arith.constant 0 : index
    %get3A_30 = arith.constant 4 : index
    %get3A_31 = vector.load %arg1[%get3A_29, %get3A_30] : memref<256x9xi32, #tpu.memory_space<vmem>>, vector<256x1xi32>
    %eq3A_32 = vector.broadcast %get3A_31 : vector<256x1xi32> to vector<256x576xi32>
    %eq3A_33 = arith.cmpi eq, %eq3A_32, %iota3A : vector<256x576xi32>
    %convert_element_type3A_34 = arith.extui %eq3A_33 : vector<256x576xi1> to vector<256x576xi32>
    %convert_element_type3A_35 = arith.sitofp %convert_element_type3A_34 : vector<256x576xi32> to vector<256x576xf32>
    %add3A_36 = arith.addf %add3A_28, %convert_element_type3A_35 : vector<256x576xf32>
    %get3A_37 = arith.constant 0 : index
    %get3A_38 = arith.constant 5 : index
    %get3A_39 = vector.load %arg1[%get3A_37, %get3A_38] : memref<256x9xi32, #tpu.memory_space<vmem>>, vector<256x1xi32>
    %eq3A_40 = vector.broadcast %get3A_39 : vector<256x1xi32> to vector<256x576xi32>
    %eq3A_41 = arith.cmpi eq, %eq3A_40, %iota3A : vector<256x576xi32>
    %convert_element_type3A_42 = arith.extui %eq3A_41 : vector<256x576xi1> to vector<256x576xi32>
    %convert_element_type3A_43 = arith.sitofp %convert_element_type3A_42 : vector<256x576xi32> to vector<256x576xf32>
    %add3A_44 = arith.addf %add3A_36, %convert_element_type3A_43 : vector<256x576xf32>
    %get3A_45 = arith.constant 0 : index
    %get3A_46 = arith.constant 6 : index
    %get3A_47 = vector.load %arg1[%get3A_45, %get3A_46] : memref<256x9xi32, #tpu.memory_space<vmem>>, vector<256x1xi32>
    %eq3A_48 = vector.broadcast %get3A_47 : vector<256x1xi32> to vector<256x576xi32>
    %eq3A_49 = arith.cmpi eq, %eq3A_48, %iota3A : vector<256x576xi32>
    %convert_element_type3A_50 = arith.extui %eq3A_49 : vector<256x576xi1> to vector<256x576xi32>
    %convert_element_type3A_51 = arith.sitofp %convert_element_type3A_50 : vector<256x576xi32> to vector<256x576xf32>
    %add3A_52 = arith.addf %add3A_44, %convert_element_type3A_51 : vector<256x576xf32>
    %get3A_53 = arith.constant 0 : index
    %get3A_54 = arith.constant 7 : index
    %get3A_55 = vector.load %arg1[%get3A_53, %get3A_54] : memref<256x9xi32, #tpu.memory_space<vmem>>, vector<256x1xi32>
    %eq3A_56 = vector.broadcast %get3A_55 : vector<256x1xi32> to vector<256x576xi32>
    %eq3A_57 = arith.cmpi eq, %eq3A_56, %iota3A : vector<256x576xi32>
    %convert_element_type3A_58 = arith.extui %eq3A_57 : vector<256x576xi1> to vector<256x576xi32>
    %convert_element_type3A_59 = arith.sitofp %convert_element_type3A_58 : vector<256x576xi32> to vector<256x576xf32>
    %add3A_60 = arith.addf %add3A_52, %convert_element_type3A_59 : vector<256x576xf32>
    %get3A_61 = arith.constant 0 : index
    %get3A_62 = arith.constant 8 : index
    %get3A_63 = vector.load %arg1[%get3A_61, %get3A_62] : memref<256x9xi32, #tpu.memory_space<vmem>>, vector<256x1xi32>
    %eq3A_64 = vector.broadcast %get3A_63 : vector<256x1xi32> to vector<256x576xi32>
    %eq3A_65 = arith.cmpi eq, %eq3A_64, %iota3A : vector<256x576xi32>
    %convert_element_type3A_66 = arith.extui %eq3A_65 : vector<256x576xi1> to vector<256x576xi32>
    %convert_element_type3A_67 = arith.sitofp %convert_element_type3A_66 : vector<256x576xi32> to vector<256x576xf32>
    %add3A_68 = arith.addf %add3A_60, %convert_element_type3A_67 : vector<256x576xf32>
    %get3A_69 = arith.constant 0 : index
    %get3A_70 = arith.constant 0 : index
    %get3A_71 = vector.load %arg2[%get3A_69, %get3A_70] : memref<576x128xf32, #tpu.memory_space<vmem>>, vector<576x128xf32>
    %dot_general3A = arith.constant dense<0.000000e+00> : vector<256x128xf32>
    %dot_general3A_72 = tpu.matmul %add3A_68, %get3A_71, %dot_general3A {dimension_numbers = #tpu.dot_dimension_numbers<[1], [0], [0], [1], [0, 0, 1, 1], [], []>, transpose_lhs_hint = false} : vector<256x576xf32>, vector<576x128xf32>, vector<256x128xf32> -> vector<256x128xf32>
    %swap3A = arith.constant 0 : index
    %swap3A_73 = arith.constant 0 : index
    %swap3A_74 = vector.load %arg3[%swap3A, %swap3A_73] : memref<256x128xf32, #tpu.memory_space<vmem>>, vector<256x128xf32>
    tpu.vector_store %arg3[%swap3A, %swap3A_73], %dot_general3A_72 {strides = array<i32>} : memref<256x128xf32, #tpu.memory_space<vmem>>, vector<256x128xf32>,
    return
  }
  func.func @transform_0(%arg0: i32) -> (i32, i32) {
    %c0_i32 = arith.constant 0 : i32
    %c0_i32_0 = arith.constant 0 : i32
    return %arg0, %c0_i32 : i32, i32
  }
  func.func @transform_1(%arg0: i32) -> (i32, i32) {
    %c0_i32 = arith.constant 0 : i32
    %c0_i32_0 = arith.constant 0 : i32
    %c0_i32_1 = arith.constant 0 : i32
    return %c0_i32, %c0_i32_0 : i32, i32
  }
  func.func @transform_2(%arg0: i32) -> (i32, i32) {
    %c0_i32 = arith.constant 0 : i32
    %c0_i32_0 = arith.constant 0 : i32
    return %arg0, %c0_i32 : i32, i32
  }
}

module attributes {stable_mosaic.version = 14 : i64} {
  func.func @body(%arg0: i32, %arg1: memref<8x128xf32, #tpu.memory_space<vmem>>, %arg2: memref<256x128xf32, #tpu.memory_space<vmem>>, %arg3: memref<256x128xf32, #tpu.memory_space<vmem>>, %arg4: memref<256x128xf32, #tpu.memory_space<vmem>>, %arg5: memref<128x256xf32, #tpu.memory_space<vmem>>, %arg6: memref<1x256xf32, #tpu.memory_space<vmem>>, %arg7: memref<256x128xf32, #tpu.memory_space<vmem>>, %arg8: memref<1x128xf32, #tpu.memory_space<vmem>>, %arg9: memref<256x1xi32, #tpu.memory_space<vmem>>, %arg10: memref<256x128xf32, #tpu.memory_space<vmem>>, %arg11: memref<128x128xf32, #tpu.memory_space<vmem>>) attributes {dimension_semantics = [#tpu.dimension_semantics<arbitrary>], iteration_bounds = array<i64: 40>, scalar_prefetch = 0 : i64, scratch_operands = 0 : i64, tpu.core_type = #tpu.core_type<tc>, window_params = [{pipeline_mode = #tpu.pipeline_mode<synchronous>, transform_indices = @transform_0, window_bounds = array<i64: 8, 128>}, {transform_indices = @transform_1, window_bounds = array<i64: 256, 128>}, {transform_indices = @transform_2, window_bounds = array<i64: 256, 128>}, {transform_indices = @transform_3, window_bounds = array<i64: 256, 128>}, {pipeline_mode = #tpu.pipeline_mode<synchronous>, transform_indices = @transform_4, window_bounds = array<i64: 128, 256>}, {pipeline_mode = #tpu.pipeline_mode<synchronous>, transform_indices = @transform_5, window_bounds = array<i64: 1, 256>}, {pipeline_mode = #tpu.pipeline_mode<synchronous>, transform_indices = @transform_6, window_bounds = array<i64: 256, 128>}, {pipeline_mode = #tpu.pipeline_mode<synchronous>, transform_indices = @transform_7, window_bounds = array<i64: 1, 128>}, {transform_indices = @transform_8, window_bounds = array<i64: 256, 1>}, {transform_indices = @transform_9, window_bounds = array<i64: 256, 128>}, {pipeline_mode = #tpu.pipeline_mode<synchronous>, transform_indices = @transform_10, window_bounds = array<i64: 128, 128>}]} {
    %get3A = arith.constant 0 : index
    %get3A_0 = arith.constant 0 : index
    %get3A_1 = vector.load %arg1[%get3A, %get3A_0] : memref<8x128xf32, #tpu.memory_space<vmem>>, vector<1x1xf32>
    %get3A_2 = vector.extract %get3A_1[0, 0] : f32 from vector<1x1xf32>
    %get3A_3 = arith.constant 0 : index
    %get3A_4 = arith.constant 0 : index
    %get3A_5 = vector.load %arg2[%get3A_3, %get3A_4] : memref<256x128xf32, #tpu.memory_space<vmem>>, vector<256x128xf32>
    %mul3A = vector.broadcast %get3A_2 : f32 to vector<256x128xf32>
    %mul3A_6 = arith.mulf %mul3A, %get3A_5 : vector<256x128xf32>
    %get3A_7 = arith.constant 0 : index
    %get3A_8 = arith.constant 0 : index
    %get3A_9 = vector.load %arg3[%get3A_7, %get3A_8] : memref<256x128xf32, #tpu.memory_space<vmem>>, vector<256x128xf32>
    %add3A = arith.addf %mul3A_6, %get3A_9 : vector<256x128xf32>
    %get3A_10 = arith.constant 0 : index
    %get3A_11 = arith.constant 0 : index
    %get3A_12 = vector.load %arg4[%get3A_10, %get3A_11] : memref<256x128xf32, #tpu.memory_space<vmem>>, vector<256x128xf32>
    %add3A_13 = arith.addf %add3A, %get3A_12 : vector<256x128xf32>
    %get3A_14 = arith.constant 0 : index
    %get3A_15 = arith.constant 0 : index
    %get3A_16 = vector.load %arg5[%get3A_14, %get3A_15] : memref<128x256xf32, #tpu.memory_space<vmem>>, vector<128x256xf32>
    %dot_general3A = arith.constant dense<0.000000e+00> : vector<256x256xf32>
    %dot_general3A_17 = tpu.matmul %add3A_13, %get3A_16, %dot_general3A {dimension_numbers = #tpu.dot_dimension_numbers<[1], [0], [0], [1], [0, 0, 1, 1], [], []>, transpose_lhs_hint = false} : vector<256x128xf32>, vector<128x256xf32>, vector<256x256xf32> -> vector<256x256xf32>
    %get3A_18 = arith.constant 0 : index
    %get3A_19 = arith.constant 0 : index
    %get3A_20 = vector.load %arg6[%get3A_18, %get3A_19] : memref<1x256xf32, #tpu.memory_space<vmem>>, vector<1x256xf32>
    %add3A_21 = vector.broadcast %get3A_20 : vector<1x256xf32> to vector<256x256xf32>
    %add3A_22 = arith.addf %dot_general3A_17, %add3A_21 : vector<256x256xf32>
    %max3A = arith.constant 0.000000e+00 : f32
    %max3A_23 = vector.broadcast %max3A : f32 to vector<256x256xf32>
    %max3A_24 = arith.maximumf %add3A_22, %max3A_23 : vector<256x256xf32>
    %get3A_25 = arith.constant 0 : index
    %get3A_26 = arith.constant 0 : index
    %get3A_27 = vector.load %arg7[%get3A_25, %get3A_26] : memref<256x128xf32, #tpu.memory_space<vmem>>, vector<256x128xf32>
    %dot_general3A_28 = arith.constant dense<0.000000e+00> : vector<256x128xf32>
    %dot_general3A_29 = tpu.matmul %max3A_24, %get3A_27, %dot_general3A_28 {dimension_numbers = #tpu.dot_dimension_numbers<[1], [0], [0], [1], [0, 0, 1, 1], [], []>, transpose_lhs_hint = false} : vector<256x256xf32>, vector<256x128xf32>, vector<256x128xf32> -> vector<256x128xf32>
    %get3A_30 = arith.constant 0 : index
    %get3A_31 = arith.constant 0 : index
    %get3A_32 = vector.load %arg8[%get3A_30, %get3A_31] : memref<1x128xf32, #tpu.memory_space<vmem>>, vector<1x128xf32>
    %add3A_33 = vector.broadcast %get3A_32 : vector<1x128xf32> to vector<256x128xf32>
    %add3A_34 = arith.addf %dot_general3A_29, %add3A_33 : vector<256x128xf32>
    %max3A_35 = arith.constant 0.000000e+00 : f32
    %max3A_36 = vector.broadcast %max3A_35 : f32 to vector<256x128xf32>
    %max3A_37 = arith.maximumf %add3A_34, %max3A_36 : vector<256x128xf32>
    %swap3A = arith.constant 0 : index
    %swap3A_38 = arith.constant 0 : index
    %swap3A_39 = vector.load %arg10[%swap3A, %swap3A_38] : memref<256x128xf32, #tpu.memory_space<vmem>>, vector<256x128xf32>
    tpu.vector_store %arg10[%swap3A, %swap3A_38], %max3A_37 {strides = array<i32>} : memref<256x128xf32, #tpu.memory_space<vmem>>, vector<256x128xf32>,
    %get3A_40 = arith.constant 0 : index
    %get3A_41 = arith.constant 0 : index
    %get3A_42 = vector.load %arg9[%get3A_40, %get3A_41] : memref<256x1xi32, #tpu.memory_space<vmem>>, vector<256x1xi32>
    %iota3A = tpu.iota {dimensions = array<i32: 1>} : vector<256x128xi32>
    %eq3A = vector.broadcast %get3A_42 : vector<256x1xi32> to vector<256x128xi32>
    %eq3A_43 = arith.cmpi eq, %eq3A, %iota3A : vector<256x128xi32>
    %convert_element_type3A = arith.extui %eq3A_43 : vector<256x128xi1> to vector<256x128xi32>
    %convert_element_type3A_44 = arith.sitofp %convert_element_type3A : vector<256x128xi32> to vector<256x128xf32>
    %dot_general3A_45 = arith.constant dense<0.000000e+00> : vector<128x128xf32>
    %dot_general3A_46 = tpu.matmul %convert_element_type3A_44, %max3A_37, %dot_general3A_45 {dimension_numbers = #tpu.dot_dimension_numbers<[0], [0], [1], [1], [0, 1, 1, 1], [], []>, transpose_lhs_hint = false} : vector<256x128xf32>, vector<256x128xf32>, vector<128x128xf32> -> vector<128x128xf32>
    %eq3A_47 = arith.constant 0 : i32
    %eq3A_48 = arith.cmpi eq, %arg0, %eq3A_47 : i32
    %convert_element_type3A_49 = arith.extui %eq3A_48 : i1 to i32
    %cond3A = arith.constant 0 : i32
    %cond3A_50 = arith.cmpi ne, %convert_element_type3A_49, %cond3A : i32
    scf.if %cond3A_50 {
      %swap3A_55 = arith.constant 0 : index
      %swap3A_56 = arith.constant 0 : index
      %swap3A_57 = vector.load %arg11[%swap3A_55, %swap3A_56] : memref<128x128xf32, #tpu.memory_space<vmem>>, vector<128x128xf32>
      tpu.vector_store %arg11[%swap3A_55, %swap3A_56], %dot_general3A_46 {strides = array<i32>} : memref<128x128xf32, #tpu.memory_space<vmem>>, vector<128x128xf32>,
    } else {
    }
    %gt3A = arith.constant 0 : i32
    %gt3A_51 = arith.cmpi sgt, %arg0, %gt3A : i32
    %convert_element_type3A_52 = arith.extui %gt3A_51 : i1 to i32
    %cond3A_53 = arith.constant 0 : i32
    %cond3A_54 = arith.cmpi ne, %convert_element_type3A_52, %cond3A_53 : i32
    scf.if %cond3A_54 {
      %get3A_55 = arith.constant 0 : index
      %get3A_56 = arith.constant 0 : index
      %get3A_57 = vector.load %arg11[%get3A_55, %get3A_56] : memref<128x128xf32, #tpu.memory_space<vmem>>, vector<128x128xf32>
      %add3A_58 = arith.addf %get3A_57, %dot_general3A_46 : vector<128x128xf32>
      %swap3A_59 = arith.constant 0 : index
      %swap3A_60 = arith.constant 0 : index
      %swap3A_61 = vector.load %arg11[%swap3A_59, %swap3A_60] : memref<128x128xf32, #tpu.memory_space<vmem>>, vector<128x128xf32>
      tpu.vector_store %arg11[%swap3A_59, %swap3A_60], %add3A_58 {strides = array<i32>} : memref<128x128xf32, #tpu.memory_space<vmem>>, vector<128x128xf32>,
    } else {
    }
    return
  }
  func.func @transform_0(%arg0: i32) -> (i32, i32) {
    %c0_i32 = arith.constant 0 : i32
    %c0_i32_0 = arith.constant 0 : i32
    %c0_i32_1 = arith.constant 0 : i32
    return %c0_i32, %c0_i32_0 : i32, i32
  }
  func.func @transform_1(%arg0: i32) -> (i32, i32) {
    %c0_i32 = arith.constant 0 : i32
    %c0_i32_0 = arith.constant 0 : i32
    return %arg0, %c0_i32 : i32, i32
  }
  func.func @transform_2(%arg0: i32) -> (i32, i32) {
    %c0_i32 = arith.constant 0 : i32
    %c0_i32_0 = arith.constant 0 : i32
    return %arg0, %c0_i32 : i32, i32
  }
  func.func @transform_3(%arg0: i32) -> (i32, i32) {
    %c0_i32 = arith.constant 0 : i32
    %c0_i32_0 = arith.constant 0 : i32
    return %arg0, %c0_i32 : i32, i32
  }
  func.func @transform_4(%arg0: i32) -> (i32, i32) {
    %c0_i32 = arith.constant 0 : i32
    %c0_i32_0 = arith.constant 0 : i32
    %c0_i32_1 = arith.constant 0 : i32
    return %c0_i32, %c0_i32_0 : i32, i32
  }
  func.func @transform_5(%arg0: i32) -> (i32, i32) {
    %c0_i32 = arith.constant 0 : i32
    %c0_i32_0 = arith.constant 0 : i32
    %c0_i32_1 = arith.constant 0 : i32
    return %c0_i32, %c0_i32_0 : i32, i32
  }
  func.func @transform_6(%arg0: i32) -> (i32, i32) {
    %c0_i32 = arith.constant 0 : i32
    %c0_i32_0 = arith.constant 0 : i32
    %c0_i32_1 = arith.constant 0 : i32
    return %c0_i32, %c0_i32_0 : i32, i32
  }
  func.func @transform_7(%arg0: i32) -> (i32, i32) {
    %c0_i32 = arith.constant 0 : i32
    %c0_i32_0 = arith.constant 0 : i32
    %c0_i32_1 = arith.constant 0 : i32
    return %c0_i32, %c0_i32_0 : i32, i32
  }
  func.func @transform_8(%arg0: i32) -> (i32, i32) {
    %c0_i32 = arith.constant 0 : i32
    %c0_i32_0 = arith.constant 0 : i32
    return %arg0, %c0_i32 : i32, i32
  }
  func.func @transform_9(%arg0: i32) -> (i32, i32) {
    %c0_i32 = arith.constant 0 : i32
    %c0_i32_0 = arith.constant 0 : i32
    return %arg0, %c0_i32 : i32, i32
  }
  func.func @transform_10(%arg0: i32) -> (i32, i32) {
    %c0_i32 = arith.constant 0 : i32
    %c0_i32_0 = arith.constant 0 : i32
    %c0_i32_1 = arith.constant 0 : i32
    return %c0_i32, %c0_i32_0 : i32, i32
  }
}

module attributes {stable_mosaic.version = 14 : i64} {
  func.func @body(%arg0: i32, %arg1: memref<8x128xf32, #tpu.memory_space<vmem>>, %arg2: memref<256x128xf32, #tpu.memory_space<vmem>>, %arg3: memref<256x128xf32, #tpu.memory_space<vmem>>, %arg4: memref<128x256xf32, #tpu.memory_space<vmem>>, %arg5: memref<1x256xf32, #tpu.memory_space<vmem>>, %arg6: memref<256x128xf32, #tpu.memory_space<vmem>>, %arg7: memref<1x128xf32, #tpu.memory_space<vmem>>, %arg8: memref<256x1xi32, #tpu.memory_space<vmem>>, %arg9: memref<256x128xf32, #tpu.memory_space<vmem>>, %arg10: memref<128x128xf32, #tpu.memory_space<vmem>>) attributes {dimension_semantics = [#tpu.dimension_semantics<arbitrary>], iteration_bounds = array<i64: 8>, scalar_prefetch = 0 : i64, scratch_operands = 0 : i64, tpu.core_type = #tpu.core_type<tc>, window_params = [{pipeline_mode = #tpu.pipeline_mode<synchronous>, transform_indices = @transform_0, window_bounds = array<i64: 8, 128>}, {transform_indices = @transform_1, window_bounds = array<i64: 256, 128>}, {transform_indices = @transform_2, window_bounds = array<i64: 256, 128>}, {pipeline_mode = #tpu.pipeline_mode<synchronous>, transform_indices = @transform_3, window_bounds = array<i64: 128, 256>}, {pipeline_mode = #tpu.pipeline_mode<synchronous>, transform_indices = @transform_4, window_bounds = array<i64: 1, 256>}, {pipeline_mode = #tpu.pipeline_mode<synchronous>, transform_indices = @transform_5, window_bounds = array<i64: 256, 128>}, {pipeline_mode = #tpu.pipeline_mode<synchronous>, transform_indices = @transform_6, window_bounds = array<i64: 1, 128>}, {transform_indices = @transform_7, window_bounds = array<i64: 256, 1>}, {transform_indices = @transform_8, window_bounds = array<i64: 256, 128>}, {pipeline_mode = #tpu.pipeline_mode<synchronous>, transform_indices = @transform_9, window_bounds = array<i64: 128, 128>}]} {
    %get3A = arith.constant 0 : index
    %get3A_0 = arith.constant 0 : index
    %get3A_1 = vector.load %arg1[%get3A, %get3A_0] : memref<8x128xf32, #tpu.memory_space<vmem>>, vector<1x1xf32>
    %get3A_2 = vector.extract %get3A_1[0, 0] : f32 from vector<1x1xf32>
    %get3A_3 = arith.constant 0 : index
    %get3A_4 = arith.constant 0 : index
    %get3A_5 = vector.load %arg2[%get3A_3, %get3A_4] : memref<256x128xf32, #tpu.memory_space<vmem>>, vector<256x128xf32>
    %mul3A = vector.broadcast %get3A_2 : f32 to vector<256x128xf32>
    %mul3A_6 = arith.mulf %mul3A, %get3A_5 : vector<256x128xf32>
    %get3A_7 = arith.constant 0 : index
    %get3A_8 = arith.constant 0 : index
    %get3A_9 = vector.load %arg3[%get3A_7, %get3A_8] : memref<256x128xf32, #tpu.memory_space<vmem>>, vector<256x128xf32>
    %add3A = arith.addf %mul3A_6, %get3A_9 : vector<256x128xf32>
    %get3A_10 = arith.constant 0 : index
    %get3A_11 = arith.constant 0 : index
    %get3A_12 = vector.load %arg4[%get3A_10, %get3A_11] : memref<128x256xf32, #tpu.memory_space<vmem>>, vector<128x256xf32>
    %dot_general3A = arith.constant dense<0.000000e+00> : vector<256x256xf32>
    %dot_general3A_13 = tpu.matmul %add3A, %get3A_12, %dot_general3A {dimension_numbers = #tpu.dot_dimension_numbers<[1], [0], [0], [1], [0, 0, 1, 1], [], []>, transpose_lhs_hint = false} : vector<256x128xf32>, vector<128x256xf32>, vector<256x256xf32> -> vector<256x256xf32>
    %get3A_14 = arith.constant 0 : index
    %get3A_15 = arith.constant 0 : index
    %get3A_16 = vector.load %arg5[%get3A_14, %get3A_15] : memref<1x256xf32, #tpu.memory_space<vmem>>, vector<1x256xf32>
    %add3A_17 = vector.broadcast %get3A_16 : vector<1x256xf32> to vector<256x256xf32>
    %add3A_18 = arith.addf %dot_general3A_13, %add3A_17 : vector<256x256xf32>
    %max3A = arith.constant 0.000000e+00 : f32
    %max3A_19 = vector.broadcast %max3A : f32 to vector<256x256xf32>
    %max3A_20 = arith.maximumf %add3A_18, %max3A_19 : vector<256x256xf32>
    %get3A_21 = arith.constant 0 : index
    %get3A_22 = arith.constant 0 : index
    %get3A_23 = vector.load %arg6[%get3A_21, %get3A_22] : memref<256x128xf32, #tpu.memory_space<vmem>>, vector<256x128xf32>
    %dot_general3A_24 = arith.constant dense<0.000000e+00> : vector<256x128xf32>
    %dot_general3A_25 = tpu.matmul %max3A_20, %get3A_23, %dot_general3A_24 {dimension_numbers = #tpu.dot_dimension_numbers<[1], [0], [0], [1], [0, 0, 1, 1], [], []>, transpose_lhs_hint = false} : vector<256x256xf32>, vector<256x128xf32>, vector<256x128xf32> -> vector<256x128xf32>
    %get3A_26 = arith.constant 0 : index
    %get3A_27 = arith.constant 0 : index
    %get3A_28 = vector.load %arg7[%get3A_26, %get3A_27] : memref<1x128xf32, #tpu.memory_space<vmem>>, vector<1x128xf32>
    %add3A_29 = vector.broadcast %get3A_28 : vector<1x128xf32> to vector<256x128xf32>
    %add3A_30 = arith.addf %dot_general3A_25, %add3A_29 : vector<256x128xf32>
    %max3A_31 = arith.constant 0.000000e+00 : f32
    %max3A_32 = vector.broadcast %max3A_31 : f32 to vector<256x128xf32>
    %max3A_33 = arith.maximumf %add3A_30, %max3A_32 : vector<256x128xf32>
    %swap3A = arith.constant 0 : index
    %swap3A_34 = arith.constant 0 : index
    %swap3A_35 = vector.load %arg9[%swap3A, %swap3A_34] : memref<256x128xf32, #tpu.memory_space<vmem>>, vector<256x128xf32>
    tpu.vector_store %arg9[%swap3A, %swap3A_34], %max3A_33 {strides = array<i32>} : memref<256x128xf32, #tpu.memory_space<vmem>>, vector<256x128xf32>,
    %get3A_36 = arith.constant 0 : index
    %get3A_37 = arith.constant 0 : index
    %get3A_38 = vector.load %arg8[%get3A_36, %get3A_37] : memref<256x1xi32, #tpu.memory_space<vmem>>, vector<256x1xi32>
    %iota3A = tpu.iota {dimensions = array<i32: 1>} : vector<256x128xi32>
    %eq3A = vector.broadcast %get3A_38 : vector<256x1xi32> to vector<256x128xi32>
    %eq3A_39 = arith.cmpi eq, %eq3A, %iota3A : vector<256x128xi32>
    %convert_element_type3A = arith.extui %eq3A_39 : vector<256x128xi1> to vector<256x128xi32>
    %convert_element_type3A_40 = arith.sitofp %convert_element_type3A : vector<256x128xi32> to vector<256x128xf32>
    %dot_general3A_41 = arith.constant dense<0.000000e+00> : vector<128x128xf32>
    %dot_general3A_42 = tpu.matmul %convert_element_type3A_40, %max3A_33, %dot_general3A_41 {dimension_numbers = #tpu.dot_dimension_numbers<[0], [0], [1], [1], [0, 1, 1, 1], [], []>, transpose_lhs_hint = false} : vector<256x128xf32>, vector<256x128xf32>, vector<128x128xf32> -> vector<128x128xf32>
    %eq3A_43 = arith.constant 0 : i32
    %eq3A_44 = arith.cmpi eq, %arg0, %eq3A_43 : i32
    %convert_element_type3A_45 = arith.extui %eq3A_44 : i1 to i32
    %cond3A = arith.constant 0 : i32
    %cond3A_46 = arith.cmpi ne, %convert_element_type3A_45, %cond3A : i32
    scf.if %cond3A_46 {
      %swap3A_51 = arith.constant 0 : index
      %swap3A_52 = arith.constant 0 : index
      %swap3A_53 = vector.load %arg10[%swap3A_51, %swap3A_52] : memref<128x128xf32, #tpu.memory_space<vmem>>, vector<128x128xf32>
      tpu.vector_store %arg10[%swap3A_51, %swap3A_52], %dot_general3A_42 {strides = array<i32>} : memref<128x128xf32, #tpu.memory_space<vmem>>, vector<128x128xf32>,
    } else {
    }
    %gt3A = arith.constant 0 : i32
    %gt3A_47 = arith.cmpi sgt, %arg0, %gt3A : i32
    %convert_element_type3A_48 = arith.extui %gt3A_47 : i1 to i32
    %cond3A_49 = arith.constant 0 : i32
    %cond3A_50 = arith.cmpi ne, %convert_element_type3A_48, %cond3A_49 : i32
    scf.if %cond3A_50 {
      %get3A_51 = arith.constant 0 : index
      %get3A_52 = arith.constant 0 : index
      %get3A_53 = vector.load %arg10[%get3A_51, %get3A_52] : memref<128x128xf32, #tpu.memory_space<vmem>>, vector<128x128xf32>
      %add3A_54 = arith.addf %get3A_53, %dot_general3A_42 : vector<128x128xf32>
      %swap3A_55 = arith.constant 0 : index
      %swap3A_56 = arith.constant 0 : index
      %swap3A_57 = vector.load %arg10[%swap3A_55, %swap3A_56] : memref<128x128xf32, #tpu.memory_space<vmem>>, vector<128x128xf32>
      tpu.vector_store %arg10[%swap3A_55, %swap3A_56], %add3A_54 {strides = array<i32>} : memref<128x128xf32, #tpu.memory_space<vmem>>, vector<128x128xf32>,
    } else {
    }
    return
  }
  func.func @transform_0(%arg0: i32) -> (i32, i32) {
    %c0_i32 = arith.constant 0 : i32
    %c0_i32_0 = arith.constant 0 : i32
    %c0_i32_1 = arith.constant 0 : i32
    return %c0_i32, %c0_i32_0 : i32, i32
  }
  func.func @transform_1(%arg0: i32) -> (i32, i32) {
    %c0_i32 = arith.constant 0 : i32
    %c0_i32_0 = arith.constant 0 : i32
    return %arg0, %c0_i32 : i32, i32
  }
  func.func @transform_2(%arg0: i32) -> (i32, i32) {
    %c0_i32 = arith.constant 0 : i32
    %c0_i32_0 = arith.constant 0 : i32
    return %arg0, %c0_i32 : i32, i32
  }
  func.func @transform_3(%arg0: i32) -> (i32, i32) {
    %c0_i32 = arith.constant 0 : i32
    %c0_i32_0 = arith.constant 0 : i32
    %c0_i32_1 = arith.constant 0 : i32
    return %c0_i32, %c0_i32_0 : i32, i32
  }
  func.func @transform_4(%arg0: i32) -> (i32, i32) {
    %c0_i32 = arith.constant 0 : i32
    %c0_i32_0 = arith.constant 0 : i32
    %c0_i32_1 = arith.constant 0 : i32
    return %c0_i32, %c0_i32_0 : i32, i32
  }
  func.func @transform_5(%arg0: i32) -> (i32, i32) {
    %c0_i32 = arith.constant 0 : i32
    %c0_i32_0 = arith.constant 0 : i32
    %c0_i32_1 = arith.constant 0 : i32
    return %c0_i32, %c0_i32_0 : i32, i32
  }
  func.func @transform_6(%arg0: i32) -> (i32, i32) {
    %c0_i32 = arith.constant 0 : i32
    %c0_i32_0 = arith.constant 0 : i32
    %c0_i32_1 = arith.constant 0 : i32
    return %c0_i32, %c0_i32_0 : i32, i32
  }
  func.func @transform_7(%arg0: i32) -> (i32, i32) {
    %c0_i32 = arith.constant 0 : i32
    %c0_i32_0 = arith.constant 0 : i32
    return %arg0, %c0_i32 : i32, i32
  }
  func.func @transform_8(%arg0: i32) -> (i32, i32) {
    %c0_i32 = arith.constant 0 : i32
    %c0_i32_0 = arith.constant 0 : i32
    return %arg0, %c0_i32 : i32, i32
  }
  func.func @transform_9(%arg0: i32) -> (i32, i32) {
    %c0_i32 = arith.constant 0 : i32
    %c0_i32_0 = arith.constant 0 : i32
    %c0_i32_1 = arith.constant 0 : i32
    return %c0_i32, %c0_i32_0 : i32, i32
  }
}

module attributes {stable_mosaic.version = 14 : i64} {
  func.func @body(%arg0: i32, %arg1: memref<8x128xf32, #tpu.memory_space<vmem>>, %arg2: memref<256x128xf32, #tpu.memory_space<vmem>>, %arg3: memref<256x128xf32, #tpu.memory_space<vmem>>, %arg4: memref<128x256xf32, #tpu.memory_space<vmem>>, %arg5: memref<1x256xf32, #tpu.memory_space<vmem>>, %arg6: memref<256x128xf32, #tpu.memory_space<vmem>>, %arg7: memref<1x128xf32, #tpu.memory_space<vmem>>, %arg8: memref<256x1xi32, #tpu.memory_space<vmem>>, %arg9: memref<256x128xf32, #tpu.memory_space<vmem>>, %arg10: memref<128x128xf32, #tpu.memory_space<vmem>>) attributes {dimension_semantics = [#tpu.dimension_semantics<arbitrary>], iteration_bounds = array<i64: 8>, scalar_prefetch = 0 : i64, scratch_operands = 0 : i64, tpu.core_type = #tpu.core_type<tc>, window_params = [{pipeline_mode = #tpu.pipeline_mode<synchronous>, transform_indices = @transform_0, window_bounds = array<i64: 8, 128>}, {transform_indices = @transform_1, window_bounds = array<i64: 256, 128>}, {transform_indices = @transform_2, window_bounds = array<i64: 256, 128>}, {pipeline_mode = #tpu.pipeline_mode<synchronous>, transform_indices = @transform_3, window_bounds = array<i64: 128, 256>}, {pipeline_mode = #tpu.pipeline_mode<synchronous>, transform_indices = @transform_4, window_bounds = array<i64: 1, 256>}, {pipeline_mode = #tpu.pipeline_mode<synchronous>, transform_indices = @transform_5, window_bounds = array<i64: 256, 128>}, {pipeline_mode = #tpu.pipeline_mode<synchronous>, transform_indices = @transform_6, window_bounds = array<i64: 1, 128>}, {transform_indices = @transform_7, window_bounds = array<i64: 256, 1>}, {transform_indices = @transform_8, window_bounds = array<i64: 256, 128>}, {pipeline_mode = #tpu.pipeline_mode<synchronous>, transform_indices = @transform_9, window_bounds = array<i64: 128, 128>}]} {
    %get3A = arith.constant 0 : index
    %get3A_0 = arith.constant 0 : index
    %get3A_1 = vector.load %arg1[%get3A, %get3A_0] : memref<8x128xf32, #tpu.memory_space<vmem>>, vector<1x1xf32>
    %get3A_2 = vector.extract %get3A_1[0, 0] : f32 from vector<1x1xf32>
    %get3A_3 = arith.constant 0 : index
    %get3A_4 = arith.constant 0 : index
    %get3A_5 = vector.load %arg2[%get3A_3, %get3A_4] : memref<256x128xf32, #tpu.memory_space<vmem>>, vector<256x128xf32>
    %mul3A = vector.broadcast %get3A_2 : f32 to vector<256x128xf32>
    %mul3A_6 = arith.mulf %mul3A, %get3A_5 : vector<256x128xf32>
    %get3A_7 = arith.constant 0 : index
    %get3A_8 = arith.constant 0 : index
    %get3A_9 = vector.load %arg3[%get3A_7, %get3A_8] : memref<256x128xf32, #tpu.memory_space<vmem>>, vector<256x128xf32>
    %add3A = arith.addf %mul3A_6, %get3A_9 : vector<256x128xf32>
    %get3A_10 = arith.constant 0 : index
    %get3A_11 = arith.constant 0 : index
    %get3A_12 = vector.load %arg4[%get3A_10, %get3A_11] : memref<128x256xf32, #tpu.memory_space<vmem>>, vector<128x256xf32>
    %dot_general3A = arith.constant dense<0.000000e+00> : vector<256x256xf32>
    %dot_general3A_13 = tpu.matmul %add3A, %get3A_12, %dot_general3A {dimension_numbers = #tpu.dot_dimension_numbers<[1], [0], [0], [1], [0, 0, 1, 1], [], []>, transpose_lhs_hint = false} : vector<256x128xf32>, vector<128x256xf32>, vector<256x256xf32> -> vector<256x256xf32>
    %get3A_14 = arith.constant 0 : index
    %get3A_15 = arith.constant 0 : index
    %get3A_16 = vector.load %arg5[%get3A_14, %get3A_15] : memref<1x256xf32, #tpu.memory_space<vmem>>, vector<1x256xf32>
    %add3A_17 = vector.broadcast %get3A_16 : vector<1x256xf32> to vector<256x256xf32>
    %add3A_18 = arith.addf %dot_general3A_13, %add3A_17 : vector<256x256xf32>
    %max3A = arith.constant 0.000000e+00 : f32
    %max3A_19 = vector.broadcast %max3A : f32 to vector<256x256xf32>
    %max3A_20 = arith.maximumf %add3A_18, %max3A_19 : vector<256x256xf32>
    %get3A_21 = arith.constant 0 : index
    %get3A_22 = arith.constant 0 : index
    %get3A_23 = vector.load %arg6[%get3A_21, %get3A_22] : memref<256x128xf32, #tpu.memory_space<vmem>>, vector<256x128xf32>
    %dot_general3A_24 = arith.constant dense<0.000000e+00> : vector<256x128xf32>
    %dot_general3A_25 = tpu.matmul %max3A_20, %get3A_23, %dot_general3A_24 {dimension_numbers = #tpu.dot_dimension_numbers<[1], [0], [0], [1], [0, 0, 1, 1], [], []>, transpose_lhs_hint = false} : vector<256x256xf32>, vector<256x128xf32>, vector<256x128xf32> -> vector<256x128xf32>
    %get3A_26 = arith.constant 0 : index
    %get3A_27 = arith.constant 0 : index
    %get3A_28 = vector.load %arg7[%get3A_26, %get3A_27] : memref<1x128xf32, #tpu.memory_space<vmem>>, vector<1x128xf32>
    %add3A_29 = vector.broadcast %get3A_28 : vector<1x128xf32> to vector<256x128xf32>
    %add3A_30 = arith.addf %dot_general3A_25, %add3A_29 : vector<256x128xf32>
    %max3A_31 = arith.constant 0.000000e+00 : f32
    %max3A_32 = vector.broadcast %max3A_31 : f32 to vector<256x128xf32>
    %max3A_33 = arith.maximumf %add3A_30, %max3A_32 : vector<256x128xf32>
    %swap3A = arith.constant 0 : index
    %swap3A_34 = arith.constant 0 : index
    %swap3A_35 = vector.load %arg9[%swap3A, %swap3A_34] : memref<256x128xf32, #tpu.memory_space<vmem>>, vector<256x128xf32>
    tpu.vector_store %arg9[%swap3A, %swap3A_34], %max3A_33 {strides = array<i32>} : memref<256x128xf32, #tpu.memory_space<vmem>>, vector<256x128xf32>,
    %get3A_36 = arith.constant 0 : index
    %get3A_37 = arith.constant 0 : index
    %get3A_38 = vector.load %arg8[%get3A_36, %get3A_37] : memref<256x1xi32, #tpu.memory_space<vmem>>, vector<256x1xi32>
    %iota3A = tpu.iota {dimensions = array<i32: 1>} : vector<256x128xi32>
    %eq3A = vector.broadcast %get3A_38 : vector<256x1xi32> to vector<256x128xi32>
    %eq3A_39 = arith.cmpi eq, %eq3A, %iota3A : vector<256x128xi32>
    %convert_element_type3A = arith.extui %eq3A_39 : vector<256x128xi1> to vector<256x128xi32>
    %convert_element_type3A_40 = arith.sitofp %convert_element_type3A : vector<256x128xi32> to vector<256x128xf32>
    %dot_general3A_41 = arith.constant dense<0.000000e+00> : vector<128x128xf32>
    %dot_general3A_42 = tpu.matmul %convert_element_type3A_40, %max3A_33, %dot_general3A_41 {dimension_numbers = #tpu.dot_dimension_numbers<[0], [0], [1], [1], [0, 1, 1, 1], [], []>, transpose_lhs_hint = false} : vector<256x128xf32>, vector<256x128xf32>, vector<128x128xf32> -> vector<128x128xf32>
    %eq3A_43 = arith.constant 0 : i32
    %eq3A_44 = arith.cmpi eq, %arg0, %eq3A_43 : i32
    %convert_element_type3A_45 = arith.extui %eq3A_44 : i1 to i32
    %cond3A = arith.constant 0 : i32
    %cond3A_46 = arith.cmpi ne, %convert_element_type3A_45, %cond3A : i32
    scf.if %cond3A_46 {
      %swap3A_51 = arith.constant 0 : index
      %swap3A_52 = arith.constant 0 : index
      %swap3A_53 = vector.load %arg10[%swap3A_51, %swap3A_52] : memref<128x128xf32, #tpu.memory_space<vmem>>, vector<128x128xf32>
      tpu.vector_store %arg10[%swap3A_51, %swap3A_52], %dot_general3A_42 {strides = array<i32>} : memref<128x128xf32, #tpu.memory_space<vmem>>, vector<128x128xf32>,
    } else {
    }
    %gt3A = arith.constant 0 : i32
    %gt3A_47 = arith.cmpi sgt, %arg0, %gt3A : i32
    %convert_element_type3A_48 = arith.extui %gt3A_47 : i1 to i32
    %cond3A_49 = arith.constant 0 : i32
    %cond3A_50 = arith.cmpi ne, %convert_element_type3A_48, %cond3A_49 : i32
    scf.if %cond3A_50 {
      %get3A_51 = arith.constant 0 : index
      %get3A_52 = arith.constant 0 : index
      %get3A_53 = vector.load %arg10[%get3A_51, %get3A_52] : memref<128x128xf32, #tpu.memory_space<vmem>>, vector<128x128xf32>
      %add3A_54 = arith.addf %get3A_53, %dot_general3A_42 : vector<128x128xf32>
      %swap3A_55 = arith.constant 0 : index
      %swap3A_56 = arith.constant 0 : index
      %swap3A_57 = vector.load %arg10[%swap3A_55, %swap3A_56] : memref<128x128xf32, #tpu.memory_space<vmem>>, vector<128x128xf32>
      tpu.vector_store %arg10[%swap3A_55, %swap3A_56], %add3A_54 {strides = array<i32>} : memref<128x128xf32, #tpu.memory_space<vmem>>, vector<128x128xf32>,
    } else {
    }
    return
  }
  func.func @transform_0(%arg0: i32) -> (i32, i32) {
    %c0_i32 = arith.constant 0 : i32
    %c0_i32_0 = arith.constant 0 : i32
    %c0_i32_1 = arith.constant 0 : i32
    return %c0_i32, %c0_i32_0 : i32, i32
  }
  func.func @transform_1(%arg0: i32) -> (i32, i32) {
    %c0_i32 = arith.constant 0 : i32
    %c0_i32_0 = arith.constant 0 : i32
    return %arg0, %c0_i32 : i32, i32
  }
  func.func @transform_2(%arg0: i32) -> (i32, i32) {
    %c0_i32 = arith.constant 0 : i32
    %c0_i32_0 = arith.constant 0 : i32
    return %arg0, %c0_i32 : i32, i32
  }
  func.func @transform_3(%arg0: i32) -> (i32, i32) {
    %c0_i32 = arith.constant 0 : i32
    %c0_i32_0 = arith.constant 0 : i32
    %c0_i32_1 = arith.constant 0 : i32
    return %c0_i32, %c0_i32_0 : i32, i32
  }
  func.func @transform_4(%arg0: i32) -> (i32, i32) {
    %c0_i32 = arith.constant 0 : i32
    %c0_i32_0 = arith.constant 0 : i32
    %c0_i32_1 = arith.constant 0 : i32
    return %c0_i32, %c0_i32_0 : i32, i32
  }
  func.func @transform_5(%arg0: i32) -> (i32, i32) {
    %c0_i32 = arith.constant 0 : i32
    %c0_i32_0 = arith.constant 0 : i32
    %c0_i32_1 = arith.constant 0 : i32
    return %c0_i32, %c0_i32_0 : i32, i32
  }
  func.func @transform_6(%arg0: i32) -> (i32, i32) {
    %c0_i32 = arith.constant 0 : i32
    %c0_i32_0 = arith.constant 0 : i32
    %c0_i32_1 = arith.constant 0 : i32
    return %c0_i32, %c0_i32_0 : i32, i32
  }
  func.func @transform_7(%arg0: i32) -> (i32, i32) {
    %c0_i32 = arith.constant 0 : i32
    %c0_i32_0 = arith.constant 0 : i32
    return %arg0, %c0_i32 : i32, i32
  }
  func.func @transform_8(%arg0: i32) -> (i32, i32) {
    %c0_i32 = arith.constant 0 : i32
    %c0_i32_0 = arith.constant 0 : i32
    return %arg0, %c0_i32 : i32, i32
  }
  func.func @transform_9(%arg0: i32) -> (i32, i32) {
    %c0_i32 = arith.constant 0 : i32
    %c0_i32_0 = arith.constant 0 : i32
    %c0_i32_1 = arith.constant 0 : i32
    return %c0_i32, %c0_i32_0 : i32, i32
  }
}

</mosaic_0001>

<sc_bundles>
// kernel: kernel.14.cloned.1.call-start
scs
__scs_entry_jumppad:
0x0: {  	(pc) =	sbr.rel $0x88, $3  }
0x1: {  	(tag) =	ssettag $0x0;
	lr =	simm.s32 $0x1  }
0x2: {  	[smem:$0x3F7F] =	sst lr;
	_ =	strace $0xD0000000  }
0x3: {  	_ = 	snop  }
0x4: {  	_ = 	snop  }
0x5: {  	_ = 	snop  }
0x6: {  	_ = 	snop  }
0x7: {  	_ = 	snop  }
__scs_overlays_trampoline_lowered:
0x8: {  	[smem:$0x3F8E] =	sst s0  }
0x9: {  	[smem:$0x3F8F] =	sst s1  }
0xa: {  	[smem:$0x3F90] =	sst s2  }
0xb: {  	[smem:$0x3F91] =	sst s3  }
0xc: {  	[smem:$0x3F92] =	sst s4  }
0xd: {  	[smem:$0x3F93] =	sst s5  }
0xe: {  	[smem:$0x3F94] =	sst s6  }
0xf: {  	[smem:$0x3F95] =	sst s7  }
0x10: {  	[smem:$0x3F96] =	sst s8  }
0x11: {  	[smem:$0x3F97] =	sst s9;
	s0 =	simm.s32 @!p0 $0x0  }
0x12: {  	s1 =	sld [smem:$0x3F7D];
	s0 =	simm.s32 @p0 $0x1  }
0x13: {  	[smem:$0x3F98] =	sst s0;
	s0 =	simm.s32 @!p1 $0x0  }
0x14: {  	s2 =	sld [smem:$0x3F7C];
	s0 =	simm.s32 @p1 $0x1  }
0x15: {  	[smem:$0x3F99] =	sst s0;
	s0 =	simm.s32 @!p2 $0x0  }
0x16: {  	s3 =	sld [smem:$0x3FDB];
	s0 =	simm.s32 @p2 $0x1  }
0x17: {  	s4 =	simm.s32 $0x1BF5;
	[smem:$0x3F9B] =	sst s0  }
0x18: {  	s0 =	sld [smem:$0x3F7E];
	_ =	swait.ge [sflag:s4], $0x0  }
0x19: {  	s7 =	sld [smem:$0x3F7F]  }
0x1a: {  	s8 =	sadd.s32 $0xFFFFE003, lr  }
0x1b: {  	s9 =	sadd.s32 $0xFFFFFEF7, lr;
	s5 =	simm.s32 $0xFFFFFFFF;
	p2 =	slt.u32 s8, $0xFFFFF086  }
0x1c: {  	p1 =	slt.u32 s9, $0xF7A;
	s5 =	simm.s32 @!p2 $0x0  }
0x1d: {  	s5 =	simm.s32 @p1 $0x1;
	p0 =	seq.s32 s7, s2  }
0x1e: {  	s7 =	smul.u32 @!p0 $0xF7A, s2;
	p2 =	seq.s32 @!p0 s5, $0x0  }
0x1f: {  	s9 =	smul.u32 $0xF7A, s1;
	s8 =	simm.s32 @!p0 $0x1BF5;
	p2 =	por !p2, p0  }
0x20: {  	[sflag:s8] =	ssyncset.s32 @!p0 $0xFFFFF086;
	s6 =	sadd.s32 @!p0 s3, s7;
	s7 =	simm.s32 @!p0 $0x108  }
0x21: {  	s3 =	sadd.s32 s3, s9;
	s6 =	sadd.s32 @!p0 $0x88, s6;
	s7 =	simm.s32 @p2 $0x1082  }
0x22: {  	[simem:s7], [sflag:s8] =	dma.local @!p0 [hbm:s6], $0xF7A  }
0x23: {  	s9 =	sor.u32 $0xD0000000, s2;
	s6 =	simm.s32 $0x108;
	_ =	swait.ge @!p0 [sflag:s8], $0x0  }
0x24: {  	s3 =	sadd.s32 $0x88, s3;
	s6 =	simm.s32 @!p1 $0x1082;
	[sflag:s4] =	ssyncset.s32 $0xFFFFF086  }
0x25: {  	[simem:s6], [sflag:s4] =	dma.local [hbm:s3], $0xF7A  }
0x26: {  	[smem:$0x3F7F] =	sst s1;
	(tag) =	ssettag s2;
	_ =	strace s9  }
0x27: {  	s1 =	sld [smem:$0x3F8F]  }
0x28: {  	s2 =	sld [smem:$0x3F90]  }
0x29: {  	s4 =	sld [smem:$0x3F92]  }
0x2a: {  	p0 =	seq.s32 s5, $0x0;
	s5 =	sld [smem:$0x3F93]  }
0x2b: {  	s6 =	sld [smem:$0x3F94]  }
0x2c: {  	s7 =	sld [smem:$0x3F95]  }
0x2d: {  	s3 =	simm.s32 $0x108;
	s8 =	sld [smem:$0x3F96]  }
0x2e: {  	s3 =	simm.s32 @!p0 $0x1082;
	s9 =	sld [smem:$0x3F97]  }
0x2f: {  	lr =	sadd.s32 s0, s3;
	s0 =	sld [smem:$0x3F8E]  }
0x30: {  	s3 =	sld [smem:$0x3F91]  }
0x31: {  	[smem:$0x3F9A] =	sst s10  }
0x32: {  	s10 =	sld [smem:$0x3F98];
	_ =	sdelay $0x3  }
0x33: {  	p0 =	seq.s32 s10, $0x1;
	s10 =	sld [smem:$0x3F9A];
	_ =	sdelay $0x3  }
0x34: {  	[smem:$0x3F9A] =	sst s10  }
0x35: {  	s10 =	sld [smem:$0x3F99];
	_ =	sdelay $0x3  }
0x36: {  	p1 =	seq.s32 s10, $0x1;
	s10 =	sld [smem:$0x3F9A];
	_ =	sdelay $0x3  }
0x37: {  	[smem:$0x3F9A] =	sst s10  }
0x38: {  	s10 =	sld [smem:$0x3F9B]  }
0x39: {  	_ = 	snop;
	(pc) =	sbr.ind lr, $3  }
0x3a: {  	_ = 	snop  }
0x3b: {  	_ = 	snop  }
0x3c: {  	p2 =	seq.s32 s10, $0x1;
	s10 =	sld [smem:$0x3F9A]  }
0x3d: {  	_ =	shalt  }
0x3e: {  	_ =	shalt  }
0x3f: {  	_ =	shalt  }
0x40: {  	_ =	shalt  }
0x41: {  	_ =	shalt  }
0x42: {  	_ =	shalt  }
0x43: {  	_ =	shalt  }
0x44: {  	_ =	shalt  }
0x45: {  	_ =	shalt  }
0x46: {  	_ =	shalt  }
0x47: {  	_ =	shalt  }
0x48: {  	_ =	shalt  }
0x49: {  	_ =	shalt  }
0x4a: {  	_ =	shalt  }
0x4b: {  	_ =	shalt  }
0x4c: {  	_ =	shalt  }
0x4d: {  	_ =	shalt  }
0x4e: {  	_ =	shalt  }
0x4f: {  	_ =	shalt  }
0x50: {  	_ =	shalt  }
0x51: {  	_ =	shalt  }
0x52: {  	_ =	shalt  }
0x53: {  	_ =	shalt  }
0x54: {  	_ =	shalt  }
0x55: {  	_ =	shalt  }
0x56: {  	_ =	shalt  }
0x57: {  	_ =	shalt  }
0x58: {  	_ =	shalt  }
0x59: {  	_ =	shalt  }
0x5a: {  	_ =	shalt  }
0x5b: {  	_ =	shalt  }
0x5c: {  	_ =	shalt  }
0x5d: {  	_ =	shalt  }
0x5e: {  	_ =	shalt  }
0x5f: {  	_ =	shalt  }
0x60: {  	_ =	shalt  }
0x61: {  	_ =	shalt  }
0x62: {  	_ =	shalt  }
0x63: {  	_ =	shalt  }
0x64: {  	_ =	shalt  }
0x65: {  	_ =	shalt  }
0x66: {  	_ =	shalt  }
0x67: {  	_ =	shalt  }
0x68: {  	_ =	shalt  }
0x69: {  	_ =	shalt  }
0x6a: {  	_ =	shalt  }
0x6b: {  	_ =	shalt  }
0x6c: {  	_ =	shalt  }
0x6d: {  	_ =	shalt  }
0x6e: {  	_ =	shalt  }
0x6f: {  	_ =	shalt  }
0x70: {  	_ =	shalt  }
0x71: {  	_ =	shalt  }
0x72: {  	_ =	shalt  }
0x73: {  	_ =	shalt  }
0x74: {  	_ =	shalt  }
0x75: {  	_ =	shalt  }
0x76: {  	_ =	shalt  }
0x77: {  	_ =	shalt  }
0x78: {  	_ =	shalt  }
0x79: {  	_ =	shalt  }
0x7a: {  	_ =	shalt  }
0x7b: {  	_ =	shalt  }
0x7c: {  	_ =	shalt  }
0x7d: {  	_ =	shalt  }
0x7e: {  	_ =	shalt  }
0x7f: {  	_ =	shalt  }
0x80: {  	_ =	shalt  }
0x81: {  	_ =	shalt  }
0x82: {  	_ =	shalt  }
0x83: {  	_ =	shalt  }
0x84: {  	_ =	shalt  }
0x85: {  	_ =	shalt  }
0x86: {  	_ =	shalt  }
0x87: {  	_ =	shalt  }
.Lfunc_end0:
.L_simem_size_0:
called_computation_lowered:
.L_overlay_start_0:
0x88: {  	s2 =	sld [smem:$0x3FD9]  }
0x89: {  	s3 =	sld [smem:$0x3FFE];
	_ =	sdelay $0x1  }
0x8a: {  	s1 =	srdreg.scid  }
0x8b: {  	s0 =	sand.u32 $0x1, s1  }
0x8c: {  	s16 =	sshll.u32 s0, $0xA;
	s2 =	sadd.s32 s3, s2  }
0x8d: {  	s2 =	sadd.s32 s2, s16  }
0x8e: {  	[smem:$0x3FA6] =	sst s2  }
0x8f: {  	_ = 	snop  }
0x90: {  	(tm) =	ssettm $0x1  }
0x91: {  	s17 =	sld [smem:$0x3FFB];
	_ =	sdelay $0x3  }
0x92: {  	_ =	strace s17  }
0x93: {  	s2 =	sld [smem:$0x3FFC];
	_ =	sdelay $0x3  }
0x94: {  	_ =	strace s2  }
0x95: {  	s2 =	sld [smem:$0x3FFD];
	_ =	sdelay $0x3  }
0x96: {  	_ =	strace s2  }
0x97: {  	_ =	strace $0x8FFFFFFF  }
0x98: {  	s18 =	sld [smem:$0x3FDB];
	_ =	sdelay $0x1  }
0x99: {  	s19 =	simm.s32 $_scs_section_size  }
0x9a: {  	s4 =	simm.s32 $_size__tile_overlayer_lowered;
	s5 =	simm.s32 $_tile_overlayer_lowered  }
0x9b: {  	s22 =	simm.s32 $0x1BFF;
	s21 =	sshll.u32 s5, $0x1;
	s2 =	sadd.s32 s19, s18  }
0x9c: {  	s6 =	simm.s32 $0x0;
	s20 =	sshll.u32 s4, $0x1;
	s4 =	sadd.s32 s21, s2  }
0x9d: {  	[timem:s6], [sflag:s22] =	dma.local [hbm:s4], s20  }
0x9e: {  	_ =	swait.ge [sflag:s22], s20  }
0x9f: {  	s3 =	ssub.s32 $0x0, s20;
	[sflag:s22] =	ssyncset.done $0x0  }
0xa0: {  	[sflag:s22] =	ssyncadd.s32 s3;
	_ =	sdelay $0x1  }
0xa1: {  	s23 =	simm.s32 $0x1B8B  }
0xa2: {  	_ =	swait.ge [sflag:s23], $0x1  }
0xa3: {  	[sflag:s23] =	ssyncset.done $0x0  }
0xa4: {  	s25 =	simm.s32 $0x1B8E;
	s24 =	sld [smem:$0x3FFE];
	[sflag:s23] =	ssyncadd.s32 $0xFFFFFFFF  }
0xa5: {  	s26 =	simm.s32 $execute0_lowered;
	[smem:$0x3FD2] =	sst s25  }
0xa6: {  	s4 =	sshll.u32 s26, $0x1;
	_ =	strace $0x80000046;
	[dreg:$0x1] =	wrdreg $0xFFFFFFFF  }
0xa7: {  	s28 =	simm.s32 $_size_execute0_lowered;
	s2 =	sadd.s32 s2, s4;
	[dreg:$0x0] =	wrdreg $0x0  }
0xa8: {  	s4 =	sshll.u32 s28, $0x1;
	[dreg:$0x2] =	wrdreg s2  }
0xa9: {  	[dreg:$0x3] =	wrdreg s4  }
0xaa: {  	[dreg:$0x4] =	wrdreg $0xC0  }
0xab: {  	_ =	task [dreg:s6], $0x5FFFF  }
0xac: {  	[dreg:$0x1] =	wrdreg $0xFFFFFFFF  }
0xad: {  	[dreg:$0x0] =	wrdreg $0x60  }
0xae: {  	[dreg:$0x2] =	wrdreg s24  }
0xaf: {  	[dreg:$0x3] =	wrdreg $0x51800  }
0xb0: {  	[dreg:$0x4] =	wrdreg $0x9  }
0xb1: {  	_ =	task.clear_ibuf [dreg:s6], $0x5FFFF;
	_ =	strace $0x90000046  }
0xb2: {  	s29 =	simm.s32 $0x9;
	_ =	strace $0x80000048  }
0xb3: {  	_ =	swait.ge [sflag:s29], $0x1  }
0xb4: {  	[sflag:s29] =	ssyncadd.s32 $0xFFFFFFFF  }
0xb5: {  	_ =	strace $0x90000048  }
0xb6: {  	_ =	sfence  }
0xb7: {  	s30 =	sld [smem:$0x0];
	_ =	sdelay $0x2  }
0xb8: {  	s31 =	sshll.u32 s1, $0xD;
	s1 =	sshrl.u32 s1, $0x2  }
0xb9: {  	s3 =	sand.u32 $0x4000, s31;
	s1 =	sadd.s32 s1, s30  }
0xba: {  	s0 =	sor.u32 s3, s0;
	s1 =	sshll.u32 s1, $0x11  }
0xbb: {  	s0 =	sor.u32 s1, s0  }
0xbc: {  	s0 =	sadd.s32 $0x8F2B, s0  }
0xbd: {  	[sflag:s0] =	ssyncadd.remote.s32 $0x1  }
0xbe: {  	_ =	sfence.sel $0xFFFF  }
0xbf: {  	[dreg:$0x0] =	wrdreg $0xFFFFFFFF;
	(pc) =	sbr.abs _section_cstart, $3  }
0xc0: {  	[dreg:$0x1] =	wrdreg $0xFFFFFFFF  }
0xc1: {  	_ =	task.clear_ibuf [dreg:s6], $0x2FFFF;
	_ =	strace $0x9FFFFFFF  }
0xc2: {  	(tm) =	ssettm $0x7FFFFFFF  }
0xc3: {  	_ =	shalt  }
tec
execute0_lowered:
.L_overlay_start_1:
0x0: {  	(tag) =	ssettag $0x1  }
0x1: {  	s0 =	rddreg [dreg:$0x0]  }
0x2: {  	s2 =	rddreg [dreg:$0x1];
	s3 =	simm.s32 $0x0;
	s4 =	srdreg.scid  }
0x3: {  	s1 =	stileid.u32;
	s20 =	simm.s32 $0x180;
	s21 =	simm.s32 $0x3  }
0x4: {  	s22 =	simm.s32 $0x80;
	s23 =	simm.s32 $0x100;
	s24 =	simm.s32 $0x50  }
0x5: {  	s25 =	simm.s32 $0x1;
	s26 =	simm.s32 $0x2980;
	s28 =	simm.s32 $0x2  }
0x6: {  	[smem:$0x7FF] =	sst s3;
	s9 =	sand.u32 $0x1, s4;
	s8 =	smul.u32 $0x2800, s1  }
0x7: {  	s4 =	sadd.s32 $0x24C00, s0;
	s5 =	sadd.s32 $0x4CC00, s0;
	s6 =	sadd.s32 $0x11000, s0  }
0x8: {  	s7 =	sadd.s32 $0x1AE00, s0;
	s11 =	smul.u32 $0x50000, s1;
	s13 =	sshll.u32 s1, $0x1  }
0x9: {  	_ =	strace $0x80000047;
	s10 =	smul.u32 $0x28000, s9;
	s31 =	ssub.s32 $0x2, s9  }
0xa: {  	s17 =	sor.u32 s9, s13;
	s12 =	sshrl.u32 s31, $0x1;
	s11 =	sshrl.u32 s11, $0x2  }
0xb: {  	s17 =	smul.u32 $0x2710, s17;
	s10 =	sadd.s32 s8, s10;
	s8 =	sadd.s32 $0x7200, s0  }
0xc: {  	s19 =	ssub.s32 s31, s12;
	s9 =	sadd.s32 s11, s2;
	s0 =	sadd.s32 s10, s0  }
0xd: {  	s10 =	sadd.s32 $0x2800, s9;
	s11 =	sadd.s32 $0x5000, s9;
	s12 =	sadd.s32 $0x7800, s9  }
0xe: {  	s13 =	sadd.s32 $0xA000, s9;
	s14 =	sadd.s32 $0xC800, s9;
	s15 =	sadd.s32 $0xF000, s9  }
0xf: {  	v0 =	vimm.f32 $0.0e+00;
	s16 =	sadd.s32 $0x11800, s9;
	s19 =	smax.u32 s19, $0x1;
	s18 =	sadd.s32 $0x4EC00, s0  }
.LBB2_1:
0x10: {  	s0 =	simm.s32 $0x0;
	s29 =	simm.s32 $0x200  }
.LBB2_2:
0x11: {  	p0 =	sne.s32 s29, $0x9E00;
	[tilespmem:s0+$0x1F0] =	vst v0  }
0x12: {  	[tilespmem:s0+$0x180] =	vst v0  }
0x13: {  	[tilespmem:s0+$0x190] =	vst v0  }
.Ltmp0:
0x14: {  	[tilespmem:s0+$0x1A0] =	vst v0;
	(pc) =	sbr.rel @p0 .LBB2_2-.Ltmp0, $4  }
0x15: {  	[tilespmem:s0+$0x1B0] =	vst v0  }
0x16: {  	[tilespmem:s0+$0x1C0] =	vst v0  }
0x17: {  	[tilespmem:s0+$0x1D0] =	vst v0  }
0x18: {  	[tilespmem:s0+$0x1E0] =	vst v0;
	s0 =	sshra.s32 s29, $0x2;
	s29 =	sadd.s32 $0x200, s29  }
0x19: {  	[tilespmem:s0+$0x1F0] =	vst v0  }
0x1a: {  	[tilespmem:s0+$0x180] =	vst v0  }
0x1b: {  	[tilespmem:s0+$0x190] =	vst v0  }
0x1c: {  	[tilespmem:s0+$0x1A0] =	vst v0  }
0x1d: {  	[tilespmem:s0+$0x1B0] =	vst v0  }
0x1e: {  	[tilespmem:s0+$0x1C0] =	vst v0  }
0x1f: {  	[tilespmem:s0+$0x1D0] =	vst v0  }
0x20: {  	[tilespmem:s0+$0x1E0] =	vst v0  }
0x21: {  	[spmem:s9] =	stream.linear.scatter [tilespmem:s20], [sflag:$0x3], $0x2800, $0x38;
	[tilespmem:$0x19180] =	vst v63  }
0x22: {  	_ =	swait.ge [sflag:s21], $0x2800  }
0x23: {  	[sflag:s21] =	ssyncset.done $0x0  }
0x24: {  	[sflag:s21] =	ssyncadd.s32 $0xFFFFD800  }
0x25: {  	[spmem:s10] =	stream.linear.scatter [tilespmem:s20], [sflag:$0x3], $0x2800, $0x38;
	[tilespmem:$0x19180] =	vst v63  }
0x26: {  	_ =	swait.ge [sflag:s21], $0x2800  }
0x27: {  	[sflag:s21] =	ssyncset.done $0x0  }
0x28: {  	[sflag:s21] =	ssyncadd.s32 $0xFFFFD800  }
0x29: {  	[spmem:s11] =	stream.linear.scatter [tilespmem:s20], [sflag:$0x3], $0x2800, $0x38;
	[tilespmem:$0x19180] =	vst v63  }
0x2a: {  	_ =	swait.ge [sflag:s21], $0x2800  }
0x2b: {  	[sflag:s21] =	ssyncset.done $0x0  }
0x2c: {  	[sflag:s21] =	ssyncadd.s32 $0xFFFFD800  }
0x2d: {  	[spmem:s12] =	stream.linear.scatter [tilespmem:s20], [sflag:$0x3], $0x2800, $0x38;
	[tilespmem:$0x19180] =	vst v63  }
0x2e: {  	_ =	swait.ge [sflag:s21], $0x2800  }
0x2f: {  	[sflag:s21] =	ssyncset.done $0x0  }
0x30: {  	[sflag:s21] =	ssyncadd.s32 $0xFFFFD800  }
0x31: {  	[spmem:s13] =	stream.linear.scatter [tilespmem:s20], [sflag:$0x3], $0x2800, $0x38;
	[tilespmem:$0x19180] =	vst v63  }
0x32: {  	_ =	swait.ge [sflag:s21], $0x2800  }
0x33: {  	[sflag:s21] =	ssyncset.done $0x0  }
0x34: {  	[sflag:s21] =	ssyncadd.s32 $0xFFFFD800  }
0x35: {  	[spmem:s14] =	stream.linear.scatter [tilespmem:s20], [sflag:$0x3], $0x2800, $0x38;
	[tilespmem:$0x19180] =	vst v63  }
0x36: {  	_ =	swait.ge [sflag:s21], $0x2800  }
0x37: {  	[sflag:s21] =	ssyncset.done $0x0  }
0x38: {  	[sflag:s21] =	ssyncadd.s32 $0xFFFFD800  }
0x39: {  	[spmem:s15] =	stream.linear.scatter [tilespmem:s20], [sflag:$0x3], $0x2800, $0x38;
	[tilespmem:$0x19180] =	vst v63  }
0x3a: {  	_ =	swait.ge [sflag:s21], $0x2800  }
0x3b: {  	[sflag:s21] =	ssyncset.done $0x0  }
0x3c: {  	[sflag:s21] =	ssyncadd.s32 $0xFFFFD800  }
0x3d: {  	[spmem:s16] =	stream.linear.scatter [tilespmem:s20], [sflag:$0x3], $0x2800, $0x38;
	[tilespmem:$0x19180] =	vst v63  }
0x3e: {  	_ =	swait.ge [sflag:s21], $0x2800  }
0x3f: {  	[sflag:s21] =	ssyncset.done $0x0  }
0x40: {  	[sflag:s21] =	ssyncadd.s32 $0xFFFFD800  }
0x41: {  	s29 =	simm.s32 $0x0;
	s30 =	simm.s32 $0x0;
	[bflag:$0x0] =	sbarrier.arrive $0xFFFF  }
.LBB2_4:
0x42: {  	s0 =	smul.u32 $0x50, s30;
	_ =	sdelay $0x1  }
0x43: {  	s0 =	sadd.s32 s17, s0  }
0x44: {  	s0 =	sshrl.u32 s0, $0x3  }
0x45: {  	s31 =	sadd.s32 s6, s0  }
0x46: {  	[tilespmem:s29], [sflag:$0x3] =	stream.linear.gather [hbm4b:s31+s29], $0x50, $0x38;
	[tilespmem:$0x19180] =	vst v63  }
0x47: {  	_ =	swait.ge [sflag:s21], $0x50  }
0x48: {  	[sflag:s21] =	ssyncset.done $0x0  }
0x49: {  	s31 =	sadd.s32 s7, s0;
	[sflag:s21] =	ssyncadd.s32 $0xFFFFFFB0  }
0x4a: {  	[tilespmem:s22], [sflag:$0x3] =	stream.linear.gather [hbm4b:s31+s29], $0x50, $0x38;
	[tilespmem:$0x19180] =	vst v63  }
0x4b: {  	_ =	swait.ge [sflag:s21], $0x50  }
0x4c: {  	[sflag:s21] =	ssyncset.done $0x0  }
0x4d: {  	s0 =	sadd.s32 s8, s0;
	[sflag:s21] =	ssyncadd.s32 $0xFFFFFFB0  }
0x4e: {  	[tilespmem:s23], [sflag:$0x3] =	stream.linear.gather [hbm4b:s0+s29], $0x50, $0x38;
	[tilespmem:$0x19180] =	vst v63  }
0x4f: {  	_ =	swait.ge [sflag:s21], $0x50  }
0x50: {  	[sflag:s21] =	ssyncset.done $0x0  }
0x51: {  	[sflag:s21] =	ssyncadd.s32 $0xFFFFFFB0  }
0x52: {  	[tilespmem:s20], [sflag:$0x1] =	stream.indirect.gather [hbm4b:s4+s24], $0x80, s29, s24, $0xb8;
	[tilespmem:$0x19180] =	vst v63  }
0x53: {  	_ =	swait.ge [sflag:s25], $0x2800  }
0x54: {  	[sflag:s25] =	ssyncset.done $0x0  }
0x55: {  	[sflag:s25] =	ssyncadd.s32 $0xFFFFD800  }
0x56: {  	[tilespmem:s26], [sflag:$0x2] =	stream.indirect.gather [hbm4b:s5+s24], $0x80, s22, s24, $0xb8;
	[tilespmem:$0x19180] =	vst v63  }
0x57: {  	_ =	swait.ge [sflag:s28], $0x2800  }
0x58: {  	[sflag:s28] =	ssyncset.done $0x0  }
0x59: {  	s31 =	simm.s32 $0x0;
	[sflag:s28] =	ssyncadd.s32 $0xFFFFD800  }
0x5a: {  	v7 =	vld [tilespmem:s31+$0x2980]  }
0x5b: {  	v12 =	vld [tilespmem:s31+$0x2990]  }
0x5c: {  	v6 =	vld [tilespmem:s31+$0x29A0]  }
0x5d: {  	v5 =	vld [tilespmem:s31+$0x29B0]  }
0x5e: {  	v4 =	vld [tilespmem:s31+$0x29C0]  }
0x5f: {  	v3 =	vld [tilespmem:s31+$0x29D0]  }
0x60: {  	v2 =	vld [tilespmem:s31+$0x29E0]  }
0x61: {  	v1 =	vld [tilespmem:s31+$0x29F0]  }
0x62: {  	v13 =	vld [tilespmem:s31+$0x180]  }
0x63: {  	v14 =	vld [tilespmem:s31+$0x190]  }
0x64: {  	v11 =	vld [tilespmem:s31+$0x1A0]  }
0x65: {  	v10 =	vld [tilespmem:s31+$0x1B0]  }
0x66: {  	v9 =	vld [tilespmem:s31+$0x1C0]  }
0x67: {  	v8 =	vld [tilespmem:s31+$0x1D0];
	v13 =	vadd.f32 v7, v13  }
0x68: {  	s0 =	simm.s32 $0x200;
	v12 =	vadd.f32 v12, v14;
	v7 =	vld [tilespmem:s31+$0x1E0]  }
.LBB2_5:
0x69: {  	s1 =	sshra.s32 s0, $0x2;
	p0 =	sne.s32 s0, $0x9E00;
	v13 =	vmax.f32 v13, $0.0e+00;
	v6 =	vadd.f32 v6, v11;
	v11 =	vld [tilespmem:s31+$0x1F0]  }
0x6a: {  	v14 =	vld [tilespmem:s1+$0x2980];
	[tilespmem:s31+$0x180] =	vst v13;
	v12 =	vmax.f32 v12, $0.0e+00;
	v5 =	vadd.f32 v5, v10  }
0x6b: {  	v15 =	vld [tilespmem:s1+$0x2990];
	[tilespmem:s31+$0x190] =	vst v12;
	v10 =	vmax.f32 v6, $0.0e+00;
	v4 =	vadd.f32 v4, v9  }
0x6c: {  	v6 =	vld [tilespmem:s1+$0x29A0];
	[tilespmem:s31+$0x1A0] =	vst v10;
	v9 =	vmax.f32 v5, $0.0e+00;
	v3 =	vadd.f32 v3, v8  }
0x6d: {  	v5 =	vld [tilespmem:s1+$0x29B0];
	[tilespmem:s31+$0x1B0] =	vst v9;
	v8 =	vmax.f32 v4, $0.0e+00;
	v2 =	vadd.f32 v2, v7  }
0x6e: {  	v4 =	vld [tilespmem:s1+$0x29C0];
	[tilespmem:s31+$0x1C0] =	vst v8;
	v7 =	vmax.f32 v3, $0.0e+00;
	v1 =	vadd.f32 v1, v11  }
0x6f: {  	v3 =	vld [tilespmem:s1+$0x29D0];
	[tilespmem:s31+$0x1D0] =	vst v7;
	v7 =	vmax.f32 v2, $0.0e+00  }
0x70: {  	v2 =	vld [tilespmem:s1+$0x29E0];
	[tilespmem:s31+$0x1E0] =	vst v7;
	v7 =	vmax.f32 v1, $0.0e+00  }
0x71: {  	v1 =	vld [tilespmem:s1+$0x29F0];
	[tilespmem:s31+$0x1F0] =	vst v7;
	s31 =	smov.u32 s1  }
0x72: {  	v7 =	vld [tilespmem:s31+$0x180]  }
0x73: {  	v12 =	vld [tilespmem:s31+$0x190]  }
.Ltmp1:
0x74: {  	v11 =	vld [tilespmem:s31+$0x1A0];
	(pc) =	sbr.rel @p0 .LBB2_5-.Ltmp1, $4  }
0x75: {  	v10 =	vld [tilespmem:s31+$0x1B0]  }
0x76: {  	v9 =	vld [tilespmem:s31+$0x1C0]  }
0x77: {  	v13 =	vadd.f32 v14, v7;
	v8 =	vld [tilespmem:s31+$0x1D0]  }
0x78: {  	s0 =	sadd.s32 $0x200, s0;
	v12 =	vadd.f32 v15, v12;
	v7 =	vld [tilespmem:s31+$0x1E0]  }
0x79: {  	v13 =	vmax.f32 v13, $0.0e+00;
	v6 =	vadd.f32 v6, v11;
	v63 =	vld [tilespmem:s31+$0x1F0]  }
0x7a: {  	[tilespmem:s31+$0x180] =	vst v13;
	v12 =	vmax.f32 v12, $0.0e+00;
	v5 =	vadd.f32 v5, v10  }
0x7b: {  	[tilespmem:s31+$0x190] =	vst v12;
	v6 =	vmax.f32 v6, $0.0e+00;
	v4 =	vadd.f32 v4, v9  }
0x7c: {  	[tilespmem:s31+$0x1A0] =	vst v6;
	v5 =	vmax.f32 v5, $0.0e+00;
	v3 =	vadd.f32 v3, v8  }
0x7d: {  	[tilespmem:s31+$0x1B0] =	vst v5;
	v4 =	vmax.f32 v4, $0.0e+00;
	v2 =	vadd.f32 v2, v7  }
0x7e: {  	[tilespmem:s31+$0x1C0] =	vst v4;
	v3 =	vmax.f32 v3, $0.0e+00;
	v1 =	vadd.f32 v1, v63  }
0x7f: {  	s30 =	sadd.s32 $0x1, s30;
	[tilespmem:s31+$0x1D0] =	vst v3;
	v2 =	vmax.f32 v2, $0.0e+00  }
0x80: {  	p0 =	sne.s32 s30, $0x7D;
	[tilespmem:s31+$0x1E0] =	vst v2;
	v1 =	vmax.f32 v1, $0.0e+00  }
.Ltmp2:
0x81: {  	[tilespmem:s31+$0x1F0] =	vst v1;
	(pc) =	sbr.rel @p0 .LBB2_4-.Ltmp2, $4  }
0x82: {  	[spmem:s2] =	stream.indirect.scatter.add.f32 [tilespmem:s20], [sflag:$0x3], $0x80, s23, s24, $0xb8;
	[tilespmem:$0x19180] =	vst v63  }
0x83: {  	_ =	swait.ge [sflag:s21], $0x2800  }
0x84: {  	[sflag:s21] =	ssyncset.done $0x0  }
0x85: {  	[sflag:s21] =	ssyncadd.s32 $0xFFFFD800  }
0x86: {  	s0 =	stileid.u32;
	s3 =	sadd.s32 $0x1, s3  }
0x87: {  	[bflag:$0x0] =	sbarrier.arrive $0xFFFF;
	s0 =	sshll.u32 s0, $0x6;
	p0 =	sne.s32 s3, s19  }
.Ltmp3:
0x88: {  	s1 =	sshrl.u32 s9, $0x3;
	s0 =	sor.u32 $0x1C03, s0;
	(pc) =	sbr.rel @p0 .LBB2_1-.Ltmp3, $4  }
0x89: {  	[hbm:s18], [sflag:s0] =	dma.local [spmem:s1], $0x2800  }
0x8a: {  	_ =	swait.ge [sflag:s21], $0x2800  }
0x8b: {  	[sflag:s21] =	ssyncset.done $0x0  }
0x8c: {  	[sflag:s21] =	ssyncadd.s32 $0xFFFFD800  }
0x8d: {  	_ =	sfence.sel $0x180000  }
0x8e: {  	[bflag:$0x0] =	sbarrier.arrive $0xFFFF  }
0x8f: {  	_ =	strace $0x90000047  }
0x90: {  	s0 =	stileid.u32;
	[bflag:$0x2] =	sbarrier.arrive $0xFFFF  }
0x91: {  	p0 =	sne.s32 s0, $0x0;
	s0 =	rddreg [dreg:$0x2]  }
0x92: {  	s0 =	sadd.s32 @!p0 $0x100000, s0  }
0x93: {  	[sflag:s0] =	ssyncadd.tile.s32 @!p0 $0x1;
	_ =	shalt  }
.Lfunc_end2:
_tile_overlayer_lowered:
.L_overlay_start_2:
0x94: {  	(tag) =	ssettag $0x2  }
0x95: {  	s0 =	rddreg [dreg:$0x0];
	s2 =	stileid.u32  }
0x96: {  	s1 =	rddreg [dreg:$0x1];
	p0 =	sne.s32 s2, $0x0  }
0x97: {  	s3 =	rddreg [dreg:$0x2];
	[bflag:$0x3] =	sbarrier.arrive $0xFFFF;
	s2 =	simm.s32 @!p0 $0x1C03  }
0x98: {  	[timem:s3], [sflag:s2] =	dma.local @!p0 [hbm:s0], s1  }
0x99: {  	s0 =	simm.s32 @!p0 $0x3  }
0x9a: {  	_ =	swait.ge @!p0 [sflag:s0], s1  }
0x9b: {  	s1 =	ssub.s32 @!p0 $0x0, s1;
	[sflag:s0] =	ssyncset.done @!p0 $0x0  }
0x9c: {  	[sflag:s0] =	ssyncadd.s32 @!p0 s1  }
0x9d: {  	[bflag:$0x3] =	sbarrier.arrive $0xFFFF  }
0x9e: {  	_ =	shalt  }

// kernel: kernel.17.cloned.1.call-start
scs
__scs_entry_jumppad:
0x0: {  	(pc) =	sbr.rel $0x88, $3  }
0x1: {  	(tag) =	ssettag $0x0;
	lr =	simm.s32 $0x1  }
0x2: {  	[smem:$0x3F7F] =	sst lr;
	_ =	strace $0xD0000000  }
0x3: {  	_ = 	snop  }
0x4: {  	_ = 	snop  }
0x5: {  	_ = 	snop  }
0x6: {  	_ = 	snop  }
0x7: {  	_ = 	snop  }
__scs_overlays_trampoline_lowered:
0x8: {  	[smem:$0x3F8E] =	sst s0  }
0x9: {  	[smem:$0x3F8F] =	sst s1  }
0xa: {  	[smem:$0x3F90] =	sst s2  }
0xb: {  	[smem:$0x3F91] =	sst s3  }
0xc: {  	[smem:$0x3F92] =	sst s4  }
0xd: {  	[smem:$0x3F93] =	sst s5  }
0xe: {  	[smem:$0x3F94] =	sst s6  }
0xf: {  	[smem:$0x3F95] =	sst s7  }
0x10: {  	[smem:$0x3F96] =	sst s8  }
0x11: {  	[smem:$0x3F97] =	sst s9;
	s0 =	simm.s32 @!p0 $0x0  }
0x12: {  	s1 =	sld [smem:$0x3F7D];
	s0 =	simm.s32 @p0 $0x1  }
0x13: {  	[smem:$0x3F98] =	sst s0;
	s0 =	simm.s32 @!p1 $0x0  }
0x14: {  	s2 =	sld [smem:$0x3F7C];
	s0 =	simm.s32 @p1 $0x1  }
0x15: {  	[smem:$0x3F99] =	sst s0;
	s0 =	simm.s32 @!p2 $0x0  }
0x16: {  	s3 =	sld [smem:$0x3FDB];
	s0 =	simm.s32 @p2 $0x1  }
0x17: {  	s4 =	simm.s32 $0x1BF5;
	[smem:$0x3F9B] =	sst s0  }
0x18: {  	s0 =	sld [smem:$0x3F7E];
	_ =	swait.ge [sflag:s4], $0x0  }
0x19: {  	s7 =	sld [smem:$0x3F7F]  }
0x1a: {  	s8 =	sadd.s32 $0xFFFFE003, lr  }
0x1b: {  	s9 =	sadd.s32 $0xFFFFFEF7, lr;
	s5 =	simm.s32 $0xFFFFFFFF;
	p2 =	slt.u32 s8, $0xFFFFF086  }
0x1c: {  	p1 =	slt.u32 s9, $0xF7A;
	s5 =	simm.s32 @!p2 $0x0  }
0x1d: {  	s5 =	simm.s32 @p1 $0x1;
	p0 =	seq.s32 s7, s2  }
0x1e: {  	s7 =	smul.u32 @!p0 $0xF7A, s2;
	p2 =	seq.s32 @!p0 s5, $0x0  }
0x1f: {  	s9 =	smul.u32 $0xF7A, s1;
	s8 =	simm.s32 @!p0 $0x1BF5;
	p2 =	por !p2, p0  }
0x20: {  	[sflag:s8] =	ssyncset.s32 @!p0 $0xFFFFF086;
	s6 =	sadd.s32 @!p0 s3, s7;
	s7 =	simm.s32 @!p0 $0x108  }
0x21: {  	s3 =	sadd.s32 s3, s9;
	s6 =	sadd.s32 @!p0 $0x88, s6;
	s7 =	simm.s32 @p2 $0x1082  }
0x22: {  	[simem:s7], [sflag:s8] =	dma.local @!p0 [hbm:s6], $0xF7A  }
0x23: {  	s9 =	sor.u32 $0xD0000000, s2;
	s6 =	simm.s32 $0x108;
	_ =	swait.ge @!p0 [sflag:s8], $0x0  }
0x24: {  	s3 =	sadd.s32 $0x88, s3;
	s6 =	simm.s32 @!p1 $0x1082;
	[sflag:s4] =	ssyncset.s32 $0xFFFFF086  }
0x25: {  	[simem:s6], [sflag:s4] =	dma.local [hbm:s3], $0xF7A  }
0x26: {  	[smem:$0x3F7F] =	sst s1;
	(tag) =	ssettag s2;
	_ =	strace s9  }
0x27: {  	s1 =	sld [smem:$0x3F8F]  }
0x28: {  	s2 =	sld [smem:$0x3F90]  }
0x29: {  	s4 =	sld [smem:$0x3F92]  }
0x2a: {  	p0 =	seq.s32 s5, $0x0;
	s5 =	sld [smem:$0x3F93]  }
0x2b: {  	s6 =	sld [smem:$0x3F94]  }
0x2c: {  	s7 =	sld [smem:$0x3F95]  }
0x2d: {  	s3 =	simm.s32 $0x108;
	s8 =	sld [smem:$0x3F96]  }
0x2e: {  	s3 =	simm.s32 @!p0 $0x1082;
	s9 =	sld [smem:$0x3F97]  }
0x2f: {  	lr =	sadd.s32 s0, s3;
	s0 =	sld [smem:$0x3F8E]  }
0x30: {  	s3 =	sld [smem:$0x3F91]  }
0x31: {  	[smem:$0x3F9A] =	sst s10  }
0x32: {  	s10 =	sld [smem:$0x3F98];
	_ =	sdelay $0x3  }
0x33: {  	p0 =	seq.s32 s10, $0x1;
	s10 =	sld [smem:$0x3F9A];
	_ =	sdelay $0x3  }
0x34: {  	[smem:$0x3F9A] =	sst s10  }
0x35: {  	s10 =	sld [smem:$0x3F99];
	_ =	sdelay $0x3  }
0x36: {  	p1 =	seq.s32 s10, $0x1;
	s10 =	sld [smem:$0x3F9A];
	_ =	sdelay $0x3  }
0x37: {  	[smem:$0x3F9A] =	sst s10  }
0x38: {  	s10 =	sld [smem:$0x3F9B]  }
0x39: {  	_ = 	snop;
	(pc) =	sbr.ind lr, $3  }
0x3a: {  	_ = 	snop  }
0x3b: {  	_ = 	snop  }
0x3c: {  	p2 =	seq.s32 s10, $0x1;
	s10 =	sld [smem:$0x3F9A]  }
0x3d: {  	_ =	shalt  }
0x3e: {  	_ =	shalt  }
0x3f: {  	_ =	shalt  }
0x40: {  	_ =	shalt  }
0x41: {  	_ =	shalt  }
0x42: {  	_ =	shalt  }
0x43: {  	_ =	shalt  }
0x44: {  	_ =	shalt  }
0x45: {  	_ =	shalt  }
0x46: {  	_ =	shalt  }
0x47: {  	_ =	shalt  }
0x48: {  	_ =	shalt  }
0x49: {  	_ =	shalt  }
0x4a: {  	_ =	shalt  }
0x4b: {  	_ =	shalt  }
0x4c: {  	_ =	shalt  }
0x4d: {  	_ =	shalt  }
0x4e: {  	_ =	shalt  }
0x4f: {  	_ =	shalt  }
0x50: {  	_ =	shalt  }
0x51: {  	_ =	shalt  }
0x52: {  	_ =	shalt  }
0x53: {  	_ =	shalt  }
0x54: {  	_ =	shalt  }
0x55: {  	_ =	shalt  }
0x56: {  	_ =	shalt  }
0x57: {  	_ =	shalt  }
0x58: {  	_ =	shalt  }
0x59: {  	_ =	shalt  }
0x5a: {  	_ =	shalt  }
0x5b: {  	_ =	shalt  }
0x5c: {  	_ =	shalt  }
0x5d: {  	_ =	shalt  }
0x5e: {  	_ =	shalt  }
0x5f: {  	_ =	shalt  }
0x60: {  	_ =	shalt  }
0x61: {  	_ =	shalt  }
0x62: {  	_ =	shalt  }
0x63: {  	_ =	shalt  }
0x64: {  	_ =	shalt  }
0x65: {  	_ =	shalt  }
0x66: {  	_ =	shalt  }
0x67: {  	_ =	shalt  }
0x68: {  	_ =	shalt  }
0x69: {  	_ =	shalt  }
0x6a: {  	_ =	shalt  }
0x6b: {  	_ =	shalt  }
0x6c: {  	_ =	shalt  }
0x6d: {  	_ =	shalt  }
0x6e: {  	_ =	shalt  }
0x6f: {  	_ =	shalt  }
0x70: {  	_ =	shalt  }
0x71: {  	_ =	shalt  }
0x72: {  	_ =	shalt  }
0x73: {  	_ =	shalt  }
0x74: {  	_ =	shalt  }
0x75: {  	_ =	shalt  }
0x76: {  	_ =	shalt  }
0x77: {  	_ =	shalt  }
0x78: {  	_ =	shalt  }
0x79: {  	_ =	shalt  }
0x7a: {  	_ =	shalt  }
0x7b: {  	_ =	shalt  }
0x7c: {  	_ =	shalt  }
0x7d: {  	_ =	shalt  }
0x7e: {  	_ =	shalt  }
0x7f: {  	_ =	shalt  }
0x80: {  	_ =	shalt  }
0x81: {  	_ =	shalt  }
0x82: {  	_ =	shalt  }
0x83: {  	_ =	shalt  }
0x84: {  	_ =	shalt  }
0x85: {  	_ =	shalt  }
0x86: {  	_ =	shalt  }
0x87: {  	_ =	shalt  }
.Lfunc_end0:
.L_simem_size_0:
called_computation.1_lowered:
.L_overlay_start_0:
0x88: {  	s2 =	sld [smem:$0x3FD9]  }
0x89: {  	s3 =	sld [smem:$0x3FFE];
	_ =	sdelay $0x1  }
0x8a: {  	s1 =	srdreg.scid  }
0x8b: {  	s0 =	sand.u32 $0x1, s1  }
0x8c: {  	s16 =	sshll.u32 s0, $0xA;
	s2 =	sadd.s32 s3, s2  }
0x8d: {  	s2 =	sadd.s32 s2, s16  }
0x8e: {  	[smem:$0x3FA6] =	sst s2  }
0x8f: {  	_ = 	snop  }
0x90: {  	(tm) =	ssettm $0x1  }
0x91: {  	s17 =	sld [smem:$0x3FFB];
	_ =	sdelay $0x3  }
0x92: {  	_ =	strace s17  }
0x93: {  	s2 =	sld [smem:$0x3FFC];
	_ =	sdelay $0x3  }
0x94: {  	_ =	strace s2  }
0x95: {  	s2 =	sld [smem:$0x3FFD];
	_ =	sdelay $0x3  }
0x96: {  	_ =	strace s2  }
0x97: {  	_ =	strace $0x8FFFFFFF  }
0x98: {  	s18 =	sld [smem:$0x3FDB];
	_ =	sdelay $0x1  }
0x99: {  	s19 =	simm.s32 $_scs_section_size  }
0x9a: {  	s4 =	simm.s32 $_size__tile_overlayer_lowered;
	s5 =	simm.s32 $_tile_overlayer_lowered  }
0x9b: {  	s22 =	simm.s32 $0x1BFF;
	s21 =	sshll.u32 s5, $0x1;
	s2 =	sadd.s32 s19, s18  }
0x9c: {  	s6 =	simm.s32 $0x0;
	s20 =	sshll.u32 s4, $0x1;
	s4 =	sadd.s32 s21, s2  }
0x9d: {  	[timem:s6], [sflag:s22] =	dma.local [hbm:s4], s20  }
0x9e: {  	_ =	swait.ge [sflag:s22], s20  }
0x9f: {  	s3 =	ssub.s32 $0x0, s20;
	[sflag:s22] =	ssyncset.done $0x0  }
0xa0: {  	[sflag:s22] =	ssyncadd.s32 s3;
	_ =	sdelay $0x1  }
0xa1: {  	s23 =	simm.s32 $0x1B8B  }
0xa2: {  	_ =	swait.ge [sflag:s23], $0x1  }
0xa3: {  	[sflag:s23] =	ssyncset.done $0x0  }
0xa4: {  	s25 =	simm.s32 $0x1B8E;
	s24 =	sld [smem:$0x3FFE];
	[sflag:s23] =	ssyncadd.s32 $0xFFFFFFFF  }
0xa5: {  	s26 =	simm.s32 $execute0_lowered;
	[smem:$0x3FD2] =	sst s25  }
0xa6: {  	s4 =	sshll.u32 s26, $0x1;
	_ =	strace $0x80000049;
	[dreg:$0x1] =	wrdreg $0xFFFFFFFF  }
0xa7: {  	s28 =	simm.s32 $_size_execute0_lowered;
	s2 =	sadd.s32 s2, s4;
	[dreg:$0x0] =	wrdreg $0x0  }
0xa8: {  	s4 =	sshll.u32 s28, $0x1;
	[dreg:$0x2] =	wrdreg s2  }
0xa9: {  	[dreg:$0x3] =	wrdreg s4  }
0xaa: {  	[dreg:$0x4] =	wrdreg $0xC0  }
0xab: {  	_ =	task [dreg:s6], $0x5FFFF  }
0xac: {  	[dreg:$0x1] =	wrdreg $0xFFFFFFFF  }
0xad: {  	[dreg:$0x0] =	wrdreg $0x60  }
0xae: {  	[dreg:$0x2] =	wrdreg s24  }
0xaf: {  	[dreg:$0x3] =	wrdreg $0x51800  }
0xb0: {  	[dreg:$0x4] =	wrdreg $0x9  }
0xb1: {  	_ =	task.clear_ibuf [dreg:s6], $0x5FFFF;
	_ =	strace $0x90000049  }
0xb2: {  	s29 =	simm.s32 $0x9;
	_ =	strace $0x8000004B  }
0xb3: {  	_ =	swait.ge [sflag:s29], $0x1  }
0xb4: {  	[sflag:s29] =	ssyncadd.s32 $0xFFFFFFFF  }
0xb5: {  	_ =	strace $0x9000004B  }
0xb6: {  	_ =	sfence  }
0xb7: {  	s30 =	sld [smem:$0x0];
	_ =	sdelay $0x2  }
0xb8: {  	s31 =	sshll.u32 s1, $0xD;
	s1 =	sshrl.u32 s1, $0x2  }
0xb9: {  	s3 =	sand.u32 $0x4000, s31;
	s1 =	sadd.s32 s1, s30  }
0xba: {  	s0 =	sor.u32 s3, s0;
	s1 =	sshll.u32 s1, $0x11  }
0xbb: {  	s0 =	sor.u32 s1, s0  }
0xbc: {  	s0 =	sadd.s32 $0x8F2B, s0  }
0xbd: {  	[sflag:s0] =	ssyncadd.remote.s32 $0x1  }
0xbe: {  	_ =	sfence.sel $0xFFFF  }
0xbf: {  	[dreg:$0x0] =	wrdreg $0xFFFFFFFF;
	(pc) =	sbr.abs _section_cstart, $3  }
0xc0: {  	[dreg:$0x1] =	wrdreg $0xFFFFFFFF  }
0xc1: {  	_ =	task.clear_ibuf [dreg:s6], $0x2FFFF;
	_ =	strace $0x9FFFFFFF  }
0xc2: {  	(tm) =	ssettm $0x7FFFFFFF  }
0xc3: {  	_ =	shalt  }
tec
execute0_lowered:
.L_overlay_start_1:
0x0: {  	(tag) =	ssettag $0x1  }
0x1: {  	s0 =	rddreg [dreg:$0x0]  }
0x2: {  	s2 =	rddreg [dreg:$0x1];
	s3 =	simm.s32 $0x0;
	s4 =	srdreg.scid  }
0x3: {  	s1 =	stileid.u32;
	s20 =	simm.s32 $0x180;
	s21 =	simm.s32 $0x3  }
0x4: {  	s22 =	simm.s32 $0x80;
	s23 =	simm.s32 $0x100;
	s24 =	simm.s32 $0x50  }
0x5: {  	s25 =	simm.s32 $0x1;
	s26 =	simm.s32 $0x2980;
	s28 =	simm.s32 $0x2  }
0x6: {  	[smem:$0x7FF] =	sst s3;
	s9 =	sand.u32 $0x1, s4;
	s8 =	smul.u32 $0x2800, s1  }
0x7: {  	s4 =	sadd.s32 $0x24C00, s0;
	s5 =	sadd.s32 $0x4CC00, s0;
	s6 =	sadd.s32 $0x11000, s0  }
0x8: {  	s7 =	sadd.s32 $0x1AE00, s0;
	s11 =	smul.u32 $0x50000, s1;
	s13 =	sshll.u32 s1, $0x1  }
0x9: {  	_ =	strace $0x8000004A;
	s10 =	smul.u32 $0x28000, s9;
	s31 =	ssub.s32 $0x2, s9  }
0xa: {  	s17 =	sor.u32 s9, s13;
	s12 =	sshrl.u32 s31, $0x1;
	s11 =	sshrl.u32 s11, $0x2  }
0xb: {  	s17 =	smul.u32 $0x2710, s17;
	s10 =	sadd.s32 s8, s10;
	s8 =	sadd.s32 $0x7200, s0  }
0xc: {  	s19 =	ssub.s32 s31, s12;
	s9 =	sadd.s32 s11, s2;
	s0 =	sadd.s32 s10, s0  }
0xd: {  	s10 =	sadd.s32 $0x2800, s9;
	s11 =	sadd.s32 $0x5000, s9;
	s12 =	sadd.s32 $0x7800, s9  }
0xe: {  	s13 =	sadd.s32 $0xA000, s9;
	s14 =	sadd.s32 $0xC800, s9;
	s15 =	sadd.s32 $0xF000, s9  }
0xf: {  	v0 =	vimm.f32 $0.0e+00;
	s16 =	sadd.s32 $0x11800, s9;
	s19 =	smax.u32 s19, $0x1;
	s18 =	sadd.s32 $0x4EC00, s0  }
.LBB2_1:
0x10: {  	s0 =	simm.s32 $0x0;
	s29 =	simm.s32 $0x200  }
.LBB2_2:
0x11: {  	p0 =	sne.s32 s29, $0x9E00;
	[tilespmem:s0+$0x1F0] =	vst v0  }
0x12: {  	[tilespmem:s0+$0x180] =	vst v0  }
0x13: {  	[tilespmem:s0+$0x190] =	vst v0  }
.Ltmp0:
0x14: {  	[tilespmem:s0+$0x1A0] =	vst v0;
	(pc) =	sbr.rel @p0 .LBB2_2-.Ltmp0, $4  }
0x15: {  	[tilespmem:s0+$0x1B0] =	vst v0  }
0x16: {  	[tilespmem:s0+$0x1C0] =	vst v0  }
0x17: {  	[tilespmem:s0+$0x1D0] =	vst v0  }
0x18: {  	[tilespmem:s0+$0x1E0] =	vst v0;
	s0 =	sshra.s32 s29, $0x2;
	s29 =	sadd.s32 $0x200, s29  }
0x19: {  	[tilespmem:s0+$0x1F0] =	vst v0  }
0x1a: {  	[tilespmem:s0+$0x180] =	vst v0  }
0x1b: {  	[tilespmem:s0+$0x190] =	vst v0  }
0x1c: {  	[tilespmem:s0+$0x1A0] =	vst v0  }
0x1d: {  	[tilespmem:s0+$0x1B0] =	vst v0  }
0x1e: {  	[tilespmem:s0+$0x1C0] =	vst v0  }
0x1f: {  	[tilespmem:s0+$0x1D0] =	vst v0  }
0x20: {  	[tilespmem:s0+$0x1E0] =	vst v0  }
0x21: {  	[spmem:s9] =	stream.linear.scatter [tilespmem:s20], [sflag:$0x3], $0x2800, $0x38;
	[tilespmem:$0x19180] =	vst v63  }
0x22: {  	_ =	swait.ge [sflag:s21], $0x2800  }
0x23: {  	[sflag:s21] =	ssyncset.done $0x0  }
0x24: {  	[sflag:s21] =	ssyncadd.s32 $0xFFFFD800  }
0x25: {  	[spmem:s10] =	stream.linear.scatter [tilespmem:s20], [sflag:$0x3], $0x2800, $0x38;
	[tilespmem:$0x19180] =	vst v63  }
0x26: {  	_ =	swait.ge [sflag:s21], $0x2800  }
0x27: {  	[sflag:s21] =	ssyncset.done $0x0  }
0x28: {  	[sflag:s21] =	ssyncadd.s32 $0xFFFFD800  }
0x29: {  	[spmem:s11] =	stream.linear.scatter [tilespmem:s20], [sflag:$0x3], $0x2800, $0x38;
	[tilespmem:$0x19180] =	vst v63  }
0x2a: {  	_ =	swait.ge [sflag:s21], $0x2800  }
0x2b: {  	[sflag:s21] =	ssyncset.done $0x0  }
0x2c: {  	[sflag:s21] =	ssyncadd.s32 $0xFFFFD800  }
0x2d: {  	[spmem:s12] =	stream.linear.scatter [tilespmem:s20], [sflag:$0x3], $0x2800, $0x38;
	[tilespmem:$0x19180] =	vst v63  }
0x2e: {  	_ =	swait.ge [sflag:s21], $0x2800  }
0x2f: {  	[sflag:s21] =	ssyncset.done $0x0  }
0x30: {  	[sflag:s21] =	ssyncadd.s32 $0xFFFFD800  }
0x31: {  	[spmem:s13] =	stream.linear.scatter [tilespmem:s20], [sflag:$0x3], $0x2800, $0x38;
	[tilespmem:$0x19180] =	vst v63  }
0x32: {  	_ =	swait.ge [sflag:s21], $0x2800  }
0x33: {  	[sflag:s21] =	ssyncset.done $0x0  }
0x34: {  	[sflag:s21] =	ssyncadd.s32 $0xFFFFD800  }
0x35: {  	[spmem:s14] =	stream.linear.scatter [tilespmem:s20], [sflag:$0x3], $0x2800, $0x38;
	[tilespmem:$0x19180] =	vst v63  }
0x36: {  	_ =	swait.ge [sflag:s21], $0x2800  }
0x37: {  	[sflag:s21] =	ssyncset.done $0x0  }
0x38: {  	[sflag:s21] =	ssyncadd.s32 $0xFFFFD800  }
0x39: {  	[spmem:s15] =	stream.linear.scatter [tilespmem:s20], [sflag:$0x3], $0x2800, $0x38;
	[tilespmem:$0x19180] =	vst v63  }
0x3a: {  	_ =	swait.ge [sflag:s21], $0x2800  }
0x3b: {  	[sflag:s21] =	ssyncset.done $0x0  }
0x3c: {  	[sflag:s21] =	ssyncadd.s32 $0xFFFFD800  }
0x3d: {  	[spmem:s16] =	stream.linear.scatter [tilespmem:s20], [sflag:$0x3], $0x2800, $0x38;
	[tilespmem:$0x19180] =	vst v63  }
0x3e: {  	_ =	swait.ge [sflag:s21], $0x2800  }
0x3f: {  	[sflag:s21] =	ssyncset.done $0x0  }
0x40: {  	[sflag:s21] =	ssyncadd.s32 $0xFFFFD800  }
0x41: {  	s29 =	simm.s32 $0x0;
	s30 =	simm.s32 $0x0;
	[bflag:$0x0] =	sbarrier.arrive $0xFFFF  }
.LBB2_4:
0x42: {  	s0 =	smul.u32 $0x50, s30;
	_ =	sdelay $0x1  }
0x43: {  	s0 =	sadd.s32 s17, s0  }
0x44: {  	s0 =	sshrl.u32 s0, $0x3  }
0x45: {  	s31 =	sadd.s32 s6, s0  }
0x46: {  	[tilespmem:s29], [sflag:$0x3] =	stream.linear.gather [hbm4b:s31+s29], $0x50, $0x38;
	[tilespmem:$0x19180] =	vst v63  }
0x47: {  	_ =	swait.ge [sflag:s21], $0x50  }
0x48: {  	[sflag:s21] =	ssyncset.done $0x0  }
0x49: {  	s31 =	sadd.s32 s7, s0;
	[sflag:s21] =	ssyncadd.s32 $0xFFFFFFB0  }
0x4a: {  	[tilespmem:s22], [sflag:$0x3] =	stream.linear.gather [hbm4b:s31+s29], $0x50, $0x38;
	[tilespmem:$0x19180] =	vst v63  }
0x4b: {  	_ =	swait.ge [sflag:s21], $0x50  }
0x4c: {  	[sflag:s21] =	ssyncset.done $0x0  }
0x4d: {  	s0 =	sadd.s32 s8, s0;
	[sflag:s21] =	ssyncadd.s32 $0xFFFFFFB0  }
0x4e: {  	[tilespmem:s23], [sflag:$0x3] =	stream.linear.gather [hbm4b:s0+s29], $0x50, $0x38;
	[tilespmem:$0x19180] =	vst v63  }
0x4f: {  	_ =	swait.ge [sflag:s21], $0x50  }
0x50: {  	[sflag:s21] =	ssyncset.done $0x0  }
0x51: {  	[sflag:s21] =	ssyncadd.s32 $0xFFFFFFB0  }
0x52: {  	[tilespmem:s20], [sflag:$0x1] =	stream.indirect.gather [hbm4b:s4+s24], $0x80, s29, s24, $0xb8;
	[tilespmem:$0x19180] =	vst v63  }
0x53: {  	_ =	swait.ge [sflag:s25], $0x2800  }
0x54: {  	[sflag:s25] =	ssyncset.done $0x0  }
0x55: {  	[sflag:s25] =	ssyncadd.s32 $0xFFFFD800  }
0x56: {  	[tilespmem:s26], [sflag:$0x2] =	stream.indirect.gather [hbm4b:s5+s24], $0x80, s22, s24, $0xb8;
	[tilespmem:$0x19180] =	vst v63  }
0x57: {  	_ =	swait.ge [sflag:s28], $0x2800  }
0x58: {  	[sflag:s28] =	ssyncset.done $0x0  }
0x59: {  	s31 =	simm.s32 $0x0;
	[sflag:s28] =	ssyncadd.s32 $0xFFFFD800  }
0x5a: {  	v7 =	vld [tilespmem:s31+$0x2980]  }
0x5b: {  	v12 =	vld [tilespmem:s31+$0x2990]  }
0x5c: {  	v6 =	vld [tilespmem:s31+$0x29A0]  }
0x5d: {  	v5 =	vld [tilespmem:s31+$0x29B0]  }
0x5e: {  	v4 =	vld [tilespmem:s31+$0x29C0]  }
0x5f: {  	v3 =	vld [tilespmem:s31+$0x29D0]  }
0x60: {  	v2 =	vld [tilespmem:s31+$0x29E0]  }
0x61: {  	v1 =	vld [tilespmem:s31+$0x29F0]  }
0x62: {  	v13 =	vld [tilespmem:s31+$0x180]  }
0x63: {  	v14 =	vld [tilespmem:s31+$0x190]  }
0x64: {  	v11 =	vld [tilespmem:s31+$0x1A0]  }
0x65: {  	v10 =	vld [tilespmem:s31+$0x1B0]  }
0x66: {  	v9 =	vld [tilespmem:s31+$0x1C0]  }
0x67: {  	v8 =	vld [tilespmem:s31+$0x1D0];
	v13 =	vadd.f32 v7, v13  }
0x68: {  	s0 =	simm.s32 $0x200;
	v12 =	vadd.f32 v12, v14;
	v7 =	vld [tilespmem:s31+$0x1E0]  }
.LBB2_5:
0x69: {  	s1 =	sshra.s32 s0, $0x2;
	p0 =	sne.s32 s0, $0x9E00;
	v13 =	vmax.f32 v13, $0.0e+00;
	v6 =	vadd.f32 v6, v11;
	v11 =	vld [tilespmem:s31+$0x1F0]  }
0x6a: {  	v14 =	vld [tilespmem:s1+$0x2980];
	[tilespmem:s31+$0x180] =	vst v13;
	v12 =	vmax.f32 v12, $0.0e+00;
	v5 =	vadd.f32 v5, v10  }
0x6b: {  	v15 =	vld [tilespmem:s1+$0x2990];
	[tilespmem:s31+$0x190] =	vst v12;
	v10 =	vmax.f32 v6, $0.0e+00;
	v4 =	vadd.f32 v4, v9  }
0x6c: {  	v6 =	vld [tilespmem:s1+$0x29A0];
	[tilespmem:s31+$0x1A0] =	vst v10;
	v9 =	vmax.f32 v5, $0.0e+00;
	v3 =	vadd.f32 v3, v8  }
0x6d: {  	v5 =	vld [tilespmem:s1+$0x29B0];
	[tilespmem:s31+$0x1B0] =	vst v9;
	v8 =	vmax.f32 v4, $0.0e+00;
	v2 =	vadd.f32 v2, v7  }
0x6e: {  	v4 =	vld [tilespmem:s1+$0x29C0];
	[tilespmem:s31+$0x1C0] =	vst v8;
	v7 =	vmax.f32 v3, $0.0e+00;
	v1 =	vadd.f32 v1, v11  }
0x6f: {  	v3 =	vld [tilespmem:s1+$0x29D0];
	[tilespmem:s31+$0x1D0] =	vst v7;
	v7 =	vmax.f32 v2, $0.0e+00  }
0x70: {  	v2 =	vld [tilespmem:s1+$0x29E0];
	[tilespmem:s31+$0x1E0] =	vst v7;
	v7 =	vmax.f32 v1, $0.0e+00  }
0x71: {  	v1 =	vld [tilespmem:s1+$0x29F0];
	[tilespmem:s31+$0x1F0] =	vst v7;
	s31 =	smov.u32 s1  }
0x72: {  	v7 =	vld [tilespmem:s31+$0x180]  }
0x73: {  	v12 =	vld [tilespmem:s31+$0x190]  }
.Ltmp1:
0x74: {  	v11 =	vld [tilespmem:s31+$0x1A0];
	(pc) =	sbr.rel @p0 .LBB2_5-.Ltmp1, $4  }
0x75: {  	v10 =	vld [tilespmem:s31+$0x1B0]  }
0x76: {  	v9 =	vld [tilespmem:s31+$0x1C0]  }
0x77: {  	v13 =	vadd.f32 v14, v7;
	v8 =	vld [tilespmem:s31+$0x1D0]  }
0x78: {  	s0 =	sadd.s32 $0x200, s0;
	v12 =	vadd.f32 v15, v12;
	v7 =	vld [tilespmem:s31+$0x1E0]  }
0x79: {  	v13 =	vmax.f32 v13, $0.0e+00;
	v6 =	vadd.f32 v6, v11;
	v63 =	vld [tilespmem:s31+$0x1F0]  }
0x7a: {  	[tilespmem:s31+$0x180] =	vst v13;
	v12 =	vmax.f32 v12, $0.0e+00;
	v5 =	vadd.f32 v5, v10  }
0x7b: {  	[tilespmem:s31+$0x190] =	vst v12;
	v6 =	vmax.f32 v6, $0.0e+00;
	v4 =	vadd.f32 v4, v9  }
0x7c: {  	[tilespmem:s31+$0x1A0] =	vst v6;
	v5 =	vmax.f32 v5, $0.0e+00;
	v3 =	vadd.f32 v3, v8  }
0x7d: {  	[tilespmem:s31+$0x1B0] =	vst v5;
	v4 =	vmax.f32 v4, $0.0e+00;
	v2 =	vadd.f32 v2, v7  }
0x7e: {  	[tilespmem:s31+$0x1C0] =	vst v4;
	v3 =	vmax.f32 v3, $0.0e+00;
	v1 =	vadd.f32 v1, v63  }
0x7f: {  	s30 =	sadd.s32 $0x1, s30;
	[tilespmem:s31+$0x1D0] =	vst v3;
	v2 =	vmax.f32 v2, $0.0e+00  }
0x80: {  	p0 =	sne.s32 s30, $0x7D;
	[tilespmem:s31+$0x1E0] =	vst v2;
	v1 =	vmax.f32 v1, $0.0e+00  }
.Ltmp2:
0x81: {  	[tilespmem:s31+$0x1F0] =	vst v1;
	(pc) =	sbr.rel @p0 .LBB2_4-.Ltmp2, $4  }
0x82: {  	[spmem:s2] =	stream.indirect.scatter.add.f32 [tilespmem:s20], [sflag:$0x3], $0x80, s23, s24, $0xb8;
	[tilespmem:$0x19180] =	vst v63  }
0x83: {  	_ =	swait.ge [sflag:s21], $0x2800  }
0x84: {  	[sflag:s21] =	ssyncset.done $0x0  }
0x85: {  	[sflag:s21] =	ssyncadd.s32 $0xFFFFD800  }
0x86: {  	s0 =	stileid.u32;
	s3 =	sadd.s32 $0x1, s3  }
0x87: {  	[bflag:$0x0] =	sbarrier.arrive $0xFFFF;
	s0 =	sshll.u32 s0, $0x6;
	p0 =	sne.s32 s3, s19  }
.Ltmp3:
0x88: {  	s1 =	sshrl.u32 s9, $0x3;
	s0 =	sor.u32 $0x1C03, s0;
	(pc) =	sbr.rel @p0 .LBB2_1-.Ltmp3, $4  }
0x89: {  	[hbm:s18], [sflag:s0] =	dma.local [spmem:s1], $0x2800  }
0x8a: {  	_ =	swait.ge [sflag:s21], $0x2800  }
0x8b: {  	[sflag:s21] =	ssyncset.done $0x0  }
0x8c: {  	[sflag:s21] =	ssyncadd.s32 $0xFFFFD800  }
0x8d: {  	_ =	sfence.sel $0x180000  }
0x8e: {  	[bflag:$0x0] =	sbarrier.arrive $0xFFFF  }
0x8f: {  	_ =	strace $0x9000004A  }
0x90: {  	s0 =	stileid.u32;
	[bflag:$0x2] =	sbarrier.arrive $0xFFFF  }
0x91: {  	p0 =	sne.s32 s0, $0x0;
	s0 =	rddreg [dreg:$0x2]  }
0x92: {  	s0 =	sadd.s32 @!p0 $0x100000, s0  }
0x93: {  	[sflag:s0] =	ssyncadd.tile.s32 @!p0 $0x1;
	_ =	shalt  }
.Lfunc_end2:
_tile_overlayer_lowered:
.L_overlay_start_2:
0x94: {  	(tag) =	ssettag $0x2  }
0x95: {  	s0 =	rddreg [dreg:$0x0];
	s2 =	stileid.u32  }
0x96: {  	s1 =	rddreg [dreg:$0x1];
	p0 =	sne.s32 s2, $0x0  }
0x97: {  	s3 =	rddreg [dreg:$0x2];
	[bflag:$0x3] =	sbarrier.arrive $0xFFFF;
	s2 =	simm.s32 @!p0 $0x1C03  }
0x98: {  	[timem:s3], [sflag:s2] =	dma.local @!p0 [hbm:s0], s1  }
0x99: {  	s0 =	simm.s32 @!p0 $0x3  }
0x9a: {  	_ =	swait.ge @!p0 [sflag:s0], s1  }
0x9b: {  	s1 =	ssub.s32 @!p0 $0x0, s1;
	[sflag:s0] =	ssyncset.done @!p0 $0x0  }
0x9c: {  	[sflag:s0] =	ssyncadd.s32 @!p0 s1  }
0x9d: {  	[bflag:$0x3] =	sbarrier.arrive $0xFFFF  }
0x9e: {  	_ =	shalt  }

// kernel: kernel.20.cloned.1.call-start
scs
__scs_entry_jumppad:
0x0: {  	(pc) =	sbr.rel $0x88, $3  }
0x1: {  	(tag) =	ssettag $0x0;
	lr =	simm.s32 $0x1  }
0x2: {  	[smem:$0x3F7F] =	sst lr;
	_ =	strace $0xD0000000  }
0x3: {  	_ = 	snop  }
0x4: {  	_ = 	snop  }
0x5: {  	_ = 	snop  }
0x6: {  	_ = 	snop  }
0x7: {  	_ = 	snop  }
__scs_overlays_trampoline_lowered:
0x8: {  	[smem:$0x3F8E] =	sst s0  }
0x9: {  	[smem:$0x3F8F] =	sst s1  }
0xa: {  	[smem:$0x3F90] =	sst s2  }
0xb: {  	[smem:$0x3F91] =	sst s3  }
0xc: {  	[smem:$0x3F92] =	sst s4  }
0xd: {  	[smem:$0x3F93] =	sst s5  }
0xe: {  	[smem:$0x3F94] =	sst s6  }
0xf: {  	[smem:$0x3F95] =	sst s7  }
0x10: {  	[smem:$0x3F96] =	sst s8  }
0x11: {  	[smem:$0x3F97] =	sst s9;
	s0 =	simm.s32 @!p0 $0x0  }
0x12: {  	s1 =	sld [smem:$0x3F7D];
	s0 =	simm.s32 @p0 $0x1  }
0x13: {  	[smem:$0x3F98] =	sst s0;
	s0 =	simm.s32 @!p1 $0x0  }
0x14: {  	s2 =	sld [smem:$0x3F7C];
	s0 =	simm.s32 @p1 $0x1  }
0x15: {  	[smem:$0x3F99] =	sst s0;
	s0 =	simm.s32 @!p2 $0x0  }
0x16: {  	s3 =	sld [smem:$0x3FDB];
	s0 =	simm.s32 @p2 $0x1  }
0x17: {  	s4 =	simm.s32 $0x1BF5;
	[smem:$0x3F9B] =	sst s0  }
0x18: {  	s0 =	sld [smem:$0x3F7E];
	_ =	swait.ge [sflag:s4], $0x0  }
0x19: {  	s7 =	sld [smem:$0x3F7F]  }
0x1a: {  	s8 =	sadd.s32 $0xFFFFE003, lr  }
0x1b: {  	s9 =	sadd.s32 $0xFFFFFEF7, lr;
	s5 =	simm.s32 $0xFFFFFFFF;
	p2 =	slt.u32 s8, $0xFFFFF086  }
0x1c: {  	p1 =	slt.u32 s9, $0xF7A;
	s5 =	simm.s32 @!p2 $0x0  }
0x1d: {  	s5 =	simm.s32 @p1 $0x1;
	p0 =	seq.s32 s7, s2  }
0x1e: {  	s7 =	smul.u32 @!p0 $0xF7A, s2;
	p2 =	seq.s32 @!p0 s5, $0x0  }
0x1f: {  	s9 =	smul.u32 $0xF7A, s1;
	s8 =	simm.s32 @!p0 $0x1BF5;
	p2 =	por !p2, p0  }
0x20: {  	[sflag:s8] =	ssyncset.s32 @!p0 $0xFFFFF086;
	s6 =	sadd.s32 @!p0 s3, s7;
	s7 =	simm.s32 @!p0 $0x108  }
0x21: {  	s3 =	sadd.s32 s3, s9;
	s6 =	sadd.s32 @!p0 $0x88, s6;
	s7 =	simm.s32 @p2 $0x1082  }
0x22: {  	[simem:s7], [sflag:s8] =	dma.local @!p0 [hbm:s6], $0xF7A  }
0x23: {  	s9 =	sor.u32 $0xD0000000, s2;
	s6 =	simm.s32 $0x108;
	_ =	swait.ge @!p0 [sflag:s8], $0x0  }
0x24: {  	s3 =	sadd.s32 $0x88, s3;
	s6 =	simm.s32 @!p1 $0x1082;
	[sflag:s4] =	ssyncset.s32 $0xFFFFF086  }
0x25: {  	[simem:s6], [sflag:s4] =	dma.local [hbm:s3], $0xF7A  }
0x26: {  	[smem:$0x3F7F] =	sst s1;
	(tag) =	ssettag s2;
	_ =	strace s9  }
0x27: {  	s1 =	sld [smem:$0x3F8F]  }
0x28: {  	s2 =	sld [smem:$0x3F90]  }
0x29: {  	s4 =	sld [smem:$0x3F92]  }
0x2a: {  	p0 =	seq.s32 s5, $0x0;
	s5 =	sld [smem:$0x3F93]  }
0x2b: {  	s6 =	sld [smem:$0x3F94]  }
0x2c: {  	s7 =	sld [smem:$0x3F95]  }
0x2d: {  	s3 =	simm.s32 $0x108;
	s8 =	sld [smem:$0x3F96]  }
0x2e: {  	s3 =	simm.s32 @!p0 $0x1082;
	s9 =	sld [smem:$0x3F97]  }
0x2f: {  	lr =	sadd.s32 s0, s3;
	s0 =	sld [smem:$0x3F8E]  }
0x30: {  	s3 =	sld [smem:$0x3F91]  }
0x31: {  	[smem:$0x3F9A] =	sst s10  }
0x32: {  	s10 =	sld [smem:$0x3F98];
	_ =	sdelay $0x3  }
0x33: {  	p0 =	seq.s32 s10, $0x1;
	s10 =	sld [smem:$0x3F9A];
	_ =	sdelay $0x3  }
0x34: {  	[smem:$0x3F9A] =	sst s10  }
0x35: {  	s10 =	sld [smem:$0x3F99];
	_ =	sdelay $0x3  }
0x36: {  	p1 =	seq.s32 s10, $0x1;
	s10 =	sld [smem:$0x3F9A];
	_ =	sdelay $0x3  }
0x37: {  	[smem:$0x3F9A] =	sst s10  }
0x38: {  	s10 =	sld [smem:$0x3F9B]  }
0x39: {  	_ = 	snop;
	(pc) =	sbr.ind lr, $3  }
0x3a: {  	_ = 	snop  }
0x3b: {  	_ = 	snop  }
0x3c: {  	p2 =	seq.s32 s10, $0x1;
	s10 =	sld [smem:$0x3F9A]  }
0x3d: {  	_ =	shalt  }
0x3e: {  	_ =	shalt  }
0x3f: {  	_ =	shalt  }
0x40: {  	_ =	shalt  }
0x41: {  	_ =	shalt  }
0x42: {  	_ =	shalt  }
0x43: {  	_ =	shalt  }
0x44: {  	_ =	shalt  }
0x45: {  	_ =	shalt  }
0x46: {  	_ =	shalt  }
0x47: {  	_ =	shalt  }
0x48: {  	_ =	shalt  }
0x49: {  	_ =	shalt  }
0x4a: {  	_ =	shalt  }
0x4b: {  	_ =	shalt  }
0x4c: {  	_ =	shalt  }
0x4d: {  	_ =	shalt  }
0x4e: {  	_ =	shalt  }
0x4f: {  	_ =	shalt  }
0x50: {  	_ =	shalt  }
0x51: {  	_ =	shalt  }
0x52: {  	_ =	shalt  }
0x53: {  	_ =	shalt  }
0x54: {  	_ =	shalt  }
0x55: {  	_ =	shalt  }
0x56: {  	_ =	shalt  }
0x57: {  	_ =	shalt  }
0x58: {  	_ =	shalt  }
0x59: {  	_ =	shalt  }
0x5a: {  	_ =	shalt  }
0x5b: {  	_ =	shalt  }
0x5c: {  	_ =	shalt  }
0x5d: {  	_ =	shalt  }
0x5e: {  	_ =	shalt  }
0x5f: {  	_ =	shalt  }
0x60: {  	_ =	shalt  }
0x61: {  	_ =	shalt  }
0x62: {  	_ =	shalt  }
0x63: {  	_ =	shalt  }
0x64: {  	_ =	shalt  }
0x65: {  	_ =	shalt  }
0x66: {  	_ =	shalt  }
0x67: {  	_ =	shalt  }
0x68: {  	_ =	shalt  }
0x69: {  	_ =	shalt  }
0x6a: {  	_ =	shalt  }
0x6b: {  	_ =	shalt  }
0x6c: {  	_ =	shalt  }
0x6d: {  	_ =	shalt  }
0x6e: {  	_ =	shalt  }
0x6f: {  	_ =	shalt  }
0x70: {  	_ =	shalt  }
0x71: {  	_ =	shalt  }
0x72: {  	_ =	shalt  }
0x73: {  	_ =	shalt  }
0x74: {  	_ =	shalt  }
0x75: {  	_ =	shalt  }
0x76: {  	_ =	shalt  }
0x77: {  	_ =	shalt  }
0x78: {  	_ =	shalt  }
0x79: {  	_ =	shalt  }
0x7a: {  	_ =	shalt  }
0x7b: {  	_ =	shalt  }
0x7c: {  	_ =	shalt  }
0x7d: {  	_ =	shalt  }
0x7e: {  	_ =	shalt  }
0x7f: {  	_ =	shalt  }
0x80: {  	_ =	shalt  }
0x81: {  	_ =	shalt  }
0x82: {  	_ =	shalt  }
0x83: {  	_ =	shalt  }
0x84: {  	_ =	shalt  }
0x85: {  	_ =	shalt  }
0x86: {  	_ =	shalt  }
0x87: {  	_ =	shalt  }
.Lfunc_end0:
.L_simem_size_0:
called_computation.2_lowered:
.L_overlay_start_0:
0x88: {  	s2 =	sld [smem:$0x3FD9]  }
0x89: {  	s3 =	sld [smem:$0x3FFE];
	_ =	sdelay $0x1  }
0x8a: {  	s1 =	srdreg.scid  }
0x8b: {  	s0 =	sand.u32 $0x1, s1  }
0x8c: {  	s16 =	sshll.u32 s0, $0xA;
	s2 =	sadd.s32 s3, s2  }
0x8d: {  	s2 =	sadd.s32 s2, s16  }
0x8e: {  	[smem:$0x3FA6] =	sst s2  }
0x8f: {  	_ = 	snop  }
0x90: {  	(tm) =	ssettm $0x1  }
0x91: {  	s17 =	sld [smem:$0x3FFB];
	_ =	sdelay $0x3  }
0x92: {  	_ =	strace s17  }
0x93: {  	s2 =	sld [smem:$0x3FFC];
	_ =	sdelay $0x3  }
0x94: {  	_ =	strace s2  }
0x95: {  	s2 =	sld [smem:$0x3FFD];
	_ =	sdelay $0x3  }
0x96: {  	_ =	strace s2  }
0x97: {  	_ =	strace $0x8FFFFFFF  }
0x98: {  	s18 =	sld [smem:$0x3FDB];
	_ =	sdelay $0x1  }
0x99: {  	s19 =	simm.s32 $_scs_section_size  }
0x9a: {  	s4 =	simm.s32 $_size__tile_overlayer_lowered;
	s5 =	simm.s32 $_tile_overlayer_lowered  }
0x9b: {  	s22 =	simm.s32 $0x1BFF;
	s21 =	sshll.u32 s5, $0x1;
	s2 =	sadd.s32 s19, s18  }
0x9c: {  	s6 =	simm.s32 $0x0;
	s20 =	sshll.u32 s4, $0x1;
	s4 =	sadd.s32 s21, s2  }
0x9d: {  	[timem:s6], [sflag:s22] =	dma.local [hbm:s4], s20  }
0x9e: {  	_ =	swait.ge [sflag:s22], s20  }
0x9f: {  	s3 =	ssub.s32 $0x0, s20;
	[sflag:s22] =	ssyncset.done $0x0  }
0xa0: {  	[sflag:s22] =	ssyncadd.s32 s3;
	_ =	sdelay $0x1  }
0xa1: {  	s23 =	simm.s32 $0x1B8B  }
0xa2: {  	_ =	swait.ge [sflag:s23], $0x1  }
0xa3: {  	[sflag:s23] =	ssyncset.done $0x0  }
0xa4: {  	s25 =	simm.s32 $0x1B8E;
	s24 =	sld [smem:$0x3FFE];
	[sflag:s23] =	ssyncadd.s32 $0xFFFFFFFF  }
0xa5: {  	s26 =	simm.s32 $execute0_lowered;
	[smem:$0x3FD2] =	sst s25  }
0xa6: {  	s4 =	sshll.u32 s26, $0x1;
	_ =	strace $0x8000004C;
	[dreg:$0x1] =	wrdreg $0xFFFFFFFF  }
0xa7: {  	s28 =	simm.s32 $_size_execute0_lowered;
	s2 =	sadd.s32 s2, s4;
	[dreg:$0x0] =	wrdreg $0x0  }
0xa8: {  	s4 =	sshll.u32 s28, $0x1;
	[dreg:$0x2] =	wrdreg s2  }
0xa9: {  	[dreg:$0x3] =	wrdreg s4  }
0xaa: {  	[dreg:$0x4] =	wrdreg $0xC0  }
0xab: {  	_ =	task [dreg:s6], $0x5FFFF  }
0xac: {  	[dreg:$0x1] =	wrdreg $0xFFFFFFFF  }
0xad: {  	[dreg:$0x0] =	wrdreg $0x60  }
0xae: {  	[dreg:$0x2] =	wrdreg s24  }
0xaf: {  	[dreg:$0x3] =	wrdreg $0x51800  }
0xb0: {  	[dreg:$0x4] =	wrdreg $0x9  }
0xb1: {  	_ =	task.clear_ibuf [dreg:s6], $0x5FFFF;
	_ =	strace $0x9000004C  }
0xb2: {  	s29 =	simm.s32 $0x9;
	_ =	strace $0x8000004E  }
0xb3: {  	_ =	swait.ge [sflag:s29], $0x1  }
0xb4: {  	[sflag:s29] =	ssyncadd.s32 $0xFFFFFFFF  }
0xb5: {  	_ =	strace $0x9000004E  }
0xb6: {  	_ =	sfence  }
0xb7: {  	s30 =	sld [smem:$0x0];
	_ =	sdelay $0x2  }
0xb8: {  	s31 =	sshll.u32 s1, $0xD;
	s1 =	sshrl.u32 s1, $0x2  }
0xb9: {  	s3 =	sand.u32 $0x4000, s31;
	s1 =	sadd.s32 s1, s30  }
0xba: {  	s0 =	sor.u32 s3, s0;
	s1 =	sshll.u32 s1, $0x11  }
0xbb: {  	s0 =	sor.u32 s1, s0  }
0xbc: {  	s0 =	sadd.s32 $0x8F2B, s0  }
0xbd: {  	[sflag:s0] =	ssyncadd.remote.s32 $0x1  }
0xbe: {  	_ =	sfence.sel $0xFFFF  }
0xbf: {  	[dreg:$0x0] =	wrdreg $0xFFFFFFFF;
	(pc) =	sbr.abs _section_cstart, $3  }
0xc0: {  	[dreg:$0x1] =	wrdreg $0xFFFFFFFF  }
0xc1: {  	_ =	task.clear_ibuf [dreg:s6], $0x2FFFF;
	_ =	strace $0x9FFFFFFF  }
0xc2: {  	(tm) =	ssettm $0x7FFFFFFF  }
0xc3: {  	_ =	shalt  }
tec
execute0_lowered:
.L_overlay_start_1:
0x0: {  	(tag) =	ssettag $0x1  }
0x1: {  	s0 =	rddreg [dreg:$0x0]  }
0x2: {  	s2 =	rddreg [dreg:$0x1];
	s3 =	simm.s32 $0x0;
	s4 =	srdreg.scid  }
0x3: {  	s1 =	stileid.u32;
	s20 =	simm.s32 $0x180;
	s21 =	simm.s32 $0x3  }
0x4: {  	s22 =	simm.s32 $0x80;
	s23 =	simm.s32 $0x100;
	s24 =	simm.s32 $0x50  }
0x5: {  	s25 =	simm.s32 $0x1;
	s26 =	simm.s32 $0x2980;
	s28 =	simm.s32 $0x2  }
0x6: {  	[smem:$0x7FF] =	sst s3;
	s9 =	sand.u32 $0x1, s4;
	s8 =	smul.u32 $0x2800, s1  }
0x7: {  	s4 =	sadd.s32 $0x24C00, s0;
	s5 =	sadd.s32 $0x4CC00, s0;
	s6 =	sadd.s32 $0x11000, s0  }
0x8: {  	s7 =	sadd.s32 $0x1AE00, s0;
	s11 =	smul.u32 $0x50000, s1;
	s13 =	sshll.u32 s1, $0x1  }
0x9: {  	_ =	strace $0x8000004D;
	s10 =	smul.u32 $0x28000, s9;
	s31 =	ssub.s32 $0x2, s9  }
0xa: {  	s17 =	sor.u32 s9, s13;
	s12 =	sshrl.u32 s31, $0x1;
	s11 =	sshrl.u32 s11, $0x2  }
0xb: {  	s17 =	smul.u32 $0x2710, s17;
	s10 =	sadd.s32 s8, s10;
	s8 =	sadd.s32 $0x7200, s0  }
0xc: {  	s19 =	ssub.s32 s31, s12;
	s9 =	sadd.s32 s11, s2;
	s0 =	sadd.s32 s10, s0  }
0xd: {  	s10 =	sadd.s32 $0x2800, s9;
	s11 =	sadd.s32 $0x5000, s9;
	s12 =	sadd.s32 $0x7800, s9  }
0xe: {  	s13 =	sadd.s32 $0xA000, s9;
	s14 =	sadd.s32 $0xC800, s9;
	s15 =	sadd.s32 $0xF000, s9  }
0xf: {  	v0 =	vimm.f32 $0.0e+00;
	s16 =	sadd.s32 $0x11800, s9;
	s19 =	smax.u32 s19, $0x1;
	s18 =	sadd.s32 $0x4EC00, s0  }
.LBB2_1:
0x10: {  	s0 =	simm.s32 $0x0;
	s29 =	simm.s32 $0x200  }
.LBB2_2:
0x11: {  	p0 =	sne.s32 s29, $0x9E00;
	[tilespmem:s0+$0x1F0] =	vst v0  }
0x12: {  	[tilespmem:s0+$0x180] =	vst v0  }
0x13: {  	[tilespmem:s0+$0x190] =	vst v0  }
.Ltmp0:
0x14: {  	[tilespmem:s0+$0x1A0] =	vst v0;
	(pc) =	sbr.rel @p0 .LBB2_2-.Ltmp0, $4  }
0x15: {  	[tilespmem:s0+$0x1B0] =	vst v0  }
0x16: {  	[tilespmem:s0+$0x1C0] =	vst v0  }
0x17: {  	[tilespmem:s0+$0x1D0] =	vst v0  }
0x18: {  	[tilespmem:s0+$0x1E0] =	vst v0;
	s0 =	sshra.s32 s29, $0x2;
	s29 =	sadd.s32 $0x200, s29  }
0x19: {  	[tilespmem:s0+$0x1F0] =	vst v0  }
0x1a: {  	[tilespmem:s0+$0x180] =	vst v0  }
0x1b: {  	[tilespmem:s0+$0x190] =	vst v0  }
0x1c: {  	[tilespmem:s0+$0x1A0] =	vst v0  }
0x1d: {  	[tilespmem:s0+$0x1B0] =	vst v0  }
0x1e: {  	[tilespmem:s0+$0x1C0] =	vst v0  }
0x1f: {  	[tilespmem:s0+$0x1D0] =	vst v0  }
0x20: {  	[tilespmem:s0+$0x1E0] =	vst v0  }
0x21: {  	[spmem:s9] =	stream.linear.scatter [tilespmem:s20], [sflag:$0x3], $0x2800, $0x38;
	[tilespmem:$0x19180] =	vst v63  }
0x22: {  	_ =	swait.ge [sflag:s21], $0x2800  }
0x23: {  	[sflag:s21] =	ssyncset.done $0x0  }
0x24: {  	[sflag:s21] =	ssyncadd.s32 $0xFFFFD800  }
0x25: {  	[spmem:s10] =	stream.linear.scatter [tilespmem:s20], [sflag:$0x3], $0x2800, $0x38;
	[tilespmem:$0x19180] =	vst v63  }
0x26: {  	_ =	swait.ge [sflag:s21], $0x2800  }
0x27: {  	[sflag:s21] =	ssyncset.done $0x0  }
0x28: {  	[sflag:s21] =	ssyncadd.s32 $0xFFFFD800  }
0x29: {  	[spmem:s11] =	stream.linear.scatter [tilespmem:s20], [sflag:$0x3], $0x2800, $0x38;
	[tilespmem:$0x19180] =	vst v63  }
0x2a: {  	_ =	swait.ge [sflag:s21], $0x2800  }
0x2b: {  	[sflag:s21] =	ssyncset.done $0x0  }
0x2c: {  	[sflag:s21] =	ssyncadd.s32 $0xFFFFD800  }
0x2d: {  	[spmem:s12] =	stream.linear.scatter [tilespmem:s20], [sflag:$0x3], $0x2800, $0x38;
	[tilespmem:$0x19180] =	vst v63  }
0x2e: {  	_ =	swait.ge [sflag:s21], $0x2800  }
0x2f: {  	[sflag:s21] =	ssyncset.done $0x0  }
0x30: {  	[sflag:s21] =	ssyncadd.s32 $0xFFFFD800  }
0x31: {  	[spmem:s13] =	stream.linear.scatter [tilespmem:s20], [sflag:$0x3], $0x2800, $0x38;
	[tilespmem:$0x19180] =	vst v63  }
0x32: {  	_ =	swait.ge [sflag:s21], $0x2800  }
0x33: {  	[sflag:s21] =	ssyncset.done $0x0  }
0x34: {  	[sflag:s21] =	ssyncadd.s32 $0xFFFFD800  }
0x35: {  	[spmem:s14] =	stream.linear.scatter [tilespmem:s20], [sflag:$0x3], $0x2800, $0x38;
	[tilespmem:$0x19180] =	vst v63  }
0x36: {  	_ =	swait.ge [sflag:s21], $0x2800  }
0x37: {  	[sflag:s21] =	ssyncset.done $0x0  }
0x38: {  	[sflag:s21] =	ssyncadd.s32 $0xFFFFD800  }
0x39: {  	[spmem:s15] =	stream.linear.scatter [tilespmem:s20], [sflag:$0x3], $0x2800, $0x38;
	[tilespmem:$0x19180] =	vst v63  }
0x3a: {  	_ =	swait.ge [sflag:s21], $0x2800  }
0x3b: {  	[sflag:s21] =	ssyncset.done $0x0  }
0x3c: {  	[sflag:s21] =	ssyncadd.s32 $0xFFFFD800  }
0x3d: {  	[spmem:s16] =	stream.linear.scatter [tilespmem:s20], [sflag:$0x3], $0x2800, $0x38;
	[tilespmem:$0x19180] =	vst v63  }
0x3e: {  	_ =	swait.ge [sflag:s21], $0x2800  }
0x3f: {  	[sflag:s21] =	ssyncset.done $0x0  }
0x40: {  	[sflag:s21] =	ssyncadd.s32 $0xFFFFD800  }
0x41: {  	s29 =	simm.s32 $0x0;
	s30 =	simm.s32 $0x0;
	[bflag:$0x0] =	sbarrier.arrive $0xFFFF  }
.LBB2_4:
0x42: {  	s0 =	smul.u32 $0x50, s30;
	_ =	sdelay $0x1  }
0x43: {  	s0 =	sadd.s32 s17, s0  }
0x44: {  	s0 =	sshrl.u32 s0, $0x3  }
0x45: {  	s31 =	sadd.s32 s6, s0  }
0x46: {  	[tilespmem:s29], [sflag:$0x3] =	stream.linear.gather [hbm4b:s31+s29], $0x50, $0x38;
	[tilespmem:$0x19180] =	vst v63  }
0x47: {  	_ =	swait.ge [sflag:s21], $0x50  }
0x48: {  	[sflag:s21] =	ssyncset.done $0x0  }
0x49: {  	s31 =	sadd.s32 s7, s0;
	[sflag:s21] =	ssyncadd.s32 $0xFFFFFFB0  }
0x4a: {  	[tilespmem:s22], [sflag:$0x3] =	stream.linear.gather [hbm4b:s31+s29], $0x50, $0x38;
	[tilespmem:$0x19180] =	vst v63  }
0x4b: {  	_ =	swait.ge [sflag:s21], $0x50  }
0x4c: {  	[sflag:s21] =	ssyncset.done $0x0  }
0x4d: {  	s0 =	sadd.s32 s8, s0;
	[sflag:s21] =	ssyncadd.s32 $0xFFFFFFB0  }
0x4e: {  	[tilespmem:s23], [sflag:$0x3] =	stream.linear.gather [hbm4b:s0+s29], $0x50, $0x38;
	[tilespmem:$0x19180] =	vst v63  }
0x4f: {  	_ =	swait.ge [sflag:s21], $0x50  }
0x50: {  	[sflag:s21] =	ssyncset.done $0x0  }
0x51: {  	[sflag:s21] =	ssyncadd.s32 $0xFFFFFFB0  }
0x52: {  	[tilespmem:s20], [sflag:$0x1] =	stream.indirect.gather [hbm4b:s4+s24], $0x80, s29, s24, $0xb8;
	[tilespmem:$0x19180] =	vst v63  }
0x53: {  	_ =	swait.ge [sflag:s25], $0x2800  }
0x54: {  	[sflag:s25] =	ssyncset.done $0x0  }
0x55: {  	[sflag:s25] =	ssyncadd.s32 $0xFFFFD800  }
0x56: {  	[tilespmem:s26], [sflag:$0x2] =	stream.indirect.gather [hbm4b:s5+s24], $0x80, s22, s24, $0xb8;
	[tilespmem:$0x19180] =	vst v63  }
0x57: {  	_ =	swait.ge [sflag:s28], $0x2800  }
0x58: {  	[sflag:s28] =	ssyncset.done $0x0  }
0x59: {  	s31 =	simm.s32 $0x0;
	[sflag:s28] =	ssyncadd.s32 $0xFFFFD800  }
0x5a: {  	v7 =	vld [tilespmem:s31+$0x2980]  }
0x5b: {  	v12 =	vld [tilespmem:s31+$0x2990]  }
0x5c: {  	v6 =	vld [tilespmem:s31+$0x29A0]  }
0x5d: {  	v5 =	vld [tilespmem:s31+$0x29B0]  }
0x5e: {  	v4 =	vld [tilespmem:s31+$0x29C0]  }
0x5f: {  	v3 =	vld [tilespmem:s31+$0x29D0]  }
0x60: {  	v2 =	vld [tilespmem:s31+$0x29E0]  }
0x61: {  	v1 =	vld [tilespmem:s31+$0x29F0]  }
0x62: {  	v13 =	vld [tilespmem:s31+$0x180]  }
0x63: {  	v14 =	vld [tilespmem:s31+$0x190]  }
0x64: {  	v11 =	vld [tilespmem:s31+$0x1A0]  }
0x65: {  	v10 =	vld [tilespmem:s31+$0x1B0]  }
0x66: {  	v9 =	vld [tilespmem:s31+$0x1C0]  }
0x67: {  	v8 =	vld [tilespmem:s31+$0x1D0];
	v13 =	vadd.f32 v7, v13  }
0x68: {  	s0 =	simm.s32 $0x200;
	v12 =	vadd.f32 v12, v14;
	v7 =	vld [tilespmem:s31+$0x1E0]  }
.LBB2_5:
0x69: {  	s1 =	sshra.s32 s0, $0x2;
	p0 =	sne.s32 s0, $0x9E00;
	v13 =	vmax.f32 v13, $0.0e+00;
	v6 =	vadd.f32 v6, v11;
	v11 =	vld [tilespmem:s31+$0x1F0]  }
0x6a: {  	v14 =	vld [tilespmem:s1+$0x2980];
	[tilespmem:s31+$0x180] =	vst v13;
	v12 =	vmax.f32 v12, $0.0e+00;
	v5 =	vadd.f32 v5, v10  }
0x6b: {  	v15 =	vld [tilespmem:s1+$0x2990];
	[tilespmem:s31+$0x190] =	vst v12;
	v10 =	vmax.f32 v6, $0.0e+00;
	v4 =	vadd.f32 v4, v9  }
0x6c: {  	v6 =	vld [tilespmem:s1+$0x29A0];
	[tilespmem:s31+$0x1A0] =	vst v10;
	v9 =	vmax.f32 v5, $0.0e+00;
	v3 =	vadd.f32 v3, v8  }
0x6d: {  	v5 =	vld [tilespmem:s1+$0x29B0];
	[tilespmem:s31+$0x1B0] =	vst v9;
	v8 =	vmax.f32 v4, $0.0e+00;
	v2 =	vadd.f32 v2, v7  }
0x6e: {  	v4 =	vld [tilespmem:s1+$0x29C0];
	[tilespmem:s31+$0x1C0] =	vst v8;
	v7 =	vmax.f32 v3, $0.0e+00;
	v1 =	vadd.f32 v1, v11  }
0x6f: {  	v3 =	vld [tilespmem:s1+$0x29D0];
	[tilespmem:s31+$0x1D0] =	vst v7;
	v7 =	vmax.f32 v2, $0.0e+00  }
0x70: {  	v2 =	vld [tilespmem:s1+$0x29E0];
	[tilespmem:s31+$0x1E0] =	vst v7;
	v7 =	vmax.f32 v1, $0.0e+00  }
0x71: {  	v1 =	vld [tilespmem:s1+$0x29F0];
	[tilespmem:s31+$0x1F0] =	vst v7;
	s31 =	smov.u32 s1  }
0x72: {  	v7 =	vld [tilespmem:s31+$0x180]  }
0x73: {  	v12 =	vld [tilespmem:s31+$0x190]  }
.Ltmp1:
0x74: {  	v11 =	vld [tilespmem:s31+$0x1A0];
	(pc) =	sbr.rel @p0 .LBB2_5-.Ltmp1, $4  }
0x75: {  	v10 =	vld [tilespmem:s31+$0x1B0]  }
0x76: {  	v9 =	vld [tilespmem:s31+$0x1C0]  }
0x77: {  	v13 =	vadd.f32 v14, v7;
	v8 =	vld [tilespmem:s31+$0x1D0]  }
0x78: {  	s0 =	sadd.s32 $0x200, s0;
	v12 =	vadd.f32 v15, v12;
	v7 =	vld [tilespmem:s31+$0x1E0]  }
0x79: {  	v13 =	vmax.f32 v13, $0.0e+00;
	v6 =	vadd.f32 v6, v11;
	v63 =	vld [tilespmem:s31+$0x1F0]  }
0x7a: {  	[tilespmem:s31+$0x180] =	vst v13;
	v12 =	vmax.f32 v12, $0.0e+00;
	v5 =	vadd.f32 v5, v10  }
0x7b: {  	[tilespmem:s31+$0x190] =	vst v12;
	v6 =	vmax.f32 v6, $0.0e+00;
	v4 =	vadd.f32 v4, v9  }
0x7c: {  	[tilespmem:s31+$0x1A0] =	vst v6;
	v5 =	vmax.f32 v5, $0.0e+00;
	v3 =	vadd.f32 v3, v8  }
0x7d: {  	[tilespmem:s31+$0x1B0] =	vst v5;
	v4 =	vmax.f32 v4, $0.0e+00;
	v2 =	vadd.f32 v2, v7  }
0x7e: {  	[tilespmem:s31+$0x1C0] =	vst v4;
	v3 =	vmax.f32 v3, $0.0e+00;
	v1 =	vadd.f32 v1, v63  }
0x7f: {  	s30 =	sadd.s32 $0x1, s30;
	[tilespmem:s31+$0x1D0] =	vst v3;
	v2 =	vmax.f32 v2, $0.0e+00  }
0x80: {  	p0 =	sne.s32 s30, $0x7D;
	[tilespmem:s31+$0x1E0] =	vst v2;
	v1 =	vmax.f32 v1, $0.0e+00  }
.Ltmp2:
0x81: {  	[tilespmem:s31+$0x1F0] =	vst v1;
	(pc) =	sbr.rel @p0 .LBB2_4-.Ltmp2, $4  }
0x82: {  	[spmem:s2] =	stream.indirect.scatter.add.f32 [tilespmem:s20], [sflag:$0x3], $0x80, s23, s24, $0xb8;
	[tilespmem:$0x19180] =	vst v63  }
0x83: {  	_ =	swait.ge [sflag:s21], $0x2800  }
0x84: {  	[sflag:s21] =	ssyncset.done $0x0  }
0x85: {  	[sflag:s21] =	ssyncadd.s32 $0xFFFFD800  }
0x86: {  	s0 =	stileid.u32;
	s3 =	sadd.s32 $0x1, s3  }
0x87: {  	[bflag:$0x0] =	sbarrier.arrive $0xFFFF;
	s0 =	sshll.u32 s0, $0x6;
	p0 =	sne.s32 s3, s19  }
.Ltmp3:
0x88: {  	s1 =	sshrl.u32 s9, $0x3;
	s0 =	sor.u32 $0x1C03, s0;
	(pc) =	sbr.rel @p0 .LBB2_1-.Ltmp3, $4  }
0x89: {  	[hbm:s18], [sflag:s0] =	dma.local [spmem:s1], $0x2800  }
0x8a: {  	_ =	swait.ge [sflag:s21], $0x2800  }
0x8b: {  	[sflag:s21] =	ssyncset.done $0x0  }
0x8c: {  	[sflag:s21] =	ssyncadd.s32 $0xFFFFD800  }
0x8d: {  	_ =	sfence.sel $0x180000  }
0x8e: {  	[bflag:$0x0] =	sbarrier.arrive $0xFFFF  }
0x8f: {  	_ =	strace $0x9000004D  }
0x90: {  	s0 =	stileid.u32;
	[bflag:$0x2] =	sbarrier.arrive $0xFFFF  }
0x91: {  	p0 =	sne.s32 s0, $0x0;
	s0 =	rddreg [dreg:$0x2]  }
0x92: {  	s0 =	sadd.s32 @!p0 $0x100000, s0  }
0x93: {  	[sflag:s0] =	ssyncadd.tile.s32 @!p0 $0x1;
	_ =	shalt  }
.Lfunc_end2:
_tile_overlayer_lowered:
.L_overlay_start_2:
0x94: {  	(tag) =	ssettag $0x2  }
0x95: {  	s0 =	rddreg [dreg:$0x0];
	s2 =	stileid.u32  }
0x96: {  	s1 =	rddreg [dreg:$0x1];
	p0 =	sne.s32 s2, $0x0  }
0x97: {  	s3 =	rddreg [dreg:$0x2];
	[bflag:$0x3] =	sbarrier.arrive $0xFFFF;
	s2 =	simm.s32 @!p0 $0x1C03  }
0x98: {  	[timem:s3], [sflag:s2] =	dma.local @!p0 [hbm:s0], s1  }
0x99: {  	s0 =	simm.s32 @!p0 $0x3  }
0x9a: {  	_ =	swait.ge @!p0 [sflag:s0], s1  }
0x9b: {  	s1 =	ssub.s32 @!p0 $0x0, s1;
	[sflag:s0] =	ssyncset.done @!p0 $0x0  }
0x9c: {  	[sflag:s0] =	ssyncadd.s32 @!p0 s1  }
0x9d: {  	[bflag:$0x3] =	sbarrier.arrive $0xFFFF  }
0x9e: {  	_ =	shalt  }

// kernel: kernel.23.cloned.1.call-start
scs
__scs_entry_jumppad:
0x0: {  	(pc) =	sbr.rel $0x88, $3  }
0x1: {  	(tag) =	ssettag $0x0;
	lr =	simm.s32 $0x1  }
0x2: {  	[smem:$0x3F7F] =	sst lr;
	_ =	strace $0xD0000000  }
0x3: {  	_ = 	snop  }
0x4: {  	_ = 	snop  }
0x5: {  	_ = 	snop  }
0x6: {  	_ = 	snop  }
0x7: {  	_ = 	snop  }
__scs_overlays_trampoline_lowered:
0x8: {  	[smem:$0x3F8E] =	sst s0  }
0x9: {  	[smem:$0x3F8F] =	sst s1  }
0xa: {  	[smem:$0x3F90] =	sst s2  }
0xb: {  	[smem:$0x3F91] =	sst s3  }
0xc: {  	[smem:$0x3F92] =	sst s4  }
0xd: {  	[smem:$0x3F93] =	sst s5  }
0xe: {  	[smem:$0x3F94] =	sst s6  }
0xf: {  	[smem:$0x3F95] =	sst s7  }
0x10: {  	[smem:$0x3F96] =	sst s8  }
0x11: {  	[smem:$0x3F97] =	sst s9;
	s0 =	simm.s32 @!p0 $0x0  }
0x12: {  	s1 =	sld [smem:$0x3F7D];
	s0 =	simm.s32 @p0 $0x1  }
0x13: {  	[smem:$0x3F98] =	sst s0;
	s0 =	simm.s32 @!p1 $0x0  }
0x14: {  	s2 =	sld [smem:$0x3F7C];
	s0 =	simm.s32 @p1 $0x1  }
0x15: {  	[smem:$0x3F99] =	sst s0;
	s0 =	simm.s32 @!p2 $0x0  }
0x16: {  	s3 =	sld [smem:$0x3FDB];
	s0 =	simm.s32 @p2 $0x1  }
0x17: {  	s4 =	simm.s32 $0x1BF5;
	[smem:$0x3F9B] =	sst s0  }
0x18: {  	s0 =	sld [smem:$0x3F7E];
	_ =	swait.ge [sflag:s4], $0x0  }
0x19: {  	s7 =	sld [smem:$0x3F7F]  }
0x1a: {  	s8 =	sadd.s32 $0xFFFFE003, lr  }
0x1b: {  	s9 =	sadd.s32 $0xFFFFFEF7, lr;
	s5 =	simm.s32 $0xFFFFFFFF;
	p2 =	slt.u32 s8, $0xFFFFF086  }
0x1c: {  	p1 =	slt.u32 s9, $0xF7A;
	s5 =	simm.s32 @!p2 $0x0  }
0x1d: {  	s5 =	simm.s32 @p1 $0x1;
	p0 =	seq.s32 s7, s2  }
0x1e: {  	s7 =	smul.u32 @!p0 $0xF7A, s2;
	p2 =	seq.s32 @!p0 s5, $0x0  }
0x1f: {  	s9 =	smul.u32 $0xF7A, s1;
	s8 =	simm.s32 @!p0 $0x1BF5;
	p2 =	por !p2, p0  }
0x20: {  	[sflag:s8] =	ssyncset.s32 @!p0 $0xFFFFF086;
	s6 =	sadd.s32 @!p0 s3, s7;
	s7 =	simm.s32 @!p0 $0x108  }
0x21: {  	s3 =	sadd.s32 s3, s9;
	s6 =	sadd.s32 @!p0 $0x88, s6;
	s7 =	simm.s32 @p2 $0x1082  }
0x22: {  	[simem:s7], [sflag:s8] =	dma.local @!p0 [hbm:s6], $0xF7A  }
0x23: {  	s9 =	sor.u32 $0xD0000000, s2;
	s6 =	simm.s32 $0x108;
	_ =	swait.ge @!p0 [sflag:s8], $0x0  }
0x24: {  	s3 =	sadd.s32 $0x88, s3;
	s6 =	simm.s32 @!p1 $0x1082;
	[sflag:s4] =	ssyncset.s32 $0xFFFFF086  }
0x25: {  	[simem:s6], [sflag:s4] =	dma.local [hbm:s3], $0xF7A  }
0x26: {  	[smem:$0x3F7F] =	sst s1;
	(tag) =	ssettag s2;
	_ =	strace s9  }
0x27: {  	s1 =	sld [smem:$0x3F8F]  }
0x28: {  	s2 =	sld [smem:$0x3F90]  }
0x29: {  	s4 =	sld [smem:$0x3F92]  }
0x2a: {  	p0 =	seq.s32 s5, $0x0;
	s5 =	sld [smem:$0x3F93]  }
0x2b: {  	s6 =	sld [smem:$0x3F94]  }
0x2c: {  	s7 =	sld [smem:$0x3F95]  }
0x2d: {  	s3 =	simm.s32 $0x108;
	s8 =	sld [smem:$0x3F96]  }
0x2e: {  	s3 =	simm.s32 @!p0 $0x1082;
	s9 =	sld [smem:$0x3F97]  }
0x2f: {  	lr =	sadd.s32 s0, s3;
	s0 =	sld [smem:$0x3F8E]  }
0x30: {  	s3 =	sld [smem:$0x3F91]  }
0x31: {  	[smem:$0x3F9A] =	sst s10  }
0x32: {  	s10 =	sld [smem:$0x3F98];
	_ =	sdelay $0x3  }
0x33: {  	p0 =	seq.s32 s10, $0x1;
	s10 =	sld [smem:$0x3F9A];
	_ =	sdelay $0x3  }
0x34: {  	[smem:$0x3F9A] =	sst s10  }
0x35: {  	s10 =	sld [smem:$0x3F99];
	_ =	sdelay $0x3  }
0x36: {  	p1 =	seq.s32 s10, $0x1;
	s10 =	sld [smem:$0x3F9A];
	_ =	sdelay $0x3  }
0x37: {  	[smem:$0x3F9A] =	sst s10  }
0x38: {  	s10 =	sld [smem:$0x3F9B]  }
0x39: {  	_ = 	snop;
	(pc) =	sbr.ind lr, $3  }
0x3a: {  	_ = 	snop  }
0x3b: {  	_ = 	snop  }
0x3c: {  	p2 =	seq.s32 s10, $0x1;
	s10 =	sld [smem:$0x3F9A]  }
0x3d: {  	_ =	shalt  }
0x3e: {  	_ =	shalt  }
0x3f: {  	_ =	shalt  }
0x40: {  	_ =	shalt  }
0x41: {  	_ =	shalt  }
0x42: {  	_ =	shalt  }
0x43: {  	_ =	shalt  }
0x44: {  	_ =	shalt  }
0x45: {  	_ =	shalt  }
0x46: {  	_ =	shalt  }
0x47: {  	_ =	shalt  }
0x48: {  	_ =	shalt  }
0x49: {  	_ =	shalt  }
0x4a: {  	_ =	shalt  }
0x4b: {  	_ =	shalt  }
0x4c: {  	_ =	shalt  }
0x4d: {  	_ =	shalt  }
0x4e: {  	_ =	shalt  }
0x4f: {  	_ =	shalt  }
0x50: {  	_ =	shalt  }
0x51: {  	_ =	shalt  }
0x52: {  	_ =	shalt  }
0x53: {  	_ =	shalt  }
0x54: {  	_ =	shalt  }
0x55: {  	_ =	shalt  }
0x56: {  	_ =	shalt  }
0x57: {  	_ =	shalt  }
0x58: {  	_ =	shalt  }
0x59: {  	_ =	shalt  }
0x5a: {  	_ =	shalt  }
0x5b: {  	_ =	shalt  }
0x5c: {  	_ =	shalt  }
0x5d: {  	_ =	shalt  }
0x5e: {  	_ =	shalt  }
0x5f: {  	_ =	shalt  }
0x60: {  	_ =	shalt  }
0x61: {  	_ =	shalt  }
0x62: {  	_ =	shalt  }
0x63: {  	_ =	shalt  }
0x64: {  	_ =	shalt  }
0x65: {  	_ =	shalt  }
0x66: {  	_ =	shalt  }
0x67: {  	_ =	shalt  }
0x68: {  	_ =	shalt  }
0x69: {  	_ =	shalt  }
0x6a: {  	_ =	shalt  }
0x6b: {  	_ =	shalt  }
0x6c: {  	_ =	shalt  }
0x6d: {  	_ =	shalt  }
0x6e: {  	_ =	shalt  }
0x6f: {  	_ =	shalt  }
0x70: {  	_ =	shalt  }
0x71: {  	_ =	shalt  }
0x72: {  	_ =	shalt  }
0x73: {  	_ =	shalt  }
0x74: {  	_ =	shalt  }
0x75: {  	_ =	shalt  }
0x76: {  	_ =	shalt  }
0x77: {  	_ =	shalt  }
0x78: {  	_ =	shalt  }
0x79: {  	_ =	shalt  }
0x7a: {  	_ =	shalt  }
0x7b: {  	_ =	shalt  }
0x7c: {  	_ =	shalt  }
0x7d: {  	_ =	shalt  }
0x7e: {  	_ =	shalt  }
0x7f: {  	_ =	shalt  }
0x80: {  	_ =	shalt  }
0x81: {  	_ =	shalt  }
0x82: {  	_ =	shalt  }
0x83: {  	_ =	shalt  }
0x84: {  	_ =	shalt  }
0x85: {  	_ =	shalt  }
0x86: {  	_ =	shalt  }
0x87: {  	_ =	shalt  }
.Lfunc_end0:
.L_simem_size_0:
called_computation.3_lowered:
.L_overlay_start_0:
0x88: {  	s2 =	sld [smem:$0x3FD9]  }
0x89: {  	s3 =	sld [smem:$0x3FFE];
	_ =	sdelay $0x1  }
0x8a: {  	s1 =	srdreg.scid  }
0x8b: {  	s0 =	sand.u32 $0x1, s1  }
0x8c: {  	s14 =	sshll.u32 s0, $0xA;
	s2 =	sadd.s32 s3, s2  }
0x8d: {  	s2 =	sadd.s32 s2, s14  }
0x8e: {  	[smem:$0x3FA6] =	sst s2  }
0x8f: {  	_ = 	snop  }
0x90: {  	s2 =	sld [smem:$0x3FD0];
	_ =	sdelay $0x2  }
0x91: {  	s15 =	simm.s32 $0xA;
	s4 =	simm.s32 $0x10  }
0x92: {  	[smem:s4], [sflag:s15] =	dma.local [hbm:s2], $0x1  }
0x93: {  	_ =	swait.eq [sflag:s15], $0x1  }
0x94: {  	[sflag:s15] =	ssyncset.done $0x0  }
0x95: {  	[sflag:s15] =	ssyncadd.s32 $0xFFFFFFFF  }
0x96: {  	s16 =	sld [smem:$0x11];
	(tm) =	ssettm $0x1  }
0x97: {  	s17 =	sld [smem:$0x3FFB];
	_ =	sdelay $0x3  }
0x98: {  	_ =	strace s17  }
0x99: {  	s3 =	sld [smem:$0x3FFC];
	_ =	sdelay $0x3  }
0x9a: {  	_ =	strace s3  }
0x9b: {  	s3 =	sld [smem:$0x3FFD];
	_ =	sdelay $0x3  }
0x9c: {  	_ =	strace s3  }
0x9d: {  	_ =	strace $0x8FFFFFFF  }
0x9e: {  	s18 =	sld [smem:$0x3FDB];
	_ =	sdelay $0x1  }
0x9f: {  	s19 =	simm.s32 $_scs_section_size  }
0xa0: {  	s5 =	simm.s32 $_size__tile_overlayer_lowered;
	s6 =	simm.s32 $_tile_overlayer_lowered  }
0xa1: {  	s22 =	simm.s32 $0x1BFF;
	s21 =	sshll.u32 s6, $0x1;
	s3 =	sadd.s32 s19, s18  }
0xa2: {  	s7 =	simm.s32 $0x0;
	s20 =	sshll.u32 s5, $0x1;
	s5 =	sadd.s32 s21, s3  }
0xa3: {  	[timem:s7], [sflag:s22] =	dma.local [hbm:s5], s20  }
0xa4: {  	_ =	swait.ge [sflag:s22], s20  }
0xa5: {  	s4 =	ssub.s32 $0x0, s20;
	[sflag:s22] =	ssyncset.done $0x0  }
0xa6: {  	[sflag:s22] =	ssyncadd.s32 s4;
	_ =	sdelay $0x1  }
0xa7: {  	s23 =	simm.s32 $0x1B8B  }
0xa8: {  	_ =	swait.ge [sflag:s23], $0x1  }
0xa9: {  	[sflag:s23] =	ssyncset.done $0x0  }
0xaa: {  	s25 =	simm.s32 $0x1B8E;
	s24 =	sld [smem:$0x3FFE];
	[sflag:s23] =	ssyncadd.s32 $0xFFFFFFFF  }
0xab: {  	s26 =	simm.s32 $execute0_lowered;
	[smem:$0x3FD2] =	sst s25  }
0xac: {  	s5 =	sshll.u32 s26, $0x1;
	_ =	strace $0x8000004F;
	[dreg:$0x1] =	wrdreg $0xFFFFFFFF  }
0xad: {  	s28 =	simm.s32 $_size_execute0_lowered;
	s3 =	sadd.s32 s3, s5;
	[dreg:$0x0] =	wrdreg $0x0  }
0xae: {  	s5 =	sshll.u32 s28, $0x1;
	[dreg:$0x2] =	wrdreg s3  }
0xaf: {  	[dreg:$0x3] =	wrdreg s5  }
0xb0: {  	[dreg:$0x4] =	wrdreg $0xC0  }
0xb1: {  	_ =	task [dreg:s7], $0x5FFFF  }
0xb2: {  	[dreg:$0x1] =	wrdreg $0xFFFFFFFF  }
0xb3: {  	[dreg:$0x0] =	wrdreg $0x60  }
0xb4: {  	[dreg:$0x2] =	wrdreg s24  }
0xb5: {  	[dreg:$0x3] =	wrdreg s16  }
0xb6: {  	[dreg:$0x4] =	wrdreg $0x20800  }
0xb7: {  	[dreg:$0x5] =	wrdreg $0x9  }
0xb8: {  	_ =	task.clear_ibuf [dreg:s7], $0x6FFFF;
	_ =	strace $0x9000004F  }
0xb9: {  	s29 =	simm.s32 $0x9;
	_ =	strace $0x80000051  }
0xba: {  	_ =	swait.ge [sflag:s29], $0x1  }
0xbb: {  	[sflag:s29] =	ssyncadd.s32 $0xFFFFFFFF  }
0xbc: {  	_ =	strace $0x90000051  }
0xbd: {  	_ =	sfence  }
0xbe: {  	s30 =	sld [smem:$0x0];
	_ =	sdelay $0x2  }
0xbf: {  	s31 =	sshll.u32 s1, $0xD;
	s1 =	sshrl.u32 s1, $0x2  }
0xc0: {  	s3 =	sand.u32 $0x4000, s31;
	s1 =	sadd.s32 s1, s30  }
0xc1: {  	s0 =	sor.u32 s3, s0;
	s1 =	sshll.u32 s1, $0x11  }
0xc2: {  	s0 =	sor.u32 s1, s0  }
0xc3: {  	s0 =	sadd.s32 $0x8F2B, s0  }
0xc4: {  	[sflag:s0] =	ssyncadd.remote.s32 $0x1  }
0xc5: {  	_ =	sfence.sel $0xFFFF  }
0xc6: {  	[dreg:$0x0] =	wrdreg $0xFFFFFFFF;
	(pc) =	sbr.abs _section_cstart, $3  }
0xc7: {  	[dreg:$0x1] =	wrdreg $0xFFFFFFFF  }
0xc8: {  	_ =	task.clear_ibuf [dreg:s7], $0x2FFFF;
	_ =	strace $0x9FFFFFFF  }
0xc9: {  	(tm) =	ssettm $0x7FFFFFFF  }
tec
execute0_lowered:
.L_overlay_start_1:
0x0: {  	(tag) =	ssettag $0x1  }
0x1: {  	s4 =	rddreg [dreg:$0x0]  }
0x2: {  	s9 =	rddreg [dreg:$0x1]  }
0x3: {  	s2 =	rddreg [dreg:$0x2];
	s1 =	stileid.u32  }
0x4: {  	s0 =	rddreg [dreg:$0x3];
	s3 =	simm.s32 $0x0;
	s6 =	srdreg.scid  }
0x5: {  	s15 =	simm.s32 $0x0;
	s5 =	smul.u32 $0x2800, s1;
	[smem:$0x7FF] =	sst s3  }
0x6: {  	s10 =	sand.u32 $0x1, s6;
	s29 =	sshll.u32 s1, $0xB;
	s7 =	sshll.u32 s1, $0xE  }
0x7: {  	s12 =	smul.u32 $0x50, s1;
	s13 =	sshll.u32 s1, $0x6;
	_ =	strace $0x80000050  }
0x8: {  	s6 =	ssub.s32 $0x2, s10;
	s11 =	sadd.s32 s29, s4;
	p0 =	sne.s32 s10, $0x0  }
.Ltmp0:
0x9: {  	s10 =	simm.s32 $0x80;
	s13 =	sor.u32 $0x1C01, s13;
	(pc) =	sbr.rel .LBB2_1-.Ltmp0, $4  }
0xa: {  	s8 =	sadd.s32 s5, s4;
	s30 =	sshrl.u32 s6, $0x1;
	s4 =	sadd.s32 s7, s2  }
0xb: {  	s9 =	sadd.s32 s12, s9;
	s12 =	simm.s32 $0x40;
	s31 =	ssub.s32 s6, s30  }
0xc: {  	s5 =	sadd.s32 $0x2000, s4;
	s6 =	sadd.s32 $0x2F200, s11;
	s8 =	sadd.s32 $0x7200, s8  }
0xd: {  	v0 =	vimm.f32 $0.0e+00;
	s11 =	simm.s32 $0x1;
	s14 =	sshrl.u32 s4, $0x3;
	s7 =	smax.u32 s31, $0x1  }
.LBB2_9:
0xe: {  	[bflag:$0x0] =	sbarrier.arrive $0xFFFF  }
0xf: {  	[bflag:$0x0] =	sbarrier.arrive $0xFFFF  }
.LBB2_7:
0x10: {  	s15 =	sadd.s32 $0x1, s15  }
0x11: {  	p1 =	sne.s32 s15, s7  }
.Ltmp1:
0x12: {  	_ = 	snop;
	(pc) =	sbr.rel @!p1 .LBB2_8-.Ltmp1, $1  }
0x13: {  	_ =	sdelay $0x3  }
.LBB2_1:
.Ltmp2:
0x14: {  	(pc) =	sbr.rel @p0 .LBB2_9-.Ltmp2, $1  }
0x15: {  	_ =	sdelay $0x3  }
0x16: {  	s16 =	sshra.s32 s3, $0x2;
	s17 =	sadd.s32 $0x200, s3  }
.LBB2_3:
0x17: {  	p1 =	sne.s32 s17, $0x7E00;
	[tilespmem:s16+$0xF0] =	vst v0  }
0x18: {  	[tilespmem:s16+$0x80] =	vst v0  }
0x19: {  	[tilespmem:s16+$0x90] =	vst v0  }
.Ltmp3:
0x1a: {  	[tilespmem:s16+$0xA0] =	vst v0;
	(pc) =	sbr.rel @p1 .LBB2_3-.Ltmp3, $4  }
0x1b: {  	[tilespmem:s16+$0xB0] =	vst v0  }
0x1c: {  	[tilespmem:s16+$0xC0] =	vst v0  }
0x1d: {  	[tilespmem:s16+$0xD0] =	vst v0  }
0x1e: {  	[tilespmem:s16+$0xE0] =	vst v0;
	s16 =	sshra.s32 s17, $0x2;
	s17 =	sadd.s32 $0x200, s17  }
0x1f: {  	[tilespmem:s16+$0xF0] =	vst v0  }
0x20: {  	[tilespmem:s16+$0x80] =	vst v0  }
0x21: {  	[tilespmem:s16+$0x90] =	vst v0  }
0x22: {  	[tilespmem:s16+$0xA0] =	vst v0  }
0x23: {  	[tilespmem:s16+$0xB0] =	vst v0  }
0x24: {  	[tilespmem:s16+$0xC0] =	vst v0  }
0x25: {  	[tilespmem:s16+$0xD0] =	vst v0  }
0x26: {  	[tilespmem:s16+$0xE0] =	vst v0  }
0x27: {  	[spmem:s4] =	stream.linear.scatter [tilespmem:s10], [sflag:$0x1], $0x2000, $0x38;
	[tilespmem:$0x6080] =	vst v63  }
0x28: {  	_ =	swait.ge [sflag:s11], $0x2000  }
0x29: {  	[sflag:s11] =	ssyncset.done $0x0  }
0x2a: {  	[sflag:s11] =	ssyncadd.s32 $0xFFFFE000  }
0x2b: {  	[spmem:s5] =	stream.linear.scatter [tilespmem:s10], [sflag:$0x1], $0x2000, $0x38;
	[tilespmem:$0x6080] =	vst v63  }
0x2c: {  	_ =	swait.ge [sflag:s11], $0x2000  }
0x2d: {  	[sflag:s11] =	ssyncset.done $0x0  }
0x2e: {  	[sflag:s11] =	ssyncadd.s32 $0xFFFFE000  }
0x2f: {  	[bflag:$0x0] =	sbarrier.arrive $0xFFFF  }
0x30: {  	[tilespmem:s10], [sflag:$0x1] =	stream.linear.gather [hbm4b:s8+s3], $0x2000, $0x38;
	[tilespmem:$0x6080] =	vst v63  }
0x31: {  	_ =	swait.ge [sflag:s11], $0x2000  }
0x32: {  	[sflag:s11] =	ssyncset.done $0x0  }
0x33: {  	s31 =	sadd.s32 $0x0, s9;
	[sflag:s11] =	ssyncadd.s32 $0xFFFFE000  }
0x34: {  	[tilespmem:s3], [sflag:$0x1] =	stream.linear.gather [hbm4b:s31+s3], $0x40, $0x38;
	[tilespmem:$0x6080] =	vst v63  }
0x35: {  	_ =	swait.ge [sflag:s11], $0x40  }
0x36: {  	[sflag:s11] =	ssyncset.done $0x0  }
0x37: {  	[sflag:s11] =	ssyncadd.s32 $0xFFFFFFC0  }
0x38: {  	[spmem:s2] =	stream.indirect.scatter.add.f32 [tilespmem:s10], [sflag:$0x1], $0x80, s3, s12, $0xb8;
	[tilespmem:$0x6080] =	vst v63  }
0x39: {  	_ =	swait.ge [sflag:s11], $0x2000  }
0x3a: {  	s16 =	simm.s32 $0x8;
	s17 =	smov.u32 s8;
	[sflag:s11] =	ssyncset.done $0x0  }
.LBB2_5:
0x3b: {  	p1 =	seq.s32 s16, $0x48;
	[sflag:s11] =	ssyncadd.s32 $0xFFFFE000;
	s17 =	sadd.s32 $0x400, s17  }
0x3c: {  	[tilespmem:s10], [sflag:$0x1] =	stream.linear.gather [hbm4b:s17+s3], $0x2000, $0x38;
	[tilespmem:$0x6080] =	vst v63  }
0x3d: {  	s18 =	smov.u32 s16;
	s16 =	sadd.s32 $0x8, s16;
	_ =	swait.ge [sflag:s11], $0x2000  }
0x3e: {  	[sflag:s11] =	ssyncset.done $0x0  }
0x3f: {  	s18 =	sadd.s32 s18, s9;
	[sflag:s11] =	ssyncadd.s32 $0xFFFFE000  }
0x40: {  	[tilespmem:s3], [sflag:$0x1] =	stream.linear.gather [hbm4b:s18+s3], $0x40, $0x38;
	[tilespmem:$0x6080] =	vst v63  }
0x41: {  	_ =	swait.ge [sflag:s11], $0x40  }
.Ltmp4:
0x42: {  	[sflag:s11] =	ssyncset.done $0x0;
	(pc) =	sbr.rel @!p1 .LBB2_5-.Ltmp4, $4  }
0x43: {  	[sflag:s11] =	ssyncadd.s32 $0xFFFFFFC0  }
0x44: {  	[spmem:s2] =	stream.indirect.scatter.add.f32 [tilespmem:s10], [sflag:$0x1], $0x80, s3, s12, $0xb8;
	[tilespmem:$0x6080] =	vst v63  }
0x45: {  	_ =	swait.ge [sflag:s11], $0x2000  }
0x46: {  	[sflag:s11] =	ssyncset.done $0x0  }
0x47: {  	[sflag:s11] =	ssyncadd.s32 $0xFFFFE000  }
.Ltmp5:
0x48: {  	[bflag:$0x0] =	sbarrier.arrive $0xFFFF;
	(pc) =	sbr.rel .LBB2_7-.Ltmp5, $4  }
0x49: {  	[hbm:s6], [sflag:s13] =	dma.local [spmem:s14], $0x800  }
0x4a: {  	_ =	swait.ge [sflag:s11], $0x800  }
0x4b: {  	[sflag:s11] =	ssyncset.done $0x0  }
0x4c: {  	[sflag:s11] =	ssyncadd.s32 $0xFFFFF800  }
.LBB2_8:
0x4d: {  	_ =	sfence.sel $0x180000  }
0x4e: {  	[bflag:$0x0] =	sbarrier.arrive $0xFFFF  }
0x4f: {  	p0 =	sne.s32 s1, $0x0;
	_ =	strace $0x90000050  }
0x50: {  	s0 =	sadd.s32 @!p0 $0x100000, s0;
	[bflag:$0x2] =	sbarrier.arrive $0xFFFF  }
0x51: {  	[sflag:s0] =	ssyncadd.tile.s32 @!p0 $0x1;
	_ =	shalt  }
.Lfunc_end2:
_tile_overlayer_lowered:
.L_overlay_start_2:
0x52: {  	(tag) =	ssettag $0x2  }
0x53: {  	s0 =	rddreg [dreg:$0x0];
	s2 =	stileid.u32  }
0x54: {  	s1 =	rddreg [dreg:$0x1];
	p0 =	sne.s32 s2, $0x0  }
0x55: {  	s3 =	rddreg [dreg:$0x2];
	[bflag:$0x3] =	sbarrier.arrive $0xFFFF;
	s2 =	simm.s32 @!p0 $0x1C01  }
0x56: {  	[timem:s3], [sflag:s2] =	dma.local @!p0 [hbm:s0], s1  }
0x57: {  	s0 =	simm.s32 @!p0 $0x1  }
0x58: {  	_ =	swait.ge @!p0 [sflag:s0], s1  }
0x59: {  	s1 =	ssub.s32 @!p0 $0x0, s1;
	[sflag:s0] =	ssyncset.done @!p0 $0x0  }
0x5a: {  	[sflag:s0] =	ssyncadd.s32 @!p0 s1  }
0x5b: {  	[bflag:$0x3] =	sbarrier.arrive $0xFFFF  }
0x5c: {  	_ =	shalt  }

// kernel: kernel.26.cloned.1.call-start
scs
__scs_entry_jumppad:
0x0: {  	(pc) =	sbr.rel $0x88, $3  }
0x1: {  	(tag) =	ssettag $0x0;
	lr =	simm.s32 $0x1  }
0x2: {  	[smem:$0x3F7F] =	sst lr;
	_ =	strace $0xD0000000  }
0x3: {  	_ = 	snop  }
0x4: {  	_ = 	snop  }
0x5: {  	_ = 	snop  }
0x6: {  	_ = 	snop  }
0x7: {  	_ = 	snop  }
__scs_overlays_trampoline_lowered:
0x8: {  	[smem:$0x3F8E] =	sst s0  }
0x9: {  	[smem:$0x3F8F] =	sst s1  }
0xa: {  	[smem:$0x3F90] =	sst s2  }
0xb: {  	[smem:$0x3F91] =	sst s3  }
0xc: {  	[smem:$0x3F92] =	sst s4  }
0xd: {  	[smem:$0x3F93] =	sst s5  }
0xe: {  	[smem:$0x3F94] =	sst s6  }
0xf: {  	[smem:$0x3F95] =	sst s7  }
0x10: {  	[smem:$0x3F96] =	sst s8  }
0x11: {  	[smem:$0x3F97] =	sst s9;
	s0 =	simm.s32 @!p0 $0x0  }
0x12: {  	s1 =	sld [smem:$0x3F7D];
	s0 =	simm.s32 @p0 $0x1  }
0x13: {  	[smem:$0x3F98] =	sst s0;
	s0 =	simm.s32 @!p1 $0x0  }
0x14: {  	s2 =	sld [smem:$0x3F7C];
	s0 =	simm.s32 @p1 $0x1  }
0x15: {  	[smem:$0x3F99] =	sst s0;
	s0 =	simm.s32 @!p2 $0x0  }
0x16: {  	s3 =	sld [smem:$0x3FDB];
	s0 =	simm.s32 @p2 $0x1  }
0x17: {  	s4 =	simm.s32 $0x1BF5;
	[smem:$0x3F9B] =	sst s0  }
0x18: {  	s0 =	sld [smem:$0x3F7E];
	_ =	swait.ge [sflag:s4], $0x0  }
0x19: {  	s7 =	sld [smem:$0x3F7F]  }
0x1a: {  	s8 =	sadd.s32 $0xFFFFE003, lr  }
0x1b: {  	s9 =	sadd.s32 $0xFFFFFEF7, lr;
	s5 =	simm.s32 $0xFFFFFFFF;
	p2 =	slt.u32 s8, $0xFFFFF086  }
0x1c: {  	p1 =	slt.u32 s9, $0xF7A;
	s5 =	simm.s32 @!p2 $0x0  }
0x1d: {  	s5 =	simm.s32 @p1 $0x1;
	p0 =	seq.s32 s7, s2  }
0x1e: {  	s7 =	smul.u32 @!p0 $0xF7A, s2;
	p2 =	seq.s32 @!p0 s5, $0x0  }
0x1f: {  	s9 =	smul.u32 $0xF7A, s1;
	s8 =	simm.s32 @!p0 $0x1BF5;
	p2 =	por !p2, p0  }
0x20: {  	[sflag:s8] =	ssyncset.s32 @!p0 $0xFFFFF086;
	s6 =	sadd.s32 @!p0 s3, s7;
	s7 =	simm.s32 @!p0 $0x108  }
0x21: {  	s3 =	sadd.s32 s3, s9;
	s6 =	sadd.s32 @!p0 $0x88, s6;
	s7 =	simm.s32 @p2 $0x1082  }
0x22: {  	[simem:s7], [sflag:s8] =	dma.local @!p0 [hbm:s6], $0xF7A  }
0x23: {  	s9 =	sor.u32 $0xD0000000, s2;
	s6 =	simm.s32 $0x108;
	_ =	swait.ge @!p0 [sflag:s8], $0x0  }
0x24: {  	s3 =	sadd.s32 $0x88, s3;
	s6 =	simm.s32 @!p1 $0x1082;
	[sflag:s4] =	ssyncset.s32 $0xFFFFF086  }
0x25: {  	[simem:s6], [sflag:s4] =	dma.local [hbm:s3], $0xF7A  }
0x26: {  	[smem:$0x3F7F] =	sst s1;
	(tag) =	ssettag s2;
	_ =	strace s9  }
0x27: {  	s1 =	sld [smem:$0x3F8F]  }
0x28: {  	s2 =	sld [smem:$0x3F90]  }
0x29: {  	s4 =	sld [smem:$0x3F92]  }
0x2a: {  	p0 =	seq.s32 s5, $0x0;
	s5 =	sld [smem:$0x3F93]  }
0x2b: {  	s6 =	sld [smem:$0x3F94]  }
0x2c: {  	s7 =	sld [smem:$0x3F95]  }
0x2d: {  	s3 =	simm.s32 $0x108;
	s8 =	sld [smem:$0x3F96]  }
0x2e: {  	s3 =	simm.s32 @!p0 $0x1082;
	s9 =	sld [smem:$0x3F97]  }
0x2f: {  	lr =	sadd.s32 s0, s3;
	s0 =	sld [smem:$0x3F8E]  }
0x30: {  	s3 =	sld [smem:$0x3F91]  }
0x31: {  	[smem:$0x3F9A] =	sst s10  }
0x32: {  	s10 =	sld [smem:$0x3F98];
	_ =	sdelay $0x3  }
0x33: {  	p0 =	seq.s32 s10, $0x1;
	s10 =	sld [smem:$0x3F9A];
	_ =	sdelay $0x3  }
0x34: {  	[smem:$0x3F9A] =	sst s10  }
0x35: {  	s10 =	sld [smem:$0x3F99];
	_ =	sdelay $0x3  }
0x36: {  	p1 =	seq.s32 s10, $0x1;
	s10 =	sld [smem:$0x3F9A];
	_ =	sdelay $0x3  }
0x37: {  	[smem:$0x3F9A] =	sst s10  }
0x38: {  	s10 =	sld [smem:$0x3F9B]  }
0x39: {  	_ = 	snop;
	(pc) =	sbr.ind lr, $3  }
0x3a: {  	_ = 	snop  }
0x3b: {  	_ = 	snop  }
0x3c: {  	p2 =	seq.s32 s10, $0x1;
	s10 =	sld [smem:$0x3F9A]  }
0x3d: {  	_ =	shalt  }
0x3e: {  	_ =	shalt  }
0x3f: {  	_ =	shalt  }
0x40: {  	_ =	shalt  }
0x41: {  	_ =	shalt  }
0x42: {  	_ =	shalt  }
0x43: {  	_ =	shalt  }
0x44: {  	_ =	shalt  }
0x45: {  	_ =	shalt  }
0x46: {  	_ =	shalt  }
0x47: {  	_ =	shalt  }
0x48: {  	_ =	shalt  }
0x49: {  	_ =	shalt  }
0x4a: {  	_ =	shalt  }
0x4b: {  	_ =	shalt  }
0x4c: {  	_ =	shalt  }
0x4d: {  	_ =	shalt  }
0x4e: {  	_ =	shalt  }
0x4f: {  	_ =	shalt  }
0x50: {  	_ =	shalt  }
0x51: {  	_ =	shalt  }
0x52: {  	_ =	shalt  }
0x53: {  	_ =	shalt  }
0x54: {  	_ =	shalt  }
0x55: {  	_ =	shalt  }
0x56: {  	_ =	shalt  }
0x57: {  	_ =	shalt  }
0x58: {  	_ =	shalt  }
0x59: {  	_ =	shalt  }
0x5a: {  	_ =	shalt  }
0x5b: {  	_ =	shalt  }
0x5c: {  	_ =	shalt  }
0x5d: {  	_ =	shalt  }
0x5e: {  	_ =	shalt  }
0x5f: {  	_ =	shalt  }
0x60: {  	_ =	shalt  }
0x61: {  	_ =	shalt  }
0x62: {  	_ =	shalt  }
0x63: {  	_ =	shalt  }
0x64: {  	_ =	shalt  }
0x65: {  	_ =	shalt  }
0x66: {  	_ =	shalt  }
0x67: {  	_ =	shalt  }
0x68: {  	_ =	shalt  }
0x69: {  	_ =	shalt  }
0x6a: {  	_ =	shalt  }
0x6b: {  	_ =	shalt  }
0x6c: {  	_ =	shalt  }
0x6d: {  	_ =	shalt  }
0x6e: {  	_ =	shalt  }
0x6f: {  	_ =	shalt  }
0x70: {  	_ =	shalt  }
0x71: {  	_ =	shalt  }
0x72: {  	_ =	shalt  }
0x73: {  	_ =	shalt  }
0x74: {  	_ =	shalt  }
0x75: {  	_ =	shalt  }
0x76: {  	_ =	shalt  }
0x77: {  	_ =	shalt  }
0x78: {  	_ =	shalt  }
0x79: {  	_ =	shalt  }
0x7a: {  	_ =	shalt  }
0x7b: {  	_ =	shalt  }
0x7c: {  	_ =	shalt  }
0x7d: {  	_ =	shalt  }
0x7e: {  	_ =	shalt  }
0x7f: {  	_ =	shalt  }
0x80: {  	_ =	shalt  }
0x81: {  	_ =	shalt  }
0x82: {  	_ =	shalt  }
0x83: {  	_ =	shalt  }
0x84: {  	_ =	shalt  }
0x85: {  	_ =	shalt  }
0x86: {  	_ =	shalt  }
0x87: {  	_ =	shalt  }
.Lfunc_end0:
.L_simem_size_0:
called_computation.4_lowered:
.L_overlay_start_0:
0x88: {  	s2 =	sld [smem:$0x3FD9]  }
0x89: {  	s3 =	sld [smem:$0x3FFE];
	_ =	sdelay $0x1  }
0x8a: {  	s1 =	srdreg.scid  }
0x8b: {  	s0 =	sand.u32 $0x1, s1  }
0x8c: {  	s14 =	sshll.u32 s0, $0xA;
	s2 =	sadd.s32 s3, s2  }
0x8d: {  	s2 =	sadd.s32 s2, s14  }
0x8e: {  	[smem:$0x3FA6] =	sst s2  }
0x8f: {  	_ = 	snop  }
0x90: {  	s2 =	sld [smem:$0x3FD0];
	_ =	sdelay $0x2  }
0x91: {  	s15 =	simm.s32 $0xA;
	s4 =	simm.s32 $0x10  }
0x92: {  	[smem:s4], [sflag:s15] =	dma.local [hbm:s2], $0x1  }
0x93: {  	_ =	swait.eq [sflag:s15], $0x1  }
0x94: {  	[sflag:s15] =	ssyncset.done $0x0  }
0x95: {  	[sflag:s15] =	ssyncadd.s32 $0xFFFFFFFF  }
0x96: {  	s16 =	sld [smem:$0x10];
	(tm) =	ssettm $0x1  }
0x97: {  	s17 =	sld [smem:$0x3FFB];
	_ =	sdelay $0x3  }
0x98: {  	_ =	strace s17  }
0x99: {  	s3 =	sld [smem:$0x3FFC];
	_ =	sdelay $0x3  }
0x9a: {  	_ =	strace s3  }
0x9b: {  	s3 =	sld [smem:$0x3FFD];
	_ =	sdelay $0x3  }
0x9c: {  	_ =	strace s3  }
0x9d: {  	_ =	strace $0x8FFFFFFF  }
0x9e: {  	s18 =	sld [smem:$0x3FDB];
	_ =	sdelay $0x1  }
0x9f: {  	s19 =	simm.s32 $_scs_section_size  }
0xa0: {  	s5 =	simm.s32 $_size__tile_overlayer_lowered;
	s6 =	simm.s32 $_tile_overlayer_lowered  }
0xa1: {  	s22 =	simm.s32 $0x1BFF;
	s21 =	sshll.u32 s6, $0x1;
	s3 =	sadd.s32 s19, s18  }
0xa2: {  	s7 =	simm.s32 $0x0;
	s20 =	sshll.u32 s5, $0x1;
	s5 =	sadd.s32 s21, s3  }
0xa3: {  	[timem:s7], [sflag:s22] =	dma.local [hbm:s5], s20  }
0xa4: {  	_ =	swait.ge [sflag:s22], s20  }
0xa5: {  	s4 =	ssub.s32 $0x0, s20;
	[sflag:s22] =	ssyncset.done $0x0  }
0xa6: {  	[sflag:s22] =	ssyncadd.s32 s4;
	_ =	sdelay $0x1  }
0xa7: {  	s23 =	simm.s32 $0x1B8B  }
0xa8: {  	_ =	swait.ge [sflag:s23], $0x1  }
0xa9: {  	[sflag:s23] =	ssyncset.done $0x0  }
0xaa: {  	s25 =	simm.s32 $0x1B8E;
	s24 =	sld [smem:$0x3FFE];
	[sflag:s23] =	ssyncadd.s32 $0xFFFFFFFF  }
0xab: {  	s26 =	simm.s32 $execute0_lowered;
	[smem:$0x3FD2] =	sst s25  }
0xac: {  	s5 =	sshll.u32 s26, $0x1;
	_ =	strace $0x80000052;
	[dreg:$0x1] =	wrdreg $0xFFFFFFFF  }
0xad: {  	s28 =	simm.s32 $_size_execute0_lowered;
	s3 =	sadd.s32 s3, s5;
	[dreg:$0x0] =	wrdreg $0x0  }
0xae: {  	s5 =	sshll.u32 s28, $0x1;
	[dreg:$0x2] =	wrdreg s3  }
0xaf: {  	[dreg:$0x3] =	wrdreg s5  }
0xb0: {  	[dreg:$0x4] =	wrdreg $0xC0  }
0xb1: {  	_ =	task [dreg:s7], $0x5FFFF  }
0xb2: {  	[dreg:$0x1] =	wrdreg $0xFFFFFFFF  }
0xb3: {  	[dreg:$0x0] =	wrdreg $0x60  }
0xb4: {  	[dreg:$0x2] =	wrdreg s24  }
0xb5: {  	[dreg:$0x3] =	wrdreg s16  }
0xb6: {  	[dreg:$0x4] =	wrdreg $0x21000  }
0xb7: {  	[dreg:$0x5] =	wrdreg $0x9  }
0xb8: {  	_ =	task.clear_ibuf [dreg:s7], $0x6FFFF;
	_ =	strace $0x90000052  }
0xb9: {  	s29 =	simm.s32 $0x9;
	_ =	strace $0x80000054  }
0xba: {  	_ =	swait.ge [sflag:s29], $0x1  }
0xbb: {  	[sflag:s29] =	ssyncadd.s32 $0xFFFFFFFF  }
0xbc: {  	_ =	strace $0x90000054  }
0xbd: {  	_ =	sfence  }
0xbe: {  	s30 =	sld [smem:$0x0];
	_ =	sdelay $0x2  }
0xbf: {  	s31 =	sshll.u32 s1, $0xD;
	s1 =	sshrl.u32 s1, $0x2  }
0xc0: {  	s3 =	sand.u32 $0x4000, s31;
	s1 =	sadd.s32 s1, s30  }
0xc1: {  	s0 =	sor.u32 s3, s0;
	s1 =	sshll.u32 s1, $0x11  }
0xc2: {  	s0 =	sor.u32 s1, s0  }
0xc3: {  	s0 =	sadd.s32 $0x8F2B, s0  }
0xc4: {  	[sflag:s0] =	ssyncadd.remote.s32 $0x1  }
0xc5: {  	_ =	sfence.sel $0xFFFF  }
0xc6: {  	[dreg:$0x0] =	wrdreg $0xFFFFFFFF;
	(pc) =	sbr.abs _section_cstart, $3  }
0xc7: {  	[dreg:$0x1] =	wrdreg $0xFFFFFFFF  }
0xc8: {  	_ =	task.clear_ibuf [dreg:s7], $0x2FFFF;
	_ =	strace $0x9FFFFFFF  }
0xc9: {  	(tm) =	ssettm $0x7FFFFFFF  }
tec
execute0_lowered:
.L_overlay_start_1:
0x0: {  	(tag) =	ssettag $0x1  }
0x1: {  	s5 =	rddreg [dreg:$0x0]  }
0x2: {  	s10 =	rddreg [dreg:$0x1]  }
0x3: {  	s2 =	rddreg [dreg:$0x2]  }
0x4: {  	s0 =	rddreg [dreg:$0x3];
	s3 =	simm.s32 $0x0;
	s1 =	stileid.u32  }
0x5: {  	s4 =	srdreg.scid;
	s14 =	simm.s32 $0x40;
	s15 =	simm.s32 $0x1  }
0x6: {  	s18 =	simm.s32 $0x0;
	[smem:$0x7FF] =	sst s3;
	s11 =	sshll.u32 s1, $0x7  }
0x7: {  	s12 =	sand.u32 $0x1, s4;
	s4 =	sadd.s32 $0x2F200, s5;
	s7 =	sshll.u32 s1, $0xB  }
0x8: {  	s13 =	sshll.u32 s1, $0xE;
	s16 =	sshll.u32 s1, $0x6;
	_ =	strace $0x80000053  }
0x9: {  	s9 =	sadd.s32 s11, s5;
	s6 =	ssub.s32 $0x2, s12;
	s7 =	sadd.s32 s7, s5  }
.Ltmp0:
0xa: {  	s5 =	sadd.s32 s13, s2;
	s10 =	sadd.s32 s11, s10;
	(pc) =	sbr.rel .LBB2_1-.Ltmp0, $4  }
0xb: {  	p0 =	sne.s32 s12, $0x0;
	s11 =	simm.s32 $0x100;
	s12 =	simm.s32 $0x2  }
0xc: {  	s13 =	simm.s32 $0x80;
	s16 =	sor.u32 $0x1C02, s16;
	s8 =	sshrl.u32 s6, $0x1  }
0xd: {  	s7 =	sadd.s32 $0x7200, s7;
	s9 =	sadd.s32 $0x37200, s9;
	s8 =	ssub.s32 s6, s8  }
0xe: {  	v0 =	vimm.f32 $0.0e+00;
	s17 =	sshrl.u32 s5, $0x3;
	s6 =	sadd.s32 $0x2000, s5;
	s8 =	smax.u32 s8, $0x1  }
.LBB2_9:
0xf: {  	[bflag:$0x0] =	sbarrier.arrive $0xFFFF  }
0x10: {  	[bflag:$0x0] =	sbarrier.arrive $0xFFFF  }
.LBB2_7:
0x11: {  	s18 =	sadd.s32 $0x1, s18  }
0x12: {  	p1 =	sne.s32 s18, s8  }
.Ltmp1:
0x13: {  	_ = 	snop;
	(pc) =	sbr.rel @!p1 .LBB2_8-.Ltmp1, $1  }
0x14: {  	_ =	sdelay $0x3  }
.LBB2_1:
.Ltmp2:
0x15: {  	(pc) =	sbr.rel @p0 .LBB2_9-.Ltmp2, $1  }
0x16: {  	_ =	sdelay $0x3  }
0x17: {  	s19 =	sshra.s32 s3, $0x2;
	s20 =	sadd.s32 $0x200, s3  }
.LBB2_3:
0x18: {  	p1 =	sne.s32 s20, $0x7E00;
	[tilespmem:s19+$0x170] =	vst v0  }
0x19: {  	[tilespmem:s19+$0x100] =	vst v0  }
0x1a: {  	[tilespmem:s19+$0x110] =	vst v0  }
.Ltmp3:
0x1b: {  	[tilespmem:s19+$0x120] =	vst v0;
	(pc) =	sbr.rel @p1 .LBB2_3-.Ltmp3, $4  }
0x1c: {  	[tilespmem:s19+$0x130] =	vst v0  }
0x1d: {  	[tilespmem:s19+$0x140] =	vst v0  }
0x1e: {  	[tilespmem:s19+$0x150] =	vst v0  }
0x1f: {  	[tilespmem:s19+$0x160] =	vst v0;
	s19 =	sshra.s32 s20, $0x2;
	s20 =	sadd.s32 $0x200, s20  }
0x20: {  	[tilespmem:s19+$0x170] =	vst v0  }
0x21: {  	[tilespmem:s19+$0x100] =	vst v0  }
0x22: {  	[tilespmem:s19+$0x110] =	vst v0  }
0x23: {  	[tilespmem:s19+$0x120] =	vst v0  }
0x24: {  	[tilespmem:s19+$0x130] =	vst v0  }
0x25: {  	[tilespmem:s19+$0x140] =	vst v0  }
0x26: {  	[tilespmem:s19+$0x150] =	vst v0  }
0x27: {  	[tilespmem:s19+$0x160] =	vst v0  }
0x28: {  	[spmem:s5] =	stream.linear.scatter [tilespmem:s11], [sflag:$0x2], $0x2000, $0x38;
	[tilespmem:$0x6100] =	vst v63  }
0x29: {  	_ =	swait.ge [sflag:s12], $0x2000  }
0x2a: {  	[sflag:s12] =	ssyncset.done $0x0  }
0x2b: {  	[sflag:s12] =	ssyncadd.s32 $0xFFFFE000  }
0x2c: {  	[spmem:s6] =	stream.linear.scatter [tilespmem:s11], [sflag:$0x2], $0x2000, $0x38;
	[tilespmem:$0x6100] =	vst v63  }
0x2d: {  	_ =	swait.ge [sflag:s12], $0x2000  }
0x2e: {  	[sflag:s12] =	ssyncset.done $0x0  }
0x2f: {  	[sflag:s12] =	ssyncadd.s32 $0xFFFFE000  }
0x30: {  	s30 =	sadd.s32 $0x0, s10;
	[bflag:$0x0] =	sbarrier.arrive $0xFFFF  }
0x31: {  	[tilespmem:s3], [sflag:$0x2] =	stream.linear.gather [hbm4b:s30+s3], $0x40, $0x38;
	[tilespmem:$0x6100] =	vst v63  }
0x32: {  	_ =	swait.ge [sflag:s12], $0x40  }
0x33: {  	[sflag:s12] =	ssyncset.done $0x0  }
0x34: {  	s31 =	sadd.s32 $0x0, s9;
	[sflag:s12] =	ssyncadd.s32 $0xFFFFFFC0  }
0x35: {  	[tilespmem:s13], [sflag:$0x2] =	stream.linear.gather [hbm4b:s31+s3], $0x40, $0x38;
	[tilespmem:$0x6100] =	vst v63  }
0x36: {  	_ =	swait.ge [sflag:s12], $0x40  }
0x37: {  	[sflag:s12] =	ssyncset.done $0x0  }
0x38: {  	[sflag:s12] =	ssyncadd.s32 $0xFFFFFFC0  }
0x39: {  	[tilespmem:s11], [sflag:$0x1] =	stream.indirect.gather [hbm4b:s4+s14], $0x80, s3, s14, $0xb8;
	[tilespmem:$0x6100] =	vst v63  }
0x3a: {  	_ =	swait.ge [sflag:s15], $0x2000  }
0x3b: {  	[sflag:s15] =	ssyncset.done $0x0  }
0x3c: {  	[sflag:s15] =	ssyncadd.s32 $0xFFFFE000  }
0x3d: {  	[spmem:s2] =	stream.indirect.scatter.add.f32 [tilespmem:s11], [sflag:$0x2], $0x80, s13, s14, $0xb8;
	[tilespmem:$0x6100] =	vst v63  }
0x3e: {  	_ =	swait.ge [sflag:s12], $0x2000  }
0x3f: {  	s19 =	simm.s32 $0x8;
	s20 =	simm.s32 $0x10;
	[sflag:s12] =	ssyncset.done $0x0  }
.LBB2_5:
0x40: {  	s21 =	sadd.s32 s19, s10  }
0x41: {  	[sflag:s12] =	ssyncadd.s32 $0xFFFFE000;
	s22 =	smov.u32 s20;
	s23 =	sadd.s32 $0x8, s20  }
0x42: {  	[tilespmem:s3], [sflag:$0x2] =	stream.linear.gather [hbm4b:s21+s3], $0x40, $0x38;
	[tilespmem:$0x6100] =	vst v63  }
0x43: {  	p1 =	seq.s32 s20, $0x78;
	_ =	swait.ge [sflag:s12], $0x40  }
0x44: {  	[sflag:s12] =	ssyncset.done $0x0  }
0x45: {  	s20 =	sadd.s32 s19, s9;
	s19 =	smov.u32 s22;
	[sflag:s12] =	ssyncadd.s32 $0xFFFFFFC0  }
0x46: {  	[tilespmem:s13], [sflag:$0x2] =	stream.linear.gather [hbm4b:s20+s3], $0x40, $0x38;
	[tilespmem:$0x6100] =	vst v63  }
0x47: {  	_ =	swait.ge [sflag:s12], $0x40  }
0x48: {  	[sflag:s12] =	ssyncset.done $0x0  }
0x49: {  	[sflag:s12] =	ssyncadd.s32 $0xFFFFFFC0  }
0x4a: {  	[tilespmem:s11], [sflag:$0x1] =	stream.indirect.gather [hbm4b:s4+s14], $0x80, s3, s14, $0xb8;
	[tilespmem:$0x6100] =	vst v63  }
0x4b: {  	_ =	swait.ge [sflag:s15], $0x2000  }
.Ltmp4:
0x4c: {  	[sflag:s15] =	ssyncset.done $0x0;
	(pc) =	sbr.rel @!p1 .LBB2_5-.Ltmp4, $4  }
0x4d: {  	[sflag:s15] =	ssyncadd.s32 $0xFFFFE000  }
0x4e: {  	[spmem:s2] =	stream.indirect.scatter.add.f32 [tilespmem:s11], [sflag:$0x2], $0x80, s13, s14, $0xb8;
	[tilespmem:$0x6100] =	vst v63  }
0x4f: {  	_ =	swait.ge [sflag:s12], $0x2000  }
0x50: {  	s20 =	smov.u32 s23;
	[sflag:s12] =	ssyncset.done $0x0  }
0x51: {  	s20 =	sadd.s32 s19, s10;
	[sflag:s12] =	ssyncadd.s32 $0xFFFFE000  }
0x52: {  	[tilespmem:s3], [sflag:$0x2] =	stream.linear.gather [hbm4b:s20+s3], $0x40, $0x38;
	[tilespmem:$0x6100] =	vst v63  }
0x53: {  	_ =	swait.ge [sflag:s12], $0x40  }
0x54: {  	[sflag:s12] =	ssyncset.done $0x0  }
0x55: {  	s31 =	sadd.s32 s19, s9;
	[sflag:s12] =	ssyncadd.s32 $0xFFFFFFC0  }
0x56: {  	[tilespmem:s13], [sflag:$0x2] =	stream.linear.gather [hbm4b:s31+s3], $0x40, $0x38;
	[tilespmem:$0x6100] =	vst v63  }
0x57: {  	_ =	swait.ge [sflag:s12], $0x40  }
0x58: {  	[sflag:s12] =	ssyncset.done $0x0  }
0x59: {  	[sflag:s12] =	ssyncadd.s32 $0xFFFFFFC0  }
0x5a: {  	[tilespmem:s11], [sflag:$0x1] =	stream.indirect.gather [hbm4b:s4+s14], $0x80, s3, s14, $0xb8;
	[tilespmem:$0x6100] =	vst v63  }
0x5b: {  	_ =	swait.ge [sflag:s15], $0x2000  }
0x5c: {  	[sflag:s15] =	ssyncset.done $0x0  }
0x5d: {  	[sflag:s15] =	ssyncadd.s32 $0xFFFFE000  }
0x5e: {  	[spmem:s2] =	stream.indirect.scatter.add.f32 [tilespmem:s11], [sflag:$0x2], $0x80, s13, s14, $0xb8;
	[tilespmem:$0x6100] =	vst v63  }
0x5f: {  	_ =	swait.ge [sflag:s12], $0x2000  }
0x60: {  	[sflag:s12] =	ssyncset.done $0x0  }
0x61: {  	[sflag:s12] =	ssyncadd.s32 $0xFFFFE000  }
.Ltmp5:
0x62: {  	[bflag:$0x0] =	sbarrier.arrive $0xFFFF;
	(pc) =	sbr.rel .LBB2_7-.Ltmp5, $4  }
0x63: {  	[hbm:s7], [sflag:s16] =	dma.local [spmem:s17], $0x800  }
0x64: {  	_ =	swait.ge [sflag:s12], $0x800  }
0x65: {  	[sflag:s12] =	ssyncset.done $0x0  }
0x66: {  	[sflag:s12] =	ssyncadd.s32 $0xFFFFF800  }
.LBB2_8:
0x67: {  	_ =	sfence.sel $0x180000  }
0x68: {  	[bflag:$0x0] =	sbarrier.arrive $0xFFFF  }
0x69: {  	p0 =	sne.s32 s1, $0x0;
	_ =	strace $0x90000053  }
0x6a: {  	s0 =	sadd.s32 @!p0 $0x100000, s0;
	[bflag:$0x2] =	sbarrier.arrive $0xFFFF  }
0x6b: {  	[sflag:s0] =	ssyncadd.tile.s32 @!p0 $0x1;
	_ =	shalt  }
.Lfunc_end2:
_tile_overlayer_lowered:
.L_overlay_start_2:
0x6c: {  	(tag) =	ssettag $0x2  }
0x6d: {  	s0 =	rddreg [dreg:$0x0];
	s2 =	stileid.u32  }
0x6e: {  	s1 =	rddreg [dreg:$0x1];
	p0 =	sne.s32 s2, $0x0  }
0x6f: {  	s3 =	rddreg [dreg:$0x2];
	[bflag:$0x3] =	sbarrier.arrive $0xFFFF;
	s2 =	simm.s32 @!p0 $0x1C02  }
0x70: {  	[timem:s3], [sflag:s2] =	dma.local @!p0 [hbm:s0], s1  }
0x71: {  	s0 =	simm.s32 @!p0 $0x2  }
0x72: {  	_ =	swait.ge @!p0 [sflag:s0], s1  }
0x73: {  	s1 =	ssub.s32 @!p0 $0x0, s1;
	[sflag:s0] =	ssyncset.done @!p0 $0x0  }
0x74: {  	[sflag:s0] =	ssyncadd.s32 @!p0 s1  }
0x75: {  	[bflag:$0x3] =	sbarrier.arrive $0xFFFF  }
0x76: {  	_ =	shalt  }

// kernel: kernel.29.cloned.1.call-start
scs
__scs_entry_jumppad:
0x0: {  	(pc) =	sbr.rel $0x88, $3  }
0x1: {  	(tag) =	ssettag $0x0;
	lr =	simm.s32 $0x1  }
0x2: {  	[smem:$0x3F7F] =	sst lr;
	_ =	strace $0xD0000000  }
0x3: {  	_ = 	snop  }
0x4: {  	_ = 	snop  }
0x5: {  	_ = 	snop  }
0x6: {  	_ = 	snop  }
0x7: {  	_ = 	snop  }
__scs_overlays_trampoline_lowered:
0x8: {  	[smem:$0x3F8E] =	sst s0  }
0x9: {  	[smem:$0x3F8F] =	sst s1  }
0xa: {  	[smem:$0x3F90] =	sst s2  }
0xb: {  	[smem:$0x3F91] =	sst s3  }
0xc: {  	[smem:$0x3F92] =	sst s4  }
0xd: {  	[smem:$0x3F93] =	sst s5  }
0xe: {  	[smem:$0x3F94] =	sst s6  }
0xf: {  	[smem:$0x3F95] =	sst s7  }
0x10: {  	[smem:$0x3F96] =	sst s8  }
0x11: {  	[smem:$0x3F97] =	sst s9;
	s0 =	simm.s32 @!p0 $0x0  }
0x12: {  	s1 =	sld [smem:$0x3F7D];
	s0 =	simm.s32 @p0 $0x1  }
0x13: {  	[smem:$0x3F98] =	sst s0;
	s0 =	simm.s32 @!p1 $0x0  }
0x14: {  	s2 =	sld [smem:$0x3F7C];
	s0 =	simm.s32 @p1 $0x1  }
0x15: {  	[smem:$0x3F99] =	sst s0;
	s0 =	simm.s32 @!p2 $0x0  }
0x16: {  	s3 =	sld [smem:$0x3FDB];
	s0 =	simm.s32 @p2 $0x1  }
0x17: {  	s4 =	simm.s32 $0x1BF5;
	[smem:$0x3F9B] =	sst s0  }
0x18: {  	s0 =	sld [smem:$0x3F7E];
	_ =	swait.ge [sflag:s4], $0x0  }
0x19: {  	s7 =	sld [smem:$0x3F7F]  }
0x1a: {  	s8 =	sadd.s32 $0xFFFFE003, lr  }
0x1b: {  	s9 =	sadd.s32 $0xFFFFFEF7, lr;
	s5 =	simm.s32 $0xFFFFFFFF;
	p2 =	slt.u32 s8, $0xFFFFF086  }
0x1c: {  	p1 =	slt.u32 s9, $0xF7A;
	s5 =	simm.s32 @!p2 $0x0  }
0x1d: {  	s5 =	simm.s32 @p1 $0x1;
	p0 =	seq.s32 s7, s2  }
0x1e: {  	s7 =	smul.u32 @!p0 $0xF7A, s2;
	p2 =	seq.s32 @!p0 s5, $0x0  }
0x1f: {  	s9 =	smul.u32 $0xF7A, s1;
	s8 =	simm.s32 @!p0 $0x1BF5;
	p2 =	por !p2, p0  }
0x20: {  	[sflag:s8] =	ssyncset.s32 @!p0 $0xFFFFF086;
	s6 =	sadd.s32 @!p0 s3, s7;
	s7 =	simm.s32 @!p0 $0x108  }
0x21: {  	s3 =	sadd.s32 s3, s9;
	s6 =	sadd.s32 @!p0 $0x88, s6;
	s7 =	simm.s32 @p2 $0x1082  }
0x22: {  	[simem:s7], [sflag:s8] =	dma.local @!p0 [hbm:s6], $0xF7A  }
0x23: {  	s9 =	sor.u32 $0xD0000000, s2;
	s6 =	simm.s32 $0x108;
	_ =	swait.ge @!p0 [sflag:s8], $0x0  }
0x24: {  	s3 =	sadd.s32 $0x88, s3;
	s6 =	simm.s32 @!p1 $0x1082;
	[sflag:s4] =	ssyncset.s32 $0xFFFFF086  }
0x25: {  	[simem:s6], [sflag:s4] =	dma.local [hbm:s3], $0xF7A  }
0x26: {  	[smem:$0x3F7F] =	sst s1;
	(tag) =	ssettag s2;
	_ =	strace s9  }
0x27: {  	s1 =	sld [smem:$0x3F8F]  }
0x28: {  	s2 =	sld [smem:$0x3F90]  }
0x29: {  	s4 =	sld [smem:$0x3F92]  }
0x2a: {  	p0 =	seq.s32 s5, $0x0;
	s5 =	sld [smem:$0x3F93]  }
0x2b: {  	s6 =	sld [smem:$0x3F94]  }
0x2c: {  	s7 =	sld [smem:$0x3F95]  }
0x2d: {  	s3 =	simm.s32 $0x108;
	s8 =	sld [smem:$0x3F96]  }
0x2e: {  	s3 =	simm.s32 @!p0 $0x1082;
	s9 =	sld [smem:$0x3F97]  }
0x2f: {  	lr =	sadd.s32 s0, s3;
	s0 =	sld [smem:$0x3F8E]  }
0x30: {  	s3 =	sld [smem:$0x3F91]  }
0x31: {  	[smem:$0x3F9A] =	sst s10  }
0x32: {  	s10 =	sld [smem:$0x3F98];
	_ =	sdelay $0x3  }
0x33: {  	p0 =	seq.s32 s10, $0x1;
	s10 =	sld [smem:$0x3F9A];
	_ =	sdelay $0x3  }
0x34: {  	[smem:$0x3F9A] =	sst s10  }
0x35: {  	s10 =	sld [smem:$0x3F99];
	_ =	sdelay $0x3  }
0x36: {  	p1 =	seq.s32 s10, $0x1;
	s10 =	sld [smem:$0x3F9A];
	_ =	sdelay $0x3  }
0x37: {  	[smem:$0x3F9A] =	sst s10  }
0x38: {  	s10 =	sld [smem:$0x3F9B]  }
0x39: {  	_ = 	snop;
	(pc) =	sbr.ind lr, $3  }
0x3a: {  	_ = 	snop  }
0x3b: {  	_ = 	snop  }
0x3c: {  	p2 =	seq.s32 s10, $0x1;
	s10 =	sld [smem:$0x3F9A]  }
0x3d: {  	_ =	shalt  }
0x3e: {  	_ =	shalt  }
0x3f: {  	_ =	shalt  }
0x40: {  	_ =	shalt  }
0x41: {  	_ =	shalt  }
0x42: {  	_ =	shalt  }
0x43: {  	_ =	shalt  }
0x44: {  	_ =	shalt  }
0x45: {  	_ =	shalt  }
0x46: {  	_ =	shalt  }
0x47: {  	_ =	shalt  }
0x48: {  	_ =	shalt  }
0x49: {  	_ =	shalt  }
0x4a: {  	_ =	shalt  }
0x4b: {  	_ =	shalt  }
0x4c: {  	_ =	shalt  }
0x4d: {  	_ =	shalt  }
0x4e: {  	_ =	shalt  }
0x4f: {  	_ =	shalt  }
0x50: {  	_ =	shalt  }
0x51: {  	_ =	shalt  }
0x52: {  	_ =	shalt  }
0x53: {  	_ =	shalt  }
0x54: {  	_ =	shalt  }
0x55: {  	_ =	shalt  }
0x56: {  	_ =	shalt  }
0x57: {  	_ =	shalt  }
0x58: {  	_ =	shalt  }
0x59: {  	_ =	shalt  }
0x5a: {  	_ =	shalt  }
0x5b: {  	_ =	shalt  }
0x5c: {  	_ =	shalt  }
0x5d: {  	_ =	shalt  }
0x5e: {  	_ =	shalt  }
0x5f: {  	_ =	shalt  }
0x60: {  	_ =	shalt  }
0x61: {  	_ =	shalt  }
0x62: {  	_ =	shalt  }
0x63: {  	_ =	shalt  }
0x64: {  	_ =	shalt  }
0x65: {  	_ =	shalt  }
0x66: {  	_ =	shalt  }
0x67: {  	_ =	shalt  }
0x68: {  	_ =	shalt  }
0x69: {  	_ =	shalt  }
0x6a: {  	_ =	shalt  }
0x6b: {  	_ =	shalt  }
0x6c: {  	_ =	shalt  }
0x6d: {  	_ =	shalt  }
0x6e: {  	_ =	shalt  }
0x6f: {  	_ =	shalt  }
0x70: {  	_ =	shalt  }
0x71: {  	_ =	shalt  }
0x72: {  	_ =	shalt  }
0x73: {  	_ =	shalt  }
0x74: {  	_ =	shalt  }
0x75: {  	_ =	shalt  }
0x76: {  	_ =	shalt  }
0x77: {  	_ =	shalt  }
0x78: {  	_ =	shalt  }
0x79: {  	_ =	shalt  }
0x7a: {  	_ =	shalt  }
0x7b: {  	_ =	shalt  }
0x7c: {  	_ =	shalt  }
0x7d: {  	_ =	shalt  }
0x7e: {  	_ =	shalt  }
0x7f: {  	_ =	shalt  }
0x80: {  	_ =	shalt  }
0x81: {  	_ =	shalt  }
0x82: {  	_ =	shalt  }
0x83: {  	_ =	shalt  }
0x84: {  	_ =	shalt  }
0x85: {  	_ =	shalt  }
0x86: {  	_ =	shalt  }
0x87: {  	_ =	shalt  }
.Lfunc_end0:
.L_simem_size_0:
called_computation.5_lowered:
.L_overlay_start_0:
0x88: {  	s2 =	sld [smem:$0x3FD9]  }
0x89: {  	s3 =	sld [smem:$0x3FFE];
	_ =	sdelay $0x1  }
0x8a: {  	s1 =	srdreg.scid  }
0x8b: {  	s0 =	sand.u32 $0x1, s1  }
0x8c: {  	s14 =	sshll.u32 s0, $0xA;
	s2 =	sadd.s32 s3, s2  }
0x8d: {  	s2 =	sadd.s32 s2, s14  }
0x8e: {  	[smem:$0x3FA6] =	sst s2  }
0x8f: {  	_ = 	snop  }
0x90: {  	s2 =	sld [smem:$0x3FD0];
	_ =	sdelay $0x2  }
0x91: {  	s15 =	simm.s32 $0xA;
	s4 =	simm.s32 $0x10  }
0x92: {  	[smem:s4], [sflag:s15] =	dma.local [hbm:s2], $0x1  }
0x93: {  	_ =	swait.eq [sflag:s15], $0x1  }
0x94: {  	[sflag:s15] =	ssyncset.done $0x0  }
0x95: {  	[sflag:s15] =	ssyncadd.s32 $0xFFFFFFFF  }
0x96: {  	s16 =	sld [smem:$0x10];
	(tm) =	ssettm $0x1  }
0x97: {  	s17 =	sld [smem:$0x3FFB];
	_ =	sdelay $0x3  }
0x98: {  	_ =	strace s17  }
0x99: {  	s3 =	sld [smem:$0x3FFC];
	_ =	sdelay $0x3  }
0x9a: {  	_ =	strace s3  }
0x9b: {  	s3 =	sld [smem:$0x3FFD];
	_ =	sdelay $0x3  }
0x9c: {  	_ =	strace s3  }
0x9d: {  	_ =	strace $0x8FFFFFFF  }
0x9e: {  	s18 =	sld [smem:$0x3FDB];
	_ =	sdelay $0x1  }
0x9f: {  	s19 =	simm.s32 $_scs_section_size  }
0xa0: {  	s5 =	simm.s32 $_size__tile_overlayer_lowered;
	s6 =	simm.s32 $_tile_overlayer_lowered  }
0xa1: {  	s22 =	simm.s32 $0x1BFF;
	s21 =	sshll.u32 s6, $0x1;
	s3 =	sadd.s32 s19, s18  }
0xa2: {  	s7 =	simm.s32 $0x0;
	s20 =	sshll.u32 s5, $0x1;
	s5 =	sadd.s32 s21, s3  }
0xa3: {  	[timem:s7], [sflag:s22] =	dma.local [hbm:s5], s20  }
0xa4: {  	_ =	swait.ge [sflag:s22], s20  }
0xa5: {  	s4 =	ssub.s32 $0x0, s20;
	[sflag:s22] =	ssyncset.done $0x0  }
0xa6: {  	[sflag:s22] =	ssyncadd.s32 s4;
	_ =	sdelay $0x1  }
0xa7: {  	s23 =	simm.s32 $0x1B8B  }
0xa8: {  	_ =	swait.ge [sflag:s23], $0x1  }
0xa9: {  	[sflag:s23] =	ssyncset.done $0x0  }
0xaa: {  	s25 =	simm.s32 $0x1B8E;
	s24 =	sld [smem:$0x3FFE];
	[sflag:s23] =	ssyncadd.s32 $0xFFFFFFFF  }
0xab: {  	s26 =	simm.s32 $execute0_lowered;
	[smem:$0x3FD2] =	sst s25  }
0xac: {  	s5 =	sshll.u32 s26, $0x1;
	_ =	strace $0x80000055;
	[dreg:$0x1] =	wrdreg $0xFFFFFFFF  }
0xad: {  	s28 =	simm.s32 $_size_execute0_lowered;
	s3 =	sadd.s32 s3, s5;
	[dreg:$0x0] =	wrdreg $0x0  }
0xae: {  	s5 =	sshll.u32 s28, $0x1;
	[dreg:$0x2] =	wrdreg s3  }
0xaf: {  	[dreg:$0x3] =	wrdreg s5  }
0xb0: {  	[dreg:$0x4] =	wrdreg $0xC0  }
0xb1: {  	_ =	task [dreg:s7], $0x5FFFF  }
0xb2: {  	[dreg:$0x1] =	wrdreg $0xFFFFFFFF  }
0xb3: {  	[dreg:$0x0] =	wrdreg $0x60  }
0xb4: {  	[dreg:$0x2] =	wrdreg s24  }
0xb5: {  	[dreg:$0x3] =	wrdreg s16  }
0xb6: {  	[dreg:$0x4] =	wrdreg $0x21000  }
0xb7: {  	[dreg:$0x5] =	wrdreg $0x9  }
0xb8: {  	_ =	task.clear_ibuf [dreg:s7], $0x6FFFF;
	_ =	strace $0x90000055  }
0xb9: {  	s29 =	simm.s32 $0x9;
	_ =	strace $0x80000057  }
0xba: {  	_ =	swait.ge [sflag:s29], $0x1  }
0xbb: {  	[sflag:s29] =	ssyncadd.s32 $0xFFFFFFFF  }
0xbc: {  	_ =	strace $0x90000057  }
0xbd: {  	_ =	sfence  }
0xbe: {  	s30 =	sld [smem:$0x0];
	_ =	sdelay $0x2  }
0xbf: {  	s31 =	sshll.u32 s1, $0xD;
	s1 =	sshrl.u32 s1, $0x2  }
0xc0: {  	s3 =	sand.u32 $0x4000, s31;
	s1 =	sadd.s32 s1, s30  }
0xc1: {  	s0 =	sor.u32 s3, s0;
	s1 =	sshll.u32 s1, $0x11  }
0xc2: {  	s0 =	sor.u32 s1, s0  }
0xc3: {  	s0 =	sadd.s32 $0x8F2B, s0  }
0xc4: {  	[sflag:s0] =	ssyncadd.remote.s32 $0x1  }
0xc5: {  	_ =	sfence.sel $0xFFFF  }
0xc6: {  	[dreg:$0x0] =	wrdreg $0xFFFFFFFF;
	(pc) =	sbr.abs _section_cstart, $3  }
0xc7: {  	[dreg:$0x1] =	wrdreg $0xFFFFFFFF  }
0xc8: {  	_ =	task.clear_ibuf [dreg:s7], $0x2FFFF;
	_ =	strace $0x9FFFFFFF  }
0xc9: {  	(tm) =	ssettm $0x7FFFFFFF  }
tec
execute0_lowered:
.L_overlay_start_1:
0x0: {  	(tag) =	ssettag $0x1  }
0x1: {  	s5 =	rddreg [dreg:$0x0]  }
0x2: {  	s10 =	rddreg [dreg:$0x1]  }
0x3: {  	s2 =	rddreg [dreg:$0x2]  }
0x4: {  	s0 =	rddreg [dreg:$0x3];
	s3 =	simm.s32 $0x0;
	s1 =	stileid.u32  }
0x5: {  	s4 =	srdreg.scid;
	s14 =	simm.s32 $0x40;
	s15 =	simm.s32 $0x1  }
0x6: {  	s18 =	simm.s32 $0x0;
	[smem:$0x7FF] =	sst s3;
	s11 =	sshll.u32 s1, $0x7  }
0x7: {  	s12 =	sand.u32 $0x1, s4;
	s4 =	sadd.s32 $0x7200, s5;
	s7 =	sshll.u32 s1, $0xB  }
0x8: {  	s13 =	sshll.u32 s1, $0xE;
	s16 =	sshll.u32 s1, $0x6;
	_ =	strace $0x80000056  }
0x9: {  	s9 =	sadd.s32 s11, s5;
	s6 =	ssub.s32 $0x2, s12;
	s7 =	sadd.s32 s7, s5  }
.Ltmp0:
0xa: {  	s5 =	sadd.s32 s13, s2;
	s10 =	sadd.s32 s11, s10;
	(pc) =	sbr.rel .LBB2_1-.Ltmp0, $4  }
0xb: {  	p0 =	sne.s32 s12, $0x0;
	s11 =	simm.s32 $0x100;
	s12 =	simm.s32 $0x2  }
0xc: {  	s13 =	simm.s32 $0x80;
	s16 =	sor.u32 $0x1C02, s16;
	s8 =	sshrl.u32 s6, $0x1  }
0xd: {  	s7 =	sadd.s32 $0xF200, s7;
	s9 =	sadd.s32 $0x37200, s9;
	s8 =	ssub.s32 s6, s8  }
0xe: {  	v0 =	vimm.f32 $0.0e+00;
	s17 =	sshrl.u32 s5, $0x3;
	s6 =	sadd.s32 $0x2000, s5;
	s8 =	smax.u32 s8, $0x1  }
.LBB2_9:
0xf: {  	[bflag:$0x0] =	sbarrier.arrive $0xFFFF  }
0x10: {  	[bflag:$0x0] =	sbarrier.arrive $0xFFFF  }
.LBB2_7:
0x11: {  	s18 =	sadd.s32 $0x1, s18  }
0x12: {  	p1 =	sne.s32 s18, s8  }
.Ltmp1:
0x13: {  	_ = 	snop;
	(pc) =	sbr.rel @!p1 .LBB2_8-.Ltmp1, $1  }
0x14: {  	_ =	sdelay $0x3  }
.LBB2_1:
.Ltmp2:
0x15: {  	(pc) =	sbr.rel @p0 .LBB2_9-.Ltmp2, $1  }
0x16: {  	_ =	sdelay $0x3  }
0x17: {  	s19 =	sshra.s32 s3, $0x2;
	s20 =	sadd.s32 $0x200, s3  }
.LBB2_3:
0x18: {  	p1 =	sne.s32 s20, $0x7E00;
	[tilespmem:s19+$0x170] =	vst v0  }
0x19: {  	[tilespmem:s19+$0x100] =	vst v0  }
0x1a: {  	[tilespmem:s19+$0x110] =	vst v0  }
.Ltmp3:
0x1b: {  	[tilespmem:s19+$0x120] =	vst v0;
	(pc) =	sbr.rel @p1 .LBB2_3-.Ltmp3, $4  }
0x1c: {  	[tilespmem:s19+$0x130] =	vst v0  }
0x1d: {  	[tilespmem:s19+$0x140] =	vst v0  }
0x1e: {  	[tilespmem:s19+$0x150] =	vst v0  }
0x1f: {  	[tilespmem:s19+$0x160] =	vst v0;
	s19 =	sshra.s32 s20, $0x2;
	s20 =	sadd.s32 $0x200, s20  }
0x20: {  	[tilespmem:s19+$0x170] =	vst v0  }
0x21: {  	[tilespmem:s19+$0x100] =	vst v0  }
0x22: {  	[tilespmem:s19+$0x110] =	vst v0  }
0x23: {  	[tilespmem:s19+$0x120] =	vst v0  }
0x24: {  	[tilespmem:s19+$0x130] =	vst v0  }
0x25: {  	[tilespmem:s19+$0x140] =	vst v0  }
0x26: {  	[tilespmem:s19+$0x150] =	vst v0  }
0x27: {  	[tilespmem:s19+$0x160] =	vst v0  }
0x28: {  	[spmem:s5] =	stream.linear.scatter [tilespmem:s11], [sflag:$0x2], $0x2000, $0x38;
	[tilespmem:$0x6100] =	vst v63  }
0x29: {  	_ =	swait.ge [sflag:s12], $0x2000  }
0x2a: {  	[sflag:s12] =	ssyncset.done $0x0  }
0x2b: {  	[sflag:s12] =	ssyncadd.s32 $0xFFFFE000  }
0x2c: {  	[spmem:s6] =	stream.linear.scatter [tilespmem:s11], [sflag:$0x2], $0x2000, $0x38;
	[tilespmem:$0x6100] =	vst v63  }
0x2d: {  	_ =	swait.ge [sflag:s12], $0x2000  }
0x2e: {  	[sflag:s12] =	ssyncset.done $0x0  }
0x2f: {  	[sflag:s12] =	ssyncadd.s32 $0xFFFFE000  }
0x30: {  	s30 =	sadd.s32 $0x0, s10;
	[bflag:$0x0] =	sbarrier.arrive $0xFFFF  }
0x31: {  	[tilespmem:s3], [sflag:$0x2] =	stream.linear.gather [hbm4b:s30+s3], $0x40, $0x38;
	[tilespmem:$0x6100] =	vst v63  }
0x32: {  	_ =	swait.ge [sflag:s12], $0x40  }
0x33: {  	[sflag:s12] =	ssyncset.done $0x0  }
0x34: {  	s31 =	sadd.s32 $0x0, s9;
	[sflag:s12] =	ssyncadd.s32 $0xFFFFFFC0  }
0x35: {  	[tilespmem:s13], [sflag:$0x2] =	stream.linear.gather [hbm4b:s31+s3], $0x40, $0x38;
	[tilespmem:$0x6100] =	vst v63  }
0x36: {  	_ =	swait.ge [sflag:s12], $0x40  }
0x37: {  	[sflag:s12] =	ssyncset.done $0x0  }
0x38: {  	[sflag:s12] =	ssyncadd.s32 $0xFFFFFFC0  }
0x39: {  	[tilespmem:s11], [sflag:$0x1] =	stream.indirect.gather [hbm4b:s4+s14], $0x80, s3, s14, $0xb8;
	[tilespmem:$0x6100] =	vst v63  }
0x3a: {  	_ =	swait.ge [sflag:s15], $0x2000  }
0x3b: {  	[sflag:s15] =	ssyncset.done $0x0  }
0x3c: {  	[sflag:s15] =	ssyncadd.s32 $0xFFFFE000  }
0x3d: {  	[spmem:s2] =	stream.indirect.scatter.add.f32 [tilespmem:s11], [sflag:$0x2], $0x80, s13, s14, $0xb8;
	[tilespmem:$0x6100] =	vst v63  }
0x3e: {  	_ =	swait.ge [sflag:s12], $0x2000  }
0x3f: {  	s19 =	simm.s32 $0x8;
	s20 =	simm.s32 $0x10;
	[sflag:s12] =	ssyncset.done $0x0  }
.LBB2_5:
0x40: {  	s21 =	sadd.s32 s19, s10  }
0x41: {  	[sflag:s12] =	ssyncadd.s32 $0xFFFFE000;
	s22 =	smov.u32 s20;
	s23 =	sadd.s32 $0x8, s20  }
0x42: {  	[tilespmem:s3], [sflag:$0x2] =	stream.linear.gather [hbm4b:s21+s3], $0x40, $0x38;
	[tilespmem:$0x6100] =	vst v63  }
0x43: {  	p1 =	seq.s32 s20, $0x78;
	_ =	swait.ge [sflag:s12], $0x40  }
0x44: {  	[sflag:s12] =	ssyncset.done $0x0  }
0x45: {  	s20 =	sadd.s32 s19, s9;
	s19 =	smov.u32 s22;
	[sflag:s12] =	ssyncadd.s32 $0xFFFFFFC0  }
0x46: {  	[tilespmem:s13], [sflag:$0x2] =	stream.linear.gather [hbm4b:s20+s3], $0x40, $0x38;
	[tilespmem:$0x6100] =	vst v63  }
0x47: {  	_ =	swait.ge [sflag:s12], $0x40  }
0x48: {  	[sflag:s12] =	ssyncset.done $0x0  }
0x49: {  	[sflag:s12] =	ssyncadd.s32 $0xFFFFFFC0  }
0x4a: {  	[tilespmem:s11], [sflag:$0x1] =	stream.indirect.gather [hbm4b:s4+s14], $0x80, s3, s14, $0xb8;
	[tilespmem:$0x6100] =	vst v63  }
0x4b: {  	_ =	swait.ge [sflag:s15], $0x2000  }
.Ltmp4:
0x4c: {  	[sflag:s15] =	ssyncset.done $0x0;
	(pc) =	sbr.rel @!p1 .LBB2_5-.Ltmp4, $4  }
0x4d: {  	[sflag:s15] =	ssyncadd.s32 $0xFFFFE000  }
0x4e: {  	[spmem:s2] =	stream.indirect.scatter.add.f32 [tilespmem:s11], [sflag:$0x2], $0x80, s13, s14, $0xb8;
	[tilespmem:$0x6100] =	vst v63  }
0x4f: {  	_ =	swait.ge [sflag:s12], $0x2000  }
0x50: {  	s20 =	smov.u32 s23;
	[sflag:s12] =	ssyncset.done $0x0  }
0x51: {  	s20 =	sadd.s32 s19, s10;
	[sflag:s12] =	ssyncadd.s32 $0xFFFFE000  }
0x52: {  	[tilespmem:s3], [sflag:$0x2] =	stream.linear.gather [hbm4b:s20+s3], $0x40, $0x38;
	[tilespmem:$0x6100] =	vst v63  }
0x53: {  	_ =	swait.ge [sflag:s12], $0x40  }
0x54: {  	[sflag:s12] =	ssyncset.done $0x0  }
0x55: {  	s31 =	sadd.s32 s19, s9;
	[sflag:s12] =	ssyncadd.s32 $0xFFFFFFC0  }
0x56: {  	[tilespmem:s13], [sflag:$0x2] =	stream.linear.gather [hbm4b:s31+s3], $0x40, $0x38;
	[tilespmem:$0x6100] =	vst v63  }
0x57: {  	_ =	swait.ge [sflag:s12], $0x40  }
0x58: {  	[sflag:s12] =	ssyncset.done $0x0  }
0x59: {  	[sflag:s12] =	ssyncadd.s32 $0xFFFFFFC0  }
0x5a: {  	[tilespmem:s11], [sflag:$0x1] =	stream.indirect.gather [hbm4b:s4+s14], $0x80, s3, s14, $0xb8;
	[tilespmem:$0x6100] =	vst v63  }
0x5b: {  	_ =	swait.ge [sflag:s15], $0x2000  }
0x5c: {  	[sflag:s15] =	ssyncset.done $0x0  }
0x5d: {  	[sflag:s15] =	ssyncadd.s32 $0xFFFFE000  }
0x5e: {  	[spmem:s2] =	stream.indirect.scatter.add.f32 [tilespmem:s11], [sflag:$0x2], $0x80, s13, s14, $0xb8;
	[tilespmem:$0x6100] =	vst v63  }
0x5f: {  	_ =	swait.ge [sflag:s12], $0x2000  }
0x60: {  	[sflag:s12] =	ssyncset.done $0x0  }
0x61: {  	[sflag:s12] =	ssyncadd.s32 $0xFFFFE000  }
.Ltmp5:
0x62: {  	[bflag:$0x0] =	sbarrier.arrive $0xFFFF;
	(pc) =	sbr.rel .LBB2_7-.Ltmp5, $4  }
0x63: {  	[hbm:s7], [sflag:s16] =	dma.local [spmem:s17], $0x800  }
0x64: {  	_ =	swait.ge [sflag:s12], $0x800  }
0x65: {  	[sflag:s12] =	ssyncset.done $0x0  }
0x66: {  	[sflag:s12] =	ssyncadd.s32 $0xFFFFF800  }
.LBB2_8:
0x67: {  	_ =	sfence.sel $0x180000  }
0x68: {  	[bflag:$0x0] =	sbarrier.arrive $0xFFFF  }
0x69: {  	p0 =	sne.s32 s1, $0x0;
	_ =	strace $0x90000056  }
0x6a: {  	s0 =	sadd.s32 @!p0 $0x100000, s0;
	[bflag:$0x2] =	sbarrier.arrive $0xFFFF  }
0x6b: {  	[sflag:s0] =	ssyncadd.tile.s32 @!p0 $0x1;
	_ =	shalt  }
.Lfunc_end2:
_tile_overlayer_lowered:
.L_overlay_start_2:
0x6c: {  	(tag) =	ssettag $0x2  }
0x6d: {  	s0 =	rddreg [dreg:$0x0];
	s2 =	stileid.u32  }
0x6e: {  	s1 =	rddreg [dreg:$0x1];
	p0 =	sne.s32 s2, $0x0  }
0x6f: {  	s3 =	rddreg [dreg:$0x2];
	[bflag:$0x3] =	sbarrier.arrive $0xFFFF;
	s2 =	simm.s32 @!p0 $0x1C02  }
0x70: {  	[timem:s3], [sflag:s2] =	dma.local @!p0 [hbm:s0], s1  }
0x71: {  	s0 =	simm.s32 @!p0 $0x2  }
0x72: {  	_ =	swait.ge @!p0 [sflag:s0], s1  }
0x73: {  	s1 =	ssub.s32 @!p0 $0x0, s1;
	[sflag:s0] =	ssyncset.done @!p0 $0x0  }
0x74: {  	[sflag:s0] =	ssyncadd.s32 @!p0 s1  }
0x75: {  	[bflag:$0x3] =	sbarrier.arrive $0xFFFF  }
0x76: {  	_ =	shalt  }

</sc_bundles>
